<compile_context>
chip_gen: v7x
topology: tpu7x:2x2x1
jax: 0.10.2.dev20260603
libtpu: 0.0.44.dev20260713+nightly
codegen_flags: <defaults>
</compile_context>

<pallas_src>
import jax
import jax.numpy as jnp
from jax import lax
from jax.experimental import pallas as pl
from jax.experimental.pallas import tpu as pltpu
from jax.experimental.pallas import tpu_sc as plsc

D = 384
N = 8192
EPS = 1e-8

S = 2048
TB = 2048
G = (N - S) // TB

NC = 2
NS = 16
NW = NC * NS
R = S // NW
CH = 32
NCHUNK = R // CH
UR = 2
KV = D // 16


def _bf16_round(x):
    u = lax.bitcast_convert_type(x, jnp.int32)
    r = (u + jnp.int32(0x8000)) & jnp.int32(-65536)
    return lax.bitcast_convert_type(r, jnp.float32)


def _rsqrt16(q):
    i = lax.bitcast_convert_type(q, jnp.int32)
    i = jnp.int32(0x5F3759DF) - lax.shift_right_arithmetic(i, 1)
    y = lax.bitcast_convert_type(i, jnp.float32)
    for _ in range(3):
        y = y * (jnp.float32(1.5) - jnp.float32(0.5) * q * y * y)
    return y


def _clamped_rsqrt16(q):
    return jnp.where(q < jnp.float32(EPS * EPS), jnp.float32(1.0 / EPS),
                     _rsqrt16(q))


def _permute(x, idx):
    return lax.gather(
        x, idx[:, None],
        lax.GatherDimensionNumbers(offset_dims=(), collapsed_slice_dims=(0,),
                                   start_index_map=(0,)),
        (1,), mode=lax.GatherScatterMode.PROMISE_IN_BOUNDS)


def _lane_sum(x, iota):
    for s in (1, 2, 4, 8):
        x = x + _permute(x, jnp.bitwise_xor(iota, s))
    return x


def _row_dot_sq(buf, row, evs, iota):
    dacc = [jnp.zeros((16,), jnp.float32) for _ in range(4)]
    sacc = [jnp.zeros((16,), jnp.float32) for _ in range(4)]
    for i in range(KV):
        c = buf[row, pl.ds(16 * i, 16)]
        dacc[i % 4] = dacc[i % 4] + _bf16_round(c) * evs[i]
        sacc[i % 4] = sacc[i % 4] + c * c
    sdot = _lane_sum((dacc[0] + dacc[1]) + (dacc[2] + dacc[3]), iota)
    ssq = _lane_sum((sacc[0] + sacc[1]) + (sacc[2] + sacc[3]), iota)
    return sdot, ssq


def _sc_body(emb_hbm, cent_hbm, out_hbm, emb_v, bufa, bufb, res_v,
             sema, semb):
    cid = lax.axis_index("c")
    sid = lax.axis_index("s")
    wid = sid * NC + cid
    base = wid * R

    iota = lax.iota(jnp.int32, 16)

    cps = [None, None]
    cps[0] = pltpu.async_copy(cent_hbm.at[pl.ds(base, CH)], bufa, sema)

    pltpu.sync_copy(emb_hbm, emb_v)
    evs = [emb_v[pl.ds(16 * i, 16)] for i in range(KV)]

    eacc = [jnp.zeros((16,), jnp.float32) for _ in range(4)]
    for i in range(KV):
        eacc[i % 4] = eacc[i % 4] + evs[i] * evs[i]
    esq = _lane_sum((eacc[0] + eacc[1]) + (eacc[2] + eacc[3]), iota)
    inv_e = _clamped_rsqrt16(esq)

    evs = [_bf16_round(v) for v in evs]

    bufs = (bufa, bufb)
    sems = (sema, semb)

    best = jnp.full((16,), jnp.float32(-3.0))
    bidx = jnp.zeros((16,), jnp.int32)
    for g in range(NCHUNK):
        cur = g % 2
        if g + 1 < NCHUNK:
            nxt = (g + 1) % 2
            cps[nxt] = pltpu.async_copy(
                cent_hbm.at[pl.ds(base + (g + 1) * CH, CH)], bufs[nxt],
                sems[nxt])
        cps[cur].wait()
        buf = bufs[cur]
        gbase = base + g * CH

        def iter_body(it, carry, buf=buf, gbase=gbase):
            b, bi = carry
            r0 = it * UR
            ds_ = [_row_dot_sq(buf, r0 + j, evs, iota) for j in range(UR)]
            for j in range(UR):
                sdot, ssq = ds_[j]
                sim = sdot * _clamped_rsqrt16(ssq) * inv_e
                take = sim > b
                b = jnp.where(take, sim, b)
                bi = jnp.where(take, gbase + r0 + j, bi)
            return b, bi

        best, bidx = lax.fori_loop(0, CH // UR, iter_body, (best, bidx))

    res_v[...] = jnp.where(iota == 0, best,
                           jnp.where(iota == 1, bidx.astype(jnp.float32),
                                     jnp.float32(0.0)))
    pltpu.sync_copy(res_v, out_hbm.at[wid])


_FAST = pltpu.CompilerParams(
    skip_device_barrier=True,
    disable_bounds_checks=True,
    disable_semaphore_checks=True,
)

_sc_kernel = pl.kernel(
    _sc_body,
    mesh=plsc.VectorSubcoreMesh(core_axis_name="c", subcore_axis_name="s"),
    compiler_params=_FAST,
    out_type=jax.ShapeDtypeStruct((NW, 16), jnp.float32),
    scratch_types=[
        pltpu.VMEM((D,), jnp.float32),
        pltpu.VMEM((CH, D), jnp.float32),
        pltpu.VMEM((CH, D), jnp.float32),
        pltpu.VMEM((16,), jnp.float32),
        pltpu.SemaphoreType.DMA,
        pltpu.SemaphoreType.DMA,
    ],
)


def _tc_body(cent_ref, emb_ref, maxs_ref, args_ref):
    blk = pl.program_id(0)
    c = cent_ref[:, :]
    e = emb_ref[:].reshape(1, D)
    rc = c.astype(jnp.bfloat16).astype(jnp.float32)
    re = e.astype(jnp.bfloat16).astype(jnp.float32)
    dot = lax.dot_general(rc, re, (((1,), (1,)), ((), ())),
                          preferred_element_type=jnp.float32)
    sq = jnp.sum(c * c, axis=1, keepdims=True)
    esq = jnp.sum(e * e)
    cn = jnp.maximum(jnp.sqrt(sq), jnp.float32(EPS))
    en = jnp.maximum(jnp.sqrt(esq), jnp.float32(EPS))
    sims = dot / (cn * en)
    m = jnp.max(sims)
    rows = lax.broadcasted_iota(jnp.int32, (TB, 1), 0)
    cand = jnp.where(sims == m, rows, jnp.int32(2**31 - 1))
    a = jnp.min(cand)
    maxs_ref[0, 0, 0] = m
    args_ref[0, 0, 0] = a + blk * TB + S


_tc_part = pl.pallas_call(
    _tc_body,
    grid=(G,),
    compiler_params=_FAST,
    in_specs=[
        pl.BlockSpec((TB, D), lambda i: (S // TB + i, 0)),
        pl.BlockSpec((D,), lambda i: (0,)),
    ],
    out_specs=[
        pl.BlockSpec((1, 1, 1), lambda i: (i, 0, 0), memory_space=pltpu.SMEM),
        pl.BlockSpec((1, 1, 1), lambda i: (i, 0, 0), memory_space=pltpu.SMEM),
    ],
    out_shape=[
        jax.ShapeDtypeStruct((G, 1, 1), jnp.float32),
        jax.ShapeDtypeStruct((G, 1, 1), jnp.int32),
    ],
)


def _merge_body(sc_ref, tcm_ref, tca_ref, nov_ref, ci_ref, ms_ref, raw_ref):
    data = sc_ref[:, :]
    sims = data[:, 0:1]
    idxs = data[:, 1:2]
    tcm = tcm_ref[...]
    tca = tca_ref[...]
    vm = jnp.maximum(jnp.max(sims), jnp.max(tcm))
    big = jnp.int32(2**31 - 1)
    c1 = jnp.min(jnp.where(sims == vm, idxs.astype(jnp.int32), big))
    c2 = jnp.min(jnp.where(tcm == vm, tca, big))
    ci = jnp.minimum(c1, c2)
    nov_ref[0, 0] = 1.0 - vm * vm
    ci_ref[0, 0] = ci
    ms_ref[0, 0] = vm
    raw_ref[0, 0] = 1.0 - vm


_merge = pl.pallas_call(
    _merge_body,
    compiler_params=_FAST,
    out_shape=[
        jax.ShapeDtypeStruct((1, 1), jnp.float32),
        jax.ShapeDtypeStruct((1, 1), jnp.int32),
        jax.ShapeDtypeStruct((1, 1), jnp.float32),
        jax.ShapeDtypeStruct((1, 1), jnp.float32),
    ],
    out_specs=[pl.BlockSpec(memory_space=pltpu.SMEM)] * 4,
)


def kernel(embedding, cluster_centroids):
    sc_res = _sc_kernel(embedding, cluster_centroids)
    tcm, tca = _tc_part(cluster_centroids, embedding)
    nov, ci, ms, raw = _merge(sc_res, tcm, tca)
    return (nov[0, 0], ci[0, 0], ms[0, 0], raw[0, 0])

# --- scband reference (transcript-rebuilt; emitter-appended) ---
"""Pipeline reference for scband-semantic-novelty-tracker-70205535420688 (READ-ONLY COPY).

The authoritative reference and input builder live on the scoring server;
editing this copy changes nothing except your own understanding.
"""

import jax, jax.numpy as jnp
import numpy as np

D_MODEL = 384
NUM_CLUSTERS = 8192

def setup_inputs(seed: int = 0) -> dict:
    key = jax.random.key(seed)
    k1, k2 = jax.random.split(key)
    embedding = jax.random.normal(k1, (D_MODEL,), dtype=jnp.float32)
    # learned/tracked codebook buffer (cluster centroids), materialized non-zero so
    # cosine similarity is well-defined (all clusters treated as active)
    cluster_centroids = jax.random.normal(k2, (NUM_CLUSTERS, D_MODEL), dtype=jnp.float32)
    return {"embedding": embedding, "cluster_centroids": cluster_centroids}

def reference(embedding, cluster_centroids):
    # Faithful translation of SemanticNoveltyTracker.compute_novelty with all
    # num_clusters clusters active. Original loops over clusters computing
    # F.cosine_similarity(embedding.flatten(), centroid.flatten(), dim=0);
    # vectorized here (identical math, eps matches torch default 1e-8).
    emb = embedding.reshape(-1)
    eps = 1e-8
    emb_norm = jnp.maximum(jnp.linalg.norm(emb), eps)
    cent_norms = jnp.maximum(jnp.linalg.norm(cluster_centroids, axis=1), eps)
    sims = (cluster_centroids @ emb) / (cent_norms * emb_norm)
    max_similarity = jnp.max(sims)
    closest_cluster = jnp.argmax(sims)
    novelty = 1.0 - max_similarity ** 2
    novelty_raw = 1.0 - max_similarity
    return (novelty, closest_cluster, max_similarity, novelty_raw)

if __name__ == "__main__":
    import jax
    _d = setup_inputs()
    print(jax.jit(kernel)(*tuple(_d.values())))

</pallas_src>

<mosaic_0001>
#map = affine_map<(d0, d1) -> (0)>
#map1 = affine_map<(d0, d1) -> (0, 0)>
module attributes {stable_mosaic.version = 14 : i64} {
  func.func @_sc_body(%arg0: i32, %arg1: i32, %arg2: memref<384xf32, #tpu.memory_space<hbm>>, %arg3: memref<8192x384xf32, #tpu.memory_space<hbm>>, %arg4: memref<32x16xf32, #tpu.memory_space<hbm>>, %arg5: memref<384xf32, #tpu.memory_space<vmem>>, %arg6: memref<32x384xf32, #tpu.memory_space<vmem>>, %arg7: memref<32x384xf32, #tpu.memory_space<vmem>>, %arg8: memref<16xf32, #tpu.memory_space<vmem>>, %arg9: memref<!tpu.dma_semaphore, #tpu.memory_space<semaphore_mem>>, %arg10: memref<!tpu.dma_semaphore, #tpu.memory_space<semaphore_mem>>) attributes {dimension_semantics = [#tpu.dimension_semantics<core_parallel>, #tpu.dimension_semantics<subcore_parallel>], iteration_bounds = array<i64: 2, 16>, scalar_prefetch = 0 : i64, scratch_operands = 6 : i64, tpu.core_type = #tpu.core_type<sc_vector_subcore>, window_params = [{transform_indices = #map}, {transform_indices = #map1}, {transform_indices = #map1}]} {
    %mul3A = arith.constant 2 : i32
    %mul3A_0 = arith.muli %arg1, %mul3A : i32
    %add3A = arith.addi %mul3A_0, %arg0 : i32
    %mul3A_1 = arith.constant 64 : i32
    %mul3A_2 = arith.muli %add3A, %mul3A_1 : i32
    %iota3A = tpu.iota {dimensions = array<i32: 0>} : vector<16xi32>
    %dma_start3A = arith.constant 0 : i32
    %dma_start3A_3 = tpu.memref_slice %arg3[%mul3A_2, %dma_start3A] : memref<8192x384xf32, #tpu.memory_space<hbm>> -> memref<32x384xf32, #tpu.memory_space<hbm>>
    %dma_start3A_4 = arith.constant 0 : i32
    %dma_start3A_5 = tpu.memref_slice %arg3[%mul3A_2, %dma_start3A_4] : memref<8192x384xf32, #tpu.memory_space<hbm>> -> memref<32x384xf32, #tpu.memory_space<hbm>>
    tpu.enqueue_dma source(%dma_start3A_5 : memref<32x384xf32, #tpu.memory_space<hbm>>) target(%arg6 : memref<32x384xf32, #tpu.memory_space<vmem>>) target_semaphore(%arg9 : memref<!tpu.dma_semaphore, #tpu.memory_space<semaphore_mem>>)
    "tpu.region"() ({
      %run_scoped3A = tpu.sem_alloc : memref<!tpu.dma_semaphore, #tpu.memory_space<semaphore_mem>>
      tpu.enqueue_dma source(%arg2 : memref<384xf32, #tpu.memory_space<hbm>>) target(%arg5 : memref<384xf32, #tpu.memory_space<vmem>>) target_semaphore(%run_scoped3A : memref<!tpu.dma_semaphore, #tpu.memory_space<semaphore_mem>>)
      tpu.wait_dma2 semaphore(%run_scoped3A : memref<!tpu.dma_semaphore, #tpu.memory_space<semaphore_mem>>) src(%arg2 : memref<384xf32, #tpu.memory_space<hbm>>) dst(%arg5 : memref<384xf32, #tpu.memory_space<vmem>>)
      tpu.yield
    }) : () -> ()
    %get3A = arith.constant 0 : index
    %get3A_6 = tpu.vector_load %arg5[%get3A] {strides = array<i32>} : memref<384xf32, #tpu.memory_space<vmem>>, vector<16xf32>,
    %get3A_7 = vector.shape_cast %get3A_6 : vector<16xf32> to vector<16xf32>
    %get3A_8 = arith.constant 16 : index
    %get3A_9 = tpu.vector_load %arg5[%get3A_8] {strides = array<i32>} : memref<384xf32, #tpu.memory_space<vmem>>, vector<16xf32>,
    %get3A_10 = vector.shape_cast %get3A_9 : vector<16xf32> to vector<16xf32>
    %get3A_11 = arith.constant 32 : index
    %get3A_12 = tpu.vector_load %arg5[%get3A_11] {strides = array<i32>} : memref<384xf32, #tpu.memory_space<vmem>>, vector<16xf32>,
    %get3A_13 = vector.shape_cast %get3A_12 : vector<16xf32> to vector<16xf32>
    %get3A_14 = arith.constant 48 : index
    %get3A_15 = tpu.vector_load %arg5[%get3A_14] {strides = array<i32>} : memref<384xf32, #tpu.memory_space<vmem>>, vector<16xf32>,
    %get3A_16 = vector.shape_cast %get3A_15 : vector<16xf32> to vector<16xf32>
    %get3A_17 = arith.constant 64 : index
    %get3A_18 = tpu.vector_load %arg5[%get3A_17] {strides = array<i32>} : memref<384xf32, #tpu.memory_space<vmem>>, vector<16xf32>,
    %get3A_19 = vector.shape_cast %get3A_18 : vector<16xf32> to vector<16xf32>
    %get3A_20 = arith.constant 80 : index
    %get3A_21 = tpu.vector_load %arg5[%get3A_20] {strides = array<i32>} : memref<384xf32, #tpu.memory_space<vmem>>, vector<16xf32>,
    %get3A_22 = vector.shape_cast %get3A_21 : vector<16xf32> to vector<16xf32>
    %get3A_23 = arith.constant 96 : index
    %get3A_24 = tpu.vector_load %arg5[%get3A_23] {strides = array<i32>} : memref<384xf32, #tpu.memory_space<vmem>>, vector<16xf32>,
    %get3A_25 = vector.shape_cast %get3A_24 : vector<16xf32> to vector<16xf32>
    %get3A_26 = arith.constant 112 : index
    %get3A_27 = tpu.vector_load %arg5[%get3A_26] {strides = array<i32>} : memref<384xf32, #tpu.memory_space<vmem>>, vector<16xf32>,
    %get3A_28 = vector.shape_cast %get3A_27 : vector<16xf32> to vector<16xf32>
    %get3A_29 = arith.constant 128 : index
    %get3A_30 = tpu.vector_load %arg5[%get3A_29] {strides = array<i32>} : memref<384xf32, #tpu.memory_space<vmem>>, vector<16xf32>,
    %get3A_31 = vector.shape_cast %get3A_30 : vector<16xf32> to vector<16xf32>
    %get3A_32 = arith.constant 144 : index
    %get3A_33 = tpu.vector_load %arg5[%get3A_32] {strides = array<i32>} : memref<384xf32, #tpu.memory_space<vmem>>, vector<16xf32>,
    %get3A_34 = vector.shape_cast %get3A_33 : vector<16xf32> to vector<16xf32>
    %get3A_35 = arith.constant 160 : index
    %get3A_36 = tpu.vector_load %arg5[%get3A_35] {strides = array<i32>} : memref<384xf32, #tpu.memory_space<vmem>>, vector<16xf32>,
    %get3A_37 = vector.shape_cast %get3A_36 : vector<16xf32> to vector<16xf32>
    %get3A_38 = arith.constant 176 : index
    %get3A_39 = tpu.vector_load %arg5[%get3A_38] {strides = array<i32>} : memref<384xf32, #tpu.memory_space<vmem>>, vector<16xf32>,
    %get3A_40 = vector.shape_cast %get3A_39 : vector<16xf32> to vector<16xf32>
    %get3A_41 = arith.constant 192 : index
    %get3A_42 = tpu.vector_load %arg5[%get3A_41] {strides = array<i32>} : memref<384xf32, #tpu.memory_space<vmem>>, vector<16xf32>,
    %get3A_43 = vector.shape_cast %get3A_42 : vector<16xf32> to vector<16xf32>
    %get3A_44 = arith.constant 208 : index
    %get3A_45 = tpu.vector_load %arg5[%get3A_44] {strides = array<i32>} : memref<384xf32, #tpu.memory_space<vmem>>, vector<16xf32>,
    %get3A_46 = vector.shape_cast %get3A_45 : vector<16xf32> to vector<16xf32>
    %get3A_47 = arith.constant 224 : index
    %get3A_48 = tpu.vector_load %arg5[%get3A_47] {strides = array<i32>} : memref<384xf32, #tpu.memory_space<vmem>>, vector<16xf32>,
    %get3A_49 = vector.shape_cast %get3A_48 : vector<16xf32> to vector<16xf32>
    %get3A_50 = arith.constant 240 : index
    %get3A_51 = tpu.vector_load %arg5[%get3A_50] {strides = array<i32>} : memref<384xf32, #tpu.memory_space<vmem>>, vector<16xf32>,
    %get3A_52 = vector.shape_cast %get3A_51 : vector<16xf32> to vector<16xf32>
    %get3A_53 = arith.constant 256 : index
    %get3A_54 = tpu.vector_load %arg5[%get3A_53] {strides = array<i32>} : memref<384xf32, #tpu.memory_space<vmem>>, vector<16xf32>,
    %get3A_55 = vector.shape_cast %get3A_54 : vector<16xf32> to vector<16xf32>
    %get3A_56 = arith.constant 272 : index
    %get3A_57 = tpu.vector_load %arg5[%get3A_56] {strides = array<i32>} : memref<384xf32, #tpu.memory_space<vmem>>, vector<16xf32>,
    %get3A_58 = vector.shape_cast %get3A_57 : vector<16xf32> to vector<16xf32>
    %get3A_59 = arith.constant 288 : index
    %get3A_60 = tpu.vector_load %arg5[%get3A_59] {strides = array<i32>} : memref<384xf32, #tpu.memory_space<vmem>>, vector<16xf32>,
    %get3A_61 = vector.shape_cast %get3A_60 : vector<16xf32> to vector<16xf32>
    %get3A_62 = arith.constant 304 : index
    %get3A_63 = tpu.vector_load %arg5[%get3A_62] {strides = array<i32>} : memref<384xf32, #tpu.memory_space<vmem>>, vector<16xf32>,
    %get3A_64 = vector.shape_cast %get3A_63 : vector<16xf32> to vector<16xf32>
    %get3A_65 = arith.constant 320 : index
    %get3A_66 = tpu.vector_load %arg5[%get3A_65] {strides = array<i32>} : memref<384xf32, #tpu.memory_space<vmem>>, vector<16xf32>,
    %get3A_67 = vector.shape_cast %get3A_66 : vector<16xf32> to vector<16xf32>
    %get3A_68 = arith.constant 336 : index
    %get3A_69 = tpu.vector_load %arg5[%get3A_68] {strides = array<i32>} : memref<384xf32, #tpu.memory_space<vmem>>, vector<16xf32>,
    %get3A_70 = vector.shape_cast %get3A_69 : vector<16xf32> to vector<16xf32>
    %get3A_71 = arith.constant 352 : index
    %get3A_72 = tpu.vector_load %arg5[%get3A_71] {strides = array<i32>} : memref<384xf32, #tpu.memory_space<vmem>>, vector<16xf32>,
    %get3A_73 = vector.shape_cast %get3A_72 : vector<16xf32> to vector<16xf32>
    %get3A_74 = arith.constant 368 : index
    %get3A_75 = tpu.vector_load %arg5[%get3A_74] {strides = array<i32>} : memref<384xf32, #tpu.memory_space<vmem>>, vector<16xf32>,
    %get3A_76 = vector.shape_cast %get3A_75 : vector<16xf32> to vector<16xf32>
    %broadcast_in_dim3A = arith.constant 0.000000e+00 : f32
    %broadcast_in_dim3A_77 = vector.broadcast %broadcast_in_dim3A : f32 to vector<16xf32>
    %broadcast_in_dim3A_78 = arith.constant 0.000000e+00 : f32
    %broadcast_in_dim3A_79 = vector.broadcast %broadcast_in_dim3A_78 : f32 to vector<16xf32>
    %broadcast_in_dim3A_80 = arith.constant 0.000000e+00 : f32
    %broadcast_in_dim3A_81 = vector.broadcast %broadcast_in_dim3A_80 : f32 to vector<16xf32>
    %broadcast_in_dim3A_82 = arith.constant 0.000000e+00 : f32
    %broadcast_in_dim3A_83 = vector.broadcast %broadcast_in_dim3A_82 : f32 to vector<16xf32>
    %mul3A_84 = arith.mulf %get3A_7, %get3A_7 : vector<16xf32>
    %add3A_85 = arith.addf %broadcast_in_dim3A_77, %mul3A_84 : vector<16xf32>
    %mul3A_86 = arith.mulf %get3A_10, %get3A_10 : vector<16xf32>
    %add3A_87 = arith.addf %broadcast_in_dim3A_79, %mul3A_86 : vector<16xf32>
    %mul3A_88 = arith.mulf %get3A_13, %get3A_13 : vector<16xf32>
    %add3A_89 = arith.addf %broadcast_in_dim3A_81, %mul3A_88 : vector<16xf32>
    %mul3A_90 = arith.mulf %get3A_16, %get3A_16 : vector<16xf32>
    %add3A_91 = arith.addf %broadcast_in_dim3A_83, %mul3A_90 : vector<16xf32>
    %mul3A_92 = arith.mulf %get3A_19, %get3A_19 : vector<16xf32>
    %add3A_93 = arith.addf %add3A_85, %mul3A_92 : vector<16xf32>
    %mul3A_94 = arith.mulf %get3A_22, %get3A_22 : vector<16xf32>
    %add3A_95 = arith.addf %add3A_87, %mul3A_94 : vector<16xf32>
    %mul3A_96 = arith.mulf %get3A_25, %get3A_25 : vector<16xf32>
    %add3A_97 = arith.addf %add3A_89, %mul3A_96 : vector<16xf32>
    %mul3A_98 = arith.mulf %get3A_28, %get3A_28 : vector<16xf32>
    %add3A_99 = arith.addf %add3A_91, %mul3A_98 : vector<16xf32>
    %mul3A_100 = arith.mulf %get3A_31, %get3A_31 : vector<16xf32>
    %add3A_101 = arith.addf %add3A_93, %mul3A_100 : vector<16xf32>
    %mul3A_102 = arith.mulf %get3A_34, %get3A_34 : vector<16xf32>
    %add3A_103 = arith.addf %add3A_95, %mul3A_102 : vector<16xf32>
    %mul3A_104 = arith.mulf %get3A_37, %get3A_37 : vector<16xf32>
    %add3A_105 = arith.addf %add3A_97, %mul3A_104 : vector<16xf32>
    %mul3A_106 = arith.mulf %get3A_40, %get3A_40 : vector<16xf32>
    %add3A_107 = arith.addf %add3A_99, %mul3A_106 : vector<16xf32>
    %mul3A_108 = arith.mulf %get3A_43, %get3A_43 : vector<16xf32>
    %add3A_109 = arith.addf %add3A_101, %mul3A_108 : vector<16xf32>
    %mul3A_110 = arith.mulf %get3A_46, %get3A_46 : vector<16xf32>
    %add3A_111 = arith.addf %add3A_103, %mul3A_110 : vector<16xf32>
    %mul3A_112 = arith.mulf %get3A_49, %get3A_49 : vector<16xf32>
    %add3A_113 = arith.addf %add3A_105, %mul3A_112 : vector<16xf32>
    %mul3A_114 = arith.mulf %get3A_52, %get3A_52 : vector<16xf32>
    %add3A_115 = arith.addf %add3A_107, %mul3A_114 : vector<16xf32>
    %mul3A_116 = arith.mulf %get3A_55, %get3A_55 : vector<16xf32>
    %add3A_117 = arith.addf %add3A_109, %mul3A_116 : vector<16xf32>
    %mul3A_118 = arith.mulf %get3A_58, %get3A_58 : vector<16xf32>
    %add3A_119 = arith.addf %add3A_111, %mul3A_118 : vector<16xf32>
    %mul3A_120 = arith.mulf %get3A_61, %get3A_61 : vector<16xf32>
    %add3A_121 = arith.addf %add3A_113, %mul3A_120 : vector<16xf32>
    %mul3A_122 = arith.mulf %get3A_64, %get3A_64 : vector<16xf32>
    %add3A_123 = arith.addf %add3A_115, %mul3A_122 : vector<16xf32>
    %mul3A_124 = arith.mulf %get3A_67, %get3A_67 : vector<16xf32>
    %add3A_125 = arith.addf %add3A_117, %mul3A_124 : vector<16xf32>
    %mul3A_126 = arith.mulf %get3A_70, %get3A_70 : vector<16xf32>
    %add3A_127 = arith.addf %add3A_119, %mul3A_126 : vector<16xf32>
    %mul3A_128 = arith.mulf %get3A_73, %get3A_73 : vector<16xf32>
    %add3A_129 = arith.addf %add3A_121, %mul3A_128 : vector<16xf32>
    %mul3A_130 = arith.mulf %get3A_76, %get3A_76 : vector<16xf32>
    %add3A_131 = arith.addf %add3A_123, %mul3A_130 : vector<16xf32>
    %add3A_132 = arith.addf %add3A_125, %add3A_127 : vector<16xf32>
    %add3A_133 = arith.addf %add3A_129, %add3A_131 : vector<16xf32>
    %add3A_134 = arith.addf %add3A_132, %add3A_133 : vector<16xf32>
    %xor3A = arith.constant 1 : i32
    %xor3A_135 = vector.broadcast %xor3A : i32 to vector<16xi32>
    %xor3A_136 = arith.xori %iota3A, %xor3A_135 : vector<16xi32>
    %broadcast_in_dim3A_137 = vector.shape_cast %xor3A_136 : vector<16xi32> to vector<16x1xi32>
    %gather3A = vector.shape_cast %broadcast_in_dim3A_137 : vector<16x1xi32> to vector<16xi32>
    %gather3A_138 = tpu.dynamic_gather %add3A_134[%gather3A] in [0] : vector<16xf32>, vector<16xi32> -> vector<16xf32>
    %add3A_139 = arith.addf %add3A_134, %gather3A_138 : vector<16xf32>
    %xor3A_140 = arith.constant 2 : i32
    %xor3A_141 = vector.broadcast %xor3A_140 : i32 to vector<16xi32>
    %xor3A_142 = arith.xori %iota3A, %xor3A_141 : vector<16xi32>
    %broadcast_in_dim3A_143 = vector.shape_cast %xor3A_142 : vector<16xi32> to vector<16x1xi32>
    %gather3A_144 = vector.shape_cast %broadcast_in_dim3A_143 : vector<16x1xi32> to vector<16xi32>
    %gather3A_145 = tpu.dynamic_gather %add3A_139[%gather3A_144] in [0] : vector<16xf32>, vector<16xi32> -> vector<16xf32>
    %add3A_146 = arith.addf %add3A_139, %gather3A_145 : vector<16xf32>
    %xor3A_147 = arith.constant 4 : i32
    %xor3A_148 = vector.broadcast %xor3A_147 : i32 to vector<16xi32>
    %xor3A_149 = arith.xori %iota3A, %xor3A_148 : vector<16xi32>
    %broadcast_in_dim3A_150 = vector.shape_cast %xor3A_149 : vector<16xi32> to vector<16x1xi32>
    %gather3A_151 = vector.shape_cast %broadcast_in_dim3A_150 : vector<16x1xi32> to vector<16xi32>
    %gather3A_152 = tpu.dynamic_gather %add3A_146[%gather3A_151] in [0] : vector<16xf32>, vector<16xi32> -> vector<16xf32>
    %add3A_153 = arith.addf %add3A_146, %gather3A_152 : vector<16xf32>
    %xor3A_154 = arith.constant 8 : i32
    %xor3A_155 = vector.broadcast %xor3A_154 : i32 to vector<16xi32>
    %xor3A_156 = arith.xori %iota3A, %xor3A_155 : vector<16xi32>
    %broadcast_in_dim3A_157 = vector.shape_cast %xor3A_156 : vector<16xi32> to vector<16x1xi32>
    %gather3A_158 = vector.shape_cast %broadcast_in_dim3A_157 : vector<16x1xi32> to vector<16xi32>
    %gather3A_159 = tpu.dynamic_gather %add3A_153[%gather3A_158] in [0] : vector<16xf32>, vector<16xi32> -> vector<16xf32>
    %add3A_160 = arith.addf %add3A_153, %gather3A_159 : vector<16xf32>
    %lt3A = arith.constant 1.000000e-16 : f32
    %lt3A_161 = vector.broadcast %lt3A : f32 to vector<16xf32>
    %lt3A_162 = arith.cmpf olt, %add3A_160, %lt3A_161 : vector<16xf32>
    %bitcast_convert_type3A = tpu.bitcast %add3A_160 : vector<16xf32> -> vector<16xi32>
    %shift_right_arithmetic3A = arith.constant 1 : i32
    %shift_right_arithmetic3A_163 = vector.broadcast %shift_right_arithmetic3A : i32 to vector<16xi32>
    %shift_right_arithmetic3A_164 = arith.shrsi %bitcast_convert_type3A, %shift_right_arithmetic3A_163 : vector<16xi32>
    %sub3A = arith.constant 1597463007 : i32
    %sub3A_165 = vector.broadcast %sub3A : i32 to vector<16xi32>
    %sub3A_166 = arith.subi %sub3A_165, %shift_right_arithmetic3A_164 : vector<16xi32>
    %bitcast_convert_type3A_167 = tpu.bitcast %sub3A_166 : vector<16xi32> -> vector<16xf32>
    %mul3A_168 = arith.constant 5.000000e-01 : f32
    %mul3A_169 = vector.broadcast %mul3A_168 : f32 to vector<16xf32>
    %mul3A_170 = arith.mulf %mul3A_169, %add3A_160 : vector<16xf32>
    %mul3A_171 = arith.mulf %mul3A_170, %bitcast_convert_type3A_167 : vector<16xf32>
    %mul3A_172 = arith.mulf %mul3A_171, %bitcast_convert_type3A_167 : vector<16xf32>
    %sub3A_173 = arith.constant 1.500000e+00 : f32
    %sub3A_174 = vector.broadcast %sub3A_173 : f32 to vector<16xf32>
    %sub3A_175 = arith.subf %sub3A_174, %mul3A_172 : vector<16xf32>
    %mul3A_176 = arith.mulf %bitcast_convert_type3A_167, %sub3A_175 : vector<16xf32>
    %mul3A_177 = arith.constant 5.000000e-01 : f32
    %mul3A_178 = vector.broadcast %mul3A_177 : f32 to vector<16xf32>
    %mul3A_179 = arith.mulf %mul3A_178, %add3A_160 : vector<16xf32>
    %mul3A_180 = arith.mulf %mul3A_179, %mul3A_176 : vector<16xf32>
    %mul3A_181 = arith.mulf %mul3A_180, %mul3A_176 : vector<16xf32>
    %sub3A_182 = arith.constant 1.500000e+00 : f32
    %sub3A_183 = vector.broadcast %sub3A_182 : f32 to vector<16xf32>
    %sub3A_184 = arith.subf %sub3A_183, %mul3A_181 : vector<16xf32>
    %mul3A_185 = arith.mulf %mul3A_176, %sub3A_184 : vector<16xf32>
    %mul3A_186 = arith.constant 5.000000e-01 : f32
    %mul3A_187 = vector.broadcast %mul3A_186 : f32 to vector<16xf32>
    %mul3A_188 = arith.mulf %mul3A_187, %add3A_160 : vector<16xf32>
    %mul3A_189 = arith.mulf %mul3A_188, %mul3A_185 : vector<16xf32>
    %mul3A_190 = arith.mulf %mul3A_189, %mul3A_185 : vector<16xf32>
    %sub3A_191 = arith.constant 1.500000e+00 : f32
    %sub3A_192 = vector.broadcast %sub3A_191 : f32 to vector<16xf32>
    %sub3A_193 = arith.subf %sub3A_192, %mul3A_190 : vector<16xf32>
    %mul3A_194 = arith.mulf %mul3A_185, %sub3A_193 : vector<16xf32>
    %jit3A = arith.constant 1.000000e+08 : f32
    %broadcast_in_dim3A_195 = vector.broadcast %jit3A : f32 to vector<16xf32>
    %select_n3A = arith.select %lt3A_162, %broadcast_in_dim3A_195, %mul3A_194 : vector<16xi1>, vector<16xf32>
    %bitcast_convert_type3A_196 = tpu.bitcast %get3A_7 : vector<16xf32> -> vector<16xi32>
    %add3A_197 = arith.constant 32768 : i32
    %add3A_198 = vector.broadcast %add3A_197 : i32 to vector<16xi32>
    %add3A_199 = arith.addi %bitcast_convert_type3A_196, %add3A_198 : vector<16xi32>
    %and3A = arith.constant -65536 : i32
    %and3A_200 = vector.broadcast %and3A : i32 to vector<16xi32>
    %and3A_201 = arith.andi %add3A_199, %and3A_200 : vector<16xi32>
    %bitcast_convert_type3A_202 = tpu.bitcast %and3A_201 : vector<16xi32> -> vector<16xf32>
    %bitcast_convert_type3A_203 = tpu.bitcast %get3A_10 : vector<16xf32> -> vector<16xi32>
    %add3A_204 = arith.constant 32768 : i32
    %add3A_205 = vector.broadcast %add3A_204 : i32 to vector<16xi32>
    %add3A_206 = arith.addi %bitcast_convert_type3A_203, %add3A_205 : vector<16xi32>
    %and3A_207 = arith.constant -65536 : i32
    %and3A_208 = vector.broadcast %and3A_207 : i32 to vector<16xi32>
    %and3A_209 = arith.andi %add3A_206, %and3A_208 : vector<16xi32>
    %bitcast_convert_type3A_210 = tpu.bitcast %and3A_209 : vector<16xi32> -> vector<16xf32>
    %bitcast_convert_type3A_211 = tpu.bitcast %get3A_13 : vector<16xf32> -> vector<16xi32>
    %add3A_212 = arith.constant 32768 : i32
    %add3A_213 = vector.broadcast %add3A_212 : i32 to vector<16xi32>
    %add3A_214 = arith.addi %bitcast_convert_type3A_211, %add3A_213 : vector<16xi32>
    %and3A_215 = arith.constant -65536 : i32
    %and3A_216 = vector.broadcast %and3A_215 : i32 to vector<16xi32>
    %and3A_217 = arith.andi %add3A_214, %and3A_216 : vector<16xi32>
    %bitcast_convert_type3A_218 = tpu.bitcast %and3A_217 : vector<16xi32> -> vector<16xf32>
    %bitcast_convert_type3A_219 = tpu.bitcast %get3A_16 : vector<16xf32> -> vector<16xi32>
    %add3A_220 = arith.constant 32768 : i32
    %add3A_221 = vector.broadcast %add3A_220 : i32 to vector<16xi32>
    %add3A_222 = arith.addi %bitcast_convert_type3A_219, %add3A_221 : vector<16xi32>
    %and3A_223 = arith.constant -65536 : i32
    %and3A_224 = vector.broadcast %and3A_223 : i32 to vector<16xi32>
    %and3A_225 = arith.andi %add3A_222, %and3A_224 : vector<16xi32>
    %bitcast_convert_type3A_226 = tpu.bitcast %and3A_225 : vector<16xi32> -> vector<16xf32>
    %bitcast_convert_type3A_227 = tpu.bitcast %get3A_19 : vector<16xf32> -> vector<16xi32>
    %add3A_228 = arith.constant 32768 : i32
    %add3A_229 = vector.broadcast %add3A_228 : i32 to vector<16xi32>
    %add3A_230 = arith.addi %bitcast_convert_type3A_227, %add3A_229 : vector<16xi32>
    %and3A_231 = arith.constant -65536 : i32
    %and3A_232 = vector.broadcast %and3A_231 : i32 to vector<16xi32>
    %and3A_233 = arith.andi %add3A_230, %and3A_232 : vector<16xi32>
    %bitcast_convert_type3A_234 = tpu.bitcast %and3A_233 : vector<16xi32> -> vector<16xf32>
    %bitcast_convert_type3A_235 = tpu.bitcast %get3A_22 : vector<16xf32> -> vector<16xi32>
    %add3A_236 = arith.constant 32768 : i32
    %add3A_237 = vector.broadcast %add3A_236 : i32 to vector<16xi32>
    %add3A_238 = arith.addi %bitcast_convert_type3A_235, %add3A_237 : vector<16xi32>
    %and3A_239 = arith.constant -65536 : i32
    %and3A_240 = vector.broadcast %and3A_239 : i32 to vector<16xi32>
    %and3A_241 = arith.andi %add3A_238, %and3A_240 : vector<16xi32>
    %bitcast_convert_type3A_242 = tpu.bitcast %and3A_241 : vector<16xi32> -> vector<16xf32>
    %bitcast_convert_type3A_243 = tpu.bitcast %get3A_25 : vector<16xf32> -> vector<16xi32>
    %add3A_244 = arith.constant 32768 : i32
    %add3A_245 = vector.broadcast %add3A_244 : i32 to vector<16xi32>
    %add3A_246 = arith.addi %bitcast_convert_type3A_243, %add3A_245 : vector<16xi32>
    %and3A_247 = arith.constant -65536 : i32
    %and3A_248 = vector.broadcast %and3A_247 : i32 to vector<16xi32>
    %and3A_249 = arith.andi %add3A_246, %and3A_248 : vector<16xi32>
    %bitcast_convert_type3A_250 = tpu.bitcast %and3A_249 : vector<16xi32> -> vector<16xf32>
    %bitcast_convert_type3A_251 = tpu.bitcast %get3A_28 : vector<16xf32> -> vector<16xi32>
    %add3A_252 = arith.constant 32768 : i32
    %add3A_253 = vector.broadcast %add3A_252 : i32 to vector<16xi32>
    %add3A_254 = arith.addi %bitcast_convert_type3A_251, %add3A_253 : vector<16xi32>
    %and3A_255 = arith.constant -65536 : i32
    %and3A_256 = vector.broadcast %and3A_255 : i32 to vector<16xi32>
    %and3A_257 = arith.andi %add3A_254, %and3A_256 : vector<16xi32>
    %bitcast_convert_type3A_258 = tpu.bitcast %and3A_257 : vector<16xi32> -> vector<16xf32>
    %bitcast_convert_type3A_259 = tpu.bitcast %get3A_31 : vector<16xf32> -> vector<16xi32>
    %add3A_260 = arith.constant 32768 : i32
    %add3A_261 = vector.broadcast %add3A_260 : i32 to vector<16xi32>
    %add3A_262 = arith.addi %bitcast_convert_type3A_259, %add3A_261 : vector<16xi32>
    %and3A_263 = arith.constant -65536 : i32
    %and3A_264 = vector.broadcast %and3A_263 : i32 to vector<16xi32>
    %and3A_265 = arith.andi %add3A_262, %and3A_264 : vector<16xi32>
    %bitcast_convert_type3A_266 = tpu.bitcast %and3A_265 : vector<16xi32> -> vector<16xf32>
    %bitcast_convert_type3A_267 = tpu.bitcast %get3A_34 : vector<16xf32> -> vector<16xi32>
    %add3A_268 = arith.constant 32768 : i32
    %add3A_269 = vector.broadcast %add3A_268 : i32 to vector<16xi32>
    %add3A_270 = arith.addi %bitcast_convert_type3A_267, %add3A_269 : vector<16xi32>
    %and3A_271 = arith.constant -65536 : i32
    %and3A_272 = vector.broadcast %and3A_271 : i32 to vector<16xi32>
    %and3A_273 = arith.andi %add3A_270, %and3A_272 : vector<16xi32>
    %bitcast_convert_type3A_274 = tpu.bitcast %and3A_273 : vector<16xi32> -> vector<16xf32>
    %bitcast_convert_type3A_275 = tpu.bitcast %get3A_37 : vector<16xf32> -> vector<16xi32>
    %add3A_276 = arith.constant 32768 : i32
    %add3A_277 = vector.broadcast %add3A_276 : i32 to vector<16xi32>
    %add3A_278 = arith.addi %bitcast_convert_type3A_275, %add3A_277 : vector<16xi32>
    %and3A_279 = arith.constant -65536 : i32
    %and3A_280 = vector.broadcast %and3A_279 : i32 to vector<16xi32>
    %and3A_281 = arith.andi %add3A_278, %and3A_280 : vector<16xi32>
    %bitcast_convert_type3A_282 = tpu.bitcast %and3A_281 : vector<16xi32> -> vector<16xf32>
    %bitcast_convert_type3A_283 = tpu.bitcast %get3A_40 : vector<16xf32> -> vector<16xi32>
    %add3A_284 = arith.constant 32768 : i32
    %add3A_285 = vector.broadcast %add3A_284 : i32 to vector<16xi32>
    %add3A_286 = arith.addi %bitcast_convert_type3A_283, %add3A_285 : vector<16xi32>
    %and3A_287 = arith.constant -65536 : i32
    %and3A_288 = vector.broadcast %and3A_287 : i32 to vector<16xi32>
    %and3A_289 = arith.andi %add3A_286, %and3A_288 : vector<16xi32>
    %bitcast_convert_type3A_290 = tpu.bitcast %and3A_289 : vector<16xi32> -> vector<16xf32>
    %bitcast_convert_type3A_291 = tpu.bitcast %get3A_43 : vector<16xf32> -> vector<16xi32>
    %add3A_292 = arith.constant 32768 : i32
    %add3A_293 = vector.broadcast %add3A_292 : i32 to vector<16xi32>
    %add3A_294 = arith.addi %bitcast_convert_type3A_291, %add3A_293 : vector<16xi32>
    %and3A_295 = arith.constant -65536 : i32
    %and3A_296 = vector.broadcast %and3A_295 : i32 to vector<16xi32>
    %and3A_297 = arith.andi %add3A_294, %and3A_296 : vector<16xi32>
    %bitcast_convert_type3A_298 = tpu.bitcast %and3A_297 : vector<16xi32> -> vector<16xf32>
    %bitcast_convert_type3A_299 = tpu.bitcast %get3A_46 : vector<16xf32> -> vector<16xi32>
    %add3A_300 = arith.constant 32768 : i32
    %add3A_301 = vector.broadcast %add3A_300 : i32 to vector<16xi32>
    %add3A_302 = arith.addi %bitcast_convert_type3A_299, %add3A_301 : vector<16xi32>
    %and3A_303 = arith.constant -65536 : i32
    %and3A_304 = vector.broadcast %and3A_303 : i32 to vector<16xi32>
    %and3A_305 = arith.andi %add3A_302, %and3A_304 : vector<16xi32>
    %bitcast_convert_type3A_306 = tpu.bitcast %and3A_305 : vector<16xi32> -> vector<16xf32>
    %bitcast_convert_type3A_307 = tpu.bitcast %get3A_49 : vector<16xf32> -> vector<16xi32>
    %add3A_308 = arith.constant 32768 : i32
    %add3A_309 = vector.broadcast %add3A_308 : i32 to vector<16xi32>
    %add3A_310 = arith.addi %bitcast_convert_type3A_307, %add3A_309 : vector<16xi32>
    %and3A_311 = arith.constant -65536 : i32
    %and3A_312 = vector.broadcast %and3A_311 : i32 to vector<16xi32>
    %and3A_313 = arith.andi %add3A_310, %and3A_312 : vector<16xi32>
    %bitcast_convert_type3A_314 = tpu.bitcast %and3A_313 : vector<16xi32> -> vector<16xf32>
    %bitcast_convert_type3A_315 = tpu.bitcast %get3A_52 : vector<16xf32> -> vector<16xi32>
    %add3A_316 = arith.constant 32768 : i32
    %add3A_317 = vector.broadcast %add3A_316 : i32 to vector<16xi32>
    %add3A_318 = arith.addi %bitcast_convert_type3A_315, %add3A_317 : vector<16xi32>
    %and3A_319 = arith.constant -65536 : i32
    %and3A_320 = vector.broadcast %and3A_319 : i32 to vector<16xi32>
    %and3A_321 = arith.andi %add3A_318, %and3A_320 : vector<16xi32>
    %bitcast_convert_type3A_322 = tpu.bitcast %and3A_321 : vector<16xi32> -> vector<16xf32>
    %bitcast_convert_type3A_323 = tpu.bitcast %get3A_55 : vector<16xf32> -> vector<16xi32>
    %add3A_324 = arith.constant 32768 : i32
    %add3A_325 = vector.broadcast %add3A_324 : i32 to vector<16xi32>
    %add3A_326 = arith.addi %bitcast_convert_type3A_323, %add3A_325 : vector<16xi32>
    %and3A_327 = arith.constant -65536 : i32
    %and3A_328 = vector.broadcast %and3A_327 : i32 to vector<16xi32>
    %and3A_329 = arith.andi %add3A_326, %and3A_328 : vector<16xi32>
    %bitcast_convert_type3A_330 = tpu.bitcast %and3A_329 : vector<16xi32> -> vector<16xf32>
    %bitcast_convert_type3A_331 = tpu.bitcast %get3A_58 : vector<16xf32> -> vector<16xi32>
    %add3A_332 = arith.constant 32768 : i32
    %add3A_333 = vector.broadcast %add3A_332 : i32 to vector<16xi32>
    %add3A_334 = arith.addi %bitcast_convert_type3A_331, %add3A_333 : vector<16xi32>
    %and3A_335 = arith.constant -65536 : i32
    %and3A_336 = vector.broadcast %and3A_335 : i32 to vector<16xi32>
    %and3A_337 = arith.andi %add3A_334, %and3A_336 : vector<16xi32>
    %bitcast_convert_type3A_338 = tpu.bitcast %and3A_337 : vector<16xi32> -> vector<16xf32>
    %bitcast_convert_type3A_339 = tpu.bitcast %get3A_61 : vector<16xf32> -> vector<16xi32>
    %add3A_340 = arith.constant 32768 : i32
    %add3A_341 = vector.broadcast %add3A_340 : i32 to vector<16xi32>
    %add3A_342 = arith.addi %bitcast_convert_type3A_339, %add3A_341 : vector<16xi32>
    %and3A_343 = arith.constant -65536 : i32
    %and3A_344 = vector.broadcast %and3A_343 : i32 to vector<16xi32>
    %and3A_345 = arith.andi %add3A_342, %and3A_344 : vector<16xi32>
    %bitcast_convert_type3A_346 = tpu.bitcast %and3A_345 : vector<16xi32> -> vector<16xf32>
    %bitcast_convert_type3A_347 = tpu.bitcast %get3A_64 : vector<16xf32> -> vector<16xi32>
    %add3A_348 = arith.constant 32768 : i32
    %add3A_349 = vector.broadcast %add3A_348 : i32 to vector<16xi32>
    %add3A_350 = arith.addi %bitcast_convert_type3A_347, %add3A_349 : vector<16xi32>
    %and3A_351 = arith.constant -65536 : i32
    %and3A_352 = vector.broadcast %and3A_351 : i32 to vector<16xi32>
    %and3A_353 = arith.andi %add3A_350, %and3A_352 : vector<16xi32>
    %bitcast_convert_type3A_354 = tpu.bitcast %and3A_353 : vector<16xi32> -> vector<16xf32>
    %bitcast_convert_type3A_355 = tpu.bitcast %get3A_67 : vector<16xf32> -> vector<16xi32>
    %add3A_356 = arith.constant 32768 : i32
    %add3A_357 = vector.broadcast %add3A_356 : i32 to vector<16xi32>
    %add3A_358 = arith.addi %bitcast_convert_type3A_355, %add3A_357 : vector<16xi32>
    %and3A_359 = arith.constant -65536 : i32
    %and3A_360 = vector.broadcast %and3A_359 : i32 to vector<16xi32>
    %and3A_361 = arith.andi %add3A_358, %and3A_360 : vector<16xi32>
    %bitcast_convert_type3A_362 = tpu.bitcast %and3A_361 : vector<16xi32> -> vector<16xf32>
    %bitcast_convert_type3A_363 = tpu.bitcast %get3A_70 : vector<16xf32> -> vector<16xi32>
    %add3A_364 = arith.constant 32768 : i32
    %add3A_365 = vector.broadcast %add3A_364 : i32 to vector<16xi32>
    %add3A_366 = arith.addi %bitcast_convert_type3A_363, %add3A_365 : vector<16xi32>
    %and3A_367 = arith.constant -65536 : i32
    %and3A_368 = vector.broadcast %and3A_367 : i32 to vector<16xi32>
    %and3A_369 = arith.andi %add3A_366, %and3A_368 : vector<16xi32>
    %bitcast_convert_type3A_370 = tpu.bitcast %and3A_369 : vector<16xi32> -> vector<16xf32>
    %bitcast_convert_type3A_371 = tpu.bitcast %get3A_73 : vector<16xf32> -> vector<16xi32>
    %add3A_372 = arith.constant 32768 : i32
    %add3A_373 = vector.broadcast %add3A_372 : i32 to vector<16xi32>
    %add3A_374 = arith.addi %bitcast_convert_type3A_371, %add3A_373 : vector<16xi32>
    %and3A_375 = arith.constant -65536 : i32
    %and3A_376 = vector.broadcast %and3A_375 : i32 to vector<16xi32>
    %and3A_377 = arith.andi %add3A_374, %and3A_376 : vector<16xi32>
    %bitcast_convert_type3A_378 = tpu.bitcast %and3A_377 : vector<16xi32> -> vector<16xf32>
    %bitcast_convert_type3A_379 = tpu.bitcast %get3A_76 : vector<16xf32> -> vector<16xi32>
    %add3A_380 = arith.constant 32768 : i32
    %add3A_381 = vector.broadcast %add3A_380 : i32 to vector<16xi32>
    %add3A_382 = arith.addi %bitcast_convert_type3A_379, %add3A_381 : vector<16xi32>
    %and3A_383 = arith.constant -65536 : i32
    %and3A_384 = vector.broadcast %and3A_383 : i32 to vector<16xi32>
    %and3A_385 = arith.andi %add3A_382, %and3A_384 : vector<16xi32>
    %bitcast_convert_type3A_386 = tpu.bitcast %and3A_385 : vector<16xi32> -> vector<16xf32>
    %broadcast_in_dim3A_387 = arith.constant -3.000000e+00 : f32
    %broadcast_in_dim3A_388 = vector.broadcast %broadcast_in_dim3A_387 : f32 to vector<16xf32>
    %broadcast_in_dim3A_389 = arith.constant 0 : i32
    %broadcast_in_dim3A_390 = vector.broadcast %broadcast_in_dim3A_389 : i32 to vector<16xi32>
    %add3A_391 = arith.constant 32 : i32
    %add3A_392 = arith.addi %mul3A_2, %add3A_391 : i32
    %dma_start3A_393 = arith.constant 0 : i32
    %dma_start3A_394 = tpu.memref_slice %arg3[%add3A_392, %dma_start3A_393] : memref<8192x384xf32, #tpu.memory_space<hbm>> -> memref<32x384xf32, #tpu.memory_space<hbm>>
    %dma_start3A_395 = arith.constant 0 : i32
    %dma_start3A_396 = tpu.memref_slice %arg3[%add3A_392, %dma_start3A_395] : memref<8192x384xf32, #tpu.memory_space<hbm>> -> memref<32x384xf32, #tpu.memory_space<hbm>>
    tpu.enqueue_dma source(%dma_start3A_396 : memref<32x384xf32, #tpu.memory_space<hbm>>) target(%arg7 : memref<32x384xf32, #tpu.memory_space<vmem>>) target_semaphore(%arg10 : memref<!tpu.dma_semaphore, #tpu.memory_space<semaphore_mem>>)
    %dma_wait3A = arith.constant 0 : i32
    %dma_wait3A_397 = tpu.memref_slice %arg3[%mul3A_2, %dma_wait3A] : memref<8192x384xf32, #tpu.memory_space<hbm>> -> memref<32x384xf32, #tpu.memory_space<hbm>>
    %dma_wait3A_398 = arith.constant 0 : i32
    %dma_wait3A_399 = tpu.memref_slice %arg3[%mul3A_2, %dma_wait3A_398] : memref<8192x384xf32, #tpu.memory_space<hbm>> -> memref<32x384xf32, #tpu.memory_space<hbm>>
    tpu.wait_dma2 semaphore(%arg9 : memref<!tpu.dma_semaphore, #tpu.memory_space<semaphore_mem>>) src(%dma_wait3A_399 : memref<32x384xf32, #tpu.memory_space<hbm>>) dst(%arg6 : memref<32x384xf32, #tpu.memory_space<vmem>>)
    %add3A_400 = arith.constant 0 : i32
    %add3A_401 = arith.addi %mul3A_2, %add3A_400 : i32
    %scan3A = arith.constant 0 : i32
    %scan3A_402 = arith.constant 16 : i32
    %scan3A_403 = arith.addi %scan3A, %scan3A_402 : i32
    %scan3A_404 = arith.constant 1 : i32
    %scan3A_405:2 = scf.for %scan3A_431 = %scan3A to %scan3A_403 step %scan3A_404 iter_args(%scan3A_432 = %broadcast_in_dim3A_388, %scan3A_433 = %broadcast_in_dim3A_390) -> (vector<16xf32>, vector<16xi32>)  : i32 {
      %mul3A_434 = arith.constant 2 : i32
      %mul3A_435 = arith.muli %scan3A_431, %mul3A_434 : i32
      %add3A_436 = arith.constant 0 : i32
      %add3A_437 = arith.addi %mul3A_435, %add3A_436 : i32
      %broadcast_in_dim3A_438 = arith.constant 0.000000e+00 : f32
      %broadcast_in_dim3A_439 = vector.broadcast %broadcast_in_dim3A_438 : f32 to vector<16xf32>
      %broadcast_in_dim3A_440 = arith.constant 0.000000e+00 : f32
      %broadcast_in_dim3A_441 = vector.broadcast %broadcast_in_dim3A_440 : f32 to vector<16xf32>
      %broadcast_in_dim3A_442 = arith.constant 0.000000e+00 : f32
      %broadcast_in_dim3A_443 = vector.broadcast %broadcast_in_dim3A_442 : f32 to vector<16xf32>
      %broadcast_in_dim3A_444 = arith.constant 0.000000e+00 : f32
      %broadcast_in_dim3A_445 = vector.broadcast %broadcast_in_dim3A_444 : f32 to vector<16xf32>
      %broadcast_in_dim3A_446 = arith.constant 0.000000e+00 : f32
      %broadcast_in_dim3A_447 = vector.broadcast %broadcast_in_dim3A_446 : f32 to vector<16xf32>
      %broadcast_in_dim3A_448 = arith.constant 0.000000e+00 : f32
      %broadcast_in_dim3A_449 = vector.broadcast %broadcast_in_dim3A_448 : f32 to vector<16xf32>
      %broadcast_in_dim3A_450 = arith.constant 0.000000e+00 : f32
      %broadcast_in_dim3A_451 = vector.broadcast %broadcast_in_dim3A_450 : f32 to vector<16xf32>
      %broadcast_in_dim3A_452 = arith.constant 0.000000e+00 : f32
      %broadcast_in_dim3A_453 = vector.broadcast %broadcast_in_dim3A_452 : f32 to vector<16xf32>
      %get3A_454 = arith.index_cast %add3A_437 : i32 to index
      %get3A_455 = arith.constant 0 : index
      %get3A_456 = tpu.vector_load %arg6[%get3A_454, %get3A_455] {strides = array<i32>} : memref<32x384xf32, #tpu.memory_space<vmem>>, vector<1x16xf32>,
      %get3A_457 = vector.shape_cast %get3A_456 : vector<1x16xf32> to vector<16xf32>
      %bitcast_convert_type3A_458 = tpu.bitcast %get3A_457 : vector<16xf32> -> vector<16xi32>
      %add3A_459 = arith.constant 32768 : i32
      %add3A_460 = vector.broadcast %add3A_459 : i32 to vector<16xi32>
      %add3A_461 = arith.addi %bitcast_convert_type3A_458, %add3A_460 : vector<16xi32>
      %and3A_462 = arith.constant -65536 : i32
      %and3A_463 = vector.broadcast %and3A_462 : i32 to vector<16xi32>
      %and3A_464 = arith.andi %add3A_461, %and3A_463 : vector<16xi32>
      %bitcast_convert_type3A_465 = tpu.bitcast %and3A_464 : vector<16xi32> -> vector<16xf32>
      %mul3A_466 = arith.mulf %bitcast_convert_type3A_465, %bitcast_convert_type3A_202 : vector<16xf32>
      %add3A_467 = arith.addf %broadcast_in_dim3A_439, %mul3A_466 : vector<16xf32>
      %mul3A_468 = arith.mulf %get3A_457, %get3A_457 : vector<16xf32>
      %add3A_469 = arith.addf %broadcast_in_dim3A_447, %mul3A_468 : vector<16xf32>
      %get3A_470 = arith.index_cast %add3A_437 : i32 to index
      %get3A_471 = arith.constant 16 : index
      %get3A_472 = tpu.vector_load %arg6[%get3A_470, %get3A_471] {strides = array<i32>} : memref<32x384xf32, #tpu.memory_space<vmem>>, vector<1x16xf32>,
      %get3A_473 = vector.shape_cast %get3A_472 : vector<1x16xf32> to vector<16xf32>
      %bitcast_convert_type3A_474 = tpu.bitcast %get3A_473 : vector<16xf32> -> vector<16xi32>
      %add3A_475 = arith.constant 32768 : i32
      %add3A_476 = vector.broadcast %add3A_475 : i32 to vector<16xi32>
      %add3A_477 = arith.addi %bitcast_convert_type3A_474, %add3A_476 : vector<16xi32>
      %and3A_478 = arith.constant -65536 : i32
      %and3A_479 = vector.broadcast %and3A_478 : i32 to vector<16xi32>
      %and3A_480 = arith.andi %add3A_477, %and3A_479 : vector<16xi32>
      %bitcast_convert_type3A_481 = tpu.bitcast %and3A_480 : vector<16xi32> -> vector<16xf32>
      %mul3A_482 = arith.mulf %bitcast_convert_type3A_481, %bitcast_convert_type3A_210 : vector<16xf32>
      %add3A_483 = arith.addf %broadcast_in_dim3A_441, %mul3A_482 : vector<16xf32>
      %mul3A_484 = arith.mulf %get3A_473, %get3A_473 : vector<16xf32>
      %add3A_485 = arith.addf %broadcast_in_dim3A_449, %mul3A_484 : vector<16xf32>
      %get3A_486 = arith.index_cast %add3A_437 : i32 to index
      %get3A_487 = arith.constant 32 : index
      %get3A_488 = tpu.vector_load %arg6[%get3A_486, %get3A_487] {strides = array<i32>} : memref<32x384xf32, #tpu.memory_space<vmem>>, vector<1x16xf32>,
      %get3A_489 = vector.shape_cast %get3A_488 : vector<1x16xf32> to vector<16xf32>
      %bitcast_convert_type3A_490 = tpu.bitcast %get3A_489 : vector<16xf32> -> vector<16xi32>
      %add3A_491 = arith.constant 32768 : i32
      %add3A_492 = vector.broadcast %add3A_491 : i32 to vector<16xi32>
      %add3A_493 = arith.addi %bitcast_convert_type3A_490, %add3A_492 : vector<16xi32>
      %and3A_494 = arith.constant -65536 : i32
      %and3A_495 = vector.broadcast %and3A_494 : i32 to vector<16xi32>
      %and3A_496 = arith.andi %add3A_493, %and3A_495 : vector<16xi32>
      %bitcast_convert_type3A_497 = tpu.bitcast %and3A_496 : vector<16xi32> -> vector<16xf32>
      %mul3A_498 = arith.mulf %bitcast_convert_type3A_497, %bitcast_convert_type3A_218 : vector<16xf32>
      %add3A_499 = arith.addf %broadcast_in_dim3A_443, %mul3A_498 : vector<16xf32>
      %mul3A_500 = arith.mulf %get3A_489, %get3A_489 : vector<16xf32>
      %add3A_501 = arith.addf %broadcast_in_dim3A_451, %mul3A_500 : vector<16xf32>
      %get3A_502 = arith.index_cast %add3A_437 : i32 to index
      %get3A_503 = arith.constant 48 : index
      %get3A_504 = tpu.vector_load %arg6[%get3A_502, %get3A_503] {strides = array<i32>} : memref<32x384xf32, #tpu.memory_space<vmem>>, vector<1x16xf32>,
      %get3A_505 = vector.shape_cast %get3A_504 : vector<1x16xf32> to vector<16xf32>
      %bitcast_convert_type3A_506 = tpu.bitcast %get3A_505 : vector<16xf32> -> vector<16xi32>
      %add3A_507 = arith.constant 32768 : i32
      %add3A_508 = vector.broadcast %add3A_507 : i32 to vector<16xi32>
      %add3A_509 = arith.addi %bitcast_convert_type3A_506, %add3A_508 : vector<16xi32>
      %and3A_510 = arith.constant -65536 : i32
      %and3A_511 = vector.broadcast %and3A_510 : i32 to vector<16xi32>
      %and3A_512 = arith.andi %add3A_509, %and3A_511 : vector<16xi32>
      %bitcast_convert_type3A_513 = tpu.bitcast %and3A_512 : vector<16xi32> -> vector<16xf32>
      %mul3A_514 = arith.mulf %bitcast_convert_type3A_513, %bitcast_convert_type3A_226 : vector<16xf32>
      %add3A_515 = arith.addf %broadcast_in_dim3A_445, %mul3A_514 : vector<16xf32>
      %mul3A_516 = arith.mulf %get3A_505, %get3A_505 : vector<16xf32>
      %add3A_517 = arith.addf %broadcast_in_dim3A_453, %mul3A_516 : vector<16xf32>
      %get3A_518 = arith.index_cast %add3A_437 : i32 to index
      %get3A_519 = arith.constant 64 : index
      %get3A_520 = tpu.vector_load %arg6[%get3A_518, %get3A_519] {strides = array<i32>} : memref<32x384xf32, #tpu.memory_space<vmem>>, vector<1x16xf32>,
      %get3A_521 = vector.shape_cast %get3A_520 : vector<1x16xf32> to vector<16xf32>
      %bitcast_convert_type3A_522 = tpu.bitcast %get3A_521 : vector<16xf32> -> vector<16xi32>
      %add3A_523 = arith.constant 32768 : i32
      %add3A_524 = vector.broadcast %add3A_523 : i32 to vector<16xi32>
      %add3A_525 = arith.addi %bitcast_convert_type3A_522, %add3A_524 : vector<16xi32>
      %and3A_526 = arith.constant -65536 : i32
      %and3A_527 = vector.broadcast %and3A_526 : i32 to vector<16xi32>
      %and3A_528 = arith.andi %add3A_525, %and3A_527 : vector<16xi32>
      %bitcast_convert_type3A_529 = tpu.bitcast %and3A_528 : vector<16xi32> -> vector<16xf32>
      %mul3A_530 = arith.mulf %bitcast_convert_type3A_529, %bitcast_convert_type3A_234 : vector<16xf32>
      %add3A_531 = arith.addf %add3A_467, %mul3A_530 : vector<16xf32>
      %mul3A_532 = arith.mulf %get3A_521, %get3A_521 : vector<16xf32>
      %add3A_533 = arith.addf %add3A_469, %mul3A_532 : vector<16xf32>
      %get3A_534 = arith.index_cast %add3A_437 : i32 to index
      %get3A_535 = arith.constant 80 : index
      %get3A_536 = tpu.vector_load %arg6[%get3A_534, %get3A_535] {strides = array<i32>} : memref<32x384xf32, #tpu.memory_space<vmem>>, vector<1x16xf32>,
      %get3A_537 = vector.shape_cast %get3A_536 : vector<1x16xf32> to vector<16xf32>
      %bitcast_convert_type3A_538 = tpu.bitcast %get3A_537 : vector<16xf32> -> vector<16xi32>
      %add3A_539 = arith.constant 32768 : i32
      %add3A_540 = vector.broadcast %add3A_539 : i32 to vector<16xi32>
      %add3A_541 = arith.addi %bitcast_convert_type3A_538, %add3A_540 : vector<16xi32>
      %and3A_542 = arith.constant -65536 : i32
      %and3A_543 = vector.broadcast %and3A_542 : i32 to vector<16xi32>
      %and3A_544 = arith.andi %add3A_541, %and3A_543 : vector<16xi32>
      %bitcast_convert_type3A_545 = tpu.bitcast %and3A_544 : vector<16xi32> -> vector<16xf32>
      %mul3A_546 = arith.mulf %bitcast_convert_type3A_545, %bitcast_convert_type3A_242 : vector<16xf32>
      %add3A_547 = arith.addf %add3A_483, %mul3A_546 : vector<16xf32>
      %mul3A_548 = arith.mulf %get3A_537, %get3A_537 : vector<16xf32>
      %add3A_549 = arith.addf %add3A_485, %mul3A_548 : vector<16xf32>
      %get3A_550 = arith.index_cast %add3A_437 : i32 to index
      %get3A_551 = arith.constant 96 : index
      %get3A_552 = tpu.vector_load %arg6[%get3A_550, %get3A_551] {strides = array<i32>} : memref<32x384xf32, #tpu.memory_space<vmem>>, vector<1x16xf32>,
      %get3A_553 = vector.shape_cast %get3A_552 : vector<1x16xf32> to vector<16xf32>
      %bitcast_convert_type3A_554 = tpu.bitcast %get3A_553 : vector<16xf32> -> vector<16xi32>
      %add3A_555 = arith.constant 32768 : i32
      %add3A_556 = vector.broadcast %add3A_555 : i32 to vector<16xi32>
      %add3A_557 = arith.addi %bitcast_convert_type3A_554, %add3A_556 : vector<16xi32>
      %and3A_558 = arith.constant -65536 : i32
      %and3A_559 = vector.broadcast %and3A_558 : i32 to vector<16xi32>
      %and3A_560 = arith.andi %add3A_557, %and3A_559 : vector<16xi32>
      %bitcast_convert_type3A_561 = tpu.bitcast %and3A_560 : vector<16xi32> -> vector<16xf32>
      %mul3A_562 = arith.mulf %bitcast_convert_type3A_561, %bitcast_convert_type3A_250 : vector<16xf32>
      %add3A_563 = arith.addf %add3A_499, %mul3A_562 : vector<16xf32>
      %mul3A_564 = arith.mulf %get3A_553, %get3A_553 : vector<16xf32>
      %add3A_565 = arith.addf %add3A_501, %mul3A_564 : vector<16xf32>
      %get3A_566 = arith.index_cast %add3A_437 : i32 to index
      %get3A_567 = arith.constant 112 : index
      %get3A_568 = tpu.vector_load %arg6[%get3A_566, %get3A_567] {strides = array<i32>} : memref<32x384xf32, #tpu.memory_space<vmem>>, vector<1x16xf32>,
      %get3A_569 = vector.shape_cast %get3A_568 : vector<1x16xf32> to vector<16xf32>
      %bitcast_convert_type3A_570 = tpu.bitcast %get3A_569 : vector<16xf32> -> vector<16xi32>
      %add3A_571 = arith.constant 32768 : i32
      %add3A_572 = vector.broadcast %add3A_571 : i32 to vector<16xi32>
      %add3A_573 = arith.addi %bitcast_convert_type3A_570, %add3A_572 : vector<16xi32>
      %and3A_574 = arith.constant -65536 : i32
      %and3A_575 = vector.broadcast %and3A_574 : i32 to vector<16xi32>
      %and3A_576 = arith.andi %add3A_573, %and3A_575 : vector<16xi32>
      %bitcast_convert_type3A_577 = tpu.bitcast %and3A_576 : vector<16xi32> -> vector<16xf32>
      %mul3A_578 = arith.mulf %bitcast_convert_type3A_577, %bitcast_convert_type3A_258 : vector<16xf32>
      %add3A_579 = arith.addf %add3A_515, %mul3A_578 : vector<16xf32>
      %mul3A_580 = arith.mulf %get3A_569, %get3A_569 : vector<16xf32>
      %add3A_581 = arith.addf %add3A_517, %mul3A_580 : vector<16xf32>
      %get3A_582 = arith.index_cast %add3A_437 : i32 to index
      %get3A_583 = arith.constant 128 : index
      %get3A_584 = tpu.vector_load %arg6[%get3A_582, %get3A_583] {strides = array<i32>} : memref<32x384xf32, #tpu.memory_space<vmem>>, vector<1x16xf32>,
      %get3A_585 = vector.shape_cast %get3A_584 : vector<1x16xf32> to vector<16xf32>
      %bitcast_convert_type3A_586 = tpu.bitcast %get3A_585 : vector<16xf32> -> vector<16xi32>
      %add3A_587 = arith.constant 32768 : i32
      %add3A_588 = vector.broadcast %add3A_587 : i32 to vector<16xi32>
      %add3A_589 = arith.addi %bitcast_convert_type3A_586, %add3A_588 : vector<16xi32>
      %and3A_590 = arith.constant -65536 : i32
      %and3A_591 = vector.broadcast %and3A_590 : i32 to vector<16xi32>
      %and3A_592 = arith.andi %add3A_589, %and3A_591 : vector<16xi32>
      %bitcast_convert_type3A_593 = tpu.bitcast %and3A_592 : vector<16xi32> -> vector<16xf32>
      %mul3A_594 = arith.mulf %bitcast_convert_type3A_593, %bitcast_convert_type3A_266 : vector<16xf32>
      %add3A_595 = arith.addf %add3A_531, %mul3A_594 : vector<16xf32>
      %mul3A_596 = arith.mulf %get3A_585, %get3A_585 : vector<16xf32>
      %add3A_597 = arith.addf %add3A_533, %mul3A_596 : vector<16xf32>
      %get3A_598 = arith.index_cast %add3A_437 : i32 to index
      %get3A_599 = arith.constant 144 : index
      %get3A_600 = tpu.vector_load %arg6[%get3A_598, %get3A_599] {strides = array<i32>} : memref<32x384xf32, #tpu.memory_space<vmem>>, vector<1x16xf32>,
      %get3A_601 = vector.shape_cast %get3A_600 : vector<1x16xf32> to vector<16xf32>
      %bitcast_convert_type3A_602 = tpu.bitcast %get3A_601 : vector<16xf32> -> vector<16xi32>
      %add3A_603 = arith.constant 32768 : i32
      %add3A_604 = vector.broadcast %add3A_603 : i32 to vector<16xi32>
      %add3A_605 = arith.addi %bitcast_convert_type3A_602, %add3A_604 : vector<16xi32>
      %and3A_606 = arith.constant -65536 : i32
      %and3A_607 = vector.broadcast %and3A_606 : i32 to vector<16xi32>
      %and3A_608 = arith.andi %add3A_605, %and3A_607 : vector<16xi32>
      %bitcast_convert_type3A_609 = tpu.bitcast %and3A_608 : vector<16xi32> -> vector<16xf32>
      %mul3A_610 = arith.mulf %bitcast_convert_type3A_609, %bitcast_convert_type3A_274 : vector<16xf32>
      %add3A_611 = arith.addf %add3A_547, %mul3A_610 : vector<16xf32>
      %mul3A_612 = arith.mulf %get3A_601, %get3A_601 : vector<16xf32>
      %add3A_613 = arith.addf %add3A_549, %mul3A_612 : vector<16xf32>
      %get3A_614 = arith.index_cast %add3A_437 : i32 to index
      %get3A_615 = arith.constant 160 : index
      %get3A_616 = tpu.vector_load %arg6[%get3A_614, %get3A_615] {strides = array<i32>} : memref<32x384xf32, #tpu.memory_space<vmem>>, vector<1x16xf32>,
      %get3A_617 = vector.shape_cast %get3A_616 : vector<1x16xf32> to vector<16xf32>
      %bitcast_convert_type3A_618 = tpu.bitcast %get3A_617 : vector<16xf32> -> vector<16xi32>
      %add3A_619 = arith.constant 32768 : i32
      %add3A_620 = vector.broadcast %add3A_619 : i32 to vector<16xi32>
      %add3A_621 = arith.addi %bitcast_convert_type3A_618, %add3A_620 : vector<16xi32>
      %and3A_622 = arith.constant -65536 : i32
      %and3A_623 = vector.broadcast %and3A_622 : i32 to vector<16xi32>
      %and3A_624 = arith.andi %add3A_621, %and3A_623 : vector<16xi32>
      %bitcast_convert_type3A_625 = tpu.bitcast %and3A_624 : vector<16xi32> -> vector<16xf32>
      %mul3A_626 = arith.mulf %bitcast_convert_type3A_625, %bitcast_convert_type3A_282 : vector<16xf32>
      %add3A_627 = arith.addf %add3A_563, %mul3A_626 : vector<16xf32>
      %mul3A_628 = arith.mulf %get3A_617, %get3A_617 : vector<16xf32>
      %add3A_629 = arith.addf %add3A_565, %mul3A_628 : vector<16xf32>
      %get3A_630 = arith.index_cast %add3A_437 : i32 to index
      %get3A_631 = arith.constant 176 : index
      %get3A_632 = tpu.vector_load %arg6[%get3A_630, %get3A_631] {strides = array<i32>} : memref<32x384xf32, #tpu.memory_space<vmem>>, vector<1x16xf32>,
      %get3A_633 = vector.shape_cast %get3A_632 : vector<1x16xf32> to vector<16xf32>
      %bitcast_convert_type3A_634 = tpu.bitcast %get3A_633 : vector<16xf32> -> vector<16xi32>
      %add3A_635 = arith.constant 32768 : i32
      %add3A_636 = vector.broadcast %add3A_635 : i32 to vector<16xi32>
      %add3A_637 = arith.addi %bitcast_convert_type3A_634, %add3A_636 : vector<16xi32>
      %and3A_638 = arith.constant -65536 : i32
      %and3A_639 = vector.broadcast %and3A_638 : i32 to vector<16xi32>
      %and3A_640 = arith.andi %add3A_637, %and3A_639 : vector<16xi32>
      %bitcast_convert_type3A_641 = tpu.bitcast %and3A_640 : vector<16xi32> -> vector<16xf32>
      %mul3A_642 = arith.mulf %bitcast_convert_type3A_641, %bitcast_convert_type3A_290 : vector<16xf32>
      %add3A_643 = arith.addf %add3A_579, %mul3A_642 : vector<16xf32>
      %mul3A_644 = arith.mulf %get3A_633, %get3A_633 : vector<16xf32>
      %add3A_645 = arith.addf %add3A_581, %mul3A_644 : vector<16xf32>
      %get3A_646 = arith.index_cast %add3A_437 : i32 to index
      %get3A_647 = arith.constant 192 : index
      %get3A_648 = tpu.vector_load %arg6[%get3A_646, %get3A_647] {strides = array<i32>} : memref<32x384xf32, #tpu.memory_space<vmem>>, vector<1x16xf32>,
      %get3A_649 = vector.shape_cast %get3A_648 : vector<1x16xf32> to vector<16xf32>
      %bitcast_convert_type3A_650 = tpu.bitcast %get3A_649 : vector<16xf32> -> vector<16xi32>
      %add3A_651 = arith.constant 32768 : i32
      %add3A_652 = vector.broadcast %add3A_651 : i32 to vector<16xi32>
      %add3A_653 = arith.addi %bitcast_convert_type3A_650, %add3A_652 : vector<16xi32>
      %and3A_654 = arith.constant -65536 : i32
      %and3A_655 = vector.broadcast %and3A_654 : i32 to vector<16xi32>
      %and3A_656 = arith.andi %add3A_653, %and3A_655 : vector<16xi32>
      %bitcast_convert_type3A_657 = tpu.bitcast %and3A_656 : vector<16xi32> -> vector<16xf32>
      %mul3A_658 = arith.mulf %bitcast_convert_type3A_657, %bitcast_convert_type3A_298 : vector<16xf32>
      %add3A_659 = arith.addf %add3A_595, %mul3A_658 : vector<16xf32>
      %mul3A_660 = arith.mulf %get3A_649, %get3A_649 : vector<16xf32>
      %add3A_661 = arith.addf %add3A_597, %mul3A_660 : vector<16xf32>
      %get3A_662 = arith.index_cast %add3A_437 : i32 to index
      %get3A_663 = arith.constant 208 : index
      %get3A_664 = tpu.vector_load %arg6[%get3A_662, %get3A_663] {strides = array<i32>} : memref<32x384xf32, #tpu.memory_space<vmem>>, vector<1x16xf32>,
      %get3A_665 = vector.shape_cast %get3A_664 : vector<1x16xf32> to vector<16xf32>
      %bitcast_convert_type3A_666 = tpu.bitcast %get3A_665 : vector<16xf32> -> vector<16xi32>
      %add3A_667 = arith.constant 32768 : i32
      %add3A_668 = vector.broadcast %add3A_667 : i32 to vector<16xi32>
      %add3A_669 = arith.addi %bitcast_convert_type3A_666, %add3A_668 : vector<16xi32>
      %and3A_670 = arith.constant -65536 : i32
      %and3A_671 = vector.broadcast %and3A_670 : i32 to vector<16xi32>
      %and3A_672 = arith.andi %add3A_669, %and3A_671 : vector<16xi32>
      %bitcast_convert_type3A_673 = tpu.bitcast %and3A_672 : vector<16xi32> -> vector<16xf32>
      %mul3A_674 = arith.mulf %bitcast_convert_type3A_673, %bitcast_convert_type3A_306 : vector<16xf32>
      %add3A_675 = arith.addf %add3A_611, %mul3A_674 : vector<16xf32>
      %mul3A_676 = arith.mulf %get3A_665, %get3A_665 : vector<16xf32>
      %add3A_677 = arith.addf %add3A_613, %mul3A_676 : vector<16xf32>
      %get3A_678 = arith.index_cast %add3A_437 : i32 to index
      %get3A_679 = arith.constant 224 : index
      %get3A_680 = tpu.vector_load %arg6[%get3A_678, %get3A_679] {strides = array<i32>} : memref<32x384xf32, #tpu.memory_space<vmem>>, vector<1x16xf32>,
      %get3A_681 = vector.shape_cast %get3A_680 : vector<1x16xf32> to vector<16xf32>
      %bitcast_convert_type3A_682 = tpu.bitcast %get3A_681 : vector<16xf32> -> vector<16xi32>
      %add3A_683 = arith.constant 32768 : i32
      %add3A_684 = vector.broadcast %add3A_683 : i32 to vector<16xi32>
      %add3A_685 = arith.addi %bitcast_convert_type3A_682, %add3A_684 : vector<16xi32>
      %and3A_686 = arith.constant -65536 : i32
      %and3A_687 = vector.broadcast %and3A_686 : i32 to vector<16xi32>
      %and3A_688 = arith.andi %add3A_685, %and3A_687 : vector<16xi32>
      %bitcast_convert_type3A_689 = tpu.bitcast %and3A_688 : vector<16xi32> -> vector<16xf32>
      %mul3A_690 = arith.mulf %bitcast_convert_type3A_689, %bitcast_convert_type3A_314 : vector<16xf32>
      %add3A_691 = arith.addf %add3A_627, %mul3A_690 : vector<16xf32>
      %mul3A_692 = arith.mulf %get3A_681, %get3A_681 : vector<16xf32>
      %add3A_693 = arith.addf %add3A_629, %mul3A_692 : vector<16xf32>
      %get3A_694 = arith.index_cast %add3A_437 : i32 to index
      %get3A_695 = arith.constant 240 : index
      %get3A_696 = tpu.vector_load %arg6[%get3A_694, %get3A_695] {strides = array<i32>} : memref<32x384xf32, #tpu.memory_space<vmem>>, vector<1x16xf32>,
      %get3A_697 = vector.shape_cast %get3A_696 : vector<1x16xf32> to vector<16xf32>
      %bitcast_convert_type3A_698 = tpu.bitcast %get3A_697 : vector<16xf32> -> vector<16xi32>
      %add3A_699 = arith.constant 32768 : i32
      %add3A_700 = vector.broadcast %add3A_699 : i32 to vector<16xi32>
      %add3A_701 = arith.addi %bitcast_convert_type3A_698, %add3A_700 : vector<16xi32>
      %and3A_702 = arith.constant -65536 : i32
      %and3A_703 = vector.broadcast %and3A_702 : i32 to vector<16xi32>
      %and3A_704 = arith.andi %add3A_701, %and3A_703 : vector<16xi32>
      %bitcast_convert_type3A_705 = tpu.bitcast %and3A_704 : vector<16xi32> -> vector<16xf32>
      %mul3A_706 = arith.mulf %bitcast_convert_type3A_705, %bitcast_convert_type3A_322 : vector<16xf32>
      %add3A_707 = arith.addf %add3A_643, %mul3A_706 : vector<16xf32>
      %mul3A_708 = arith.mulf %get3A_697, %get3A_697 : vector<16xf32>
      %add3A_709 = arith.addf %add3A_645, %mul3A_708 : vector<16xf32>
      %get3A_710 = arith.index_cast %add3A_437 : i32 to index
      %get3A_711 = arith.constant 256 : index
      %get3A_712 = tpu.vector_load %arg6[%get3A_710, %get3A_711] {strides = array<i32>} : memref<32x384xf32, #tpu.memory_space<vmem>>, vector<1x16xf32>,
      %get3A_713 = vector.shape_cast %get3A_712 : vector<1x16xf32> to vector<16xf32>
      %bitcast_convert_type3A_714 = tpu.bitcast %get3A_713 : vector<16xf32> -> vector<16xi32>
      %add3A_715 = arith.constant 32768 : i32
      %add3A_716 = vector.broadcast %add3A_715 : i32 to vector<16xi32>
      %add3A_717 = arith.addi %bitcast_convert_type3A_714, %add3A_716 : vector<16xi32>
      %and3A_718 = arith.constant -65536 : i32
      %and3A_719 = vector.broadcast %and3A_718 : i32 to vector<16xi32>
      %and3A_720 = arith.andi %add3A_717, %and3A_719 : vector<16xi32>
      %bitcast_convert_type3A_721 = tpu.bitcast %and3A_720 : vector<16xi32> -> vector<16xf32>
      %mul3A_722 = arith.mulf %bitcast_convert_type3A_721, %bitcast_convert_type3A_330 : vector<16xf32>
      %add3A_723 = arith.addf %add3A_659, %mul3A_722 : vector<16xf32>
      %mul3A_724 = arith.mulf %get3A_713, %get3A_713 : vector<16xf32>
      %add3A_725 = arith.addf %add3A_661, %mul3A_724 : vector<16xf32>
      %get3A_726 = arith.index_cast %add3A_437 : i32 to index
      %get3A_727 = arith.constant 272 : index
      %get3A_728 = tpu.vector_load %arg6[%get3A_726, %get3A_727] {strides = array<i32>} : memref<32x384xf32, #tpu.memory_space<vmem>>, vector<1x16xf32>,
      %get3A_729 = vector.shape_cast %get3A_728 : vector<1x16xf32> to vector<16xf32>
      %bitcast_convert_type3A_730 = tpu.bitcast %get3A_729 : vector<16xf32> -> vector<16xi32>
      %add3A_731 = arith.constant 32768 : i32
      %add3A_732 = vector.broadcast %add3A_731 : i32 to vector<16xi32>
      %add3A_733 = arith.addi %bitcast_convert_type3A_730, %add3A_732 : vector<16xi32>
      %and3A_734 = arith.constant -65536 : i32
      %and3A_735 = vector.broadcast %and3A_734 : i32 to vector<16xi32>
      %and3A_736 = arith.andi %add3A_733, %and3A_735 : vector<16xi32>
      %bitcast_convert_type3A_737 = tpu.bitcast %and3A_736 : vector<16xi32> -> vector<16xf32>
      %mul3A_738 = arith.mulf %bitcast_convert_type3A_737, %bitcast_convert_type3A_338 : vector<16xf32>
      %add3A_739 = arith.addf %add3A_675, %mul3A_738 : vector<16xf32>
      %mul3A_740 = arith.mulf %get3A_729, %get3A_729 : vector<16xf32>
      %add3A_741 = arith.addf %add3A_677, %mul3A_740 : vector<16xf32>
      %get3A_742 = arith.index_cast %add3A_437 : i32 to index
      %get3A_743 = arith.constant 288 : index
      %get3A_744 = tpu.vector_load %arg6[%get3A_742, %get3A_743] {strides = array<i32>} : memref<32x384xf32, #tpu.memory_space<vmem>>, vector<1x16xf32>,
      %get3A_745 = vector.shape_cast %get3A_744 : vector<1x16xf32> to vector<16xf32>
      %bitcast_convert_type3A_746 = tpu.bitcast %get3A_745 : vector<16xf32> -> vector<16xi32>
      %add3A_747 = arith.constant 32768 : i32
      %add3A_748 = vector.broadcast %add3A_747 : i32 to vector<16xi32>
      %add3A_749 = arith.addi %bitcast_convert_type3A_746, %add3A_748 : vector<16xi32>
      %and3A_750 = arith.constant -65536 : i32
      %and3A_751 = vector.broadcast %and3A_750 : i32 to vector<16xi32>
      %and3A_752 = arith.andi %add3A_749, %and3A_751 : vector<16xi32>
      %bitcast_convert_type3A_753 = tpu.bitcast %and3A_752 : vector<16xi32> -> vector<16xf32>
      %mul3A_754 = arith.mulf %bitcast_convert_type3A_753, %bitcast_convert_type3A_346 : vector<16xf32>
      %add3A_755 = arith.addf %add3A_691, %mul3A_754 : vector<16xf32>
      %mul3A_756 = arith.mulf %get3A_745, %get3A_745 : vector<16xf32>
      %add3A_757 = arith.addf %add3A_693, %mul3A_756 : vector<16xf32>
      %get3A_758 = arith.index_cast %add3A_437 : i32 to index
      %get3A_759 = arith.constant 304 : index
      %get3A_760 = tpu.vector_load %arg6[%get3A_758, %get3A_759] {strides = array<i32>} : memref<32x384xf32, #tpu.memory_space<vmem>>, vector<1x16xf32>,
      %get3A_761 = vector.shape_cast %get3A_760 : vector<1x16xf32> to vector<16xf32>
      %bitcast_convert_type3A_762 = tpu.bitcast %get3A_761 : vector<16xf32> -> vector<16xi32>
      %add3A_763 = arith.constant 32768 : i32
      %add3A_764 = vector.broadcast %add3A_763 : i32 to vector<16xi32>
      %add3A_765 = arith.addi %bitcast_convert_type3A_762, %add3A_764 : vector<16xi32>
      %and3A_766 = arith.constant -65536 : i32
      %and3A_767 = vector.broadcast %and3A_766 : i32 to vector<16xi32>
      %and3A_768 = arith.andi %add3A_765, %and3A_767 : vector<16xi32>
      %bitcast_convert_type3A_769 = tpu.bitcast %and3A_768 : vector<16xi32> -> vector<16xf32>
      %mul3A_770 = arith.mulf %bitcast_convert_type3A_769, %bitcast_convert_type3A_354 : vector<16xf32>
      %add3A_771 = arith.addf %add3A_707, %mul3A_770 : vector<16xf32>
      %mul3A_772 = arith.mulf %get3A_761, %get3A_761 : vector<16xf32>
      %add3A_773 = arith.addf %add3A_709, %mul3A_772 : vector<16xf32>
      %get3A_774 = arith.index_cast %add3A_437 : i32 to index
      %get3A_775 = arith.constant 320 : index
      %get3A_776 = tpu.vector_load %arg6[%get3A_774, %get3A_775] {strides = array<i32>} : memref<32x384xf32, #tpu.memory_space<vmem>>, vector<1x16xf32>,
      %get3A_777 = vector.shape_cast %get3A_776 : vector<1x16xf32> to vector<16xf32>
      %bitcast_convert_type3A_778 = tpu.bitcast %get3A_777 : vector<16xf32> -> vector<16xi32>
      %add3A_779 = arith.constant 32768 : i32
      %add3A_780 = vector.broadcast %add3A_779 : i32 to vector<16xi32>
      %add3A_781 = arith.addi %bitcast_convert_type3A_778, %add3A_780 : vector<16xi32>
      %and3A_782 = arith.constant -65536 : i32
      %and3A_783 = vector.broadcast %and3A_782 : i32 to vector<16xi32>
      %and3A_784 = arith.andi %add3A_781, %and3A_783 : vector<16xi32>
      %bitcast_convert_type3A_785 = tpu.bitcast %and3A_784 : vector<16xi32> -> vector<16xf32>
      %mul3A_786 = arith.mulf %bitcast_convert_type3A_785, %bitcast_convert_type3A_362 : vector<16xf32>
      %add3A_787 = arith.addf %add3A_723, %mul3A_786 : vector<16xf32>
      %mul3A_788 = arith.mulf %get3A_777, %get3A_777 : vector<16xf32>
      %add3A_789 = arith.addf %add3A_725, %mul3A_788 : vector<16xf32>
      %get3A_790 = arith.index_cast %add3A_437 : i32 to index
      %get3A_791 = arith.constant 336 : index
      %get3A_792 = tpu.vector_load %arg6[%get3A_790, %get3A_791] {strides = array<i32>} : memref<32x384xf32, #tpu.memory_space<vmem>>, vector<1x16xf32>,
      %get3A_793 = vector.shape_cast %get3A_792 : vector<1x16xf32> to vector<16xf32>
      %bitcast_convert_type3A_794 = tpu.bitcast %get3A_793 : vector<16xf32> -> vector<16xi32>
      %add3A_795 = arith.constant 32768 : i32
      %add3A_796 = vector.broadcast %add3A_795 : i32 to vector<16xi32>
      %add3A_797 = arith.addi %bitcast_convert_type3A_794, %add3A_796 : vector<16xi32>
      %and3A_798 = arith.constant -65536 : i32
      %and3A_799 = vector.broadcast %and3A_798 : i32 to vector<16xi32>
      %and3A_800 = arith.andi %add3A_797, %and3A_799 : vector<16xi32>
      %bitcast_convert_type3A_801 = tpu.bitcast %and3A_800 : vector<16xi32> -> vector<16xf32>
      %mul3A_802 = arith.mulf %bitcast_convert_type3A_801, %bitcast_convert_type3A_370 : vector<16xf32>
      %add3A_803 = arith.addf %add3A_739, %mul3A_802 : vector<16xf32>
      %mul3A_804 = arith.mulf %get3A_793, %get3A_793 : vector<16xf32>
      %add3A_805 = arith.addf %add3A_741, %mul3A_804 : vector<16xf32>
      %get3A_806 = arith.index_cast %add3A_437 : i32 to index
      %get3A_807 = arith.constant 352 : index
      %get3A_808 = tpu.vector_load %arg6[%get3A_806, %get3A_807] {strides = array<i32>} : memref<32x384xf32, #tpu.memory_space<vmem>>, vector<1x16xf32>,
      %get3A_809 = vector.shape_cast %get3A_808 : vector<1x16xf32> to vector<16xf32>
      %bitcast_convert_type3A_810 = tpu.bitcast %get3A_809 : vector<16xf32> -> vector<16xi32>
      %add3A_811 = arith.constant 32768 : i32
      %add3A_812 = vector.broadcast %add3A_811 : i32 to vector<16xi32>
      %add3A_813 = arith.addi %bitcast_convert_type3A_810, %add3A_812 : vector<16xi32>
      %and3A_814 = arith.constant -65536 : i32
      %and3A_815 = vector.broadcast %and3A_814 : i32 to vector<16xi32>
      %and3A_816 = arith.andi %add3A_813, %and3A_815 : vector<16xi32>
      %bitcast_convert_type3A_817 = tpu.bitcast %and3A_816 : vector<16xi32> -> vector<16xf32>
      %mul3A_818 = arith.mulf %bitcast_convert_type3A_817, %bitcast_convert_type3A_378 : vector<16xf32>
      %add3A_819 = arith.addf %add3A_755, %mul3A_818 : vector<16xf32>
      %mul3A_820 = arith.mulf %get3A_809, %get3A_809 : vector<16xf32>
      %add3A_821 = arith.addf %add3A_757, %mul3A_820 : vector<16xf32>
      %get3A_822 = arith.index_cast %add3A_437 : i32 to index
      %get3A_823 = arith.constant 368 : index
      %get3A_824 = tpu.vector_load %arg6[%get3A_822, %get3A_823] {strides = array<i32>} : memref<32x384xf32, #tpu.memory_space<vmem>>, vector<1x16xf32>,
      %get3A_825 = vector.shape_cast %get3A_824 : vector<1x16xf32> to vector<16xf32>
      %bitcast_convert_type3A_826 = tpu.bitcast %get3A_825 : vector<16xf32> -> vector<16xi32>
      %add3A_827 = arith.constant 32768 : i32
      %add3A_828 = vector.broadcast %add3A_827 : i32 to vector<16xi32>
      %add3A_829 = arith.addi %bitcast_convert_type3A_826, %add3A_828 : vector<16xi32>
      %and3A_830 = arith.constant -65536 : i32
      %and3A_831 = vector.broadcast %and3A_830 : i32 to vector<16xi32>
      %and3A_832 = arith.andi %add3A_829, %and3A_831 : vector<16xi32>
      %bitcast_convert_type3A_833 = tpu.bitcast %and3A_832 : vector<16xi32> -> vector<16xf32>
      %mul3A_834 = arith.mulf %bitcast_convert_type3A_833, %bitcast_convert_type3A_386 : vector<16xf32>
      %add3A_835 = arith.addf %add3A_771, %mul3A_834 : vector<16xf32>
      %mul3A_836 = arith.mulf %get3A_825, %get3A_825 : vector<16xf32>
      %add3A_837 = arith.addf %add3A_773, %mul3A_836 : vector<16xf32>
      %add3A_838 = arith.addf %add3A_787, %add3A_803 : vector<16xf32>
      %add3A_839 = arith.addf %add3A_819, %add3A_835 : vector<16xf32>
      %add3A_840 = arith.addf %add3A_838, %add3A_839 : vector<16xf32>
      %xor3A_841 = arith.constant 1 : i32
      %xor3A_842 = vector.broadcast %xor3A_841 : i32 to vector<16xi32>
      %xor3A_843 = arith.xori %iota3A, %xor3A_842 : vector<16xi32>
      %broadcast_in_dim3A_844 = vector.shape_cast %xor3A_843 : vector<16xi32> to vector<16x1xi32>
      %gather3A_845 = vector.shape_cast %broadcast_in_dim3A_844 : vector<16x1xi32> to vector<16xi32>
      %gather3A_846 = tpu.dynamic_gather %add3A_840[%gather3A_845] in [0] : vector<16xf32>, vector<16xi32> -> vector<16xf32>
      %add3A_847 = arith.addf %add3A_840, %gather3A_846 : vector<16xf32>
      %xor3A_848 = arith.constant 2 : i32
      %xor3A_849 = vector.broadcast %xor3A_848 : i32 to vector<16xi32>
      %xor3A_850 = arith.xori %iota3A, %xor3A_849 : vector<16xi32>
      %broadcast_in_dim3A_851 = vector.shape_cast %xor3A_850 : vector<16xi32> to vector<16x1xi32>
      %gather3A_852 = vector.shape_cast %broadcast_in_dim3A_851 : vector<16x1xi32> to vector<16xi32>
      %gather3A_853 = tpu.dynamic_gather %add3A_847[%gather3A_852] in [0] : vector<16xf32>, vector<16xi32> -> vector<16xf32>
      %add3A_854 = arith.addf %add3A_847, %gather3A_853 : vector<16xf32>
      %xor3A_855 = arith.constant 4 : i32
      %xor3A_856 = vector.broadcast %xor3A_855 : i32 to vector<16xi32>
      %xor3A_857 = arith.xori %iota3A, %xor3A_856 : vector<16xi32>
      %broadcast_in_dim3A_858 = vector.shape_cast %xor3A_857 : vector<16xi32> to vector<16x1xi32>
      %gather3A_859 = vector.shape_cast %broadcast_in_dim3A_858 : vector<16x1xi32> to vector<16xi32>
      %gather3A_860 = tpu.dynamic_gather %add3A_854[%gather3A_859] in [0] : vector<16xf32>, vector<16xi32> -> vector<16xf32>
      %add3A_861 = arith.addf %add3A_854, %gather3A_860 : vector<16xf32>
      %xor3A_862 = arith.constant 8 : i32
      %xor3A_863 = vector.broadcast %xor3A_862 : i32 to vector<16xi32>
      %xor3A_864 = arith.xori %iota3A, %xor3A_863 : vector<16xi32>
      %broadcast_in_dim3A_865 = vector.shape_cast %xor3A_864 : vector<16xi32> to vector<16x1xi32>
      %gather3A_866 = vector.shape_cast %broadcast_in_dim3A_865 : vector<16x1xi32> to vector<16xi32>
      %gather3A_867 = tpu.dynamic_gather %add3A_861[%gather3A_866] in [0] : vector<16xf32>, vector<16xi32> -> vector<16xf32>
      %add3A_868 = arith.addf %add3A_861, %gather3A_867 : vector<16xf32>
      %add3A_869 = arith.addf %add3A_789, %add3A_805 : vector<16xf32>
      %add3A_870 = arith.addf %add3A_821, %add3A_837 : vector<16xf32>
      %add3A_871 = arith.addf %add3A_869, %add3A_870 : vector<16xf32>
      %xor3A_872 = arith.constant 1 : i32
      %xor3A_873 = vector.broadcast %xor3A_872 : i32 to vector<16xi32>
      %xor3A_874 = arith.xori %iota3A, %xor3A_873 : vector<16xi32>
      %broadcast_in_dim3A_875 = vector.shape_cast %xor3A_874 : vector<16xi32> to vector<16x1xi32>
      %gather3A_876 = vector.shape_cast %broadcast_in_dim3A_875 : vector<16x1xi32> to vector<16xi32>
      %gather3A_877 = tpu.dynamic_gather %add3A_871[%gather3A_876] in [0] : vector<16xf32>, vector<16xi32> -> vector<16xf32>
      %add3A_878 = arith.addf %add3A_871, %gather3A_877 : vector<16xf32>
      %xor3A_879 = arith.constant 2 : i32
      %xor3A_880 = vector.broadcast %xor3A_879 : i32 to vector<16xi32>
      %xor3A_881 = arith.xori %iota3A, %xor3A_880 : vector<16xi32>
      %broadcast_in_dim3A_882 = vector.shape_cast %xor3A_881 : vector<16xi32> to vector<16x1xi32>
      %gather3A_883 = vector.shape_cast %broadcast_in_dim3A_882 : vector<16x1xi32> to vector<16xi32>
      %gather3A_884 = tpu.dynamic_gather %add3A_878[%gather3A_883] in [0] : vector<16xf32>, vector<16xi32> -> vector<16xf32>
      %add3A_885 = arith.addf %add3A_878, %gather3A_884 : vector<16xf32>
      %xor3A_886 = arith.constant 4 : i32
      %xor3A_887 = vector.broadcast %xor3A_886 : i32 to vector<16xi32>
      %xor3A_888 = arith.xori %iota3A, %xor3A_887 : vector<16xi32>
      %broadcast_in_dim3A_889 = vector.shape_cast %xor3A_888 : vector<16xi32> to vector<16x1xi32>
      %gather3A_890 = vector.shape_cast %broadcast_in_dim3A_889 : vector<16x1xi32> to vector<16xi32>
      %gather3A_891 = tpu.dynamic_gather %add3A_885[%gather3A_890] in [0] : vector<16xf32>, vector<16xi32> -> vector<16xf32>
      %add3A_892 = arith.addf %add3A_885, %gather3A_891 : vector<16xf32>
      %xor3A_893 = arith.constant 8 : i32
      %xor3A_894 = vector.broadcast %xor3A_893 : i32 to vector<16xi32>
      %xor3A_895 = arith.xori %iota3A, %xor3A_894 : vector<16xi32>
      %broadcast_in_dim3A_896 = vector.shape_cast %xor3A_895 : vector<16xi32> to vector<16x1xi32>
      %gather3A_897 = vector.shape_cast %broadcast_in_dim3A_896 : vector<16x1xi32> to vector<16xi32>
      %gather3A_898 = tpu.dynamic_gather %add3A_892[%gather3A_897] in [0] : vector<16xf32>, vector<16xi32> -> vector<16xf32>
      %add3A_899 = arith.addf %add3A_892, %gather3A_898 : vector<16xf32>
      %add3A_900 = arith.constant 1 : i32
      %add3A_901 = arith.addi %mul3A_435, %add3A_900 : i32
      %broadcast_in_dim3A_902 = arith.constant 0.000000e+00 : f32
      %broadcast_in_dim3A_903 = vector.broadcast %broadcast_in_dim3A_902 : f32 to vector<16xf32>
      %broadcast_in_dim3A_904 = arith.constant 0.000000e+00 : f32
      %broadcast_in_dim3A_905 = vector.broadcast %broadcast_in_dim3A_904 : f32 to vector<16xf32>
      %broadcast_in_dim3A_906 = arith.constant 0.000000e+00 : f32
      %broadcast_in_dim3A_907 = vector.broadcast %broadcast_in_dim3A_906 : f32 to vector<16xf32>
      %broadcast_in_dim3A_908 = arith.constant 0.000000e+00 : f32
      %broadcast_in_dim3A_909 = vector.broadcast %broadcast_in_dim3A_908 : f32 to vector<16xf32>
      %broadcast_in_dim3A_910 = arith.constant 0.000000e+00 : f32
      %broadcast_in_dim3A_911 = vector.broadcast %broadcast_in_dim3A_910 : f32 to vector<16xf32>
      %broadcast_in_dim3A_912 = arith.constant 0.000000e+00 : f32
      %broadcast_in_dim3A_913 = vector.broadcast %broadcast_in_dim3A_912 : f32 to vector<16xf32>
      %broadcast_in_dim3A_914 = arith.constant 0.000000e+00 : f32
      %broadcast_in_dim3A_915 = vector.broadcast %broadcast_in_dim3A_914 : f32 to vector<16xf32>
      %broadcast_in_dim3A_916 = arith.constant 0.000000e+00 : f32
      %broadcast_in_dim3A_917 = vector.broadcast %broadcast_in_dim3A_916 : f32 to vector<16xf32>
      %get3A_918 = arith.index_cast %add3A_901 : i32 to index
      %get3A_919 = arith.constant 0 : index
      %get3A_920 = tpu.vector_load %arg6[%get3A_918, %get3A_919] {strides = array<i32>} : memref<32x384xf32, #tpu.memory_space<vmem>>, vector<1x16xf32>,
      %get3A_921 = vector.shape_cast %get3A_920 : vector<1x16xf32> to vector<16xf32>
      %bitcast_convert_type3A_922 = tpu.bitcast %get3A_921 : vector<16xf32> -> vector<16xi32>
      %add3A_923 = arith.constant 32768 : i32
      %add3A_924 = vector.broadcast %add3A_923 : i32 to vector<16xi32>
      %add3A_925 = arith.addi %bitcast_convert_type3A_922, %add3A_924 : vector<16xi32>
      %and3A_926 = arith.constant -65536 : i32
      %and3A_927 = vector.broadcast %and3A_926 : i32 to vector<16xi32>
      %and3A_928 = arith.andi %add3A_925, %and3A_927 : vector<16xi32>
      %bitcast_convert_type3A_929 = tpu.bitcast %and3A_928 : vector<16xi32> -> vector<16xf32>
      %mul3A_930 = arith.mulf %bitcast_convert_type3A_929, %bitcast_convert_type3A_202 : vector<16xf32>
      %add3A_931 = arith.addf %broadcast_in_dim3A_903, %mul3A_930 : vector<16xf32>
      %mul3A_932 = arith.mulf %get3A_921, %get3A_921 : vector<16xf32>
      %add3A_933 = arith.addf %broadcast_in_dim3A_911, %mul3A_932 : vector<16xf32>
      %get3A_934 = arith.index_cast %add3A_901 : i32 to index
      %get3A_935 = arith.constant 16 : index
      %get3A_936 = tpu.vector_load %arg6[%get3A_934, %get3A_935] {strides = array<i32>} : memref<32x384xf32, #tpu.memory_space<vmem>>, vector<1x16xf32>,
      %get3A_937 = vector.shape_cast %get3A_936 : vector<1x16xf32> to vector<16xf32>
      %bitcast_convert_type3A_938 = tpu.bitcast %get3A_937 : vector<16xf32> -> vector<16xi32>
      %add3A_939 = arith.constant 32768 : i32
      %add3A_940 = vector.broadcast %add3A_939 : i32 to vector<16xi32>
      %add3A_941 = arith.addi %bitcast_convert_type3A_938, %add3A_940 : vector<16xi32>
      %and3A_942 = arith.constant -65536 : i32
      %and3A_943 = vector.broadcast %and3A_942 : i32 to vector<16xi32>
      %and3A_944 = arith.andi %add3A_941, %and3A_943 : vector<16xi32>
      %bitcast_convert_type3A_945 = tpu.bitcast %and3A_944 : vector<16xi32> -> vector<16xf32>
      %mul3A_946 = arith.mulf %bitcast_convert_type3A_945, %bitcast_convert_type3A_210 : vector<16xf32>
      %add3A_947 = arith.addf %broadcast_in_dim3A_905, %mul3A_946 : vector<16xf32>
      %mul3A_948 = arith.mulf %get3A_937, %get3A_937 : vector<16xf32>
      %add3A_949 = arith.addf %broadcast_in_dim3A_913, %mul3A_948 : vector<16xf32>
      %get3A_950 = arith.index_cast %add3A_901 : i32 to index
      %get3A_951 = arith.constant 32 : index
      %get3A_952 = tpu.vector_load %arg6[%get3A_950, %get3A_951] {strides = array<i32>} : memref<32x384xf32, #tpu.memory_space<vmem>>, vector<1x16xf32>,
      %get3A_953 = vector.shape_cast %get3A_952 : vector<1x16xf32> to vector<16xf32>
      %bitcast_convert_type3A_954 = tpu.bitcast %get3A_953 : vector<16xf32> -> vector<16xi32>
      %add3A_955 = arith.constant 32768 : i32
      %add3A_956 = vector.broadcast %add3A_955 : i32 to vector<16xi32>
      %add3A_957 = arith.addi %bitcast_convert_type3A_954, %add3A_956 : vector<16xi32>
      %and3A_958 = arith.constant -65536 : i32
      %and3A_959 = vector.broadcast %and3A_958 : i32 to vector<16xi32>
      %and3A_960 = arith.andi %add3A_957, %and3A_959 : vector<16xi32>
      %bitcast_convert_type3A_961 = tpu.bitcast %and3A_960 : vector<16xi32> -> vector<16xf32>
      %mul3A_962 = arith.mulf %bitcast_convert_type3A_961, %bitcast_convert_type3A_218 : vector<16xf32>
      %add3A_963 = arith.addf %broadcast_in_dim3A_907, %mul3A_962 : vector<16xf32>
      %mul3A_964 = arith.mulf %get3A_953, %get3A_953 : vector<16xf32>
      %add3A_965 = arith.addf %broadcast_in_dim3A_915, %mul3A_964 : vector<16xf32>
      %get3A_966 = arith.index_cast %add3A_901 : i32 to index
      %get3A_967 = arith.constant 48 : index
      %get3A_968 = tpu.vector_load %arg6[%get3A_966, %get3A_967] {strides = array<i32>} : memref<32x384xf32, #tpu.memory_space<vmem>>, vector<1x16xf32>,
      %get3A_969 = vector.shape_cast %get3A_968 : vector<1x16xf32> to vector<16xf32>
      %bitcast_convert_type3A_970 = tpu.bitcast %get3A_969 : vector<16xf32> -> vector<16xi32>
      %add3A_971 = arith.constant 32768 : i32
      %add3A_972 = vector.broadcast %add3A_971 : i32 to vector<16xi32>
      %add3A_973 = arith.addi %bitcast_convert_type3A_970, %add3A_972 : vector<16xi32>
      %and3A_974 = arith.constant -65536 : i32
      %and3A_975 = vector.broadcast %and3A_974 : i32 to vector<16xi32>
      %and3A_976 = arith.andi %add3A_973, %and3A_975 : vector<16xi32>
      %bitcast_convert_type3A_977 = tpu.bitcast %and3A_976 : vector<16xi32> -> vector<16xf32>
      %mul3A_978 = arith.mulf %bitcast_convert_type3A_977, %bitcast_convert_type3A_226 : vector<16xf32>
      %add3A_979 = arith.addf %broadcast_in_dim3A_909, %mul3A_978 : vector<16xf32>
      %mul3A_980 = arith.mulf %get3A_969, %get3A_969 : vector<16xf32>
      %add3A_981 = arith.addf %broadcast_in_dim3A_917, %mul3A_980 : vector<16xf32>
      %get3A_982 = arith.index_cast %add3A_901 : i32 to index
      %get3A_983 = arith.constant 64 : index
      %get3A_984 = tpu.vector_load %arg6[%get3A_982, %get3A_983] {strides = array<i32>} : memref<32x384xf32, #tpu.memory_space<vmem>>, vector<1x16xf32>,
      %get3A_985 = vector.shape_cast %get3A_984 : vector<1x16xf32> to vector<16xf32>
      %bitcast_convert_type3A_986 = tpu.bitcast %get3A_985 : vector<16xf32> -> vector<16xi32>
      %add3A_987 = arith.constant 32768 : i32
      %add3A_988 = vector.broadcast %add3A_987 : i32 to vector<16xi32>
      %add3A_989 = arith.addi %bitcast_convert_type3A_986, %add3A_988 : vector<16xi32>
      %and3A_990 = arith.constant -65536 : i32
      %and3A_991 = vector.broadcast %and3A_990 : i32 to vector<16xi32>
      %and3A_992 = arith.andi %add3A_989, %and3A_991 : vector<16xi32>
      %bitcast_convert_type3A_993 = tpu.bitcast %and3A_992 : vector<16xi32> -> vector<16xf32>
      %mul3A_994 = arith.mulf %bitcast_convert_type3A_993, %bitcast_convert_type3A_234 : vector<16xf32>
      %add3A_995 = arith.addf %add3A_931, %mul3A_994 : vector<16xf32>
      %mul3A_996 = arith.mulf %get3A_985, %get3A_985 : vector<16xf32>
      %add3A_997 = arith.addf %add3A_933, %mul3A_996 : vector<16xf32>
      %get3A_998 = arith.index_cast %add3A_901 : i32 to index
      %get3A_999 = arith.constant 80 : index
      %get3A_1000 = tpu.vector_load %arg6[%get3A_998, %get3A_999] {strides = array<i32>} : memref<32x384xf32, #tpu.memory_space<vmem>>, vector<1x16xf32>,
      %get3A_1001 = vector.shape_cast %get3A_1000 : vector<1x16xf32> to vector<16xf32>
      %bitcast_convert_type3A_1002 = tpu.bitcast %get3A_1001 : vector<16xf32> -> vector<16xi32>
      %add3A_1003 = arith.constant 32768 : i32
      %add3A_1004 = vector.broadcast %add3A_1003 : i32 to vector<16xi32>
      %add3A_1005 = arith.addi %bitcast_convert_type3A_1002, %add3A_1004 : vector<16xi32>
      %and3A_1006 = arith.constant -65536 : i32
      %and3A_1007 = vector.broadcast %and3A_1006 : i32 to vector<16xi32>
      %and3A_1008 = arith.andi %add3A_1005, %and3A_1007 : vector<16xi32>
      %bitcast_convert_type3A_1009 = tpu.bitcast %and3A_1008 : vector<16xi32> -> vector<16xf32>
      %mul3A_1010 = arith.mulf %bitcast_convert_type3A_1009, %bitcast_convert_type3A_242 : vector<16xf32>
      %add3A_1011 = arith.addf %add3A_947, %mul3A_1010 : vector<16xf32>
      %mul3A_1012 = arith.mulf %get3A_1001, %get3A_1001 : vector<16xf32>
      %add3A_1013 = arith.addf %add3A_949, %mul3A_1012 : vector<16xf32>
      %get3A_1014 = arith.index_cast %add3A_901 : i32 to index
      %get3A_1015 = arith.constant 96 : index
      %get3A_1016 = tpu.vector_load %arg6[%get3A_1014, %get3A_1015] {strides = array<i32>} : memref<32x384xf32, #tpu.memory_space<vmem>>, vector<1x16xf32>,
      %get3A_1017 = vector.shape_cast %get3A_1016 : vector<1x16xf32> to vector<16xf32>
      %bitcast_convert_type3A_1018 = tpu.bitcast %get3A_1017 : vector<16xf32> -> vector<16xi32>
      %add3A_1019 = arith.constant 32768 : i32
      %add3A_1020 = vector.broadcast %add3A_1019 : i32 to vector<16xi32>
      %add3A_1021 = arith.addi %bitcast_convert_type3A_1018, %add3A_1020 : vector<16xi32>
      %and3A_1022 = arith.constant -65536 : i32
      %and3A_1023 = vector.broadcast %and3A_1022 : i32 to vector<16xi32>
      %and3A_1024 = arith.andi %add3A_1021, %and3A_1023 : vector<16xi32>
      %bitcast_convert_type3A_1025 = tpu.bitcast %and3A_1024 : vector<16xi32> -> vector<16xf32>
      %mul3A_1026 = arith.mulf %bitcast_convert_type3A_1025, %bitcast_convert_type3A_250 : vector<16xf32>
      %add3A_1027 = arith.addf %add3A_963, %mul3A_1026 : vector<16xf32>
      %mul3A_1028 = arith.mulf %get3A_1017, %get3A_1017 : vector<16xf32>
      %add3A_1029 = arith.addf %add3A_965, %mul3A_1028 : vector<16xf32>
      %get3A_1030 = arith.index_cast %add3A_901 : i32 to index
      %get3A_1031 = arith.constant 112 : index
      %get3A_1032 = tpu.vector_load %arg6[%get3A_1030, %get3A_1031] {strides = array<i32>} : memref<32x384xf32, #tpu.memory_space<vmem>>, vector<1x16xf32>,
      %get3A_1033 = vector.shape_cast %get3A_1032 : vector<1x16xf32> to vector<16xf32>
      %bitcast_convert_type3A_1034 = tpu.bitcast %get3A_1033 : vector<16xf32> -> vector<16xi32>
      %add3A_1035 = arith.constant 32768 : i32
      %add3A_1036 = vector.broadcast %add3A_1035 : i32 to vector<16xi32>
      %add3A_1037 = arith.addi %bitcast_convert_type3A_1034, %add3A_1036 : vector<16xi32>
      %and3A_1038 = arith.constant -65536 : i32
      %and3A_1039 = vector.broadcast %and3A_1038 : i32 to vector<16xi32>
      %and3A_1040 = arith.andi %add3A_1037, %and3A_1039 : vector<16xi32>
      %bitcast_convert_type3A_1041 = tpu.bitcast %and3A_1040 : vector<16xi32> -> vector<16xf32>
      %mul3A_1042 = arith.mulf %bitcast_convert_type3A_1041, %bitcast_convert_type3A_258 : vector<16xf32>
      %add3A_1043 = arith.addf %add3A_979, %mul3A_1042 : vector<16xf32>
      %mul3A_1044 = arith.mulf %get3A_1033, %get3A_1033 : vector<16xf32>
      %add3A_1045 = arith.addf %add3A_981, %mul3A_1044 : vector<16xf32>
      %get3A_1046 = arith.index_cast %add3A_901 : i32 to index
      %get3A_1047 = arith.constant 128 : index
      %get3A_1048 = tpu.vector_load %arg6[%get3A_1046, %get3A_1047] {strides = array<i32>} : memref<32x384xf32, #tpu.memory_space<vmem>>, vector<1x16xf32>,
      %get3A_1049 = vector.shape_cast %get3A_1048 : vector<1x16xf32> to vector<16xf32>
      %bitcast_convert_type3A_1050 = tpu.bitcast %get3A_1049 : vector<16xf32> -> vector<16xi32>
      %add3A_1051 = arith.constant 32768 : i32
      %add3A_1052 = vector.broadcast %add3A_1051 : i32 to vector<16xi32>
      %add3A_1053 = arith.addi %bitcast_convert_type3A_1050, %add3A_1052 : vector<16xi32>
      %and3A_1054 = arith.constant -65536 : i32
      %and3A_1055 = vector.broadcast %and3A_1054 : i32 to vector<16xi32>
      %and3A_1056 = arith.andi %add3A_1053, %and3A_1055 : vector<16xi32>
      %bitcast_convert_type3A_1057 = tpu.bitcast %and3A_1056 : vector<16xi32> -> vector<16xf32>
      %mul3A_1058 = arith.mulf %bitcast_convert_type3A_1057, %bitcast_convert_type3A_266 : vector<16xf32>
      %add3A_1059 = arith.addf %add3A_995, %mul3A_1058 : vector<16xf32>
      %mul3A_1060 = arith.mulf %get3A_1049, %get3A_1049 : vector<16xf32>
      %add3A_1061 = arith.addf %add3A_997, %mul3A_1060 : vector<16xf32>
      %get3A_1062 = arith.index_cast %add3A_901 : i32 to index
      %get3A_1063 = arith.constant 144 : index
      %get3A_1064 = tpu.vector_load %arg6[%get3A_1062, %get3A_1063] {strides = array<i32>} : memref<32x384xf32, #tpu.memory_space<vmem>>, vector<1x16xf32>,
      %get3A_1065 = vector.shape_cast %get3A_1064 : vector<1x16xf32> to vector<16xf32>
      %bitcast_convert_type3A_1066 = tpu.bitcast %get3A_1065 : vector<16xf32> -> vector<16xi32>
      %add3A_1067 = arith.constant 32768 : i32
      %add3A_1068 = vector.broadcast %add3A_1067 : i32 to vector<16xi32>
      %add3A_1069 = arith.addi %bitcast_convert_type3A_1066, %add3A_1068 : vector<16xi32>
      %and3A_1070 = arith.constant -65536 : i32
      %and3A_1071 = vector.broadcast %and3A_1070 : i32 to vector<16xi32>
      %and3A_1072 = arith.andi %add3A_1069, %and3A_1071 : vector<16xi32>
      %bitcast_convert_type3A_1073 = tpu.bitcast %and3A_1072 : vector<16xi32> -> vector<16xf32>
      %mul3A_1074 = arith.mulf %bitcast_convert_type3A_1073, %bitcast_convert_type3A_274 : vector<16xf32>
      %add3A_1075 = arith.addf %add3A_1011, %mul3A_1074 : vector<16xf32>
      %mul3A_1076 = arith.mulf %get3A_1065, %get3A_1065 : vector<16xf32>
      %add3A_1077 = arith.addf %add3A_1013, %mul3A_1076 : vector<16xf32>
      %get3A_1078 = arith.index_cast %add3A_901 : i32 to index
      %get3A_1079 = arith.constant 160 : index
      %get3A_1080 = tpu.vector_load %arg6[%get3A_1078, %get3A_1079] {strides = array<i32>} : memref<32x384xf32, #tpu.memory_space<vmem>>, vector<1x16xf32>,
      %get3A_1081 = vector.shape_cast %get3A_1080 : vector<1x16xf32> to vector<16xf32>
      %bitcast_convert_type3A_1082 = tpu.bitcast %get3A_1081 : vector<16xf32> -> vector<16xi32>
      %add3A_1083 = arith.constant 32768 : i32
      %add3A_1084 = vector.broadcast %add3A_1083 : i32 to vector<16xi32>
      %add3A_1085 = arith.addi %bitcast_convert_type3A_1082, %add3A_1084 : vector<16xi32>
      %and3A_1086 = arith.constant -65536 : i32
      %and3A_1087 = vector.broadcast %and3A_1086 : i32 to vector<16xi32>
      %and3A_1088 = arith.andi %add3A_1085, %and3A_1087 : vector<16xi32>
      %bitcast_convert_type3A_1089 = tpu.bitcast %and3A_1088 : vector<16xi32> -> vector<16xf32>
      %mul3A_1090 = arith.mulf %bitcast_convert_type3A_1089, %bitcast_convert_type3A_282 : vector<16xf32>
      %add3A_1091 = arith.addf %add3A_1027, %mul3A_1090 : vector<16xf32>
      %mul3A_1092 = arith.mulf %get3A_1081, %get3A_1081 : vector<16xf32>
      %add3A_1093 = arith.addf %add3A_1029, %mul3A_1092 : vector<16xf32>
      %get3A_1094 = arith.index_cast %add3A_901 : i32 to index
      %get3A_1095 = arith.constant 176 : index
      %get3A_1096 = tpu.vector_load %arg6[%get3A_1094, %get3A_1095] {strides = array<i32>} : memref<32x384xf32, #tpu.memory_space<vmem>>, vector<1x16xf32>,
      %get3A_1097 = vector.shape_cast %get3A_1096 : vector<1x16xf32> to vector<16xf32>
      %bitcast_convert_type3A_1098 = tpu.bitcast %get3A_1097 : vector<16xf32> -> vector<16xi32>
      %add3A_1099 = arith.constant 32768 : i32
      %add3A_1100 = vector.broadcast %add3A_1099 : i32 to vector<16xi32>
      %add3A_1101 = arith.addi %bitcast_convert_type3A_1098, %add3A_1100 : vector<16xi32>
      %and3A_1102 = arith.constant -65536 : i32
      %and3A_1103 = vector.broadcast %and3A_1102 : i32 to vector<16xi32>
      %and3A_1104 = arith.andi %add3A_1101, %and3A_1103 : vector<16xi32>
      %bitcast_convert_type3A_1105 = tpu.bitcast %and3A_1104 : vector<16xi32> -> vector<16xf32>
      %mul3A_1106 = arith.mulf %bitcast_convert_type3A_1105, %bitcast_convert_type3A_290 : vector<16xf32>
      %add3A_1107 = arith.addf %add3A_1043, %mul3A_1106 : vector<16xf32>
      %mul3A_1108 = arith.mulf %get3A_1097, %get3A_1097 : vector<16xf32>
      %add3A_1109 = arith.addf %add3A_1045, %mul3A_1108 : vector<16xf32>
      %get3A_1110 = arith.index_cast %add3A_901 : i32 to index
      %get3A_1111 = arith.constant 192 : index
      %get3A_1112 = tpu.vector_load %arg6[%get3A_1110, %get3A_1111] {strides = array<i32>} : memref<32x384xf32, #tpu.memory_space<vmem>>, vector<1x16xf32>,
      %get3A_1113 = vector.shape_cast %get3A_1112 : vector<1x16xf32> to vector<16xf32>
      %bitcast_convert_type3A_1114 = tpu.bitcast %get3A_1113 : vector<16xf32> -> vector<16xi32>
      %add3A_1115 = arith.constant 32768 : i32
      %add3A_1116 = vector.broadcast %add3A_1115 : i32 to vector<16xi32>
      %add3A_1117 = arith.addi %bitcast_convert_type3A_1114, %add3A_1116 : vector<16xi32>
      %and3A_1118 = arith.constant -65536 : i32
      %and3A_1119 = vector.broadcast %and3A_1118 : i32 to vector<16xi32>
      %and3A_1120 = arith.andi %add3A_1117, %and3A_1119 : vector<16xi32>
      %bitcast_convert_type3A_1121 = tpu.bitcast %and3A_1120 : vector<16xi32> -> vector<16xf32>
      %mul3A_1122 = arith.mulf %bitcast_convert_type3A_1121, %bitcast_convert_type3A_298 : vector<16xf32>
      %add3A_1123 = arith.addf %add3A_1059, %mul3A_1122 : vector<16xf32>
      %mul3A_1124 = arith.mulf %get3A_1113, %get3A_1113 : vector<16xf32>
      %add3A_1125 = arith.addf %add3A_1061, %mul3A_1124 : vector<16xf32>
      %get3A_1126 = arith.index_cast %add3A_901 : i32 to index
      %get3A_1127 = arith.constant 208 : index
      %get3A_1128 = tpu.vector_load %arg6[%get3A_1126, %get3A_1127] {strides = array<i32>} : memref<32x384xf32, #tpu.memory_space<vmem>>, vector<1x16xf32>,
      %get3A_1129 = vector.shape_cast %get3A_1128 : vector<1x16xf32> to vector<16xf32>
      %bitcast_convert_type3A_1130 = tpu.bitcast %get3A_1129 : vector<16xf32> -> vector<16xi32>
      %add3A_1131 = arith.constant 32768 : i32
      %add3A_1132 = vector.broadcast %add3A_1131 : i32 to vector<16xi32>
      %add3A_1133 = arith.addi %bitcast_convert_type3A_1130, %add3A_1132 : vector<16xi32>
      %and3A_1134 = arith.constant -65536 : i32
      %and3A_1135 = vector.broadcast %and3A_1134 : i32 to vector<16xi32>
      %and3A_1136 = arith.andi %add3A_1133, %and3A_1135 : vector<16xi32>
      %bitcast_convert_type3A_1137 = tpu.bitcast %and3A_1136 : vector<16xi32> -> vector<16xf32>
      %mul3A_1138 = arith.mulf %bitcast_convert_type3A_1137, %bitcast_convert_type3A_306 : vector<16xf32>
      %add3A_1139 = arith.addf %add3A_1075, %mul3A_1138 : vector<16xf32>
      %mul3A_1140 = arith.mulf %get3A_1129, %get3A_1129 : vector<16xf32>
      %add3A_1141 = arith.addf %add3A_1077, %mul3A_1140 : vector<16xf32>
      %get3A_1142 = arith.index_cast %add3A_901 : i32 to index
      %get3A_1143 = arith.constant 224 : index
      %get3A_1144 = tpu.vector_load %arg6[%get3A_1142, %get3A_1143] {strides = array<i32>} : memref<32x384xf32, #tpu.memory_space<vmem>>, vector<1x16xf32>,
      %get3A_1145 = vector.shape_cast %get3A_1144 : vector<1x16xf32> to vector<16xf32>
      %bitcast_convert_type3A_1146 = tpu.bitcast %get3A_1145 : vector<16xf32> -> vector<16xi32>
      %add3A_1147 = arith.constant 32768 : i32
      %add3A_1148 = vector.broadcast %add3A_1147 : i32 to vector<16xi32>
      %add3A_1149 = arith.addi %bitcast_convert_type3A_1146, %add3A_1148 : vector<16xi32>
      %and3A_1150 = arith.constant -65536 : i32
      %and3A_1151 = vector.broadcast %and3A_1150 : i32 to vector<16xi32>
      %and3A_1152 = arith.andi %add3A_1149, %and3A_1151 : vector<16xi32>
      %bitcast_convert_type3A_1153 = tpu.bitcast %and3A_1152 : vector<16xi32> -> vector<16xf32>
      %mul3A_1154 = arith.mulf %bitcast_convert_type3A_1153, %bitcast_convert_type3A_314 : vector<16xf32>
      %add3A_1155 = arith.addf %add3A_1091, %mul3A_1154 : vector<16xf32>
      %mul3A_1156 = arith.mulf %get3A_1145, %get3A_1145 : vector<16xf32>
      %add3A_1157 = arith.addf %add3A_1093, %mul3A_1156 : vector<16xf32>
      %get3A_1158 = arith.index_cast %add3A_901 : i32 to index
      %get3A_1159 = arith.constant 240 : index
      %get3A_1160 = tpu.vector_load %arg6[%get3A_1158, %get3A_1159] {strides = array<i32>} : memref<32x384xf32, #tpu.memory_space<vmem>>, vector<1x16xf32>,
      %get3A_1161 = vector.shape_cast %get3A_1160 : vector<1x16xf32> to vector<16xf32>
      %bitcast_convert_type3A_1162 = tpu.bitcast %get3A_1161 : vector<16xf32> -> vector<16xi32>
      %add3A_1163 = arith.constant 32768 : i32
      %add3A_1164 = vector.broadcast %add3A_1163 : i32 to vector<16xi32>
      %add3A_1165 = arith.addi %bitcast_convert_type3A_1162, %add3A_1164 : vector<16xi32>
      %and3A_1166 = arith.constant -65536 : i32
      %and3A_1167 = vector.broadcast %and3A_1166 : i32 to vector<16xi32>
      %and3A_1168 = arith.andi %add3A_1165, %and3A_1167 : vector<16xi32>
      %bitcast_convert_type3A_1169 = tpu.bitcast %and3A_1168 : vector<16xi32> -> vector<16xf32>
      %mul3A_1170 = arith.mulf %bitcast_convert_type3A_1169, %bitcast_convert_type3A_322 : vector<16xf32>
      %add3A_1171 = arith.addf %add3A_1107, %mul3A_1170 : vector<16xf32>
      %mul3A_1172 = arith.mulf %get3A_1161, %get3A_1161 : vector<16xf32>
      %add3A_1173 = arith.addf %add3A_1109, %mul3A_1172 : vector<16xf32>
      %get3A_1174 = arith.index_cast %add3A_901 : i32 to index
      %get3A_1175 = arith.constant 256 : index
      %get3A_1176 = tpu.vector_load %arg6[%get3A_1174, %get3A_1175] {strides = array<i32>} : memref<32x384xf32, #tpu.memory_space<vmem>>, vector<1x16xf32>,
      %get3A_1177 = vector.shape_cast %get3A_1176 : vector<1x16xf32> to vector<16xf32>
      %bitcast_convert_type3A_1178 = tpu.bitcast %get3A_1177 : vector<16xf32> -> vector<16xi32>
      %add3A_1179 = arith.constant 32768 : i32
      %add3A_1180 = vector.broadcast %add3A_1179 : i32 to vector<16xi32>
      %add3A_1181 = arith.addi %bitcast_convert_type3A_1178, %add3A_1180 : vector<16xi32>
      %and3A_1182 = arith.constant -65536 : i32
      %and3A_1183 = vector.broadcast %and3A_1182 : i32 to vector<16xi32>
      %and3A_1184 = arith.andi %add3A_1181, %and3A_1183 : vector<16xi32>
      %bitcast_convert_type3A_1185 = tpu.bitcast %and3A_1184 : vector<16xi32> -> vector<16xf32>
      %mul3A_1186 = arith.mulf %bitcast_convert_type3A_1185, %bitcast_convert_type3A_330 : vector<16xf32>
      %add3A_1187 = arith.addf %add3A_1123, %mul3A_1186 : vector<16xf32>
      %mul3A_1188 = arith.mulf %get3A_1177, %get3A_1177 : vector<16xf32>
      %add3A_1189 = arith.addf %add3A_1125, %mul3A_1188 : vector<16xf32>
      %get3A_1190 = arith.index_cast %add3A_901 : i32 to index
      %get3A_1191 = arith.constant 272 : index
      %get3A_1192 = tpu.vector_load %arg6[%get3A_1190, %get3A_1191] {strides = array<i32>} : memref<32x384xf32, #tpu.memory_space<vmem>>, vector<1x16xf32>,
      %get3A_1193 = vector.shape_cast %get3A_1192 : vector<1x16xf32> to vector<16xf32>
      %bitcast_convert_type3A_1194 = tpu.bitcast %get3A_1193 : vector<16xf32> -> vector<16xi32>
      %add3A_1195 = arith.constant 32768 : i32
      %add3A_1196 = vector.broadcast %add3A_1195 : i32 to vector<16xi32>
      %add3A_1197 = arith.addi %bitcast_convert_type3A_1194, %add3A_1196 : vector<16xi32>
      %and3A_1198 = arith.constant -65536 : i32
      %and3A_1199 = vector.broadcast %and3A_1198 : i32 to vector<16xi32>
      %and3A_1200 = arith.andi %add3A_1197, %and3A_1199 : vector<16xi32>
      %bitcast_convert_type3A_1201 = tpu.bitcast %and3A_1200 : vector<16xi32> -> vector<16xf32>
      %mul3A_1202 = arith.mulf %bitcast_convert_type3A_1201, %bitcast_convert_type3A_338 : vector<16xf32>
      %add3A_1203 = arith.addf %add3A_1139, %mul3A_1202 : vector<16xf32>
      %mul3A_1204 = arith.mulf %get3A_1193, %get3A_1193 : vector<16xf32>
      %add3A_1205 = arith.addf %add3A_1141, %mul3A_1204 : vector<16xf32>
      %get3A_1206 = arith.index_cast %add3A_901 : i32 to index
      %get3A_1207 = arith.constant 288 : index
      %get3A_1208 = tpu.vector_load %arg6[%get3A_1206, %get3A_1207] {strides = array<i32>} : memref<32x384xf32, #tpu.memory_space<vmem>>, vector<1x16xf32>,
      %get3A_1209 = vector.shape_cast %get3A_1208 : vector<1x16xf32> to vector<16xf32>
      %bitcast_convert_type3A_1210 = tpu.bitcast %get3A_1209 : vector<16xf32> -> vector<16xi32>
      %add3A_1211 = arith.constant 32768 : i32
      %add3A_1212 = vector.broadcast %add3A_1211 : i32 to vector<16xi32>
      %add3A_1213 = arith.addi %bitcast_convert_type3A_1210, %add3A_1212 : vector<16xi32>
      %and3A_1214 = arith.constant -65536 : i32
      %and3A_1215 = vector.broadcast %and3A_1214 : i32 to vector<16xi32>
      %and3A_1216 = arith.andi %add3A_1213, %and3A_1215 : vector<16xi32>
      %bitcast_convert_type3A_1217 = tpu.bitcast %and3A_1216 : vector<16xi32> -> vector<16xf32>
      %mul3A_1218 = arith.mulf %bitcast_convert_type3A_1217, %bitcast_convert_type3A_346 : vector<16xf32>
      %add3A_1219 = arith.addf %add3A_1155, %mul3A_1218 : vector<16xf32>
      %mul3A_1220 = arith.mulf %get3A_1209, %get3A_1209 : vector<16xf32>
      %add3A_1221 = arith.addf %add3A_1157, %mul3A_1220 : vector<16xf32>
      %get3A_1222 = arith.index_cast %add3A_901 : i32 to index
      %get3A_1223 = arith.constant 304 : index
      %get3A_1224 = tpu.vector_load %arg6[%get3A_1222, %get3A_1223] {strides = array<i32>} : memref<32x384xf32, #tpu.memory_space<vmem>>, vector<1x16xf32>,
      %get3A_1225 = vector.shape_cast %get3A_1224 : vector<1x16xf32> to vector<16xf32>
      %bitcast_convert_type3A_1226 = tpu.bitcast %get3A_1225 : vector<16xf32> -> vector<16xi32>
      %add3A_1227 = arith.constant 32768 : i32
      %add3A_1228 = vector.broadcast %add3A_1227 : i32 to vector<16xi32>
      %add3A_1229 = arith.addi %bitcast_convert_type3A_1226, %add3A_1228 : vector<16xi32>
      %and3A_1230 = arith.constant -65536 : i32
      %and3A_1231 = vector.broadcast %and3A_1230 : i32 to vector<16xi32>
      %and3A_1232 = arith.andi %add3A_1229, %and3A_1231 : vector<16xi32>
      %bitcast_convert_type3A_1233 = tpu.bitcast %and3A_1232 : vector<16xi32> -> vector<16xf32>
      %mul3A_1234 = arith.mulf %bitcast_convert_type3A_1233, %bitcast_convert_type3A_354 : vector<16xf32>
      %add3A_1235 = arith.addf %add3A_1171, %mul3A_1234 : vector<16xf32>
      %mul3A_1236 = arith.mulf %get3A_1225, %get3A_1225 : vector<16xf32>
      %add3A_1237 = arith.addf %add3A_1173, %mul3A_1236 : vector<16xf32>
      %get3A_1238 = arith.index_cast %add3A_901 : i32 to index
      %get3A_1239 = arith.constant 320 : index
      %get3A_1240 = tpu.vector_load %arg6[%get3A_1238, %get3A_1239] {strides = array<i32>} : memref<32x384xf32, #tpu.memory_space<vmem>>, vector<1x16xf32>,
      %get3A_1241 = vector.shape_cast %get3A_1240 : vector<1x16xf32> to vector<16xf32>
      %bitcast_convert_type3A_1242 = tpu.bitcast %get3A_1241 : vector<16xf32> -> vector<16xi32>
      %add3A_1243 = arith.constant 32768 : i32
      %add3A_1244 = vector.broadcast %add3A_1243 : i32 to vector<16xi32>
      %add3A_1245 = arith.addi %bitcast_convert_type3A_1242, %add3A_1244 : vector<16xi32>
      %and3A_1246 = arith.constant -65536 : i32
      %and3A_1247 = vector.broadcast %and3A_1246 : i32 to vector<16xi32>
      %and3A_1248 = arith.andi %add3A_1245, %and3A_1247 : vector<16xi32>
      %bitcast_convert_type3A_1249 = tpu.bitcast %and3A_1248 : vector<16xi32> -> vector<16xf32>
      %mul3A_1250 = arith.mulf %bitcast_convert_type3A_1249, %bitcast_convert_type3A_362 : vector<16xf32>
      %add3A_1251 = arith.addf %add3A_1187, %mul3A_1250 : vector<16xf32>
      %mul3A_1252 = arith.mulf %get3A_1241, %get3A_1241 : vector<16xf32>
      %add3A_1253 = arith.addf %add3A_1189, %mul3A_1252 : vector<16xf32>
      %get3A_1254 = arith.index_cast %add3A_901 : i32 to index
      %get3A_1255 = arith.constant 336 : index
      %get3A_1256 = tpu.vector_load %arg6[%get3A_1254, %get3A_1255] {strides = array<i32>} : memref<32x384xf32, #tpu.memory_space<vmem>>, vector<1x16xf32>,
      %get3A_1257 = vector.shape_cast %get3A_1256 : vector<1x16xf32> to vector<16xf32>
      %bitcast_convert_type3A_1258 = tpu.bitcast %get3A_1257 : vector<16xf32> -> vector<16xi32>
      %add3A_1259 = arith.constant 32768 : i32
      %add3A_1260 = vector.broadcast %add3A_1259 : i32 to vector<16xi32>
      %add3A_1261 = arith.addi %bitcast_convert_type3A_1258, %add3A_1260 : vector<16xi32>
      %and3A_1262 = arith.constant -65536 : i32
      %and3A_1263 = vector.broadcast %and3A_1262 : i32 to vector<16xi32>
      %and3A_1264 = arith.andi %add3A_1261, %and3A_1263 : vector<16xi32>
      %bitcast_convert_type3A_1265 = tpu.bitcast %and3A_1264 : vector<16xi32> -> vector<16xf32>
      %mul3A_1266 = arith.mulf %bitcast_convert_type3A_1265, %bitcast_convert_type3A_370 : vector<16xf32>
      %add3A_1267 = arith.addf %add3A_1203, %mul3A_1266 : vector<16xf32>
      %mul3A_1268 = arith.mulf %get3A_1257, %get3A_1257 : vector<16xf32>
      %add3A_1269 = arith.addf %add3A_1205, %mul3A_1268 : vector<16xf32>
      %get3A_1270 = arith.index_cast %add3A_901 : i32 to index
      %get3A_1271 = arith.constant 352 : index
      %get3A_1272 = tpu.vector_load %arg6[%get3A_1270, %get3A_1271] {strides = array<i32>} : memref<32x384xf32, #tpu.memory_space<vmem>>, vector<1x16xf32>,
      %get3A_1273 = vector.shape_cast %get3A_1272 : vector<1x16xf32> to vector<16xf32>
      %bitcast_convert_type3A_1274 = tpu.bitcast %get3A_1273 : vector<16xf32> -> vector<16xi32>
      %add3A_1275 = arith.constant 32768 : i32
      %add3A_1276 = vector.broadcast %add3A_1275 : i32 to vector<16xi32>
      %add3A_1277 = arith.addi %bitcast_convert_type3A_1274, %add3A_1276 : vector<16xi32>
      %and3A_1278 = arith.constant -65536 : i32
      %and3A_1279 = vector.broadcast %and3A_1278 : i32 to vector<16xi32>
      %and3A_1280 = arith.andi %add3A_1277, %and3A_1279 : vector<16xi32>
      %bitcast_convert_type3A_1281 = tpu.bitcast %and3A_1280 : vector<16xi32> -> vector<16xf32>
      %mul3A_1282 = arith.mulf %bitcast_convert_type3A_1281, %bitcast_convert_type3A_378 : vector<16xf32>
      %add3A_1283 = arith.addf %add3A_1219, %mul3A_1282 : vector<16xf32>
      %mul3A_1284 = arith.mulf %get3A_1273, %get3A_1273 : vector<16xf32>
      %add3A_1285 = arith.addf %add3A_1221, %mul3A_1284 : vector<16xf32>
      %get3A_1286 = arith.index_cast %add3A_901 : i32 to index
      %get3A_1287 = arith.constant 368 : index
      %get3A_1288 = tpu.vector_load %arg6[%get3A_1286, %get3A_1287] {strides = array<i32>} : memref<32x384xf32, #tpu.memory_space<vmem>>, vector<1x16xf32>,
      %get3A_1289 = vector.shape_cast %get3A_1288 : vector<1x16xf32> to vector<16xf32>
      %bitcast_convert_type3A_1290 = tpu.bitcast %get3A_1289 : vector<16xf32> -> vector<16xi32>
      %add3A_1291 = arith.constant 32768 : i32
      %add3A_1292 = vector.broadcast %add3A_1291 : i32 to vector<16xi32>
      %add3A_1293 = arith.addi %bitcast_convert_type3A_1290, %add3A_1292 : vector<16xi32>
      %and3A_1294 = arith.constant -65536 : i32
      %and3A_1295 = vector.broadcast %and3A_1294 : i32 to vector<16xi32>
      %and3A_1296 = arith.andi %add3A_1293, %and3A_1295 : vector<16xi32>
      %bitcast_convert_type3A_1297 = tpu.bitcast %and3A_1296 : vector<16xi32> -> vector<16xf32>
      %mul3A_1298 = arith.mulf %bitcast_convert_type3A_1297, %bitcast_convert_type3A_386 : vector<16xf32>
      %add3A_1299 = arith.addf %add3A_1235, %mul3A_1298 : vector<16xf32>
      %mul3A_1300 = arith.mulf %get3A_1289, %get3A_1289 : vector<16xf32>
      %add3A_1301 = arith.addf %add3A_1237, %mul3A_1300 : vector<16xf32>
      %add3A_1302 = arith.addf %add3A_1251, %add3A_1267 : vector<16xf32>
      %add3A_1303 = arith.addf %add3A_1283, %add3A_1299 : vector<16xf32>
      %add3A_1304 = arith.addf %add3A_1302, %add3A_1303 : vector<16xf32>
      %xor3A_1305 = arith.constant 1 : i32
      %xor3A_1306 = vector.broadcast %xor3A_1305 : i32 to vector<16xi32>
      %xor3A_1307 = arith.xori %iota3A, %xor3A_1306 : vector<16xi32>
      %broadcast_in_dim3A_1308 = vector.shape_cast %xor3A_1307 : vector<16xi32> to vector<16x1xi32>
      %gather3A_1309 = vector.shape_cast %broadcast_in_dim3A_1308 : vector<16x1xi32> to vector<16xi32>
      %gather3A_1310 = tpu.dynamic_gather %add3A_1304[%gather3A_1309] in [0] : vector<16xf32>, vector<16xi32> -> vector<16xf32>
      %add3A_1311 = arith.addf %add3A_1304, %gather3A_1310 : vector<16xf32>
      %xor3A_1312 = arith.constant 2 : i32
      %xor3A_1313 = vector.broadcast %xor3A_1312 : i32 to vector<16xi32>
      %xor3A_1314 = arith.xori %iota3A, %xor3A_1313 : vector<16xi32>
      %broadcast_in_dim3A_1315 = vector.shape_cast %xor3A_1314 : vector<16xi32> to vector<16x1xi32>
      %gather3A_1316 = vector.shape_cast %broadcast_in_dim3A_1315 : vector<16x1xi32> to vector<16xi32>
      %gather3A_1317 = tpu.dynamic_gather %add3A_1311[%gather3A_1316] in [0] : vector<16xf32>, vector<16xi32> -> vector<16xf32>
      %add3A_1318 = arith.addf %add3A_1311, %gather3A_1317 : vector<16xf32>
      %xor3A_1319 = arith.constant 4 : i32
      %xor3A_1320 = vector.broadcast %xor3A_1319 : i32 to vector<16xi32>
      %xor3A_1321 = arith.xori %iota3A, %xor3A_1320 : vector<16xi32>
      %broadcast_in_dim3A_1322 = vector.shape_cast %xor3A_1321 : vector<16xi32> to vector<16x1xi32>
      %gather3A_1323 = vector.shape_cast %broadcast_in_dim3A_1322 : vector<16x1xi32> to vector<16xi32>
      %gather3A_1324 = tpu.dynamic_gather %add3A_1318[%gather3A_1323] in [0] : vector<16xf32>, vector<16xi32> -> vector<16xf32>
      %add3A_1325 = arith.addf %add3A_1318, %gather3A_1324 : vector<16xf32>
      %xor3A_1326 = arith.constant 8 : i32
      %xor3A_1327 = vector.broadcast %xor3A_1326 : i32 to vector<16xi32>
      %xor3A_1328 = arith.xori %iota3A, %xor3A_1327 : vector<16xi32>
      %broadcast_in_dim3A_1329 = vector.shape_cast %xor3A_1328 : vector<16xi32> to vector<16x1xi32>
      %gather3A_1330 = vector.shape_cast %broadcast_in_dim3A_1329 : vector<16x1xi32> to vector<16xi32>
      %gather3A_1331 = tpu.dynamic_gather %add3A_1325[%gather3A_1330] in [0] : vector<16xf32>, vector<16xi32> -> vector<16xf32>
      %add3A_1332 = arith.addf %add3A_1325, %gather3A_1331 : vector<16xf32>
      %add3A_1333 = arith.addf %add3A_1253, %add3A_1269 : vector<16xf32>
      %add3A_1334 = arith.addf %add3A_1285, %add3A_1301 : vector<16xf32>
      %add3A_1335 = arith.addf %add3A_1333, %add3A_1334 : vector<16xf32>
      %xor3A_1336 = arith.constant 1 : i32
      %xor3A_1337 = vector.broadcast %xor3A_1336 : i32 to vector<16xi32>
      %xor3A_1338 = arith.xori %iota3A, %xor3A_1337 : vector<16xi32>
      %broadcast_in_dim3A_1339 = vector.shape_cast %xor3A_1338 : vector<16xi32> to vector<16x1xi32>
      %gather3A_1340 = vector.shape_cast %broadcast_in_dim3A_1339 : vector<16x1xi32> to vector<16xi32>
      %gather3A_1341 = tpu.dynamic_gather %add3A_1335[%gather3A_1340] in [0] : vector<16xf32>, vector<16xi32> -> vector<16xf32>
      %add3A_1342 = arith.addf %add3A_1335, %gather3A_1341 : vector<16xf32>
      %xor3A_1343 = arith.constant 2 : i32
      %xor3A_1344 = vector.broadcast %xor3A_1343 : i32 to vector<16xi32>
      %xor3A_1345 = arith.xori %iota3A, %xor3A_1344 : vector<16xi32>
      %broadcast_in_dim3A_1346 = vector.shape_cast %xor3A_1345 : vector<16xi32> to vector<16x1xi32>
      %gather3A_1347 = vector.shape_cast %broadcast_in_dim3A_1346 : vector<16x1xi32> to vector<16xi32>
      %gather3A_1348 = tpu.dynamic_gather %add3A_1342[%gather3A_1347] in [0] : vector<16xf32>, vector<16xi32> -> vector<16xf32>
      %add3A_1349 = arith.addf %add3A_1342, %gather3A_1348 : vector<16xf32>
      %xor3A_1350 = arith.constant 4 : i32
      %xor3A_1351 = vector.broadcast %xor3A_1350 : i32 to vector<16xi32>
      %xor3A_1352 = arith.xori %iota3A, %xor3A_1351 : vector<16xi32>
      %broadcast_in_dim3A_1353 = vector.shape_cast %xor3A_1352 : vector<16xi32> to vector<16x1xi32>
      %gather3A_1354 = vector.shape_cast %broadcast_in_dim3A_1353 : vector<16x1xi32> to vector<16xi32>
      %gather3A_1355 = tpu.dynamic_gather %add3A_1349[%gather3A_1354] in [0] : vector<16xf32>, vector<16xi32> -> vector<16xf32>
      %add3A_1356 = arith.addf %add3A_1349, %gather3A_1355 : vector<16xf32>
      %xor3A_1357 = arith.constant 8 : i32
      %xor3A_1358 = vector.broadcast %xor3A_1357 : i32 to vector<16xi32>
      %xor3A_1359 = arith.xori %iota3A, %xor3A_1358 : vector<16xi32>
      %broadcast_in_dim3A_1360 = vector.shape_cast %xor3A_1359 : vector<16xi32> to vector<16x1xi32>
      %gather3A_1361 = vector.shape_cast %broadcast_in_dim3A_1360 : vector<16x1xi32> to vector<16xi32>
      %gather3A_1362 = tpu.dynamic_gather %add3A_1356[%gather3A_1361] in [0] : vector<16xf32>, vector<16xi32> -> vector<16xf32>
      %add3A_1363 = arith.addf %add3A_1356, %gather3A_1362 : vector<16xf32>
      %lt3A_1364 = arith.constant 1.000000e-16 : f32
      %lt3A_1365 = vector.broadcast %lt3A_1364 : f32 to vector<16xf32>
      %lt3A_1366 = arith.cmpf olt, %add3A_899, %lt3A_1365 : vector<16xf32>
      %bitcast_convert_type3A_1367 = tpu.bitcast %add3A_899 : vector<16xf32> -> vector<16xi32>
      %shift_right_arithmetic3A_1368 = arith.constant 1 : i32
      %shift_right_arithmetic3A_1369 = vector.broadcast %shift_right_arithmetic3A_1368 : i32 to vector<16xi32>
      %shift_right_arithmetic3A_1370 = arith.shrsi %bitcast_convert_type3A_1367, %shift_right_arithmetic3A_1369 : vector<16xi32>
      %sub3A_1371 = arith.constant 1597463007 : i32
      %sub3A_1372 = vector.broadcast %sub3A_1371 : i32 to vector<16xi32>
      %sub3A_1373 = arith.subi %sub3A_1372, %shift_right_arithmetic3A_1370 : vector<16xi32>
      %bitcast_convert_type3A_1374 = tpu.bitcast %sub3A_1373 : vector<16xi32> -> vector<16xf32>
      %mul3A_1375 = arith.constant 5.000000e-01 : f32
      %mul3A_1376 = vector.broadcast %mul3A_1375 : f32 to vector<16xf32>
      %mul3A_1377 = arith.mulf %mul3A_1376, %add3A_899 : vector<16xf32>
      %mul3A_1378 = arith.mulf %mul3A_1377, %bitcast_convert_type3A_1374 : vector<16xf32>
      %mul3A_1379 = arith.mulf %mul3A_1378, %bitcast_convert_type3A_1374 : vector<16xf32>
      %sub3A_1380 = arith.constant 1.500000e+00 : f32
      %sub3A_1381 = vector.broadcast %sub3A_1380 : f32 to vector<16xf32>
      %sub3A_1382 = arith.subf %sub3A_1381, %mul3A_1379 : vector<16xf32>
      %mul3A_1383 = arith.mulf %bitcast_convert_type3A_1374, %sub3A_1382 : vector<16xf32>
      %mul3A_1384 = arith.constant 5.000000e-01 : f32
      %mul3A_1385 = vector.broadcast %mul3A_1384 : f32 to vector<16xf32>
      %mul3A_1386 = arith.mulf %mul3A_1385, %add3A_899 : vector<16xf32>
      %mul3A_1387 = arith.mulf %mul3A_1386, %mul3A_1383 : vector<16xf32>
      %mul3A_1388 = arith.mulf %mul3A_1387, %mul3A_1383 : vector<16xf32>
      %sub3A_1389 = arith.constant 1.500000e+00 : f32
      %sub3A_1390 = vector.broadcast %sub3A_1389 : f32 to vector<16xf32>
      %sub3A_1391 = arith.subf %sub3A_1390, %mul3A_1388 : vector<16xf32>
      %mul3A_1392 = arith.mulf %mul3A_1383, %sub3A_1391 : vector<16xf32>
      %mul3A_1393 = arith.constant 5.000000e-01 : f32
      %mul3A_1394 = vector.broadcast %mul3A_1393 : f32 to vector<16xf32>
      %mul3A_1395 = arith.mulf %mul3A_1394, %add3A_899 : vector<16xf32>
      %mul3A_1396 = arith.mulf %mul3A_1395, %mul3A_1392 : vector<16xf32>
      %mul3A_1397 = arith.mulf %mul3A_1396, %mul3A_1392 : vector<16xf32>
      %sub3A_1398 = arith.constant 1.500000e+00 : f32
      %sub3A_1399 = vector.broadcast %sub3A_1398 : f32 to vector<16xf32>
      %sub3A_1400 = arith.subf %sub3A_1399, %mul3A_1397 : vector<16xf32>
      %mul3A_1401 = arith.mulf %mul3A_1392, %sub3A_1400 : vector<16xf32>
      %jit3A_1402 = arith.constant 1.000000e+08 : f32
      %broadcast_in_dim3A_1403 = vector.broadcast %jit3A_1402 : f32 to vector<16xf32>
      %select_n3A_1404 = arith.select %lt3A_1366, %broadcast_in_dim3A_1403, %mul3A_1401 : vector<16xi1>, vector<16xf32>
      %mul3A_1405 = arith.mulf %add3A_868, %select_n3A_1404 : vector<16xf32>
      %mul3A_1406 = arith.mulf %mul3A_1405, %select_n3A : vector<16xf32>
      %gt3A = arith.cmpf ogt, %mul3A_1406, %scan3A_432 : vector<16xf32>
      %select_n3A_1407 = arith.select %gt3A, %mul3A_1406, %scan3A_432 : vector<16xi1>, vector<16xf32>
      %add3A_1408 = arith.addi %add3A_401, %mul3A_435 : i32
      %add3A_1409 = arith.constant 0 : i32
      %add3A_1410 = arith.addi %add3A_1408, %add3A_1409 : i32
      %broadcast_in_dim3A_1411 = vector.broadcast %add3A_1410 : i32 to vector<16xi32>
      %select_n3A_1412 = arith.select %gt3A, %broadcast_in_dim3A_1411, %scan3A_433 : vector<16xi1>, vector<16xi32>
      %lt3A_1413 = arith.constant 1.000000e-16 : f32
      %lt3A_1414 = vector.broadcast %lt3A_1413 : f32 to vector<16xf32>
      %lt3A_1415 = arith.cmpf olt, %add3A_1363, %lt3A_1414 : vector<16xf32>
      %bitcast_convert_type3A_1416 = tpu.bitcast %add3A_1363 : vector<16xf32> -> vector<16xi32>
      %shift_right_arithmetic3A_1417 = arith.constant 1 : i32
      %shift_right_arithmetic3A_1418 = vector.broadcast %shift_right_arithmetic3A_1417 : i32 to vector<16xi32>
      %shift_right_arithmetic3A_1419 = arith.shrsi %bitcast_convert_type3A_1416, %shift_right_arithmetic3A_1418 : vector<16xi32>
      %sub3A_1420 = arith.constant 1597463007 : i32
      %sub3A_1421 = vector.broadcast %sub3A_1420 : i32 to vector<16xi32>
      %sub3A_1422 = arith.subi %sub3A_1421, %shift_right_arithmetic3A_1419 : vector<16xi32>
      %bitcast_convert_type3A_1423 = tpu.bitcast %sub3A_1422 : vector<16xi32> -> vector<16xf32>
      %mul3A_1424 = arith.constant 5.000000e-01 : f32
      %mul3A_1425 = vector.broadcast %mul3A_1424 : f32 to vector<16xf32>
      %mul3A_1426 = arith.mulf %mul3A_1425, %add3A_1363 : vector<16xf32>
      %mul3A_1427 = arith.mulf %mul3A_1426, %bitcast_convert_type3A_1423 : vector<16xf32>
      %mul3A_1428 = arith.mulf %mul3A_1427, %bitcast_convert_type3A_1423 : vector<16xf32>
      %sub3A_1429 = arith.constant 1.500000e+00 : f32
      %sub3A_1430 = vector.broadcast %sub3A_1429 : f32 to vector<16xf32>
      %sub3A_1431 = arith.subf %sub3A_1430, %mul3A_1428 : vector<16xf32>
      %mul3A_1432 = arith.mulf %bitcast_convert_type3A_1423, %sub3A_1431 : vector<16xf32>
      %mul3A_1433 = arith.constant 5.000000e-01 : f32
      %mul3A_1434 = vector.broadcast %mul3A_1433 : f32 to vector<16xf32>
      %mul3A_1435 = arith.mulf %mul3A_1434, %add3A_1363 : vector<16xf32>
      %mul3A_1436 = arith.mulf %mul3A_1435, %mul3A_1432 : vector<16xf32>
      %mul3A_1437 = arith.mulf %mul3A_1436, %mul3A_1432 : vector<16xf32>
      %sub3A_1438 = arith.constant 1.500000e+00 : f32
      %sub3A_1439 = vector.broadcast %sub3A_1438 : f32 to vector<16xf32>
      %sub3A_1440 = arith.subf %sub3A_1439, %mul3A_1437 : vector<16xf32>
      %mul3A_1441 = arith.mulf %mul3A_1432, %sub3A_1440 : vector<16xf32>
      %mul3A_1442 = arith.constant 5.000000e-01 : f32
      %mul3A_1443 = vector.broadcast %mul3A_1442 : f32 to vector<16xf32>
      %mul3A_1444 = arith.mulf %mul3A_1443, %add3A_1363 : vector<16xf32>
      %mul3A_1445 = arith.mulf %mul3A_1444, %mul3A_1441 : vector<16xf32>
      %mul3A_1446 = arith.mulf %mul3A_1445, %mul3A_1441 : vector<16xf32>
      %sub3A_1447 = arith.constant 1.500000e+00 : f32
      %sub3A_1448 = vector.broadcast %sub3A_1447 : f32 to vector<16xf32>
      %sub3A_1449 = arith.subf %sub3A_1448, %mul3A_1446 : vector<16xf32>
      %mul3A_1450 = arith.mulf %mul3A_1441, %sub3A_1449 : vector<16xf32>
      %jit3A_1451 = arith.constant 1.000000e+08 : f32
      %broadcast_in_dim3A_1452 = vector.broadcast %jit3A_1451 : f32 to vector<16xf32>
      %select_n3A_1453 = arith.select %lt3A_1415, %broadcast_in_dim3A_1452, %mul3A_1450 : vector<16xi1>, vector<16xf32>
      %mul3A_1454 = arith.mulf %add3A_1332, %select_n3A_1453 : vector<16xf32>
      %mul3A_1455 = arith.mulf %mul3A_1454, %select_n3A : vector<16xf32>
      %gt3A_1456 = arith.cmpf ogt, %mul3A_1455, %select_n3A_1407 : vector<16xf32>
      %select_n3A_1457 = arith.select %gt3A_1456, %mul3A_1455, %select_n3A_1407 : vector<16xi1>, vector<16xf32>
      %add3A_1458 = arith.addi %add3A_401, %mul3A_435 : i32
      %add3A_1459 = arith.constant 1 : i32
      %add3A_1460 = arith.addi %add3A_1458, %add3A_1459 : i32
      %broadcast_in_dim3A_1461 = vector.broadcast %add3A_1460 : i32 to vector<16xi32>
      %select_n3A_1462 = arith.select %gt3A_1456, %broadcast_in_dim3A_1461, %select_n3A_1412 : vector<16xi1>, vector<16xi32>
      scf.yield %select_n3A_1457, %select_n3A_1462 : vector<16xf32>, vector<16xi32>
    }
    %scan3A_406 = arith.constant 16 : i32
    %dma_wait3A_407 = arith.constant 0 : i32
    %dma_wait3A_408 = tpu.memref_slice %arg3[%add3A_392, %dma_wait3A_407] : memref<8192x384xf32, #tpu.memory_space<hbm>> -> memref<32x384xf32, #tpu.memory_space<hbm>>
    %dma_wait3A_409 = arith.constant 0 : i32
    %dma_wait3A_410 = tpu.memref_slice %arg3[%add3A_392, %dma_wait3A_409] : memref<8192x384xf32, #tpu.memory_space<hbm>> -> memref<32x384xf32, #tpu.memory_space<hbm>>
    tpu.wait_dma2 semaphore(%arg10 : memref<!tpu.dma_semaphore, #tpu.memory_space<semaphore_mem>>) src(%dma_wait3A_410 : memref<32x384xf32, #tpu.memory_space<hbm>>) dst(%arg7 : memref<32x384xf32, #tpu.memory_space<vmem>>)
    %add3A_411 = arith.constant 32 : i32
    %add3A_412 = arith.addi %mul3A_2, %add3A_411 : i32
    %scan3A_413 = arith.constant 0 : i32
    %scan3A_414 = arith.constant 16 : i32
    %scan3A_415 = arith.addi %scan3A_413, %scan3A_414 : i32
    %scan3A_416 = arith.constant 1 : i32
    %scan3A_417:2 = scf.for %scan3A_431 = %scan3A_413 to %scan3A_415 step %scan3A_416 iter_args(%scan3A_432 = %scan3A_405#0, %scan3A_433 = %scan3A_405#1) -> (vector<16xf32>, vector<16xi32>)  : i32 {
      %mul3A_434 = arith.constant 2 : i32
      %mul3A_435 = arith.muli %scan3A_431, %mul3A_434 : i32
      %add3A_436 = arith.constant 0 : i32
      %add3A_437 = arith.addi %mul3A_435, %add3A_436 : i32
      %broadcast_in_dim3A_438 = arith.constant 0.000000e+00 : f32
      %broadcast_in_dim3A_439 = vector.broadcast %broadcast_in_dim3A_438 : f32 to vector<16xf32>
      %broadcast_in_dim3A_440 = arith.constant 0.000000e+00 : f32
      %broadcast_in_dim3A_441 = vector.broadcast %broadcast_in_dim3A_440 : f32 to vector<16xf32>
      %broadcast_in_dim3A_442 = arith.constant 0.000000e+00 : f32
      %broadcast_in_dim3A_443 = vector.broadcast %broadcast_in_dim3A_442 : f32 to vector<16xf32>
      %broadcast_in_dim3A_444 = arith.constant 0.000000e+00 : f32
      %broadcast_in_dim3A_445 = vector.broadcast %broadcast_in_dim3A_444 : f32 to vector<16xf32>
      %broadcast_in_dim3A_446 = arith.constant 0.000000e+00 : f32
      %broadcast_in_dim3A_447 = vector.broadcast %broadcast_in_dim3A_446 : f32 to vector<16xf32>
      %broadcast_in_dim3A_448 = arith.constant 0.000000e+00 : f32
      %broadcast_in_dim3A_449 = vector.broadcast %broadcast_in_dim3A_448 : f32 to vector<16xf32>
      %broadcast_in_dim3A_450 = arith.constant 0.000000e+00 : f32
      %broadcast_in_dim3A_451 = vector.broadcast %broadcast_in_dim3A_450 : f32 to vector<16xf32>
      %broadcast_in_dim3A_452 = arith.constant 0.000000e+00 : f32
      %broadcast_in_dim3A_453 = vector.broadcast %broadcast_in_dim3A_452 : f32 to vector<16xf32>
      %get3A_454 = arith.index_cast %add3A_437 : i32 to index
      %get3A_455 = arith.constant 0 : index
      %get3A_456 = tpu.vector_load %arg7[%get3A_454, %get3A_455] {strides = array<i32>} : memref<32x384xf32, #tpu.memory_space<vmem>>, vector<1x16xf32>,
      %get3A_457 = vector.shape_cast %get3A_456 : vector<1x16xf32> to vector<16xf32>
      %bitcast_convert_type3A_458 = tpu.bitcast %get3A_457 : vector<16xf32> -> vector<16xi32>
      %add3A_459 = arith.constant 32768 : i32
      %add3A_460 = vector.broadcast %add3A_459 : i32 to vector<16xi32>
      %add3A_461 = arith.addi %bitcast_convert_type3A_458, %add3A_460 : vector<16xi32>
      %and3A_462 = arith.constant -65536 : i32
      %and3A_463 = vector.broadcast %and3A_462 : i32 to vector<16xi32>
      %and3A_464 = arith.andi %add3A_461, %and3A_463 : vector<16xi32>
      %bitcast_convert_type3A_465 = tpu.bitcast %and3A_464 : vector<16xi32> -> vector<16xf32>
      %mul3A_466 = arith.mulf %bitcast_convert_type3A_465, %bitcast_convert_type3A_202 : vector<16xf32>
      %add3A_467 = arith.addf %broadcast_in_dim3A_439, %mul3A_466 : vector<16xf32>
      %mul3A_468 = arith.mulf %get3A_457, %get3A_457 : vector<16xf32>
      %add3A_469 = arith.addf %broadcast_in_dim3A_447, %mul3A_468 : vector<16xf32>
      %get3A_470 = arith.index_cast %add3A_437 : i32 to index
      %get3A_471 = arith.constant 16 : index
      %get3A_472 = tpu.vector_load %arg7[%get3A_470, %get3A_471] {strides = array<i32>} : memref<32x384xf32, #tpu.memory_space<vmem>>, vector<1x16xf32>,
      %get3A_473 = vector.shape_cast %get3A_472 : vector<1x16xf32> to vector<16xf32>
      %bitcast_convert_type3A_474 = tpu.bitcast %get3A_473 : vector<16xf32> -> vector<16xi32>
      %add3A_475 = arith.constant 32768 : i32
      %add3A_476 = vector.broadcast %add3A_475 : i32 to vector<16xi32>
      %add3A_477 = arith.addi %bitcast_convert_type3A_474, %add3A_476 : vector<16xi32>
      %and3A_478 = arith.constant -65536 : i32
      %and3A_479 = vector.broadcast %and3A_478 : i32 to vector<16xi32>
      %and3A_480 = arith.andi %add3A_477, %and3A_479 : vector<16xi32>
      %bitcast_convert_type3A_481 = tpu.bitcast %and3A_480 : vector<16xi32> -> vector<16xf32>
      %mul3A_482 = arith.mulf %bitcast_convert_type3A_481, %bitcast_convert_type3A_210 : vector<16xf32>
      %add3A_483 = arith.addf %broadcast_in_dim3A_441, %mul3A_482 : vector<16xf32>
      %mul3A_484 = arith.mulf %get3A_473, %get3A_473 : vector<16xf32>
      %add3A_485 = arith.addf %broadcast_in_dim3A_449, %mul3A_484 : vector<16xf32>
      %get3A_486 = arith.index_cast %add3A_437 : i32 to index
      %get3A_487 = arith.constant 32 : index
      %get3A_488 = tpu.vector_load %arg7[%get3A_486, %get3A_487] {strides = array<i32>} : memref<32x384xf32, #tpu.memory_space<vmem>>, vector<1x16xf32>,
      %get3A_489 = vector.shape_cast %get3A_488 : vector<1x16xf32> to vector<16xf32>
      %bitcast_convert_type3A_490 = tpu.bitcast %get3A_489 : vector<16xf32> -> vector<16xi32>
      %add3A_491 = arith.constant 32768 : i32
      %add3A_492 = vector.broadcast %add3A_491 : i32 to vector<16xi32>
      %add3A_493 = arith.addi %bitcast_convert_type3A_490, %add3A_492 : vector<16xi32>
      %and3A_494 = arith.constant -65536 : i32
      %and3A_495 = vector.broadcast %and3A_494 : i32 to vector<16xi32>
      %and3A_496 = arith.andi %add3A_493, %and3A_495 : vector<16xi32>
      %bitcast_convert_type3A_497 = tpu.bitcast %and3A_496 : vector<16xi32> -> vector<16xf32>
      %mul3A_498 = arith.mulf %bitcast_convert_type3A_497, %bitcast_convert_type3A_218 : vector<16xf32>
      %add3A_499 = arith.addf %broadcast_in_dim3A_443, %mul3A_498 : vector<16xf32>
      %mul3A_500 = arith.mulf %get3A_489, %get3A_489 : vector<16xf32>
      %add3A_501 = arith.addf %broadcast_in_dim3A_451, %mul3A_500 : vector<16xf32>
      %get3A_502 = arith.index_cast %add3A_437 : i32 to index
      %get3A_503 = arith.constant 48 : index
      %get3A_504 = tpu.vector_load %arg7[%get3A_502, %get3A_503] {strides = array<i32>} : memref<32x384xf32, #tpu.memory_space<vmem>>, vector<1x16xf32>,
      %get3A_505 = vector.shape_cast %get3A_504 : vector<1x16xf32> to vector<16xf32>
      %bitcast_convert_type3A_506 = tpu.bitcast %get3A_505 : vector<16xf32> -> vector<16xi32>
      %add3A_507 = arith.constant 32768 : i32
      %add3A_508 = vector.broadcast %add3A_507 : i32 to vector<16xi32>
      %add3A_509 = arith.addi %bitcast_convert_type3A_506, %add3A_508 : vector<16xi32>
      %and3A_510 = arith.constant -65536 : i32
      %and3A_511 = vector.broadcast %and3A_510 : i32 to vector<16xi32>
      %and3A_512 = arith.andi %add3A_509, %and3A_511 : vector<16xi32>
      %bitcast_convert_type3A_513 = tpu.bitcast %and3A_512 : vector<16xi32> -> vector<16xf32>
      %mul3A_514 = arith.mulf %bitcast_convert_type3A_513, %bitcast_convert_type3A_226 : vector<16xf32>
      %add3A_515 = arith.addf %broadcast_in_dim3A_445, %mul3A_514 : vector<16xf32>
      %mul3A_516 = arith.mulf %get3A_505, %get3A_505 : vector<16xf32>
      %add3A_517 = arith.addf %broadcast_in_dim3A_453, %mul3A_516 : vector<16xf32>
      %get3A_518 = arith.index_cast %add3A_437 : i32 to index
      %get3A_519 = arith.constant 64 : index
      %get3A_520 = tpu.vector_load %arg7[%get3A_518, %get3A_519] {strides = array<i32>} : memref<32x384xf32, #tpu.memory_space<vmem>>, vector<1x16xf32>,
      %get3A_521 = vector.shape_cast %get3A_520 : vector<1x16xf32> to vector<16xf32>
      %bitcast_convert_type3A_522 = tpu.bitcast %get3A_521 : vector<16xf32> -> vector<16xi32>
      %add3A_523 = arith.constant 32768 : i32
      %add3A_524 = vector.broadcast %add3A_523 : i32 to vector<16xi32>
      %add3A_525 = arith.addi %bitcast_convert_type3A_522, %add3A_524 : vector<16xi32>
      %and3A_526 = arith.constant -65536 : i32
      %and3A_527 = vector.broadcast %and3A_526 : i32 to vector<16xi32>
      %and3A_528 = arith.andi %add3A_525, %and3A_527 : vector<16xi32>
      %bitcast_convert_type3A_529 = tpu.bitcast %and3A_528 : vector<16xi32> -> vector<16xf32>
      %mul3A_530 = arith.mulf %bitcast_convert_type3A_529, %bitcast_convert_type3A_234 : vector<16xf32>
      %add3A_531 = arith.addf %add3A_467, %mul3A_530 : vector<16xf32>
      %mul3A_532 = arith.mulf %get3A_521, %get3A_521 : vector<16xf32>
      %add3A_533 = arith.addf %add3A_469, %mul3A_532 : vector<16xf32>
      %get3A_534 = arith.index_cast %add3A_437 : i32 to index
      %get3A_535 = arith.constant 80 : index
      %get3A_536 = tpu.vector_load %arg7[%get3A_534, %get3A_535] {strides = array<i32>} : memref<32x384xf32, #tpu.memory_space<vmem>>, vector<1x16xf32>,
      %get3A_537 = vector.shape_cast %get3A_536 : vector<1x16xf32> to vector<16xf32>
      %bitcast_convert_type3A_538 = tpu.bitcast %get3A_537 : vector<16xf32> -> vector<16xi32>
      %add3A_539 = arith.constant 32768 : i32
      %add3A_540 = vector.broadcast %add3A_539 : i32 to vector<16xi32>
      %add3A_541 = arith.addi %bitcast_convert_type3A_538, %add3A_540 : vector<16xi32>
      %and3A_542 = arith.constant -65536 : i32
      %and3A_543 = vector.broadcast %and3A_542 : i32 to vector<16xi32>
      %and3A_544 = arith.andi %add3A_541, %and3A_543 : vector<16xi32>
      %bitcast_convert_type3A_545 = tpu.bitcast %and3A_544 : vector<16xi32> -> vector<16xf32>
      %mul3A_546 = arith.mulf %bitcast_convert_type3A_545, %bitcast_convert_type3A_242 : vector<16xf32>
      %add3A_547 = arith.addf %add3A_483, %mul3A_546 : vector<16xf32>
      %mul3A_548 = arith.mulf %get3A_537, %get3A_537 : vector<16xf32>
      %add3A_549 = arith.addf %add3A_485, %mul3A_548 : vector<16xf32>
      %get3A_550 = arith.index_cast %add3A_437 : i32 to index
      %get3A_551 = arith.constant 96 : index
      %get3A_552 = tpu.vector_load %arg7[%get3A_550, %get3A_551] {strides = array<i32>} : memref<32x384xf32, #tpu.memory_space<vmem>>, vector<1x16xf32>,
      %get3A_553 = vector.shape_cast %get3A_552 : vector<1x16xf32> to vector<16xf32>
      %bitcast_convert_type3A_554 = tpu.bitcast %get3A_553 : vector<16xf32> -> vector<16xi32>
      %add3A_555 = arith.constant 32768 : i32
      %add3A_556 = vector.broadcast %add3A_555 : i32 to vector<16xi32>
      %add3A_557 = arith.addi %bitcast_convert_type3A_554, %add3A_556 : vector<16xi32>
      %and3A_558 = arith.constant -65536 : i32
      %and3A_559 = vector.broadcast %and3A_558 : i32 to vector<16xi32>
      %and3A_560 = arith.andi %add3A_557, %and3A_559 : vector<16xi32>
      %bitcast_convert_type3A_561 = tpu.bitcast %and3A_560 : vector<16xi32> -> vector<16xf32>
      %mul3A_562 = arith.mulf %bitcast_convert_type3A_561, %bitcast_convert_type3A_250 : vector<16xf32>
      %add3A_563 = arith.addf %add3A_499, %mul3A_562 : vector<16xf32>
      %mul3A_564 = arith.mulf %get3A_553, %get3A_553 : vector<16xf32>
      %add3A_565 = arith.addf %add3A_501, %mul3A_564 : vector<16xf32>
      %get3A_566 = arith.index_cast %add3A_437 : i32 to index
      %get3A_567 = arith.constant 112 : index
      %get3A_568 = tpu.vector_load %arg7[%get3A_566, %get3A_567] {strides = array<i32>} : memref<32x384xf32, #tpu.memory_space<vmem>>, vector<1x16xf32>,
      %get3A_569 = vector.shape_cast %get3A_568 : vector<1x16xf32> to vector<16xf32>
      %bitcast_convert_type3A_570 = tpu.bitcast %get3A_569 : vector<16xf32> -> vector<16xi32>
      %add3A_571 = arith.constant 32768 : i32
      %add3A_572 = vector.broadcast %add3A_571 : i32 to vector<16xi32>
      %add3A_573 = arith.addi %bitcast_convert_type3A_570, %add3A_572 : vector<16xi32>
      %and3A_574 = arith.constant -65536 : i32
      %and3A_575 = vector.broadcast %and3A_574 : i32 to vector<16xi32>
      %and3A_576 = arith.andi %add3A_573, %and3A_575 : vector<16xi32>
      %bitcast_convert_type3A_577 = tpu.bitcast %and3A_576 : vector<16xi32> -> vector<16xf32>
      %mul3A_578 = arith.mulf %bitcast_convert_type3A_577, %bitcast_convert_type3A_258 : vector<16xf32>
      %add3A_579 = arith.addf %add3A_515, %mul3A_578 : vector<16xf32>
      %mul3A_580 = arith.mulf %get3A_569, %get3A_569 : vector<16xf32>
      %add3A_581 = arith.addf %add3A_517, %mul3A_580 : vector<16xf32>
      %get3A_582 = arith.index_cast %add3A_437 : i32 to index
      %get3A_583 = arith.constant 128 : index
      %get3A_584 = tpu.vector_load %arg7[%get3A_582, %get3A_583] {strides = array<i32>} : memref<32x384xf32, #tpu.memory_space<vmem>>, vector<1x16xf32>,
      %get3A_585 = vector.shape_cast %get3A_584 : vector<1x16xf32> to vector<16xf32>
      %bitcast_convert_type3A_586 = tpu.bitcast %get3A_585 : vector<16xf32> -> vector<16xi32>
      %add3A_587 = arith.constant 32768 : i32
      %add3A_588 = vector.broadcast %add3A_587 : i32 to vector<16xi32>
      %add3A_589 = arith.addi %bitcast_convert_type3A_586, %add3A_588 : vector<16xi32>
      %and3A_590 = arith.constant -65536 : i32
      %and3A_591 = vector.broadcast %and3A_590 : i32 to vector<16xi32>
      %and3A_592 = arith.andi %add3A_589, %and3A_591 : vector<16xi32>
      %bitcast_convert_type3A_593 = tpu.bitcast %and3A_592 : vector<16xi32> -> vector<16xf32>
      %mul3A_594 = arith.mulf %bitcast_convert_type3A_593, %bitcast_convert_type3A_266 : vector<16xf32>
      %add3A_595 = arith.addf %add3A_531, %mul3A_594 : vector<16xf32>
      %mul3A_596 = arith.mulf %get3A_585, %get3A_585 : vector<16xf32>
      %add3A_597 = arith.addf %add3A_533, %mul3A_596 : vector<16xf32>
      %get3A_598 = arith.index_cast %add3A_437 : i32 to index
      %get3A_599 = arith.constant 144 : index
      %get3A_600 = tpu.vector_load %arg7[%get3A_598, %get3A_599] {strides = array<i32>} : memref<32x384xf32, #tpu.memory_space<vmem>>, vector<1x16xf32>,
      %get3A_601 = vector.shape_cast %get3A_600 : vector<1x16xf32> to vector<16xf32>
      %bitcast_convert_type3A_602 = tpu.bitcast %get3A_601 : vector<16xf32> -> vector<16xi32>
      %add3A_603 = arith.constant 32768 : i32
      %add3A_604 = vector.broadcast %add3A_603 : i32 to vector<16xi32>
      %add3A_605 = arith.addi %bitcast_convert_type3A_602, %add3A_604 : vector<16xi32>
      %and3A_606 = arith.constant -65536 : i32
      %and3A_607 = vector.broadcast %and3A_606 : i32 to vector<16xi32>
      %and3A_608 = arith.andi %add3A_605, %and3A_607 : vector<16xi32>
      %bitcast_convert_type3A_609 = tpu.bitcast %and3A_608 : vector<16xi32> -> vector<16xf32>
      %mul3A_610 = arith.mulf %bitcast_convert_type3A_609, %bitcast_convert_type3A_274 : vector<16xf32>
      %add3A_611 = arith.addf %add3A_547, %mul3A_610 : vector<16xf32>
      %mul3A_612 = arith.mulf %get3A_601, %get3A_601 : vector<16xf32>
      %add3A_613 = arith.addf %add3A_549, %mul3A_612 : vector<16xf32>
      %get3A_614 = arith.index_cast %add3A_437 : i32 to index
      %get3A_615 = arith.constant 160 : index
      %get3A_616 = tpu.vector_load %arg7[%get3A_614, %get3A_615] {strides = array<i32>} : memref<32x384xf32, #tpu.memory_space<vmem>>, vector<1x16xf32>,
      %get3A_617 = vector.shape_cast %get3A_616 : vector<1x16xf32> to vector<16xf32>
      %bitcast_convert_type3A_618 = tpu.bitcast %get3A_617 : vector<16xf32> -> vector<16xi32>
      %add3A_619 = arith.constant 32768 : i32
      %add3A_620 = vector.broadcast %add3A_619 : i32 to vector<16xi32>
      %add3A_621 = arith.addi %bitcast_convert_type3A_618, %add3A_620 : vector<16xi32>
      %and3A_622 = arith.constant -65536 : i32
      %and3A_623 = vector.broadcast %and3A_622 : i32 to vector<16xi32>
      %and3A_624 = arith.andi %add3A_621, %and3A_623 : vector<16xi32>
      %bitcast_convert_type3A_625 = tpu.bitcast %and3A_624 : vector<16xi32> -> vector<16xf32>
      %mul3A_626 = arith.mulf %bitcast_convert_type3A_625, %bitcast_convert_type3A_282 : vector<16xf32>
      %add3A_627 = arith.addf %add3A_563, %mul3A_626 : vector<16xf32>
      %mul3A_628 = arith.mulf %get3A_617, %get3A_617 : vector<16xf32>
      %add3A_629 = arith.addf %add3A_565, %mul3A_628 : vector<16xf32>
      %get3A_630 = arith.index_cast %add3A_437 : i32 to index
      %get3A_631 = arith.constant 176 : index
      %get3A_632 = tpu.vector_load %arg7[%get3A_630, %get3A_631] {strides = array<i32>} : memref<32x384xf32, #tpu.memory_space<vmem>>, vector<1x16xf32>,
      %get3A_633 = vector.shape_cast %get3A_632 : vector<1x16xf32> to vector<16xf32>
      %bitcast_convert_type3A_634 = tpu.bitcast %get3A_633 : vector<16xf32> -> vector<16xi32>
      %add3A_635 = arith.constant 32768 : i32
      %add3A_636 = vector.broadcast %add3A_635 : i32 to vector<16xi32>
      %add3A_637 = arith.addi %bitcast_convert_type3A_634, %add3A_636 : vector<16xi32>
      %and3A_638 = arith.constant -65536 : i32
      %and3A_639 = vector.broadcast %and3A_638 : i32 to vector<16xi32>
      %and3A_640 = arith.andi %add3A_637, %and3A_639 : vector<16xi32>
      %bitcast_convert_type3A_641 = tpu.bitcast %and3A_640 : vector<16xi32> -> vector<16xf32>
      %mul3A_642 = arith.mulf %bitcast_convert_type3A_641, %bitcast_convert_type3A_290 : vector<16xf32>
      %add3A_643 = arith.addf %add3A_579, %mul3A_642 : vector<16xf32>
      %mul3A_644 = arith.mulf %get3A_633, %get3A_633 : vector<16xf32>
      %add3A_645 = arith.addf %add3A_581, %mul3A_644 : vector<16xf32>
      %get3A_646 = arith.index_cast %add3A_437 : i32 to index
      %get3A_647 = arith.constant 192 : index
      %get3A_648 = tpu.vector_load %arg7[%get3A_646, %get3A_647] {strides = array<i32>} : memref<32x384xf32, #tpu.memory_space<vmem>>, vector<1x16xf32>,
      %get3A_649 = vector.shape_cast %get3A_648 : vector<1x16xf32> to vector<16xf32>
      %bitcast_convert_type3A_650 = tpu.bitcast %get3A_649 : vector<16xf32> -> vector<16xi32>
      %add3A_651 = arith.constant 32768 : i32
      %add3A_652 = vector.broadcast %add3A_651 : i32 to vector<16xi32>
      %add3A_653 = arith.addi %bitcast_convert_type3A_650, %add3A_652 : vector<16xi32>
      %and3A_654 = arith.constant -65536 : i32
      %and3A_655 = vector.broadcast %and3A_654 : i32 to vector<16xi32>
      %and3A_656 = arith.andi %add3A_653, %and3A_655 : vector<16xi32>
      %bitcast_convert_type3A_657 = tpu.bitcast %and3A_656 : vector<16xi32> -> vector<16xf32>
      %mul3A_658 = arith.mulf %bitcast_convert_type3A_657, %bitcast_convert_type3A_298 : vector<16xf32>
      %add3A_659 = arith.addf %add3A_595, %mul3A_658 : vector<16xf32>
      %mul3A_660 = arith.mulf %get3A_649, %get3A_649 : vector<16xf32>
      %add3A_661 = arith.addf %add3A_597, %mul3A_660 : vector<16xf32>
      %get3A_662 = arith.index_cast %add3A_437 : i32 to index
      %get3A_663 = arith.constant 208 : index
      %get3A_664 = tpu.vector_load %arg7[%get3A_662, %get3A_663] {strides = array<i32>} : memref<32x384xf32, #tpu.memory_space<vmem>>, vector<1x16xf32>,
      %get3A_665 = vector.shape_cast %get3A_664 : vector<1x16xf32> to vector<16xf32>
      %bitcast_convert_type3A_666 = tpu.bitcast %get3A_665 : vector<16xf32> -> vector<16xi32>
      %add3A_667 = arith.constant 32768 : i32
      %add3A_668 = vector.broadcast %add3A_667 : i32 to vector<16xi32>
      %add3A_669 = arith.addi %bitcast_convert_type3A_666, %add3A_668 : vector<16xi32>
      %and3A_670 = arith.constant -65536 : i32
      %and3A_671 = vector.broadcast %and3A_670 : i32 to vector<16xi32>
      %and3A_672 = arith.andi %add3A_669, %and3A_671 : vector<16xi32>
      %bitcast_convert_type3A_673 = tpu.bitcast %and3A_672 : vector<16xi32> -> vector<16xf32>
      %mul3A_674 = arith.mulf %bitcast_convert_type3A_673, %bitcast_convert_type3A_306 : vector<16xf32>
      %add3A_675 = arith.addf %add3A_611, %mul3A_674 : vector<16xf32>
      %mul3A_676 = arith.mulf %get3A_665, %get3A_665 : vector<16xf32>
      %add3A_677 = arith.addf %add3A_613, %mul3A_676 : vector<16xf32>
      %get3A_678 = arith.index_cast %add3A_437 : i32 to index
      %get3A_679 = arith.constant 224 : index
      %get3A_680 = tpu.vector_load %arg7[%get3A_678, %get3A_679] {strides = array<i32>} : memref<32x384xf32, #tpu.memory_space<vmem>>, vector<1x16xf32>,
      %get3A_681 = vector.shape_cast %get3A_680 : vector<1x16xf32> to vector<16xf32>
      %bitcast_convert_type3A_682 = tpu.bitcast %get3A_681 : vector<16xf32> -> vector<16xi32>
      %add3A_683 = arith.constant 32768 : i32
      %add3A_684 = vector.broadcast %add3A_683 : i32 to vector<16xi32>
      %add3A_685 = arith.addi %bitcast_convert_type3A_682, %add3A_684 : vector<16xi32>
      %and3A_686 = arith.constant -65536 : i32
      %and3A_687 = vector.broadcast %and3A_686 : i32 to vector<16xi32>
      %and3A_688 = arith.andi %add3A_685, %and3A_687 : vector<16xi32>
      %bitcast_convert_type3A_689 = tpu.bitcast %and3A_688 : vector<16xi32> -> vector<16xf32>
      %mul3A_690 = arith.mulf %bitcast_convert_type3A_689, %bitcast_convert_type3A_314 : vector<16xf32>
      %add3A_691 = arith.addf %add3A_627, %mul3A_690 : vector<16xf32>
      %mul3A_692 = arith.mulf %get3A_681, %get3A_681 : vector<16xf32>
      %add3A_693 = arith.addf %add3A_629, %mul3A_692 : vector<16xf32>
      %get3A_694 = arith.index_cast %add3A_437 : i32 to index
      %get3A_695 = arith.constant 240 : index
      %get3A_696 = tpu.vector_load %arg7[%get3A_694, %get3A_695] {strides = array<i32>} : memref<32x384xf32, #tpu.memory_space<vmem>>, vector<1x16xf32>,
      %get3A_697 = vector.shape_cast %get3A_696 : vector<1x16xf32> to vector<16xf32>
      %bitcast_convert_type3A_698 = tpu.bitcast %get3A_697 : vector<16xf32> -> vector<16xi32>
      %add3A_699 = arith.constant 32768 : i32
      %add3A_700 = vector.broadcast %add3A_699 : i32 to vector<16xi32>
      %add3A_701 = arith.addi %bitcast_convert_type3A_698, %add3A_700 : vector<16xi32>
      %and3A_702 = arith.constant -65536 : i32
      %and3A_703 = vector.broadcast %and3A_702 : i32 to vector<16xi32>
      %and3A_704 = arith.andi %add3A_701, %and3A_703 : vector<16xi32>
      %bitcast_convert_type3A_705 = tpu.bitcast %and3A_704 : vector<16xi32> -> vector<16xf32>
      %mul3A_706 = arith.mulf %bitcast_convert_type3A_705, %bitcast_convert_type3A_322 : vector<16xf32>
      %add3A_707 = arith.addf %add3A_643, %mul3A_706 : vector<16xf32>
      %mul3A_708 = arith.mulf %get3A_697, %get3A_697 : vector<16xf32>
      %add3A_709 = arith.addf %add3A_645, %mul3A_708 : vector<16xf32>
      %get3A_710 = arith.index_cast %add3A_437 : i32 to index
      %get3A_711 = arith.constant 256 : index
      %get3A_712 = tpu.vector_load %arg7[%get3A_710, %get3A_711] {strides = array<i32>} : memref<32x384xf32, #tpu.memory_space<vmem>>, vector<1x16xf32>,
      %get3A_713 = vector.shape_cast %get3A_712 : vector<1x16xf32> to vector<16xf32>
      %bitcast_convert_type3A_714 = tpu.bitcast %get3A_713 : vector<16xf32> -> vector<16xi32>
      %add3A_715 = arith.constant 32768 : i32
      %add3A_716 = vector.broadcast %add3A_715 : i32 to vector<16xi32>
      %add3A_717 = arith.addi %bitcast_convert_type3A_714, %add3A_716 : vector<16xi32>
      %and3A_718 = arith.constant -65536 : i32
      %and3A_719 = vector.broadcast %and3A_718 : i32 to vector<16xi32>
      %and3A_720 = arith.andi %add3A_717, %and3A_719 : vector<16xi32>
      %bitcast_convert_type3A_721 = tpu.bitcast %and3A_720 : vector<16xi32> -> vector<16xf32>
      %mul3A_722 = arith.mulf %bitcast_convert_type3A_721, %bitcast_convert_type3A_330 : vector<16xf32>
      %add3A_723 = arith.addf %add3A_659, %mul3A_722 : vector<16xf32>
      %mul3A_724 = arith.mulf %get3A_713, %get3A_713 : vector<16xf32>
      %add3A_725 = arith.addf %add3A_661, %mul3A_724 : vector<16xf32>
      %get3A_726 = arith.index_cast %add3A_437 : i32 to index
      %get3A_727 = arith.constant 272 : index
      %get3A_728 = tpu.vector_load %arg7[%get3A_726, %get3A_727] {strides = array<i32>} : memref<32x384xf32, #tpu.memory_space<vmem>>, vector<1x16xf32>,
      %get3A_729 = vector.shape_cast %get3A_728 : vector<1x16xf32> to vector<16xf32>
      %bitcast_convert_type3A_730 = tpu.bitcast %get3A_729 : vector<16xf32> -> vector<16xi32>
      %add3A_731 = arith.constant 32768 : i32
      %add3A_732 = vector.broadcast %add3A_731 : i32 to vector<16xi32>
      %add3A_733 = arith.addi %bitcast_convert_type3A_730, %add3A_732 : vector<16xi32>
      %and3A_734 = arith.constant -65536 : i32
      %and3A_735 = vector.broadcast %and3A_734 : i32 to vector<16xi32>
      %and3A_736 = arith.andi %add3A_733, %and3A_735 : vector<16xi32>
      %bitcast_convert_type3A_737 = tpu.bitcast %and3A_736 : vector<16xi32> -> vector<16xf32>
      %mul3A_738 = arith.mulf %bitcast_convert_type3A_737, %bitcast_convert_type3A_338 : vector<16xf32>
      %add3A_739 = arith.addf %add3A_675, %mul3A_738 : vector<16xf32>
      %mul3A_740 = arith.mulf %get3A_729, %get3A_729 : vector<16xf32>
      %add3A_741 = arith.addf %add3A_677, %mul3A_740 : vector<16xf32>
      %get3A_742 = arith.index_cast %add3A_437 : i32 to index
      %get3A_743 = arith.constant 288 : index
      %get3A_744 = tpu.vector_load %arg7[%get3A_742, %get3A_743] {strides = array<i32>} : memref<32x384xf32, #tpu.memory_space<vmem>>, vector<1x16xf32>,
      %get3A_745 = vector.shape_cast %get3A_744 : vector<1x16xf32> to vector<16xf32>
      %bitcast_convert_type3A_746 = tpu.bitcast %get3A_745 : vector<16xf32> -> vector<16xi32>
      %add3A_747 = arith.constant 32768 : i32
      %add3A_748 = vector.broadcast %add3A_747 : i32 to vector<16xi32>
      %add3A_749 = arith.addi %bitcast_convert_type3A_746, %add3A_748 : vector<16xi32>
      %and3A_750 = arith.constant -65536 : i32
      %and3A_751 = vector.broadcast %and3A_750 : i32 to vector<16xi32>
      %and3A_752 = arith.andi %add3A_749, %and3A_751 : vector<16xi32>
      %bitcast_convert_type3A_753 = tpu.bitcast %and3A_752 : vector<16xi32> -> vector<16xf32>
      %mul3A_754 = arith.mulf %bitcast_convert_type3A_753, %bitcast_convert_type3A_346 : vector<16xf32>
      %add3A_755 = arith.addf %add3A_691, %mul3A_754 : vector<16xf32>
      %mul3A_756 = arith.mulf %get3A_745, %get3A_745 : vector<16xf32>
      %add3A_757 = arith.addf %add3A_693, %mul3A_756 : vector<16xf32>
      %get3A_758 = arith.index_cast %add3A_437 : i32 to index
      %get3A_759 = arith.constant 304 : index
      %get3A_760 = tpu.vector_load %arg7[%get3A_758, %get3A_759] {strides = array<i32>} : memref<32x384xf32, #tpu.memory_space<vmem>>, vector<1x16xf32>,
      %get3A_761 = vector.shape_cast %get3A_760 : vector<1x16xf32> to vector<16xf32>
      %bitcast_convert_type3A_762 = tpu.bitcast %get3A_761 : vector<16xf32> -> vector<16xi32>
      %add3A_763 = arith.constant 32768 : i32
      %add3A_764 = vector.broadcast %add3A_763 : i32 to vector<16xi32>
      %add3A_765 = arith.addi %bitcast_convert_type3A_762, %add3A_764 : vector<16xi32>
      %and3A_766 = arith.constant -65536 : i32
      %and3A_767 = vector.broadcast %and3A_766 : i32 to vector<16xi32>
      %and3A_768 = arith.andi %add3A_765, %and3A_767 : vector<16xi32>
      %bitcast_convert_type3A_769 = tpu.bitcast %and3A_768 : vector<16xi32> -> vector<16xf32>
      %mul3A_770 = arith.mulf %bitcast_convert_type3A_769, %bitcast_convert_type3A_354 : vector<16xf32>
      %add3A_771 = arith.addf %add3A_707, %mul3A_770 : vector<16xf32>
      %mul3A_772 = arith.mulf %get3A_761, %get3A_761 : vector<16xf32>
      %add3A_773 = arith.addf %add3A_709, %mul3A_772 : vector<16xf32>
      %get3A_774 = arith.index_cast %add3A_437 : i32 to index
      %get3A_775 = arith.constant 320 : index
      %get3A_776 = tpu.vector_load %arg7[%get3A_774, %get3A_775] {strides = array<i32>} : memref<32x384xf32, #tpu.memory_space<vmem>>, vector<1x16xf32>,
      %get3A_777 = vector.shape_cast %get3A_776 : vector<1x16xf32> to vector<16xf32>
      %bitcast_convert_type3A_778 = tpu.bitcast %get3A_777 : vector<16xf32> -> vector<16xi32>
      %add3A_779 = arith.constant 32768 : i32
      %add3A_780 = vector.broadcast %add3A_779 : i32 to vector<16xi32>
      %add3A_781 = arith.addi %bitcast_convert_type3A_778, %add3A_780 : vector<16xi32>
      %and3A_782 = arith.constant -65536 : i32
      %and3A_783 = vector.broadcast %and3A_782 : i32 to vector<16xi32>
      %and3A_784 = arith.andi %add3A_781, %and3A_783 : vector<16xi32>
      %bitcast_convert_type3A_785 = tpu.bitcast %and3A_784 : vector<16xi32> -> vector<16xf32>
      %mul3A_786 = arith.mulf %bitcast_convert_type3A_785, %bitcast_convert_type3A_362 : vector<16xf32>
      %add3A_787 = arith.addf %add3A_723, %mul3A_786 : vector<16xf32>
      %mul3A_788 = arith.mulf %get3A_777, %get3A_777 : vector<16xf32>
      %add3A_789 = arith.addf %add3A_725, %mul3A_788 : vector<16xf32>
      %get3A_790 = arith.index_cast %add3A_437 : i32 to index
      %get3A_791 = arith.constant 336 : index
      %get3A_792 = tpu.vector_load %arg7[%get3A_790, %get3A_791] {strides = array<i32>} : memref<32x384xf32, #tpu.memory_space<vmem>>, vector<1x16xf32>,
      %get3A_793 = vector.shape_cast %get3A_792 : vector<1x16xf32> to vector<16xf32>
      %bitcast_convert_type3A_794 = tpu.bitcast %get3A_793 : vector<16xf32> -> vector<16xi32>
      %add3A_795 = arith.constant 32768 : i32
      %add3A_796 = vector.broadcast %add3A_795 : i32 to vector<16xi32>
      %add3A_797 = arith.addi %bitcast_convert_type3A_794, %add3A_796 : vector<16xi32>
      %and3A_798 = arith.constant -65536 : i32
      %and3A_799 = vector.broadcast %and3A_798 : i32 to vector<16xi32>
      %and3A_800 = arith.andi %add3A_797, %and3A_799 : vector<16xi32>
      %bitcast_convert_type3A_801 = tpu.bitcast %and3A_800 : vector<16xi32> -> vector<16xf32>
      %mul3A_802 = arith.mulf %bitcast_convert_type3A_801, %bitcast_convert_type3A_370 : vector<16xf32>
      %add3A_803 = arith.addf %add3A_739, %mul3A_802 : vector<16xf32>
      %mul3A_804 = arith.mulf %get3A_793, %get3A_793 : vector<16xf32>
      %add3A_805 = arith.addf %add3A_741, %mul3A_804 : vector<16xf32>
      %get3A_806 = arith.index_cast %add3A_437 : i32 to index
      %get3A_807 = arith.constant 352 : index
      %get3A_808 = tpu.vector_load %arg7[%get3A_806, %get3A_807] {strides = array<i32>} : memref<32x384xf32, #tpu.memory_space<vmem>>, vector<1x16xf32>,
      %get3A_809 = vector.shape_cast %get3A_808 : vector<1x16xf32> to vector<16xf32>
      %bitcast_convert_type3A_810 = tpu.bitcast %get3A_809 : vector<16xf32> -> vector<16xi32>
      %add3A_811 = arith.constant 32768 : i32
      %add3A_812 = vector.broadcast %add3A_811 : i32 to vector<16xi32>
      %add3A_813 = arith.addi %bitcast_convert_type3A_810, %add3A_812 : vector<16xi32>
      %and3A_814 = arith.constant -65536 : i32
      %and3A_815 = vector.broadcast %and3A_814 : i32 to vector<16xi32>
      %and3A_816 = arith.andi %add3A_813, %and3A_815 : vector<16xi32>
      %bitcast_convert_type3A_817 = tpu.bitcast %and3A_816 : vector<16xi32> -> vector<16xf32>
      %mul3A_818 = arith.mulf %bitcast_convert_type3A_817, %bitcast_convert_type3A_378 : vector<16xf32>
      %add3A_819 = arith.addf %add3A_755, %mul3A_818 : vector<16xf32>
      %mul3A_820 = arith.mulf %get3A_809, %get3A_809 : vector<16xf32>
      %add3A_821 = arith.addf %add3A_757, %mul3A_820 : vector<16xf32>
      %get3A_822 = arith.index_cast %add3A_437 : i32 to index
      %get3A_823 = arith.constant 368 : index
      %get3A_824 = tpu.vector_load %arg7[%get3A_822, %get3A_823] {strides = array<i32>} : memref<32x384xf32, #tpu.memory_space<vmem>>, vector<1x16xf32>,
      %get3A_825 = vector.shape_cast %get3A_824 : vector<1x16xf32> to vector<16xf32>
      %bitcast_convert_type3A_826 = tpu.bitcast %get3A_825 : vector<16xf32> -> vector<16xi32>
      %add3A_827 = arith.constant 32768 : i32
      %add3A_828 = vector.broadcast %add3A_827 : i32 to vector<16xi32>
      %add3A_829 = arith.addi %bitcast_convert_type3A_826, %add3A_828 : vector<16xi32>
      %and3A_830 = arith.constant -65536 : i32
      %and3A_831 = vector.broadcast %and3A_830 : i32 to vector<16xi32>
      %and3A_832 = arith.andi %add3A_829, %and3A_831 : vector<16xi32>
      %bitcast_convert_type3A_833 = tpu.bitcast %and3A_832 : vector<16xi32> -> vector<16xf32>
      %mul3A_834 = arith.mulf %bitcast_convert_type3A_833, %bitcast_convert_type3A_386 : vector<16xf32>
      %add3A_835 = arith.addf %add3A_771, %mul3A_834 : vector<16xf32>
      %mul3A_836 = arith.mulf %get3A_825, %get3A_825 : vector<16xf32>
      %add3A_837 = arith.addf %add3A_773, %mul3A_836 : vector<16xf32>
      %add3A_838 = arith.addf %add3A_787, %add3A_803 : vector<16xf32>
      %add3A_839 = arith.addf %add3A_819, %add3A_835 : vector<16xf32>
      %add3A_840 = arith.addf %add3A_838, %add3A_839 : vector<16xf32>
      %xor3A_841 = arith.constant 1 : i32
      %xor3A_842 = vector.broadcast %xor3A_841 : i32 to vector<16xi32>
      %xor3A_843 = arith.xori %iota3A, %xor3A_842 : vector<16xi32>
      %broadcast_in_dim3A_844 = vector.shape_cast %xor3A_843 : vector<16xi32> to vector<16x1xi32>
      %gather3A_845 = vector.shape_cast %broadcast_in_dim3A_844 : vector<16x1xi32> to vector<16xi32>
      %gather3A_846 = tpu.dynamic_gather %add3A_840[%gather3A_845] in [0] : vector<16xf32>, vector<16xi32> -> vector<16xf32>
      %add3A_847 = arith.addf %add3A_840, %gather3A_846 : vector<16xf32>
      %xor3A_848 = arith.constant 2 : i32
      %xor3A_849 = vector.broadcast %xor3A_848 : i32 to vector<16xi32>
      %xor3A_850 = arith.xori %iota3A, %xor3A_849 : vector<16xi32>
      %broadcast_in_dim3A_851 = vector.shape_cast %xor3A_850 : vector<16xi32> to vector<16x1xi32>
      %gather3A_852 = vector.shape_cast %broadcast_in_dim3A_851 : vector<16x1xi32> to vector<16xi32>
      %gather3A_853 = tpu.dynamic_gather %add3A_847[%gather3A_852] in [0] : vector<16xf32>, vector<16xi32> -> vector<16xf32>
      %add3A_854 = arith.addf %add3A_847, %gather3A_853 : vector<16xf32>
      %xor3A_855 = arith.constant 4 : i32
      %xor3A_856 = vector.broadcast %xor3A_855 : i32 to vector<16xi32>
      %xor3A_857 = arith.xori %iota3A, %xor3A_856 : vector<16xi32>
      %broadcast_in_dim3A_858 = vector.shape_cast %xor3A_857 : vector<16xi32> to vector<16x1xi32>
      %gather3A_859 = vector.shape_cast %broadcast_in_dim3A_858 : vector<16x1xi32> to vector<16xi32>
      %gather3A_860 = tpu.dynamic_gather %add3A_854[%gather3A_859] in [0] : vector<16xf32>, vector<16xi32> -> vector<16xf32>
      %add3A_861 = arith.addf %add3A_854, %gather3A_860 : vector<16xf32>
      %xor3A_862 = arith.constant 8 : i32
      %xor3A_863 = vector.broadcast %xor3A_862 : i32 to vector<16xi32>
      %xor3A_864 = arith.xori %iota3A, %xor3A_863 : vector<16xi32>
      %broadcast_in_dim3A_865 = vector.shape_cast %xor3A_864 : vector<16xi32> to vector<16x1xi32>
      %gather3A_866 = vector.shape_cast %broadcast_in_dim3A_865 : vector<16x1xi32> to vector<16xi32>
      %gather3A_867 = tpu.dynamic_gather %add3A_861[%gather3A_866] in [0] : vector<16xf32>, vector<16xi32> -> vector<16xf32>
      %add3A_868 = arith.addf %add3A_861, %gather3A_867 : vector<16xf32>
      %add3A_869 = arith.addf %add3A_789, %add3A_805 : vector<16xf32>
      %add3A_870 = arith.addf %add3A_821, %add3A_837 : vector<16xf32>
      %add3A_871 = arith.addf %add3A_869, %add3A_870 : vector<16xf32>
      %xor3A_872 = arith.constant 1 : i32
      %xor3A_873 = vector.broadcast %xor3A_872 : i32 to vector<16xi32>
      %xor3A_874 = arith.xori %iota3A, %xor3A_873 : vector<16xi32>
      %broadcast_in_dim3A_875 = vector.shape_cast %xor3A_874 : vector<16xi32> to vector<16x1xi32>
      %gather3A_876 = vector.shape_cast %broadcast_in_dim3A_875 : vector<16x1xi32> to vector<16xi32>
      %gather3A_877 = tpu.dynamic_gather %add3A_871[%gather3A_876] in [0] : vector<16xf32>, vector<16xi32> -> vector<16xf32>
      %add3A_878 = arith.addf %add3A_871, %gather3A_877 : vector<16xf32>
      %xor3A_879 = arith.constant 2 : i32
      %xor3A_880 = vector.broadcast %xor3A_879 : i32 to vector<16xi32>
      %xor3A_881 = arith.xori %iota3A, %xor3A_880 : vector<16xi32>
      %broadcast_in_dim3A_882 = vector.shape_cast %xor3A_881 : vector<16xi32> to vector<16x1xi32>
      %gather3A_883 = vector.shape_cast %broadcast_in_dim3A_882 : vector<16x1xi32> to vector<16xi32>
      %gather3A_884 = tpu.dynamic_gather %add3A_878[%gather3A_883] in [0] : vector<16xf32>, vector<16xi32> -> vector<16xf32>
      %add3A_885 = arith.addf %add3A_878, %gather3A_884 : vector<16xf32>
      %xor3A_886 = arith.constant 4 : i32
      %xor3A_887 = vector.broadcast %xor3A_886 : i32 to vector<16xi32>
      %xor3A_888 = arith.xori %iota3A, %xor3A_887 : vector<16xi32>
      %broadcast_in_dim3A_889 = vector.shape_cast %xor3A_888 : vector<16xi32> to vector<16x1xi32>
      %gather3A_890 = vector.shape_cast %broadcast_in_dim3A_889 : vector<16x1xi32> to vector<16xi32>
      %gather3A_891 = tpu.dynamic_gather %add3A_885[%gather3A_890] in [0] : vector<16xf32>, vector<16xi32> -> vector<16xf32>
      %add3A_892 = arith.addf %add3A_885, %gather3A_891 : vector<16xf32>
      %xor3A_893 = arith.constant 8 : i32
      %xor3A_894 = vector.broadcast %xor3A_893 : i32 to vector<16xi32>
      %xor3A_895 = arith.xori %iota3A, %xor3A_894 : vector<16xi32>
      %broadcast_in_dim3A_896 = vector.shape_cast %xor3A_895 : vector<16xi32> to vector<16x1xi32>
      %gather3A_897 = vector.shape_cast %broadcast_in_dim3A_896 : vector<16x1xi32> to vector<16xi32>
      %gather3A_898 = tpu.dynamic_gather %add3A_892[%gather3A_897] in [0] : vector<16xf32>, vector<16xi32> -> vector<16xf32>
      %add3A_899 = arith.addf %add3A_892, %gather3A_898 : vector<16xf32>
      %add3A_900 = arith.constant 1 : i32
      %add3A_901 = arith.addi %mul3A_435, %add3A_900 : i32
      %broadcast_in_dim3A_902 = arith.constant 0.000000e+00 : f32
      %broadcast_in_dim3A_903 = vector.broadcast %broadcast_in_dim3A_902 : f32 to vector<16xf32>
      %broadcast_in_dim3A_904 = arith.constant 0.000000e+00 : f32
      %broadcast_in_dim3A_905 = vector.broadcast %broadcast_in_dim3A_904 : f32 to vector<16xf32>
      %broadcast_in_dim3A_906 = arith.constant 0.000000e+00 : f32
      %broadcast_in_dim3A_907 = vector.broadcast %broadcast_in_dim3A_906 : f32 to vector<16xf32>
      %broadcast_in_dim3A_908 = arith.constant 0.000000e+00 : f32
      %broadcast_in_dim3A_909 = vector.broadcast %broadcast_in_dim3A_908 : f32 to vector<16xf32>
      %broadcast_in_dim3A_910 = arith.constant 0.000000e+00 : f32
      %broadcast_in_dim3A_911 = vector.broadcast %broadcast_in_dim3A_910 : f32 to vector<16xf32>
      %broadcast_in_dim3A_912 = arith.constant 0.000000e+00 : f32
      %broadcast_in_dim3A_913 = vector.broadcast %broadcast_in_dim3A_912 : f32 to vector<16xf32>
      %broadcast_in_dim3A_914 = arith.constant 0.000000e+00 : f32
      %broadcast_in_dim3A_915 = vector.broadcast %broadcast_in_dim3A_914 : f32 to vector<16xf32>
      %broadcast_in_dim3A_916 = arith.constant 0.000000e+00 : f32
      %broadcast_in_dim3A_917 = vector.broadcast %broadcast_in_dim3A_916 : f32 to vector<16xf32>
      %get3A_918 = arith.index_cast %add3A_901 : i32 to index
      %get3A_919 = arith.constant 0 : index
      %get3A_920 = tpu.vector_load %arg7[%get3A_918, %get3A_919] {strides = array<i32>} : memref<32x384xf32, #tpu.memory_space<vmem>>, vector<1x16xf32>,
      %get3A_921 = vector.shape_cast %get3A_920 : vector<1x16xf32> to vector<16xf32>
      %bitcast_convert_type3A_922 = tpu.bitcast %get3A_921 : vector<16xf32> -> vector<16xi32>
      %add3A_923 = arith.constant 32768 : i32
      %add3A_924 = vector.broadcast %add3A_923 : i32 to vector<16xi32>
      %add3A_925 = arith.addi %bitcast_convert_type3A_922, %add3A_924 : vector<16xi32>
      %and3A_926 = arith.constant -65536 : i32
      %and3A_927 = vector.broadcast %and3A_926 : i32 to vector<16xi32>
      %and3A_928 = arith.andi %add3A_925, %and3A_927 : vector<16xi32>
      %bitcast_convert_type3A_929 = tpu.bitcast %and3A_928 : vector<16xi32> -> vector<16xf32>
      %mul3A_930 = arith.mulf %bitcast_convert_type3A_929, %bitcast_convert_type3A_202 : vector<16xf32>
      %add3A_931 = arith.addf %broadcast_in_dim3A_903, %mul3A_930 : vector<16xf32>
      %mul3A_932 = arith.mulf %get3A_921, %get3A_921 : vector<16xf32>
      %add3A_933 = arith.addf %broadcast_in_dim3A_911, %mul3A_932 : vector<16xf32>
      %get3A_934 = arith.index_cast %add3A_901 : i32 to index
      %get3A_935 = arith.constant 16 : index
      %get3A_936 = tpu.vector_load %arg7[%get3A_934, %get3A_935] {strides = array<i32>} : memref<32x384xf32, #tpu.memory_space<vmem>>, vector<1x16xf32>,
      %get3A_937 = vector.shape_cast %get3A_936 : vector<1x16xf32> to vector<16xf32>
      %bitcast_convert_type3A_938 = tpu.bitcast %get3A_937 : vector<16xf32> -> vector<16xi32>
      %add3A_939 = arith.constant 32768 : i32
      %add3A_940 = vector.broadcast %add3A_939 : i32 to vector<16xi32>
      %add3A_941 = arith.addi %bitcast_convert_type3A_938, %add3A_940 : vector<16xi32>
      %and3A_942 = arith.constant -65536 : i32
      %and3A_943 = vector.broadcast %and3A_942 : i32 to vector<16xi32>
      %and3A_944 = arith.andi %add3A_941, %and3A_943 : vector<16xi32>
      %bitcast_convert_type3A_945 = tpu.bitcast %and3A_944 : vector<16xi32> -> vector<16xf32>
      %mul3A_946 = arith.mulf %bitcast_convert_type3A_945, %bitcast_convert_type3A_210 : vector<16xf32>
      %add3A_947 = arith.addf %broadcast_in_dim3A_905, %mul3A_946 : vector<16xf32>
      %mul3A_948 = arith.mulf %get3A_937, %get3A_937 : vector<16xf32>
      %add3A_949 = arith.addf %broadcast_in_dim3A_913, %mul3A_948 : vector<16xf32>
      %get3A_950 = arith.index_cast %add3A_901 : i32 to index
      %get3A_951 = arith.constant 32 : index
      %get3A_952 = tpu.vector_load %arg7[%get3A_950, %get3A_951] {strides = array<i32>} : memref<32x384xf32, #tpu.memory_space<vmem>>, vector<1x16xf32>,
      %get3A_953 = vector.shape_cast %get3A_952 : vector<1x16xf32> to vector<16xf32>
      %bitcast_convert_type3A_954 = tpu.bitcast %get3A_953 : vector<16xf32> -> vector<16xi32>
      %add3A_955 = arith.constant 32768 : i32
      %add3A_956 = vector.broadcast %add3A_955 : i32 to vector<16xi32>
      %add3A_957 = arith.addi %bitcast_convert_type3A_954, %add3A_956 : vector<16xi32>
      %and3A_958 = arith.constant -65536 : i32
      %and3A_959 = vector.broadcast %and3A_958 : i32 to vector<16xi32>
      %and3A_960 = arith.andi %add3A_957, %and3A_959 : vector<16xi32>
      %bitcast_convert_type3A_961 = tpu.bitcast %and3A_960 : vector<16xi32> -> vector<16xf32>
      %mul3A_962 = arith.mulf %bitcast_convert_type3A_961, %bitcast_convert_type3A_218 : vector<16xf32>
      %add3A_963 = arith.addf %broadcast_in_dim3A_907, %mul3A_962 : vector<16xf32>
      %mul3A_964 = arith.mulf %get3A_953, %get3A_953 : vector<16xf32>
      %add3A_965 = arith.addf %broadcast_in_dim3A_915, %mul3A_964 : vector<16xf32>
      %get3A_966 = arith.index_cast %add3A_901 : i32 to index
      %get3A_967 = arith.constant 48 : index
      %get3A_968 = tpu.vector_load %arg7[%get3A_966, %get3A_967] {strides = array<i32>} : memref<32x384xf32, #tpu.memory_space<vmem>>, vector<1x16xf32>,
      %get3A_969 = vector.shape_cast %get3A_968 : vector<1x16xf32> to vector<16xf32>
      %bitcast_convert_type3A_970 = tpu.bitcast %get3A_969 : vector<16xf32> -> vector<16xi32>
      %add3A_971 = arith.constant 32768 : i32
      %add3A_972 = vector.broadcast %add3A_971 : i32 to vector<16xi32>
      %add3A_973 = arith.addi %bitcast_convert_type3A_970, %add3A_972 : vector<16xi32>
      %and3A_974 = arith.constant -65536 : i32
      %and3A_975 = vector.broadcast %and3A_974 : i32 to vector<16xi32>
      %and3A_976 = arith.andi %add3A_973, %and3A_975 : vector<16xi32>
      %bitcast_convert_type3A_977 = tpu.bitcast %and3A_976 : vector<16xi32> -> vector<16xf32>
      %mul3A_978 = arith.mulf %bitcast_convert_type3A_977, %bitcast_convert_type3A_226 : vector<16xf32>
      %add3A_979 = arith.addf %broadcast_in_dim3A_909, %mul3A_978 : vector<16xf32>
      %mul3A_980 = arith.mulf %get3A_969, %get3A_969 : vector<16xf32>
      %add3A_981 = arith.addf %broadcast_in_dim3A_917, %mul3A_980 : vector<16xf32>
      %get3A_982 = arith.index_cast %add3A_901 : i32 to index
      %get3A_983 = arith.constant 64 : index
      %get3A_984 = tpu.vector_load %arg7[%get3A_982, %get3A_983] {strides = array<i32>} : memref<32x384xf32, #tpu.memory_space<vmem>>, vector<1x16xf32>,
      %get3A_985 = vector.shape_cast %get3A_984 : vector<1x16xf32> to vector<16xf32>
      %bitcast_convert_type3A_986 = tpu.bitcast %get3A_985 : vector<16xf32> -> vector<16xi32>
      %add3A_987 = arith.constant 32768 : i32
      %add3A_988 = vector.broadcast %add3A_987 : i32 to vector<16xi32>
      %add3A_989 = arith.addi %bitcast_convert_type3A_986, %add3A_988 : vector<16xi32>
      %and3A_990 = arith.constant -65536 : i32
      %and3A_991 = vector.broadcast %and3A_990 : i32 to vector<16xi32>
      %and3A_992 = arith.andi %add3A_989, %and3A_991 : vector<16xi32>
      %bitcast_convert_type3A_993 = tpu.bitcast %and3A_992 : vector<16xi32> -> vector<16xf32>
      %mul3A_994 = arith.mulf %bitcast_convert_type3A_993, %bitcast_convert_type3A_234 : vector<16xf32>
      %add3A_995 = arith.addf %add3A_931, %mul3A_994 : vector<16xf32>
      %mul3A_996 = arith.mulf %get3A_985, %get3A_985 : vector<16xf32>
      %add3A_997 = arith.addf %add3A_933, %mul3A_996 : vector<16xf32>
      %get3A_998 = arith.index_cast %add3A_901 : i32 to index
      %get3A_999 = arith.constant 80 : index
      %get3A_1000 = tpu.vector_load %arg7[%get3A_998, %get3A_999] {strides = array<i32>} : memref<32x384xf32, #tpu.memory_space<vmem>>, vector<1x16xf32>,
      %get3A_1001 = vector.shape_cast %get3A_1000 : vector<1x16xf32> to vector<16xf32>
      %bitcast_convert_type3A_1002 = tpu.bitcast %get3A_1001 : vector<16xf32> -> vector<16xi32>
      %add3A_1003 = arith.constant 32768 : i32
      %add3A_1004 = vector.broadcast %add3A_1003 : i32 to vector<16xi32>
      %add3A_1005 = arith.addi %bitcast_convert_type3A_1002, %add3A_1004 : vector<16xi32>
      %and3A_1006 = arith.constant -65536 : i32
      %and3A_1007 = vector.broadcast %and3A_1006 : i32 to vector<16xi32>
      %and3A_1008 = arith.andi %add3A_1005, %and3A_1007 : vector<16xi32>
      %bitcast_convert_type3A_1009 = tpu.bitcast %and3A_1008 : vector<16xi32> -> vector<16xf32>
      %mul3A_1010 = arith.mulf %bitcast_convert_type3A_1009, %bitcast_convert_type3A_242 : vector<16xf32>
      %add3A_1011 = arith.addf %add3A_947, %mul3A_1010 : vector<16xf32>
      %mul3A_1012 = arith.mulf %get3A_1001, %get3A_1001 : vector<16xf32>
      %add3A_1013 = arith.addf %add3A_949, %mul3A_1012 : vector<16xf32>
      %get3A_1014 = arith.index_cast %add3A_901 : i32 to index
      %get3A_1015 = arith.constant 96 : index
      %get3A_1016 = tpu.vector_load %arg7[%get3A_1014, %get3A_1015] {strides = array<i32>} : memref<32x384xf32, #tpu.memory_space<vmem>>, vector<1x16xf32>,
      %get3A_1017 = vector.shape_cast %get3A_1016 : vector<1x16xf32> to vector<16xf32>
      %bitcast_convert_type3A_1018 = tpu.bitcast %get3A_1017 : vector<16xf32> -> vector<16xi32>
      %add3A_1019 = arith.constant 32768 : i32
      %add3A_1020 = vector.broadcast %add3A_1019 : i32 to vector<16xi32>
      %add3A_1021 = arith.addi %bitcast_convert_type3A_1018, %add3A_1020 : vector<16xi32>
      %and3A_1022 = arith.constant -65536 : i32
      %and3A_1023 = vector.broadcast %and3A_1022 : i32 to vector<16xi32>
      %and3A_1024 = arith.andi %add3A_1021, %and3A_1023 : vector<16xi32>
      %bitcast_convert_type3A_1025 = tpu.bitcast %and3A_1024 : vector<16xi32> -> vector<16xf32>
      %mul3A_1026 = arith.mulf %bitcast_convert_type3A_1025, %bitcast_convert_type3A_250 : vector<16xf32>
      %add3A_1027 = arith.addf %add3A_963, %mul3A_1026 : vector<16xf32>
      %mul3A_1028 = arith.mulf %get3A_1017, %get3A_1017 : vector<16xf32>
      %add3A_1029 = arith.addf %add3A_965, %mul3A_1028 : vector<16xf32>
      %get3A_1030 = arith.index_cast %add3A_901 : i32 to index
      %get3A_1031 = arith.constant 112 : index
      %get3A_1032 = tpu.vector_load %arg7[%get3A_1030, %get3A_1031] {strides = array<i32>} : memref<32x384xf32, #tpu.memory_space<vmem>>, vector<1x16xf32>,
      %get3A_1033 = vector.shape_cast %get3A_1032 : vector<1x16xf32> to vector<16xf32>
      %bitcast_convert_type3A_1034 = tpu.bitcast %get3A_1033 : vector<16xf32> -> vector<16xi32>
      %add3A_1035 = arith.constant 32768 : i32
      %add3A_1036 = vector.broadcast %add3A_1035 : i32 to vector<16xi32>
      %add3A_1037 = arith.addi %bitcast_convert_type3A_1034, %add3A_1036 : vector<16xi32>
      %and3A_1038 = arith.constant -65536 : i32
      %and3A_1039 = vector.broadcast %and3A_1038 : i32 to vector<16xi32>
      %and3A_1040 = arith.andi %add3A_1037, %and3A_1039 : vector<16xi32>
      %bitcast_convert_type3A_1041 = tpu.bitcast %and3A_1040 : vector<16xi32> -> vector<16xf32>
      %mul3A_1042 = arith.mulf %bitcast_convert_type3A_1041, %bitcast_convert_type3A_258 : vector<16xf32>
      %add3A_1043 = arith.addf %add3A_979, %mul3A_1042 : vector<16xf32>
      %mul3A_1044 = arith.mulf %get3A_1033, %get3A_1033 : vector<16xf32>
      %add3A_1045 = arith.addf %add3A_981, %mul3A_1044 : vector<16xf32>
      %get3A_1046 = arith.index_cast %add3A_901 : i32 to index
      %get3A_1047 = arith.constant 128 : index
      %get3A_1048 = tpu.vector_load %arg7[%get3A_1046, %get3A_1047] {strides = array<i32>} : memref<32x384xf32, #tpu.memory_space<vmem>>, vector<1x16xf32>,
      %get3A_1049 = vector.shape_cast %get3A_1048 : vector<1x16xf32> to vector<16xf32>
      %bitcast_convert_type3A_1050 = tpu.bitcast %get3A_1049 : vector<16xf32> -> vector<16xi32>
      %add3A_1051 = arith.constant 32768 : i32
      %add3A_1052 = vector.broadcast %add3A_1051 : i32 to vector<16xi32>
      %add3A_1053 = arith.addi %bitcast_convert_type3A_1050, %add3A_1052 : vector<16xi32>
      %and3A_1054 = arith.constant -65536 : i32
      %and3A_1055 = vector.broadcast %and3A_1054 : i32 to vector<16xi32>
      %and3A_1056 = arith.andi %add3A_1053, %and3A_1055 : vector<16xi32>
      %bitcast_convert_type3A_1057 = tpu.bitcast %and3A_1056 : vector<16xi32> -> vector<16xf32>
      %mul3A_1058 = arith.mulf %bitcast_convert_type3A_1057, %bitcast_convert_type3A_266 : vector<16xf32>
      %add3A_1059 = arith.addf %add3A_995, %mul3A_1058 : vector<16xf32>
      %mul3A_1060 = arith.mulf %get3A_1049, %get3A_1049 : vector<16xf32>
      %add3A_1061 = arith.addf %add3A_997, %mul3A_1060 : vector<16xf32>
      %get3A_1062 = arith.index_cast %add3A_901 : i32 to index
      %get3A_1063 = arith.constant 144 : index
      %get3A_1064 = tpu.vector_load %arg7[%get3A_1062, %get3A_1063] {strides = array<i32>} : memref<32x384xf32, #tpu.memory_space<vmem>>, vector<1x16xf32>,
      %get3A_1065 = vector.shape_cast %get3A_1064 : vector<1x16xf32> to vector<16xf32>
      %bitcast_convert_type3A_1066 = tpu.bitcast %get3A_1065 : vector<16xf32> -> vector<16xi32>
      %add3A_1067 = arith.constant 32768 : i32
      %add3A_1068 = vector.broadcast %add3A_1067 : i32 to vector<16xi32>
      %add3A_1069 = arith.addi %bitcast_convert_type3A_1066, %add3A_1068 : vector<16xi32>
      %and3A_1070 = arith.constant -65536 : i32
      %and3A_1071 = vector.broadcast %and3A_1070 : i32 to vector<16xi32>
      %and3A_1072 = arith.andi %add3A_1069, %and3A_1071 : vector<16xi32>
      %bitcast_convert_type3A_1073 = tpu.bitcast %and3A_1072 : vector<16xi32> -> vector<16xf32>
      %mul3A_1074 = arith.mulf %bitcast_convert_type3A_1073, %bitcast_convert_type3A_274 : vector<16xf32>
      %add3A_1075 = arith.addf %add3A_1011, %mul3A_1074 : vector<16xf32>
      %mul3A_1076 = arith.mulf %get3A_1065, %get3A_1065 : vector<16xf32>
      %add3A_1077 = arith.addf %add3A_1013, %mul3A_1076 : vector<16xf32>
      %get3A_1078 = arith.index_cast %add3A_901 : i32 to index
      %get3A_1079 = arith.constant 160 : index
      %get3A_1080 = tpu.vector_load %arg7[%get3A_1078, %get3A_1079] {strides = array<i32>} : memref<32x384xf32, #tpu.memory_space<vmem>>, vector<1x16xf32>,
      %get3A_1081 = vector.shape_cast %get3A_1080 : vector<1x16xf32> to vector<16xf32>
      %bitcast_convert_type3A_1082 = tpu.bitcast %get3A_1081 : vector<16xf32> -> vector<16xi32>
      %add3A_1083 = arith.constant 32768 : i32
      %add3A_1084 = vector.broadcast %add3A_1083 : i32 to vector<16xi32>
      %add3A_1085 = arith.addi %bitcast_convert_type3A_1082, %add3A_1084 : vector<16xi32>
      %and3A_1086 = arith.constant -65536 : i32
      %and3A_1087 = vector.broadcast %and3A_1086 : i32 to vector<16xi32>
      %and3A_1088 = arith.andi %add3A_1085, %and3A_1087 : vector<16xi32>
      %bitcast_convert_type3A_1089 = tpu.bitcast %and3A_1088 : vector<16xi32> -> vector<16xf32>
      %mul3A_1090 = arith.mulf %bitcast_convert_type3A_1089, %bitcast_convert_type3A_282 : vector<16xf32>
      %add3A_1091 = arith.addf %add3A_1027, %mul3A_1090 : vector<16xf32>
      %mul3A_1092 = arith.mulf %get3A_1081, %get3A_1081 : vector<16xf32>
      %add3A_1093 = arith.addf %add3A_1029, %mul3A_1092 : vector<16xf32>
      %get3A_1094 = arith.index_cast %add3A_901 : i32 to index
      %get3A_1095 = arith.constant 176 : index
      %get3A_1096 = tpu.vector_load %arg7[%get3A_1094, %get3A_1095] {strides = array<i32>} : memref<32x384xf32, #tpu.memory_space<vmem>>, vector<1x16xf32>,
      %get3A_1097 = vector.shape_cast %get3A_1096 : vector<1x16xf32> to vector<16xf32>
      %bitcast_convert_type3A_1098 = tpu.bitcast %get3A_1097 : vector<16xf32> -> vector<16xi32>
      %add3A_1099 = arith.constant 32768 : i32
      %add3A_1100 = vector.broadcast %add3A_1099 : i32 to vector<16xi32>
      %add3A_1101 = arith.addi %bitcast_convert_type3A_1098, %add3A_1100 : vector<16xi32>
      %and3A_1102 = arith.constant -65536 : i32
      %and3A_1103 = vector.broadcast %and3A_1102 : i32 to vector<16xi32>
      %and3A_1104 = arith.andi %add3A_1101, %and3A_1103 : vector<16xi32>
      %bitcast_convert_type3A_1105 = tpu.bitcast %and3A_1104 : vector<16xi32> -> vector<16xf32>
      %mul3A_1106 = arith.mulf %bitcast_convert_type3A_1105, %bitcast_convert_type3A_290 : vector<16xf32>
      %add3A_1107 = arith.addf %add3A_1043, %mul3A_1106 : vector<16xf32>
      %mul3A_1108 = arith.mulf %get3A_1097, %get3A_1097 : vector<16xf32>
      %add3A_1109 = arith.addf %add3A_1045, %mul3A_1108 : vector<16xf32>
      %get3A_1110 = arith.index_cast %add3A_901 : i32 to index
      %get3A_1111 = arith.constant 192 : index
      %get3A_1112 = tpu.vector_load %arg7[%get3A_1110, %get3A_1111] {strides = array<i32>} : memref<32x384xf32, #tpu.memory_space<vmem>>, vector<1x16xf32>,
      %get3A_1113 = vector.shape_cast %get3A_1112 : vector<1x16xf32> to vector<16xf32>
      %bitcast_convert_type3A_1114 = tpu.bitcast %get3A_1113 : vector<16xf32> -> vector<16xi32>
      %add3A_1115 = arith.constant 32768 : i32
      %add3A_1116 = vector.broadcast %add3A_1115 : i32 to vector<16xi32>
      %add3A_1117 = arith.addi %bitcast_convert_type3A_1114, %add3A_1116 : vector<16xi32>
      %and3A_1118 = arith.constant -65536 : i32
      %and3A_1119 = vector.broadcast %and3A_1118 : i32 to vector<16xi32>
      %and3A_1120 = arith.andi %add3A_1117, %and3A_1119 : vector<16xi32>
      %bitcast_convert_type3A_1121 = tpu.bitcast %and3A_1120 : vector<16xi32> -> vector<16xf32>
      %mul3A_1122 = arith.mulf %bitcast_convert_type3A_1121, %bitcast_convert_type3A_298 : vector<16xf32>
      %add3A_1123 = arith.addf %add3A_1059, %mul3A_1122 : vector<16xf32>
      %mul3A_1124 = arith.mulf %get3A_1113, %get3A_1113 : vector<16xf32>
      %add3A_1125 = arith.addf %add3A_1061, %mul3A_1124 : vector<16xf32>
      %get3A_1126 = arith.index_cast %add3A_901 : i32 to index
      %get3A_1127 = arith.constant 208 : index
      %get3A_1128 = tpu.vector_load %arg7[%get3A_1126, %get3A_1127] {strides = array<i32>} : memref<32x384xf32, #tpu.memory_space<vmem>>, vector<1x16xf32>,
      %get3A_1129 = vector.shape_cast %get3A_1128 : vector<1x16xf32> to vector<16xf32>
      %bitcast_convert_type3A_1130 = tpu.bitcast %get3A_1129 : vector<16xf32> -> vector<16xi32>
      %add3A_1131 = arith.constant 32768 : i32
      %add3A_1132 = vector.broadcast %add3A_1131 : i32 to vector<16xi32>
      %add3A_1133 = arith.addi %bitcast_convert_type3A_1130, %add3A_1132 : vector<16xi32>
      %and3A_1134 = arith.constant -65536 : i32
      %and3A_1135 = vector.broadcast %and3A_1134 : i32 to vector<16xi32>
      %and3A_1136 = arith.andi %add3A_1133, %and3A_1135 : vector<16xi32>
      %bitcast_convert_type3A_1137 = tpu.bitcast %and3A_1136 : vector<16xi32> -> vector<16xf32>
      %mul3A_1138 = arith.mulf %bitcast_convert_type3A_1137, %bitcast_convert_type3A_306 : vector<16xf32>
      %add3A_1139 = arith.addf %add3A_1075, %mul3A_1138 : vector<16xf32>
      %mul3A_1140 = arith.mulf %get3A_1129, %get3A_1129 : vector<16xf32>
      %add3A_1141 = arith.addf %add3A_1077, %mul3A_1140 : vector<16xf32>
      %get3A_1142 = arith.index_cast %add3A_901 : i32 to index
      %get3A_1143 = arith.constant 224 : index
      %get3A_1144 = tpu.vector_load %arg7[%get3A_1142, %get3A_1143] {strides = array<i32>} : memref<32x384xf32, #tpu.memory_space<vmem>>, vector<1x16xf32>,
      %get3A_1145 = vector.shape_cast %get3A_1144 : vector<1x16xf32> to vector<16xf32>
      %bitcast_convert_type3A_1146 = tpu.bitcast %get3A_1145 : vector<16xf32> -> vector<16xi32>
      %add3A_1147 = arith.constant 32768 : i32
      %add3A_1148 = vector.broadcast %add3A_1147 : i32 to vector<16xi32>
      %add3A_1149 = arith.addi %bitcast_convert_type3A_1146, %add3A_1148 : vector<16xi32>
      %and3A_1150 = arith.constant -65536 : i32
      %and3A_1151 = vector.broadcast %and3A_1150 : i32 to vector<16xi32>
      %and3A_1152 = arith.andi %add3A_1149, %and3A_1151 : vector<16xi32>
      %bitcast_convert_type3A_1153 = tpu.bitcast %and3A_1152 : vector<16xi32> -> vector<16xf32>
      %mul3A_1154 = arith.mulf %bitcast_convert_type3A_1153, %bitcast_convert_type3A_314 : vector<16xf32>
      %add3A_1155 = arith.addf %add3A_1091, %mul3A_1154 : vector<16xf32>
      %mul3A_1156 = arith.mulf %get3A_1145, %get3A_1145 : vector<16xf32>
      %add3A_1157 = arith.addf %add3A_1093, %mul3A_1156 : vector<16xf32>
      %get3A_1158 = arith.index_cast %add3A_901 : i32 to index
      %get3A_1159 = arith.constant 240 : index
      %get3A_1160 = tpu.vector_load %arg7[%get3A_1158, %get3A_1159] {strides = array<i32>} : memref<32x384xf32, #tpu.memory_space<vmem>>, vector<1x16xf32>,
      %get3A_1161 = vector.shape_cast %get3A_1160 : vector<1x16xf32> to vector<16xf32>
      %bitcast_convert_type3A_1162 = tpu.bitcast %get3A_1161 : vector<16xf32> -> vector<16xi32>
      %add3A_1163 = arith.constant 32768 : i32
      %add3A_1164 = vector.broadcast %add3A_1163 : i32 to vector<16xi32>
      %add3A_1165 = arith.addi %bitcast_convert_type3A_1162, %add3A_1164 : vector<16xi32>
      %and3A_1166 = arith.constant -65536 : i32
      %and3A_1167 = vector.broadcast %and3A_1166 : i32 to vector<16xi32>
      %and3A_1168 = arith.andi %add3A_1165, %and3A_1167 : vector<16xi32>
      %bitcast_convert_type3A_1169 = tpu.bitcast %and3A_1168 : vector<16xi32> -> vector<16xf32>
      %mul3A_1170 = arith.mulf %bitcast_convert_type3A_1169, %bitcast_convert_type3A_322 : vector<16xf32>
      %add3A_1171 = arith.addf %add3A_1107, %mul3A_1170 : vector<16xf32>
      %mul3A_1172 = arith.mulf %get3A_1161, %get3A_1161 : vector<16xf32>
      %add3A_1173 = arith.addf %add3A_1109, %mul3A_1172 : vector<16xf32>
      %get3A_1174 = arith.index_cast %add3A_901 : i32 to index
      %get3A_1175 = arith.constant 256 : index
      %get3A_1176 = tpu.vector_load %arg7[%get3A_1174, %get3A_1175] {strides = array<i32>} : memref<32x384xf32, #tpu.memory_space<vmem>>, vector<1x16xf32>,
      %get3A_1177 = vector.shape_cast %get3A_1176 : vector<1x16xf32> to vector<16xf32>
      %bitcast_convert_type3A_1178 = tpu.bitcast %get3A_1177 : vector<16xf32> -> vector<16xi32>
      %add3A_1179 = arith.constant 32768 : i32
      %add3A_1180 = vector.broadcast %add3A_1179 : i32 to vector<16xi32>
      %add3A_1181 = arith.addi %bitcast_convert_type3A_1178, %add3A_1180 : vector<16xi32>
      %and3A_1182 = arith.constant -65536 : i32
      %and3A_1183 = vector.broadcast %and3A_1182 : i32 to vector<16xi32>
      %and3A_1184 = arith.andi %add3A_1181, %and3A_1183 : vector<16xi32>
      %bitcast_convert_type3A_1185 = tpu.bitcast %and3A_1184 : vector<16xi32> -> vector<16xf32>
      %mul3A_1186 = arith.mulf %bitcast_convert_type3A_1185, %bitcast_convert_type3A_330 : vector<16xf32>
      %add3A_1187 = arith.addf %add3A_1123, %mul3A_1186 : vector<16xf32>
      %mul3A_1188 = arith.mulf %get3A_1177, %get3A_1177 : vector<16xf32>
      %add3A_1189 = arith.addf %add3A_1125, %mul3A_1188 : vector<16xf32>
      %get3A_1190 = arith.index_cast %add3A_901 : i32 to index
      %get3A_1191 = arith.constant 272 : index
      %get3A_1192 = tpu.vector_load %arg7[%get3A_1190, %get3A_1191] {strides = array<i32>} : memref<32x384xf32, #tpu.memory_space<vmem>>, vector<1x16xf32>,
      %get3A_1193 = vector.shape_cast %get3A_1192 : vector<1x16xf32> to vector<16xf32>
      %bitcast_convert_type3A_1194 = tpu.bitcast %get3A_1193 : vector<16xf32> -> vector<16xi32>
      %add3A_1195 = arith.constant 32768 : i32
      %add3A_1196 = vector.broadcast %add3A_1195 : i32 to vector<16xi32>
      %add3A_1197 = arith.addi %bitcast_convert_type3A_1194, %add3A_1196 : vector<16xi32>
      %and3A_1198 = arith.constant -65536 : i32
      %and3A_1199 = vector.broadcast %and3A_1198 : i32 to vector<16xi32>
      %and3A_1200 = arith.andi %add3A_1197, %and3A_1199 : vector<16xi32>
      %bitcast_convert_type3A_1201 = tpu.bitcast %and3A_1200 : vector<16xi32> -> vector<16xf32>
      %mul3A_1202 = arith.mulf %bitcast_convert_type3A_1201, %bitcast_convert_type3A_338 : vector<16xf32>
      %add3A_1203 = arith.addf %add3A_1139, %mul3A_1202 : vector<16xf32>
      %mul3A_1204 = arith.mulf %get3A_1193, %get3A_1193 : vector<16xf32>
      %add3A_1205 = arith.addf %add3A_1141, %mul3A_1204 : vector<16xf32>
      %get3A_1206 = arith.index_cast %add3A_901 : i32 to index
      %get3A_1207 = arith.constant 288 : index
      %get3A_1208 = tpu.vector_load %arg7[%get3A_1206, %get3A_1207] {strides = array<i32>} : memref<32x384xf32, #tpu.memory_space<vmem>>, vector<1x16xf32>,
      %get3A_1209 = vector.shape_cast %get3A_1208 : vector<1x16xf32> to vector<16xf32>
      %bitcast_convert_type3A_1210 = tpu.bitcast %get3A_1209 : vector<16xf32> -> vector<16xi32>
      %add3A_1211 = arith.constant 32768 : i32
      %add3A_1212 = vector.broadcast %add3A_1211 : i32 to vector<16xi32>
      %add3A_1213 = arith.addi %bitcast_convert_type3A_1210, %add3A_1212 : vector<16xi32>
      %and3A_1214 = arith.constant -65536 : i32
      %and3A_1215 = vector.broadcast %and3A_1214 : i32 to vector<16xi32>
      %and3A_1216 = arith.andi %add3A_1213, %and3A_1215 : vector<16xi32>
      %bitcast_convert_type3A_1217 = tpu.bitcast %and3A_1216 : vector<16xi32> -> vector<16xf32>
      %mul3A_1218 = arith.mulf %bitcast_convert_type3A_1217, %bitcast_convert_type3A_346 : vector<16xf32>
      %add3A_1219 = arith.addf %add3A_1155, %mul3A_1218 : vector<16xf32>
      %mul3A_1220 = arith.mulf %get3A_1209, %get3A_1209 : vector<16xf32>
      %add3A_1221 = arith.addf %add3A_1157, %mul3A_1220 : vector<16xf32>
      %get3A_1222 = arith.index_cast %add3A_901 : i32 to index
      %get3A_1223 = arith.constant 304 : index
      %get3A_1224 = tpu.vector_load %arg7[%get3A_1222, %get3A_1223] {strides = array<i32>} : memref<32x384xf32, #tpu.memory_space<vmem>>, vector<1x16xf32>,
      %get3A_1225 = vector.shape_cast %get3A_1224 : vector<1x16xf32> to vector<16xf32>
      %bitcast_convert_type3A_1226 = tpu.bitcast %get3A_1225 : vector<16xf32> -> vector<16xi32>
      %add3A_1227 = arith.constant 32768 : i32
      %add3A_1228 = vector.broadcast %add3A_1227 : i32 to vector<16xi32>
      %add3A_1229 = arith.addi %bitcast_convert_type3A_1226, %add3A_1228 : vector<16xi32>
      %and3A_1230 = arith.constant -65536 : i32
      %and3A_1231 = vector.broadcast %and3A_1230 : i32 to vector<16xi32>
      %and3A_1232 = arith.andi %add3A_1229, %and3A_1231 : vector<16xi32>
      %bitcast_convert_type3A_1233 = tpu.bitcast %and3A_1232 : vector<16xi32> -> vector<16xf32>
      %mul3A_1234 = arith.mulf %bitcast_convert_type3A_1233, %bitcast_convert_type3A_354 : vector<16xf32>
      %add3A_1235 = arith.addf %add3A_1171, %mul3A_1234 : vector<16xf32>
      %mul3A_1236 = arith.mulf %get3A_1225, %get3A_1225 : vector<16xf32>
      %add3A_1237 = arith.addf %add3A_1173, %mul3A_1236 : vector<16xf32>
      %get3A_1238 = arith.index_cast %add3A_901 : i32 to index
      %get3A_1239 = arith.constant 320 : index
      %get3A_1240 = tpu.vector_load %arg7[%get3A_1238, %get3A_1239] {strides = array<i32>} : memref<32x384xf32, #tpu.memory_space<vmem>>, vector<1x16xf32>,
      %get3A_1241 = vector.shape_cast %get3A_1240 : vector<1x16xf32> to vector<16xf32>
      %bitcast_convert_type3A_1242 = tpu.bitcast %get3A_1241 : vector<16xf32> -> vector<16xi32>
      %add3A_1243 = arith.constant 32768 : i32
      %add3A_1244 = vector.broadcast %add3A_1243 : i32 to vector<16xi32>
      %add3A_1245 = arith.addi %bitcast_convert_type3A_1242, %add3A_1244 : vector<16xi32>
      %and3A_1246 = arith.constant -65536 : i32
      %and3A_1247 = vector.broadcast %and3A_1246 : i32 to vector<16xi32>
      %and3A_1248 = arith.andi %add3A_1245, %and3A_1247 : vector<16xi32>
      %bitcast_convert_type3A_1249 = tpu.bitcast %and3A_1248 : vector<16xi32> -> vector<16xf32>
      %mul3A_1250 = arith.mulf %bitcast_convert_type3A_1249, %bitcast_convert_type3A_362 : vector<16xf32>
      %add3A_1251 = arith.addf %add3A_1187, %mul3A_1250 : vector<16xf32>
      %mul3A_1252 = arith.mulf %get3A_1241, %get3A_1241 : vector<16xf32>
      %add3A_1253 = arith.addf %add3A_1189, %mul3A_1252 : vector<16xf32>
      %get3A_1254 = arith.index_cast %add3A_901 : i32 to index
      %get3A_1255 = arith.constant 336 : index
      %get3A_1256 = tpu.vector_load %arg7[%get3A_1254, %get3A_1255] {strides = array<i32>} : memref<32x384xf32, #tpu.memory_space<vmem>>, vector<1x16xf32>,
      %get3A_1257 = vector.shape_cast %get3A_1256 : vector<1x16xf32> to vector<16xf32>
      %bitcast_convert_type3A_1258 = tpu.bitcast %get3A_1257 : vector<16xf32> -> vector<16xi32>
      %add3A_1259 = arith.constant 32768 : i32
      %add3A_1260 = vector.broadcast %add3A_1259 : i32 to vector<16xi32>
      %add3A_1261 = arith.addi %bitcast_convert_type3A_1258, %add3A_1260 : vector<16xi32>
      %and3A_1262 = arith.constant -65536 : i32
      %and3A_1263 = vector.broadcast %and3A_1262 : i32 to vector<16xi32>
      %and3A_1264 = arith.andi %add3A_1261, %and3A_1263 : vector<16xi32>
      %bitcast_convert_type3A_1265 = tpu.bitcast %and3A_1264 : vector<16xi32> -> vector<16xf32>
      %mul3A_1266 = arith.mulf %bitcast_convert_type3A_1265, %bitcast_convert_type3A_370 : vector<16xf32>
      %add3A_1267 = arith.addf %add3A_1203, %mul3A_1266 : vector<16xf32>
      %mul3A_1268 = arith.mulf %get3A_1257, %get3A_1257 : vector<16xf32>
      %add3A_1269 = arith.addf %add3A_1205, %mul3A_1268 : vector<16xf32>
      %get3A_1270 = arith.index_cast %add3A_901 : i32 to index
      %get3A_1271 = arith.constant 352 : index
      %get3A_1272 = tpu.vector_load %arg7[%get3A_1270, %get3A_1271] {strides = array<i32>} : memref<32x384xf32, #tpu.memory_space<vmem>>, vector<1x16xf32>,
      %get3A_1273 = vector.shape_cast %get3A_1272 : vector<1x16xf32> to vector<16xf32>
      %bitcast_convert_type3A_1274 = tpu.bitcast %get3A_1273 : vector<16xf32> -> vector<16xi32>
      %add3A_1275 = arith.constant 32768 : i32
      %add3A_1276 = vector.broadcast %add3A_1275 : i32 to vector<16xi32>
      %add3A_1277 = arith.addi %bitcast_convert_type3A_1274, %add3A_1276 : vector<16xi32>
      %and3A_1278 = arith.constant -65536 : i32
      %and3A_1279 = vector.broadcast %and3A_1278 : i32 to vector<16xi32>
      %and3A_1280 = arith.andi %add3A_1277, %and3A_1279 : vector<16xi32>
      %bitcast_convert_type3A_1281 = tpu.bitcast %and3A_1280 : vector<16xi32> -> vector<16xf32>
      %mul3A_1282 = arith.mulf %bitcast_convert_type3A_1281, %bitcast_convert_type3A_378 : vector<16xf32>
      %add3A_1283 = arith.addf %add3A_1219, %mul3A_1282 : vector<16xf32>
      %mul3A_1284 = arith.mulf %get3A_1273, %get3A_1273 : vector<16xf32>
      %add3A_1285 = arith.addf %add3A_1221, %mul3A_1284 : vector<16xf32>
      %get3A_1286 = arith.index_cast %add3A_901 : i32 to index
      %get3A_1287 = arith.constant 368 : index
      %get3A_1288 = tpu.vector_load %arg7[%get3A_1286, %get3A_1287] {strides = array<i32>} : memref<32x384xf32, #tpu.memory_space<vmem>>, vector<1x16xf32>,
      %get3A_1289 = vector.shape_cast %get3A_1288 : vector<1x16xf32> to vector<16xf32>
      %bitcast_convert_type3A_1290 = tpu.bitcast %get3A_1289 : vector<16xf32> -> vector<16xi32>
      %add3A_1291 = arith.constant 32768 : i32
      %add3A_1292 = vector.broadcast %add3A_1291 : i32 to vector<16xi32>
      %add3A_1293 = arith.addi %bitcast_convert_type3A_1290, %add3A_1292 : vector<16xi32>
      %and3A_1294 = arith.constant -65536 : i32
      %and3A_1295 = vector.broadcast %and3A_1294 : i32 to vector<16xi32>
      %and3A_1296 = arith.andi %add3A_1293, %and3A_1295 : vector<16xi32>
      %bitcast_convert_type3A_1297 = tpu.bitcast %and3A_1296 : vector<16xi32> -> vector<16xf32>
      %mul3A_1298 = arith.mulf %bitcast_convert_type3A_1297, %bitcast_convert_type3A_386 : vector<16xf32>
      %add3A_1299 = arith.addf %add3A_1235, %mul3A_1298 : vector<16xf32>
      %mul3A_1300 = arith.mulf %get3A_1289, %get3A_1289 : vector<16xf32>
      %add3A_1301 = arith.addf %add3A_1237, %mul3A_1300 : vector<16xf32>
      %add3A_1302 = arith.addf %add3A_1251, %add3A_1267 : vector<16xf32>
      %add3A_1303 = arith.addf %add3A_1283, %add3A_1299 : vector<16xf32>
      %add3A_1304 = arith.addf %add3A_1302, %add3A_1303 : vector<16xf32>
      %xor3A_1305 = arith.constant 1 : i32
      %xor3A_1306 = vector.broadcast %xor3A_1305 : i32 to vector<16xi32>
      %xor3A_1307 = arith.xori %iota3A, %xor3A_1306 : vector<16xi32>
      %broadcast_in_dim3A_1308 = vector.shape_cast %xor3A_1307 : vector<16xi32> to vector<16x1xi32>
      %gather3A_1309 = vector.shape_cast %broadcast_in_dim3A_1308 : vector<16x1xi32> to vector<16xi32>
      %gather3A_1310 = tpu.dynamic_gather %add3A_1304[%gather3A_1309] in [0] : vector<16xf32>, vector<16xi32> -> vector<16xf32>
      %add3A_1311 = arith.addf %add3A_1304, %gather3A_1310 : vector<16xf32>
      %xor3A_1312 = arith.constant 2 : i32
      %xor3A_1313 = vector.broadcast %xor3A_1312 : i32 to vector<16xi32>
      %xor3A_1314 = arith.xori %iota3A, %xor3A_1313 : vector<16xi32>
      %broadcast_in_dim3A_1315 = vector.shape_cast %xor3A_1314 : vector<16xi32> to vector<16x1xi32>
      %gather3A_1316 = vector.shape_cast %broadcast_in_dim3A_1315 : vector<16x1xi32> to vector<16xi32>
      %gather3A_1317 = tpu.dynamic_gather %add3A_1311[%gather3A_1316] in [0] : vector<16xf32>, vector<16xi32> -> vector<16xf32>
      %add3A_1318 = arith.addf %add3A_1311, %gather3A_1317 : vector<16xf32>
      %xor3A_1319 = arith.constant 4 : i32
      %xor3A_1320 = vector.broadcast %xor3A_1319 : i32 to vector<16xi32>
      %xor3A_1321 = arith.xori %iota3A, %xor3A_1320 : vector<16xi32>
      %broadcast_in_dim3A_1322 = vector.shape_cast %xor3A_1321 : vector<16xi32> to vector<16x1xi32>
      %gather3A_1323 = vector.shape_cast %broadcast_in_dim3A_1322 : vector<16x1xi32> to vector<16xi32>
      %gather3A_1324 = tpu.dynamic_gather %add3A_1318[%gather3A_1323] in [0] : vector<16xf32>, vector<16xi32> -> vector<16xf32>
      %add3A_1325 = arith.addf %add3A_1318, %gather3A_1324 : vector<16xf32>
      %xor3A_1326 = arith.constant 8 : i32
      %xor3A_1327 = vector.broadcast %xor3A_1326 : i32 to vector<16xi32>
      %xor3A_1328 = arith.xori %iota3A, %xor3A_1327 : vector<16xi32>
      %broadcast_in_dim3A_1329 = vector.shape_cast %xor3A_1328 : vector<16xi32> to vector<16x1xi32>
      %gather3A_1330 = vector.shape_cast %broadcast_in_dim3A_1329 : vector<16x1xi32> to vector<16xi32>
      %gather3A_1331 = tpu.dynamic_gather %add3A_1325[%gather3A_1330] in [0] : vector<16xf32>, vector<16xi32> -> vector<16xf32>
      %add3A_1332 = arith.addf %add3A_1325, %gather3A_1331 : vector<16xf32>
      %add3A_1333 = arith.addf %add3A_1253, %add3A_1269 : vector<16xf32>
      %add3A_1334 = arith.addf %add3A_1285, %add3A_1301 : vector<16xf32>
      %add3A_1335 = arith.addf %add3A_1333, %add3A_1334 : vector<16xf32>
      %xor3A_1336 = arith.constant 1 : i32
      %xor3A_1337 = vector.broadcast %xor3A_1336 : i32 to vector<16xi32>
      %xor3A_1338 = arith.xori %iota3A, %xor3A_1337 : vector<16xi32>
      %broadcast_in_dim3A_1339 = vector.shape_cast %xor3A_1338 : vector<16xi32> to vector<16x1xi32>
      %gather3A_1340 = vector.shape_cast %broadcast_in_dim3A_1339 : vector<16x1xi32> to vector<16xi32>
      %gather3A_1341 = tpu.dynamic_gather %add3A_1335[%gather3A_1340] in [0] : vector<16xf32>, vector<16xi32> -> vector<16xf32>
      %add3A_1342 = arith.addf %add3A_1335, %gather3A_1341 : vector<16xf32>
      %xor3A_1343 = arith.constant 2 : i32
      %xor3A_1344 = vector.broadcast %xor3A_1343 : i32 to vector<16xi32>
      %xor3A_1345 = arith.xori %iota3A, %xor3A_1344 : vector<16xi32>
      %broadcast_in_dim3A_1346 = vector.shape_cast %xor3A_1345 : vector<16xi32> to vector<16x1xi32>
      %gather3A_1347 = vector.shape_cast %broadcast_in_dim3A_1346 : vector<16x1xi32> to vector<16xi32>
      %gather3A_1348 = tpu.dynamic_gather %add3A_1342[%gather3A_1347] in [0] : vector<16xf32>, vector<16xi32> -> vector<16xf32>
      %add3A_1349 = arith.addf %add3A_1342, %gather3A_1348 : vector<16xf32>
      %xor3A_1350 = arith.constant 4 : i32
      %xor3A_1351 = vector.broadcast %xor3A_1350 : i32 to vector<16xi32>
      %xor3A_1352 = arith.xori %iota3A, %xor3A_1351 : vector<16xi32>
      %broadcast_in_dim3A_1353 = vector.shape_cast %xor3A_1352 : vector<16xi32> to vector<16x1xi32>
      %gather3A_1354 = vector.shape_cast %broadcast_in_dim3A_1353 : vector<16x1xi32> to vector<16xi32>
      %gather3A_1355 = tpu.dynamic_gather %add3A_1349[%gather3A_1354] in [0] : vector<16xf32>, vector<16xi32> -> vector<16xf32>
      %add3A_1356 = arith.addf %add3A_1349, %gather3A_1355 : vector<16xf32>
      %xor3A_1357 = arith.constant 8 : i32
      %xor3A_1358 = vector.broadcast %xor3A_1357 : i32 to vector<16xi32>
      %xor3A_1359 = arith.xori %iota3A, %xor3A_1358 : vector<16xi32>
      %broadcast_in_dim3A_1360 = vector.shape_cast %xor3A_1359 : vector<16xi32> to vector<16x1xi32>
      %gather3A_1361 = vector.shape_cast %broadcast_in_dim3A_1360 : vector<16x1xi32> to vector<16xi32>
      %gather3A_1362 = tpu.dynamic_gather %add3A_1356[%gather3A_1361] in [0] : vector<16xf32>, vector<16xi32> -> vector<16xf32>
      %add3A_1363 = arith.addf %add3A_1356, %gather3A_1362 : vector<16xf32>
      %lt3A_1364 = arith.constant 1.000000e-16 : f32
      %lt3A_1365 = vector.broadcast %lt3A_1364 : f32 to vector<16xf32>
      %lt3A_1366 = arith.cmpf olt, %add3A_899, %lt3A_1365 : vector<16xf32>
      %bitcast_convert_type3A_1367 = tpu.bitcast %add3A_899 : vector<16xf32> -> vector<16xi32>
      %shift_right_arithmetic3A_1368 = arith.constant 1 : i32
      %shift_right_arithmetic3A_1369 = vector.broadcast %shift_right_arithmetic3A_1368 : i32 to vector<16xi32>
      %shift_right_arithmetic3A_1370 = arith.shrsi %bitcast_convert_type3A_1367, %shift_right_arithmetic3A_1369 : vector<16xi32>
      %sub3A_1371 = arith.constant 1597463007 : i32
      %sub3A_1372 = vector.broadcast %sub3A_1371 : i32 to vector<16xi32>
      %sub3A_1373 = arith.subi %sub3A_1372, %shift_right_arithmetic3A_1370 : vector<16xi32>
      %bitcast_convert_type3A_1374 = tpu.bitcast %sub3A_1373 : vector<16xi32> -> vector<16xf32>
      %mul3A_1375 = arith.constant 5.000000e-01 : f32
      %mul3A_1376 = vector.broadcast %mul3A_1375 : f32 to vector<16xf32>
      %mul3A_1377 = arith.mulf %mul3A_1376, %add3A_899 : vector<16xf32>
      %mul3A_1378 = arith.mulf %mul3A_1377, %bitcast_convert_type3A_1374 : vector<16xf32>
      %mul3A_1379 = arith.mulf %mul3A_1378, %bitcast_convert_type3A_1374 : vector<16xf32>
      %sub3A_1380 = arith.constant 1.500000e+00 : f32
      %sub3A_1381 = vector.broadcast %sub3A_1380 : f32 to vector<16xf32>
      %sub3A_1382 = arith.subf %sub3A_1381, %mul3A_1379 : vector<16xf32>
      %mul3A_1383 = arith.mulf %bitcast_convert_type3A_1374, %sub3A_1382 : vector<16xf32>
      %mul3A_1384 = arith.constant 5.000000e-01 : f32
      %mul3A_1385 = vector.broadcast %mul3A_1384 : f32 to vector<16xf32>
      %mul3A_1386 = arith.mulf %mul3A_1385, %add3A_899 : vector<16xf32>
      %mul3A_1387 = arith.mulf %mul3A_1386, %mul3A_1383 : vector<16xf32>
      %mul3A_1388 = arith.mulf %mul3A_1387, %mul3A_1383 : vector<16xf32>
      %sub3A_1389 = arith.constant 1.500000e+00 : f32
      %sub3A_1390 = vector.broadcast %sub3A_1389 : f32 to vector<16xf32>
      %sub3A_1391 = arith.subf %sub3A_1390, %mul3A_1388 : vector<16xf32>
      %mul3A_1392 = arith.mulf %mul3A_1383, %sub3A_1391 : vector<16xf32>
      %mul3A_1393 = arith.constant 5.000000e-01 : f32
      %mul3A_1394 = vector.broadcast %mul3A_1393 : f32 to vector<16xf32>
      %mul3A_1395 = arith.mulf %mul3A_1394, %add3A_899 : vector<16xf32>
      %mul3A_1396 = arith.mulf %mul3A_1395, %mul3A_1392 : vector<16xf32>
      %mul3A_1397 = arith.mulf %mul3A_1396, %mul3A_1392 : vector<16xf32>
      %sub3A_1398 = arith.constant 1.500000e+00 : f32
      %sub3A_1399 = vector.broadcast %sub3A_1398 : f32 to vector<16xf32>
      %sub3A_1400 = arith.subf %sub3A_1399, %mul3A_1397 : vector<16xf32>
      %mul3A_1401 = arith.mulf %mul3A_1392, %sub3A_1400 : vector<16xf32>
      %jit3A_1402 = arith.constant 1.000000e+08 : f32
      %broadcast_in_dim3A_1403 = vector.broadcast %jit3A_1402 : f32 to vector<16xf32>
      %select_n3A_1404 = arith.select %lt3A_1366, %broadcast_in_dim3A_1403, %mul3A_1401 : vector<16xi1>, vector<16xf32>
      %mul3A_1405 = arith.mulf %add3A_868, %select_n3A_1404 : vector<16xf32>
      %mul3A_1406 = arith.mulf %mul3A_1405, %select_n3A : vector<16xf32>
      %gt3A = arith.cmpf ogt, %mul3A_1406, %scan3A_432 : vector<16xf32>
      %select_n3A_1407 = arith.select %gt3A, %mul3A_1406, %scan3A_432 : vector<16xi1>, vector<16xf32>
      %add3A_1408 = arith.addi %add3A_412, %mul3A_435 : i32
      %add3A_1409 = arith.constant 0 : i32
      %add3A_1410 = arith.addi %add3A_1408, %add3A_1409 : i32
      %broadcast_in_dim3A_1411 = vector.broadcast %add3A_1410 : i32 to vector<16xi32>
      %select_n3A_1412 = arith.select %gt3A, %broadcast_in_dim3A_1411, %scan3A_433 : vector<16xi1>, vector<16xi32>
      %lt3A_1413 = arith.constant 1.000000e-16 : f32
      %lt3A_1414 = vector.broadcast %lt3A_1413 : f32 to vector<16xf32>
      %lt3A_1415 = arith.cmpf olt, %add3A_1363, %lt3A_1414 : vector<16xf32>
      %bitcast_convert_type3A_1416 = tpu.bitcast %add3A_1363 : vector<16xf32> -> vector<16xi32>
      %shift_right_arithmetic3A_1417 = arith.constant 1 : i32
      %shift_right_arithmetic3A_1418 = vector.broadcast %shift_right_arithmetic3A_1417 : i32 to vector<16xi32>
      %shift_right_arithmetic3A_1419 = arith.shrsi %bitcast_convert_type3A_1416, %shift_right_arithmetic3A_1418 : vector<16xi32>
      %sub3A_1420 = arith.constant 1597463007 : i32
      %sub3A_1421 = vector.broadcast %sub3A_1420 : i32 to vector<16xi32>
      %sub3A_1422 = arith.subi %sub3A_1421, %shift_right_arithmetic3A_1419 : vector<16xi32>
      %bitcast_convert_type3A_1423 = tpu.bitcast %sub3A_1422 : vector<16xi32> -> vector<16xf32>
      %mul3A_1424 = arith.constant 5.000000e-01 : f32
      %mul3A_1425 = vector.broadcast %mul3A_1424 : f32 to vector<16xf32>
      %mul3A_1426 = arith.mulf %mul3A_1425, %add3A_1363 : vector<16xf32>
      %mul3A_1427 = arith.mulf %mul3A_1426, %bitcast_convert_type3A_1423 : vector<16xf32>
      %mul3A_1428 = arith.mulf %mul3A_1427, %bitcast_convert_type3A_1423 : vector<16xf32>
      %sub3A_1429 = arith.constant 1.500000e+00 : f32
      %sub3A_1430 = vector.broadcast %sub3A_1429 : f32 to vector<16xf32>
      %sub3A_1431 = arith.subf %sub3A_1430, %mul3A_1428 : vector<16xf32>
      %mul3A_1432 = arith.mulf %bitcast_convert_type3A_1423, %sub3A_1431 : vector<16xf32>
      %mul3A_1433 = arith.constant 5.000000e-01 : f32
      %mul3A_1434 = vector.broadcast %mul3A_1433 : f32 to vector<16xf32>
      %mul3A_1435 = arith.mulf %mul3A_1434, %add3A_1363 : vector<16xf32>
      %mul3A_1436 = arith.mulf %mul3A_1435, %mul3A_1432 : vector<16xf32>
      %mul3A_1437 = arith.mulf %mul3A_1436, %mul3A_1432 : vector<16xf32>
      %sub3A_1438 = arith.constant 1.500000e+00 : f32
      %sub3A_1439 = vector.broadcast %sub3A_1438 : f32 to vector<16xf32>
      %sub3A_1440 = arith.subf %sub3A_1439, %mul3A_1437 : vector<16xf32>
      %mul3A_1441 = arith.mulf %mul3A_1432, %sub3A_1440 : vector<16xf32>
      %mul3A_1442 = arith.constant 5.000000e-01 : f32
      %mul3A_1443 = vector.broadcast %mul3A_1442 : f32 to vector<16xf32>
      %mul3A_1444 = arith.mulf %mul3A_1443, %add3A_1363 : vector<16xf32>
      %mul3A_1445 = arith.mulf %mul3A_1444, %mul3A_1441 : vector<16xf32>
      %mul3A_1446 = arith.mulf %mul3A_1445, %mul3A_1441 : vector<16xf32>
      %sub3A_1447 = arith.constant 1.500000e+00 : f32
      %sub3A_1448 = vector.broadcast %sub3A_1447 : f32 to vector<16xf32>
      %sub3A_1449 = arith.subf %sub3A_1448, %mul3A_1446 : vector<16xf32>
      %mul3A_1450 = arith.mulf %mul3A_1441, %sub3A_1449 : vector<16xf32>
      %jit3A_1451 = arith.constant 1.000000e+08 : f32
      %broadcast_in_dim3A_1452 = vector.broadcast %jit3A_1451 : f32 to vector<16xf32>
      %select_n3A_1453 = arith.select %lt3A_1415, %broadcast_in_dim3A_1452, %mul3A_1450 : vector<16xi1>, vector<16xf32>
      %mul3A_1454 = arith.mulf %add3A_1332, %select_n3A_1453 : vector<16xf32>
      %mul3A_1455 = arith.mulf %mul3A_1454, %select_n3A : vector<16xf32>
      %gt3A_1456 = arith.cmpf ogt, %mul3A_1455, %select_n3A_1407 : vector<16xf32>
      %select_n3A_1457 = arith.select %gt3A_1456, %mul3A_1455, %select_n3A_1407 : vector<16xi1>, vector<16xf32>
      %add3A_1458 = arith.addi %add3A_412, %mul3A_435 : i32
      %add3A_1459 = arith.constant 1 : i32
      %add3A_1460 = arith.addi %add3A_1458, %add3A_1459 : i32
      %broadcast_in_dim3A_1461 = vector.broadcast %add3A_1460 : i32 to vector<16xi32>
      %select_n3A_1462 = arith.select %gt3A_1456, %broadcast_in_dim3A_1461, %select_n3A_1412 : vector<16xi1>, vector<16xi32>
      scf.yield %select_n3A_1457, %select_n3A_1462 : vector<16xf32>, vector<16xi32>
    }
    %scan3A_418 = arith.constant 16 : i32
    %eq3A = arith.constant 0 : i32
    %eq3A_419 = vector.broadcast %eq3A : i32 to vector<16xi32>
    %eq3A_420 = arith.cmpi eq, %iota3A, %eq3A_419 : vector<16xi32>
    %eq3A_421 = arith.constant 1 : i32
    %eq3A_422 = vector.broadcast %eq3A_421 : i32 to vector<16xi32>
    %eq3A_423 = arith.cmpi eq, %iota3A, %eq3A_422 : vector<16xi32>
    %convert_element_type3A = arith.sitofp %scan3A_417#1 : vector<16xi32> to vector<16xf32>
    %jit3A_424 = arith.constant 0.000000e+00 : f32
    %broadcast_in_dim3A_425 = vector.broadcast %jit3A_424 : f32 to vector<16xf32>
    %select_n3A_426 = arith.select %eq3A_423, %convert_element_type3A, %broadcast_in_dim3A_425 : vector<16xi1>, vector<16xf32>
    %select_n3A_427 = arith.select %eq3A_420, %scan3A_417#0, %select_n3A_426 : vector<16xi1>, vector<16xf32>
    %swap3A = arith.constant 0 : index
    %swap3A_428 = tpu.vector_load %arg8[%swap3A] {strides = array<i32>} : memref<16xf32, #tpu.memory_space<vmem>>, vector<16xf32>,
    %swap3A_429 = vector.shape_cast %swap3A_428 : vector<16xf32> to vector<16xf32>
    %swap3A_430 = vector.shape_cast %select_n3A_427 : vector<16xf32> to vector<16xf32>
    tpu.vector_store %arg8[%swap3A], %swap3A_430 {strides = array<i32>} : memref<16xf32, #tpu.memory_space<vmem>>, vector<16xf32>,
    "tpu.region"() ({
      %run_scoped3A = tpu.sem_alloc : memref<!tpu.dma_semaphore, #tpu.memory_space<semaphore_mem>>
      %dma_start3A_431 = arith.constant 0 : i32
      %dma_start3A_432 = tpu.memref_slice %arg4[%add3A, %dma_start3A_431] : memref<32x16xf32, #tpu.memory_space<hbm>> -> memref<1x16xf32, #tpu.memory_space<hbm>>
      %dma_start3A_433 = tpu.memref_squeeze %dma_start3A_432 : memref<1x16xf32, #tpu.memory_space<hbm>> -> memref<16xf32, #tpu.memory_space<hbm>>
      %dma_start3A_434 = arith.constant 0 : i32
      %dma_start3A_435 = tpu.memref_slice %arg4[%add3A, %dma_start3A_434] : memref<32x16xf32, #tpu.memory_space<hbm>> -> memref<1x16xf32, #tpu.memory_space<hbm>>
      %dma_start3A_436 = tpu.memref_squeeze %dma_start3A_435 : memref<1x16xf32, #tpu.memory_space<hbm>> -> memref<16xf32, #tpu.memory_space<hbm>>
      tpu.enqueue_dma source(%arg8 : memref<16xf32, #tpu.memory_space<vmem>>) target(%dma_start3A_436 : memref<16xf32, #tpu.memory_space<hbm>>) target_semaphore(%run_scoped3A : memref<!tpu.dma_semaphore, #tpu.memory_space<semaphore_mem>>)
      %dma_wait3A_437 = arith.constant 0 : i32
      %dma_wait3A_438 = tpu.memref_slice %arg4[%add3A, %dma_wait3A_437] : memref<32x16xf32, #tpu.memory_space<hbm>> -> memref<1x16xf32, #tpu.memory_space<hbm>>
      %dma_wait3A_439 = tpu.memref_squeeze %dma_wait3A_438 : memref<1x16xf32, #tpu.memory_space<hbm>> -> memref<16xf32, #tpu.memory_space<hbm>>
      %dma_wait3A_440 = arith.constant 0 : i32
      %dma_wait3A_441 = tpu.memref_slice %arg4[%add3A, %dma_wait3A_440] : memref<32x16xf32, #tpu.memory_space<hbm>> -> memref<1x16xf32, #tpu.memory_space<hbm>>
      %dma_wait3A_442 = tpu.memref_squeeze %dma_wait3A_441 : memref<1x16xf32, #tpu.memory_space<hbm>> -> memref<16xf32, #tpu.memory_space<hbm>>
      tpu.wait_dma2 semaphore(%run_scoped3A : memref<!tpu.dma_semaphore, #tpu.memory_space<semaphore_mem>>) src(%arg8 : memref<16xf32, #tpu.memory_space<vmem>>) dst(%dma_wait3A_442 : memref<16xf32, #tpu.memory_space<hbm>>)
      tpu.yield
    }) : () -> ()
    return
  }
}

module attributes {stable_mosaic.version = 14 : i64} {
  func.func @_merge_body(%arg0: memref<32x16xf32, #tpu.memory_space<vmem>>, %arg1: memref<3x1x1xf32, #tpu.memory_space<vmem>>, %arg2: memref<3x1x1xi32, #tpu.memory_space<vmem>>, %arg3: memref<1x1xf32, #tpu.memory_space<smem>>, %arg4: memref<1x1xi32, #tpu.memory_space<smem>>, %arg5: memref<1x1xf32, #tpu.memory_space<smem>>, %arg6: memref<1x1xf32, #tpu.memory_space<smem>>) attributes {dimension_semantics = [], scalar_prefetch = 0 : i64, scratch_operands = 0 : i64, tpu.core_type = #tpu.core_type<tc>} {
    %get3A = arith.constant 0 : index
    %get3A_0 = arith.constant 0 : index
    %get3A_1 = vector.load %arg0[%get3A, %get3A_0] : memref<32x16xf32, #tpu.memory_space<vmem>>, vector<32x16xf32>
    %slice3A = vector.extract_strided_slice %get3A_1 {offsets = [0, 0], sizes = [32, 1], strides = [1, 1]} : vector<32x16xf32> to vector<32x1xf32>
    %slice3A_2 = vector.extract_strided_slice %get3A_1 {offsets = [0, 1], sizes = [32, 1], strides = [1, 1]} : vector<32x16xf32> to vector<32x1xf32>
    %get3A_3 = arith.constant 0 : index
    %get3A_4 = arith.constant 0 : index
    %get3A_5 = arith.constant 0 : index
    %get3A_6 = vector.load %arg1[%get3A_3, %get3A_4, %get3A_5] : memref<3x1x1xf32, #tpu.memory_space<vmem>>, vector<3x1x1xf32>
    %get3A_7 = arith.constant 0 : index
    %get3A_8 = arith.constant 0 : index
    %get3A_9 = arith.constant 0 : index
    %get3A_10 = vector.load %arg2[%get3A_7, %get3A_8, %get3A_9] : memref<3x1x1xi32, #tpu.memory_space<vmem>>, vector<3x1x1xi32>
    %reduce_max3A = vector.shape_cast %slice3A : vector<32x1xf32> to vector<1x32x1xf32>
    %reduce_max3A_11 = arith.constant dense<0xFF800000> : vector<1xf32>
    %reduce_max3A_12 = vector.multi_reduction <maximumf>, %reduce_max3A, %reduce_max3A_11 [1, 2] : vector<1x32x1xf32> to vector<1xf32>
    %reduce_max3A_13 = vector.shape_cast %reduce_max3A_12 : vector<1xf32> to vector<1x1x1xf32>
    %reduce_max3A_14 = vector.extract %reduce_max3A_13[0, 0, 0] : f32 from vector<1x1x1xf32>
    %reduce_max3A_15 = vector.shape_cast %get3A_6 : vector<3x1x1xf32> to vector<1x3x1x1xf32>
    %reduce_max3A_16 = arith.constant dense<0xFF800000> : vector<1xf32>
    %reduce_max3A_17 = vector.multi_reduction <maximumf>, %reduce_max3A_15, %reduce_max3A_16 [1, 2, 3] : vector<1x3x1x1xf32> to vector<1xf32>
    %reduce_max3A_18 = vector.shape_cast %reduce_max3A_17 : vector<1xf32> to vector<1x1x1x1xf32>
    %reduce_max3A_19 = vector.extract %reduce_max3A_18[0, 0, 0, 0] : f32 from vector<1x1x1x1xf32>
    %max3A = arith.maximumf %reduce_max3A_14, %reduce_max3A_19 : f32
    %eq3A = vector.broadcast %max3A : f32 to vector<32x1xf32>
    %eq3A_20 = arith.cmpf oeq, %slice3A, %eq3A : vector<32x1xf32>
    %convert_element_type3A = arith.fptosi %slice3A_2 : vector<32x1xf32> to vector<32x1xi32>
    %jit3A = arith.constant 2147483647 : i32
    %broadcast_in_dim3A = vector.broadcast %jit3A : i32 to vector<32x1xi32>
    %select_n3A = arith.select %eq3A_20, %convert_element_type3A, %broadcast_in_dim3A : vector<32x1xi1>, vector<32x1xi32>
    %reduce_min3A = vector.shape_cast %select_n3A : vector<32x1xi32> to vector<1x32x1xi32>
    %reduce_min3A_21 = arith.constant dense<2147483647> : vector<1xi32>
    %reduce_min3A_22 = vector.multi_reduction <minsi>, %reduce_min3A, %reduce_min3A_21 [1, 2] : vector<1x32x1xi32> to vector<1xi32>
    %reduce_min3A_23 = vector.shape_cast %reduce_min3A_22 : vector<1xi32> to vector<1x1x1xi32>
    %reduce_min3A_24 = vector.extract %reduce_min3A_23[0, 0, 0] : i32 from vector<1x1x1xi32>
    %eq3A_25 = vector.broadcast %max3A : f32 to vector<3x1x1xf32>
    %eq3A_26 = arith.cmpf oeq, %get3A_6, %eq3A_25 : vector<3x1x1xf32>
    %jit3A_27 = arith.constant 2147483647 : i32
    %broadcast_in_dim3A_28 = vector.broadcast %jit3A_27 : i32 to vector<3x1x1xi32>
    %select_n3A_29 = arith.select %eq3A_26, %get3A_10, %broadcast_in_dim3A_28 : vector<3x1x1xi1>, vector<3x1x1xi32>
    %reduce_min3A_30 = vector.shape_cast %select_n3A_29 : vector<3x1x1xi32> to vector<1x3x1x1xi32>
    %reduce_min3A_31 = arith.constant dense<2147483647> : vector<1xi32>
    %reduce_min3A_32 = vector.multi_reduction <minsi>, %reduce_min3A_30, %reduce_min3A_31 [1, 2, 3] : vector<1x3x1x1xi32> to vector<1xi32>
    %reduce_min3A_33 = vector.shape_cast %reduce_min3A_32 : vector<1xi32> to vector<1x1x1x1xi32>
    %reduce_min3A_34 = vector.extract %reduce_min3A_33[0, 0, 0, 0] : i32 from vector<1x1x1x1xi32>
    %min3A = arith.minsi %reduce_min3A_24, %reduce_min3A_34 : i32
    %mul3A = arith.mulf %max3A, %max3A : f32
    %sub3A = arith.constant 1.000000e+00 : f32
    %sub3A_35 = arith.subf %sub3A, %mul3A : f32
    %swap3A = arith.constant 0 : index
    %swap3A_36 = arith.constant 0 : index
    %swap3A_37 = memref.load %arg3[%swap3A, %swap3A_36] : memref<1x1xf32, #tpu.memory_space<smem>>
    memref.store %sub3A_35, %arg3[%swap3A, %swap3A_36] : memref<1x1xf32, #tpu.memory_space<smem>>
    %swap3A_38 = arith.constant 0 : index
    %swap3A_39 = arith.constant 0 : index
    %swap3A_40 = memref.load %arg4[%swap3A_38, %swap3A_39] : memref<1x1xi32, #tpu.memory_space<smem>>
    memref.store %min3A, %arg4[%swap3A_38, %swap3A_39] : memref<1x1xi32, #tpu.memory_space<smem>>
    %swap3A_41 = arith.constant 0 : index
    %swap3A_42 = arith.constant 0 : index
    %swap3A_43 = memref.load %arg5[%swap3A_41, %swap3A_42] : memref<1x1xf32, #tpu.memory_space<smem>>
    memref.store %max3A, %arg5[%swap3A_41, %swap3A_42] : memref<1x1xf32, #tpu.memory_space<smem>>
    %sub3A_44 = arith.constant 1.000000e+00 : f32
    %sub3A_45 = arith.subf %sub3A_44, %max3A : f32
    %swap3A_46 = arith.constant 0 : index
    %swap3A_47 = arith.constant 0 : index
    %swap3A_48 = memref.load %arg6[%swap3A_46, %swap3A_47] : memref<1x1xf32, #tpu.memory_space<smem>>
    memref.store %sub3A_45, %arg6[%swap3A_46, %swap3A_47] : memref<1x1xf32, #tpu.memory_space<smem>>
    return
  }
}

module attributes {stable_mosaic.version = 14 : i64} {
  func.func @_tc_body(%arg0: i32, %arg1: memref<2048x384xf32, #tpu.memory_space<vmem>>, %arg2: memref<384xf32, #tpu.memory_space<vmem>>, %arg3: memref<1x1x1xf32, #tpu.memory_space<smem>>, %arg4: memref<1x1x1xi32, #tpu.memory_space<smem>>) attributes {dimension_semantics = [#tpu.dimension_semantics<arbitrary>], iteration_bounds = array<i64: 3>, scalar_prefetch = 0 : i64, scratch_operands = 0 : i64, tpu.core_type = #tpu.core_type<tc>, window_params = [{transform_indices = @transform_0, window_bounds = array<i64: 2048, 384>}, {pipeline_mode = #tpu.pipeline_mode<synchronous>, transform_indices = @transform_1, window_bounds = array<i64: 384>}, {transform_indices = @transform_2, window_bounds = array<i64: 1, 1, 1>}, {transform_indices = @transform_3, window_bounds = array<i64: 1, 1, 1>}]} {
    %get3A = arith.constant 0 : index
    %get3A_0 = arith.constant 0 : index
    %get3A_1 = vector.load %arg1[%get3A, %get3A_0] : memref<2048x384xf32, #tpu.memory_space<vmem>>, vector<2048x384xf32>
    %get3A_2 = arith.constant 0 : index
    %get3A_3 = vector.load %arg2[%get3A_2] : memref<384xf32, #tpu.memory_space<vmem>>, vector<384xf32>
    %reshape3A = vector.shape_cast %get3A_3 : vector<384xf32> to vector<1x384xf32>
    %convert_element_type3A = arith.truncf %get3A_1 : vector<2048x384xf32> to vector<2048x384xbf16>
    %convert_element_type3A_4 = arith.extf %convert_element_type3A : vector<2048x384xbf16> to vector<2048x384xf32>
    %convert_element_type3A_5 = arith.truncf %reshape3A : vector<1x384xf32> to vector<1x384xbf16>
    %convert_element_type3A_6 = arith.extf %convert_element_type3A_5 : vector<1x384xbf16> to vector<1x384xf32>
    %dot_general3A = arith.constant dense<0.000000e+00> : vector<2048x1xf32>
    %dot_general3A_7 = tpu.matmul %convert_element_type3A_4, %convert_element_type3A_6, %dot_general3A {dimension_numbers = #tpu.dot_dimension_numbers<[1], [1], [0], [0], [0, 0, 1, 0], [], []>, transpose_lhs_hint = false} : vector<2048x384xf32>, vector<1x384xf32>, vector<2048x1xf32> -> vector<2048x1xf32>
    %mul3A = arith.mulf %get3A_1, %get3A_1 : vector<2048x384xf32>
    %reduce_sum3A = arith.constant dense<0.000000e+00> : vector<2048xf32>
    %reduce_sum3A_8 = vector.multi_reduction <add>, %mul3A, %reduce_sum3A [1] : vector<2048x384xf32> to vector<2048xf32>
    %broadcast_in_dim3A = vector.shape_cast %reduce_sum3A_8 : vector<2048xf32> to vector<2048x1xf32>
    %mul3A_9 = arith.mulf %reshape3A, %reshape3A : vector<1x384xf32>
    %reduce_sum3A_10 = vector.shape_cast %mul3A_9 : vector<1x384xf32> to vector<1x1x384xf32>
    %reduce_sum3A_11 = arith.constant dense<0.000000e+00> : vector<1xf32>
    %reduce_sum3A_12 = vector.multi_reduction <add>, %reduce_sum3A_10, %reduce_sum3A_11 [1, 2] : vector<1x1x384xf32> to vector<1xf32>
    %reduce_sum3A_13 = vector.shape_cast %reduce_sum3A_12 : vector<1xf32> to vector<1x1x1xf32>
    %reduce_sum3A_14 = vector.extract %reduce_sum3A_13[0, 0, 0] : f32 from vector<1x1x1xf32>
    %sqrt3A = math.sqrt %broadcast_in_dim3A : vector<2048x1xf32>
    %max3A = arith.constant 9.99999993E-9 : f32
    %max3A_15 = vector.broadcast %max3A : f32 to vector<2048x1xf32>
    %max3A_16 = arith.maximumf %sqrt3A, %max3A_15 : vector<2048x1xf32>
    %sqrt3A_17 = math.sqrt %reduce_sum3A_14 : f32
    %max3A_18 = arith.constant 9.99999993E-9 : f32
    %max3A_19 = arith.maximumf %sqrt3A_17, %max3A_18 : f32
    %mul3A_20 = vector.broadcast %max3A_19 : f32 to vector<2048x1xf32>
    %mul3A_21 = arith.mulf %max3A_16, %mul3A_20 : vector<2048x1xf32>
    %div3A = arith.divf %dot_general3A_7, %mul3A_21 : vector<2048x1xf32>
    %reduce_max3A = vector.shape_cast %div3A : vector<2048x1xf32> to vector<1x2048x1xf32>
    %reduce_max3A_22 = arith.constant dense<0xFF800000> : vector<1xf32>
    %reduce_max3A_23 = vector.multi_reduction <maximumf>, %reduce_max3A, %reduce_max3A_22 [1, 2] : vector<1x2048x1xf32> to vector<1xf32>
    %reduce_max3A_24 = vector.shape_cast %reduce_max3A_23 : vector<1xf32> to vector<1x1x1xf32>
    %reduce_max3A_25 = vector.extract %reduce_max3A_24[0, 0, 0] : f32 from vector<1x1x1xf32>
    %iota3A = tpu.iota {dimensions = array<i32: 0>} : vector<2048x1xi32>
    %eq3A = vector.broadcast %reduce_max3A_25 : f32 to vector<2048x1xf32>
    %eq3A_26 = arith.cmpf oeq, %div3A, %eq3A : vector<2048x1xf32>
    %jit3A = arith.constant 2147483647 : i32
    %broadcast_in_dim3A_27 = vector.broadcast %jit3A : i32 to vector<2048x1xi32>
    %select_n3A = arith.select %eq3A_26, %iota3A, %broadcast_in_dim3A_27 : vector<2048x1xi1>, vector<2048x1xi32>
    %reduce_min3A = vector.shape_cast %select_n3A : vector<2048x1xi32> to vector<1x2048x1xi32>
    %reduce_min3A_28 = arith.constant dense<2147483647> : vector<1xi32>
    %reduce_min3A_29 = vector.multi_reduction <minsi>, %reduce_min3A, %reduce_min3A_28 [1, 2] : vector<1x2048x1xi32> to vector<1xi32>
    %reduce_min3A_30 = vector.shape_cast %reduce_min3A_29 : vector<1xi32> to vector<1x1x1xi32>
    %reduce_min3A_31 = vector.extract %reduce_min3A_30[0, 0, 0] : i32 from vector<1x1x1xi32>
    %swap3A = arith.constant 0 : index
    %swap3A_32 = arith.constant 0 : index
    %swap3A_33 = arith.constant 0 : index
    %swap3A_34 = memref.load %arg3[%swap3A, %swap3A_32, %swap3A_33] : memref<1x1x1xf32, #tpu.memory_space<smem>>
    memref.store %reduce_max3A_25, %arg3[%swap3A, %swap3A_32, %swap3A_33] : memref<1x1x1xf32, #tpu.memory_space<smem>>
    %mul3A_35 = arith.constant 2048 : i32
    %mul3A_36 = arith.muli %arg0, %mul3A_35 : i32
    %add3A = arith.addi %reduce_min3A_31, %mul3A_36 : i32
    %add3A_37 = arith.constant 2048 : i32
    %add3A_38 = arith.addi %add3A, %add3A_37 : i32
    %swap3A_39 = arith.constant 0 : index
    %swap3A_40 = arith.constant 0 : index
    %swap3A_41 = arith.constant 0 : index
    %swap3A_42 = memref.load %arg4[%swap3A_39, %swap3A_40, %swap3A_41] : memref<1x1x1xi32, #tpu.memory_space<smem>>
    memref.store %add3A_38, %arg4[%swap3A_39, %swap3A_40, %swap3A_41] : memref<1x1x1xi32, #tpu.memory_space<smem>>
    return
  }
  func.func @transform_0(%arg0: i32) -> (i32, i32) {
    %add3A = arith.constant 1 : i32
    %add3A_0 = arith.addi %add3A, %arg0 : i32
    %c0_i32 = arith.constant 0 : i32
    %c0_i32_1 = arith.constant 0 : i32
    return %add3A_0, %c0_i32 : i32, i32
  }
  func.func @transform_1(%arg0: i32) -> i32 {
    %c0_i32 = arith.constant 0 : i32
    %c0_i32_0 = arith.constant 0 : i32
    return %c0_i32 : i32
  }
  func.func @transform_2(%arg0: i32) -> (i32, i32, i32) {
    %c0_i32 = arith.constant 0 : i32
    %c0_i32_0 = arith.constant 0 : i32
    %c0_i32_1 = arith.constant 0 : i32
    return %arg0, %c0_i32, %c0_i32_0 : i32, i32, i32
  }
  func.func @transform_3(%arg0: i32) -> (i32, i32, i32) {
    %c0_i32 = arith.constant 0 : i32
    %c0_i32_0 = arith.constant 0 : i32
    %c0_i32_1 = arith.constant 0 : i32
    return %arg0, %c0_i32, %c0_i32_0 : i32, i32, i32
  }
}

</mosaic_0001>

<sc_bundles>
// kernel: kernel.5.cloned.1.call-start
scs
__scs_entry_jumppad:
0x0: {  	(pc) =	sbr.rel $0x88, $3  }
0x1: {  	(tag) =	ssettag $0x0;
	lr =	simm.s32 $0x1  }
0x2: {  	[smem:$0x3F9F] =	sst lr;
	_ =	strace $0xD0000000  }
0x3: {  	_ = 	snop  }
0x4: {  	_ = 	snop  }
0x5: {  	_ = 	snop  }
0x6: {  	_ = 	snop  }
0x7: {  	_ = 	snop  }
__scs_overlays_trampoline_lowered:
0x8: {  	[smem:$0x3FAE] =	sst s0  }
0x9: {  	[smem:$0x3FAF] =	sst s1  }
0xa: {  	[smem:$0x3FB0] =	sst s2  }
0xb: {  	[smem:$0x3FB1] =	sst s3  }
0xc: {  	[smem:$0x3FB2] =	sst s4  }
0xd: {  	[smem:$0x3FB3] =	sst s5  }
0xe: {  	[smem:$0x3FB4] =	sst s6  }
0xf: {  	[smem:$0x3FB5] =	sst s7  }
0x10: {  	[smem:$0x3FB6] =	sst s8  }
0x11: {  	[smem:$0x3FB7] =	sst s9;
	s0 =	simm.s32 @!p0 $0x0  }
0x12: {  	s1 =	sld [smem:$0x3F9D];
	s0 =	simm.s32 @p0 $0x1  }
0x13: {  	[smem:$0x3FB8] =	sst s0;
	s0 =	simm.s32 @!p1 $0x0  }
0x14: {  	s2 =	sld [smem:$0x3F9C];
	s0 =	simm.s32 @p1 $0x1  }
0x15: {  	[smem:$0x3FB9] =	sst s0;
	s0 =	simm.s32 @!p2 $0x0  }
0x16: {  	s3 =	sld [smem:$0x3FDB];
	s0 =	simm.s32 @p2 $0x1  }
0x17: {  	s4 =	simm.s32 $0x1BF5;
	[smem:$0x3FBB] =	sst s0  }
0x18: {  	s0 =	sld [smem:$0x3F9E];
	_ =	swait.ge [sflag:s4], $0x0  }
0x19: {  	s7 =	sld [smem:$0x3F9F]  }
0x1a: {  	s8 =	sadd.s32 $0xFFFFE003, lr  }
0x1b: {  	s9 =	sadd.s32 $0xFFFFFEF7, lr;
	s5 =	simm.s32 $0xFFFFFFFF;
	p2 =	slt.u32 s8, $0xFFFFF086  }
0x1c: {  	p1 =	slt.u32 s9, $0xF7A;
	s5 =	simm.s32 @!p2 $0x0  }
0x1d: {  	s5 =	simm.s32 @p1 $0x1;
	p0 =	seq.s32 s7, s2  }
0x1e: {  	s7 =	smul.u32 @!p0 $0xF7A, s2;
	p2 =	seq.s32 @!p0 s5, $0x0  }
0x1f: {  	s9 =	smul.u32 $0xF7A, s1;
	s8 =	simm.s32 @!p0 $0x1BF5;
	p2 =	por !p2, p0  }
0x20: {  	[sflag:s8] =	ssyncset.s32 @!p0 $0xFFFFF086;
	s6 =	sadd.s32 @!p0 s3, s7;
	s7 =	simm.s32 @!p0 $0x108  }
0x21: {  	s3 =	sadd.s32 s3, s9;
	s6 =	sadd.s32 @!p0 $0x88, s6;
	s7 =	simm.s32 @p2 $0x1082  }
0x22: {  	[simem:s7], [sflag:s8] =	dma.local @!p0 [hbm:s6], $0xF7A  }
0x23: {  	s9 =	sor.u32 $0xD0000000, s2;
	s6 =	simm.s32 $0x108;
	_ =	swait.ge @!p0 [sflag:s8], $0x0  }
0x24: {  	s3 =	sadd.s32 $0x88, s3;
	s6 =	simm.s32 @!p1 $0x1082;
	[sflag:s4] =	ssyncset.s32 $0xFFFFF086  }
0x25: {  	[simem:s6], [sflag:s4] =	dma.local [hbm:s3], $0xF7A  }
0x26: {  	[smem:$0x3F9F] =	sst s1;
	(tag) =	ssettag s2;
	_ =	strace s9  }
0x27: {  	s1 =	sld [smem:$0x3FAF]  }
0x28: {  	s2 =	sld [smem:$0x3FB0]  }
0x29: {  	s4 =	sld [smem:$0x3FB2]  }
0x2a: {  	p0 =	seq.s32 s5, $0x0;
	s5 =	sld [smem:$0x3FB3]  }
0x2b: {  	s6 =	sld [smem:$0x3FB4]  }
0x2c: {  	s7 =	sld [smem:$0x3FB5]  }
0x2d: {  	s3 =	simm.s32 $0x108;
	s8 =	sld [smem:$0x3FB6]  }
0x2e: {  	s3 =	simm.s32 @!p0 $0x1082;
	s9 =	sld [smem:$0x3FB7]  }
0x2f: {  	lr =	sadd.s32 s0, s3;
	s0 =	sld [smem:$0x3FAE]  }
0x30: {  	s3 =	sld [smem:$0x3FB1]  }
0x31: {  	[smem:$0x3FBA] =	sst s10  }
0x32: {  	s10 =	sld [smem:$0x3FB8];
	_ =	sdelay $0x3  }
0x33: {  	p0 =	seq.s32 s10, $0x1;
	s10 =	sld [smem:$0x3FBA];
	_ =	sdelay $0x3  }
0x34: {  	[smem:$0x3FBA] =	sst s10  }
0x35: {  	s10 =	sld [smem:$0x3FB9];
	_ =	sdelay $0x3  }
0x36: {  	p1 =	seq.s32 s10, $0x1;
	s10 =	sld [smem:$0x3FBA];
	_ =	sdelay $0x3  }
0x37: {  	[smem:$0x3FBA] =	sst s10  }
0x38: {  	s10 =	sld [smem:$0x3FBB]  }
0x39: {  	_ = 	snop;
	(pc) =	sbr.ind lr, $3  }
0x3a: {  	_ = 	snop  }
0x3b: {  	_ = 	snop  }
0x3c: {  	p2 =	seq.s32 s10, $0x1;
	s10 =	sld [smem:$0x3FBA]  }
0x3d: {  	_ =	shalt  }
0x3e: {  	_ =	shalt  }
0x3f: {  	_ =	shalt  }
0x40: {  	_ =	shalt  }
0x41: {  	_ =	shalt  }
0x42: {  	_ =	shalt  }
0x43: {  	_ =	shalt  }
0x44: {  	_ =	shalt  }
0x45: {  	_ =	shalt  }
0x46: {  	_ =	shalt  }
0x47: {  	_ =	shalt  }
0x48: {  	_ =	shalt  }
0x49: {  	_ =	shalt  }
0x4a: {  	_ =	shalt  }
0x4b: {  	_ =	shalt  }
0x4c: {  	_ =	shalt  }
0x4d: {  	_ =	shalt  }
0x4e: {  	_ =	shalt  }
0x4f: {  	_ =	shalt  }
0x50: {  	_ =	shalt  }
0x51: {  	_ =	shalt  }
0x52: {  	_ =	shalt  }
0x53: {  	_ =	shalt  }
0x54: {  	_ =	shalt  }
0x55: {  	_ =	shalt  }
0x56: {  	_ =	shalt  }
0x57: {  	_ =	shalt  }
0x58: {  	_ =	shalt  }
0x59: {  	_ =	shalt  }
0x5a: {  	_ =	shalt  }
0x5b: {  	_ =	shalt  }
0x5c: {  	_ =	shalt  }
0x5d: {  	_ =	shalt  }
0x5e: {  	_ =	shalt  }
0x5f: {  	_ =	shalt  }
0x60: {  	_ =	shalt  }
0x61: {  	_ =	shalt  }
0x62: {  	_ =	shalt  }
0x63: {  	_ =	shalt  }
0x64: {  	_ =	shalt  }
0x65: {  	_ =	shalt  }
0x66: {  	_ =	shalt  }
0x67: {  	_ =	shalt  }
0x68: {  	_ =	shalt  }
0x69: {  	_ =	shalt  }
0x6a: {  	_ =	shalt  }
0x6b: {  	_ =	shalt  }
0x6c: {  	_ =	shalt  }
0x6d: {  	_ =	shalt  }
0x6e: {  	_ =	shalt  }
0x6f: {  	_ =	shalt  }
0x70: {  	_ =	shalt  }
0x71: {  	_ =	shalt  }
0x72: {  	_ =	shalt  }
0x73: {  	_ =	shalt  }
0x74: {  	_ =	shalt  }
0x75: {  	_ =	shalt  }
0x76: {  	_ =	shalt  }
0x77: {  	_ =	shalt  }
0x78: {  	_ =	shalt  }
0x79: {  	_ =	shalt  }
0x7a: {  	_ =	shalt  }
0x7b: {  	_ =	shalt  }
0x7c: {  	_ =	shalt  }
0x7d: {  	_ =	shalt  }
0x7e: {  	_ =	shalt  }
0x7f: {  	_ =	shalt  }
0x80: {  	_ =	shalt  }
0x81: {  	_ =	shalt  }
0x82: {  	_ =	shalt  }
0x83: {  	_ =	shalt  }
0x84: {  	_ =	shalt  }
0x85: {  	_ =	shalt  }
0x86: {  	_ =	shalt  }
0x87: {  	_ =	shalt  }
.Lfunc_end0:
.L_simem_size_0:
called_computation_lowered:
.L_overlay_start_0:
0x88: {  	s2 =	sld [smem:$0x3FD9]  }
0x89: {  	s3 =	sld [smem:$0x3FFE];
	_ =	sdelay $0x1  }
0x8a: {  	s1 =	srdreg.scid  }
0x8b: {  	s0 =	sand.u32 $0x1, s1  }
0x8c: {  	s17 =	sshll.u32 s0, $0xA;
	s2 =	sadd.s32 s3, s2  }
0x8d: {  	s2 =	sadd.s32 s2, s17  }
0x8e: {  	[smem:$0x3FC6] =	sst s2  }
0x8f: {  	_ = 	snop  }
0x90: {  	s2 =	sld [smem:$0x3FC9]  }
0x91: {  	s18 =	sld [smem:$0x3FC8];
	(tm) =	ssettm $0x1  }
0x92: {  	s4 =	sld [smem:$0x3FFB];
	_ =	sdelay $0x3  }
0x93: {  	_ =	strace s4  }
0x94: {  	s4 =	sld [smem:$0x3FFC];
	_ =	sdelay $0x3  }
0x95: {  	_ =	strace s4  }
0x96: {  	s4 =	sld [smem:$0x3FFD];
	_ =	sdelay $0x3  }
0x97: {  	_ =	strace s4  }
0x98: {  	_ =	strace $0x8FFFFFFF  }
0x99: {  	s19 =	sld [smem:$0x3FDB];
	_ =	sdelay $0x1  }
0x9a: {  	s5 =	simm.s32 $_scs_section_size  }
0x9b: {  	s6 =	simm.s32 $_size__tile_overlayer_lowered;
	s7 =	simm.s32 $_tile_overlayer_lowered  }
0x9c: {  	s22 =	simm.s32 $0x1BFF;
	s21 =	sshll.u32 s7, $0x1;
	s4 =	sadd.s32 s5, s19  }
0x9d: {  	s8 =	simm.s32 $0x0;
	s20 =	sshll.u32 s6, $0x1;
	s6 =	sadd.s32 s21, s4  }
0x9e: {  	[timem:s8], [sflag:s22] =	dma.local [hbm:s6], s20  }
0x9f: {  	_ =	swait.ge [sflag:s22], s20  }
0xa0: {  	s5 =	ssub.s32 $0x0, s20;
	[sflag:s22] =	ssyncset.done $0x0  }
0xa1: {  	[sflag:s22] =	ssyncadd.s32 s5;
	_ =	sdelay $0x1  }
0xa2: {  	s23 =	simm.s32 $0x1B8B  }
0xa3: {  	_ =	swait.ge [sflag:s23], $0x1  }
0xa4: {  	[sflag:s23] =	ssyncset.done $0x0  }
0xa5: {  	s25 =	simm.s32 $0x1B8E;
	s24 =	sld [smem:$0x3FFE];
	[sflag:s23] =	ssyncadd.s32 $0xFFFFFFFF  }
0xa6: {  	s26 =	simm.s32 $execute0_lowered;
	[smem:$0x3FD2] =	sst s25  }
0xa7: {  	s6 =	sshll.u32 s26, $0x1;
	_ =	strace $0x80000046;
	[dreg:$0x1] =	wrdreg $0xFFFFFFFF  }
0xa8: {  	s28 =	simm.s32 $_size_execute0_lowered;
	s4 =	sadd.s32 s4, s6;
	[dreg:$0x0] =	wrdreg $0x0  }
0xa9: {  	s6 =	sshll.u32 s28, $0x1;
	[dreg:$0x2] =	wrdreg s4  }
0xaa: {  	[dreg:$0x3] =	wrdreg s6  }
0xab: {  	[dreg:$0x4] =	wrdreg $0xC0  }
0xac: {  	_ =	task [dreg:s8], $0x5FFFF  }
0xad: {  	[dreg:$0x1] =	wrdreg $0xFFFFFFFF  }
0xae: {  	[dreg:$0x0] =	wrdreg $0x60  }
0xaf: {  	[dreg:$0x2] =	wrdreg s2  }
0xb0: {  	[dreg:$0x3] =	wrdreg s18  }
0xb1: {  	[dreg:$0x4] =	wrdreg s24  }
0xb2: {  	[dreg:$0x5] =	wrdreg $0x9  }
0xb3: {  	_ =	task.clear_ibuf [dreg:s8], $0x6FFFF;
	_ =	strace $0x90000046  }
0xb4: {  	s29 =	simm.s32 $0x9;
	_ =	strace $0x80000048  }
0xb5: {  	_ =	swait.ge [sflag:s29], $0x1  }
0xb6: {  	[sflag:s29] =	ssyncadd.s32 $0xFFFFFFFF  }
0xb7: {  	_ =	strace $0x90000048  }
0xb8: {  	_ =	sfence  }
0xb9: {  	s30 =	sld [smem:$0x0];
	_ =	sdelay $0x2  }
0xba: {  	s31 =	sshll.u32 s1, $0xD;
	s1 =	sshrl.u32 s1, $0x2  }
0xbb: {  	s3 =	sand.u32 $0x4000, s31;
	s1 =	sadd.s32 s1, s30  }
0xbc: {  	s0 =	sor.u32 s3, s0;
	s1 =	sshll.u32 s1, $0x11  }
0xbd: {  	s0 =	sor.u32 s1, s0  }
0xbe: {  	s0 =	sadd.s32 $0x8F2B, s0  }
0xbf: {  	[sflag:s0] =	ssyncadd.remote.s32 $0x1  }
0xc0: {  	_ =	sfence.sel $0xFFFF  }
0xc1: {  	[dreg:$0x0] =	wrdreg $0xFFFFFFFF;
	(pc) =	sbr.abs _section_cstart, $3  }
0xc2: {  	[dreg:$0x1] =	wrdreg $0xFFFFFFFF  }
0xc3: {  	_ =	task.clear_ibuf [dreg:s8], $0x2FFFF;
	_ =	strace $0x9FFFFFFF  }
0xc4: {  	(tm) =	ssettm $0x7FFFFFFF  }
0xc5: {  	_ =	shalt  }
tec
execute0_lowered:
.L_overlay_start_1:
0x0: {  	(tag) =	ssettag $0x1  }
0x1: {  	v0 =	vimm.s32 $0xEFCDAB89;
	v1 =	vimm.s32 $0x67452301;
	v2 =	vimm.s32 $0xDCFE98BA  }
0x2: {  	s1 =	rddreg [dreg:$0x0];
	v3 =	vimm.s32 $0x54761032;
	v4 =	vimm.s32 $0xBA98FEDC;
	v5 =	vimm.s32 $0x32107654  }
0x3: {  	s5 =	rddreg [dreg:$0x1];
	v6 =	vimm.s32 $0xFEDCBA98;
	v7 =	vimm.s32 $0x76543210;
	v0 =	vunpack.c.l.s4.s8 v0  }
0x4: {  	s4 =	rddreg [dreg:$0x2];
	v1 =	vunpack.c.l.s4.s8 v1;
	v2 =	vunpack.c.l.s4.s8 v2;
	v3 =	vunpack.c.l.s4.s8 v3  }
0x5: {  	s0 =	rddreg [dreg:$0x3];
	v4 =	vunpack.c.l.s4.s8 v4;
	v5 =	vunpack.c.l.s4.s8 v5;
	v6 =	vunpack.c.l.s4.s8 v6  }
0x6: {  	s6 =	srdreg.scid;
	s2 =	stileid.u32;
	s3 =	simm.s32 $0x0;
	v7 =	vunpack.c.l.s4.s8 v7;
	v0 =	vunpack.c.0.s8.s32 v0;
	v1 =	vunpack.c.0.s8.s32 v1  }
0x7: {  	s12 =	simm.s32 $0x3180;
	s13 =	simm.s32 $0x1;
	s14 =	simm.s32 $0x2;
	v2 =	vunpack.c.0.s8.s32 v2;
	v3 =	vunpack.c.0.s8.s32 v3;
	v4 =	vunpack.c.0.s8.s32 v4  }
0x8: {  	s15 =	simm.s32 $0x6180;
	s16 =	simm.s32 $0x0;
	s6 =	sand.u32 $0x1, s6;
	v5 =	vunpack.c.0.s8.s32 v5;
	v6 =	vunpack.c.0.s8.s32 v6;
	v8 =	vcombine.low v1, v0  }
0x9: {  	s7 =	sshll.u32 s2, $0x1;
	[smem:$0x7FF] =	sst s3;
	s29 =	sshll.u32 s2, $0x7;
	v58 =	vunpack.c.0.s8.s32 v7;
	v2 =	vcombine.low v3, v2  }
0xa: {  	s7 =	sor.u32 s6, s7;
	_ =	strace $0x80000047;
	s9 =	ssub.s32 $0x2, s6;
	v59 =	vcombine.low v5, v4;
	v60 =	vand.u32 $0xF, v6;
	[tilespmem:$0x1FFA0] =	vst v8  }
0xb: {  	s30 =	sshll.u32 s6, $0x6;
	s8 =	sshll.u32 s7, $0x3;
	s10 =	smul.u32 $0xC00, s7;
	v0 =	vcombine.low v60, v58;
	[tilespmem:$0x1FFC0] =	vst v2  }
0xc: {  	s7 =	sshll.u32 s7, $0x4;
	s11 =	sshrl.u32 s9, $0x1;
	s31 =	sor.u32 s30, s29;
	[tilespmem:$0x1FFE0] =	vst v59  }
0xd: {  	s8 =	sor.u32 $0x4, s8;
	s7 =	sadd.s32 s7, s4;
	s9 =	ssub.s32 s9, s11;
	v61 =	vand.u32 $0xF, v8;
	[tilespmem:$0x1FF90] =	vst v0  }
0xe: {  	s11 =	simm.s32 $0x3;
	s8 =	smul.u32 $0x180, s8;
	s4 =	sadd.s32 s5, s10;
	v62 =	vand.u32 $0xF, v2;
	[tilespmem:$0x1FFB0] =	vst v61  }
0xf: {  	s6 =	sadd.s32 $0xE00, s7;
	s7 =	smax.u32 s9, $0x1;
	s9 =	sor.u32 $0x21, s31;
	v63 =	vand.u32 $0xF, v59;
	[tilespmem:$0x1FFD0] =	vst v62  }
0x10: {  	vm0 =	vcmask $0x3F08;
	s10 =	simm.s32 $0x180;
	s5 =	sadd.s32 s5, s8;
	s8 =	sor.u32 $0x1, s31;
	[tilespmem:$0x1FFF0] =	vst v63  }
.LBB2_1:
0x11: {  	[tilespmem:s10], [sflag:$0x1] =	stream.linear.gather [hbm4b:s4+s3], $0x3000, $0x38;
	[tilespmem:$0x6200] =	vst v63  }
0x12: {  	_ = 	snop  }
0x13: {  	[tilespmem:s3], [sflag:$0x3] =	stream.linear.gather [hbm4b:s1+s3], $0x180, $0x38;
	[tilespmem:$0x6200] =	vst v63  }
0x14: {  	_ =	swait.ge [sflag:s11], $0x180  }
0x15: {  	[sflag:s11] =	ssyncset.done $0x0  }
0x16: {  	[sflag:s11] =	ssyncadd.s32 $0xFFFFFE80  }
0x17: {  	v4 =	vld [tilespmem:$0x0]  }
0x18: {  	v13 =	vld [tilespmem:$0x10]  }
0x19: {  	v14 =	vld [tilespmem:$0x20]  }
0x1a: {  	v15 =	vld [tilespmem:$0x30]  }
0x1b: {  	v20 =	vld [tilespmem:$0x40]  }
0x1c: {  	v23 =	vld [tilespmem:$0x50]  }
0x1d: {  	v25 =	vld [tilespmem:$0x60]  }
0x1e: {  	v26 =	vld [tilespmem:$0x70]  }
0x1f: {  	v21 =	vld [tilespmem:$0x80]  }
0x20: {  	v24 =	vld [tilespmem:$0x90]  }
0x21: {  	v28 =	vld [tilespmem:$0xA0]  }
0x22: {  	v22 =	vld [tilespmem:$0xB0]  }
0x23: {  	v1 =	vld [tilespmem:$0xC0]  }
0x24: {  	v10 =	vld [tilespmem:$0xD0]  }
0x25: {  	v11 =	vld [tilespmem:$0xE0]  }
0x26: {  	v0 =	vld [tilespmem:$0xF0]  }
0x27: {  	v12 =	vld [tilespmem:$0x100];
	[tilespmem:$0x1F950] =	vst v22  }
0x28: {  	v18 =	vld [tilespmem:$0x110];
	[tilespmem:$0x1F970] =	vst v1  }
0x29: {  	v17 =	vld [tilespmem:$0x120];
	[tilespmem:$0x1F980] =	vst v10  }
0x2a: {  	v51 =	vld [tilespmem:$0x130];
	[tilespmem:$0x1F990] =	vst v11;
	v2 =	vmul.f32 v4, v4;
	v3 =	vmul.f32 v13, v13  }
0x2b: {  	v19 =	vld [tilespmem:$0x140];
	[tilespmem:$0x1F9A0] =	vst v0;
	v5 =	vmul.f32 v14, v14;
	v6 =	vmul.f32 v20, v20  }
0x2c: {  	v52 =	vld [tilespmem:$0x150];
	[tilespmem:$0x1F9B0] =	vst v12;
	v7 =	vmul.f32 v23, v23;
	v8 =	vmul.f32 v15, v15  }
0x2d: {  	v53 =	vld [tilespmem:$0x160];
	[tilespmem:$0x1F9C0] =	vst v18;
	v9 =	vmul.f32 v25, v25;
	v50 =	vmul.f32 v26, v26  }
0x2e: {  	[tilespmem:$0x1F9D0] =	vst v17;
	v16 =	vmul.f32 v24, v24;
	v6 =	vadd.f32 v6, v2;
	v3 =	vadd.f32 v7, v3  }
0x2f: {  	[tilespmem:$0x1F9E0] =	vst v51;
	v5 =	vadd.f32 v9, v5;
	v9 =	vmul.f32 v21, v21;
	v27 =	vadd.f32 v50, v8;
	v8 =	vld [tilespmem:$0x170]  }
0x30: {  	[tilespmem:$0x1F9F0] =	vst v19;
	v29 =	vmul.f32 v28, v28  }
0x31: {  	s17 =	simm.s32 $0x0;
	[tilespmem:$0x1FA00] =	vst v52;
	v6 =	vadd.f32 v9, v6;
	v3 =	vadd.f32 v16, v3;
	v16 =	vmul.f32 v1, v1  }
0x32: {  	s18 =	smul.u32 $0x3000, s17;
	v30 =	vmul.f32 v22, v22;
	[tilespmem:$0x1FA10] =	vst v53;
	v5 =	vadd.f32 v29, v5;
	v29 =	vmul.f32 v10, v10  }
0x33: {  	v31 =	vmul.f32 v18, v18;
	[tilespmem:s12], [sflag:$0x2] =	stream.linear.gather [hbm4b:s5+s3], $0x3000, $0x38;
	v6 =	vadd.f32 v16, v6;
	v16 =	vmul.f32 v11, v11;
	[tilespmem:$0x6200] =	vst v63  }
0x34: {  	v27 =	vadd.f32 v30, v27;
	v30 =	vmul.f32 v0, v0;
	v3 =	vadd.f32 v29, v3;
	[tilespmem:$0x1FA20] =	vst v8  }
0x35: {  	s29 =	sand.u32 $0x300, s3;
	s21 =	sshra.s32 s18, $0x2;
	v54 =	vld [tilespmem:$0x1FFA0];
	v5 =	vadd.f32 v16, v5;
	_ =	swait.ge [sflag:s13], $0x3000  }
0x36: {  	s20 =	sor.u32 $0x80, s29;
	s22 =	sor.u32 $0x180, s21;
	v16 =	vadd.f32 v30, v27;
	v3 =	vadd.f32 v31, v3;
	v30 =	vmul.f32 v52, v52;
	[sflag:s13] =	ssyncset.done $0x0  }
0x37: {  	s30 =	sadd.s32 s20, s22;
	[sflag:s13] =	ssyncadd.s32 $0xFFFFD000  }
0x38: {  	v3 =	vadd.f32 v30, v3;
	v30 =	vld [tilespmem:s30+$0x50]  }
0x39: {  	v32 =	vld [tilespmem:s30+$0x60]  }
0x3a: {  	v36 =	vld [tilespmem:s30+$0x70]  }
0x3b: {  	v33 =	vld [tilespmem:s30+$0x10]  }
0x3c: {  	s23 =	sadd.s32 $0x580, s21;
	v34 =	vld [tilespmem:s30+$0x20]  }
0x3d: {  	s19 =	sadd.s32 s20, s23;
	v29 =	vmul.f32 v12, v12;
	v37 =	vld [tilespmem:s30+$0x30]  }
0x3e: {  	v4 =	vadd.s32 $0x8000, v4;
	v13 =	vadd.s32 $0x8000, v13;
	v18 =	vld [tilespmem:s19+$0x0]  }
0x3f: {  	v27 =	vmul.f32 v17, v17;
	v6 =	vadd.f32 v29, v6;
	v29 =	vmul.f32 v51, v51;
	v17 =	vld [tilespmem:s19+$0x10]  }
0x40: {  	v31 =	vmul.f32 v8, v8;
	v8 =	vand.u32 $0xFFFF0000, v13;
	v13 =	vadd.s32 $0x8000, v14;
	v22 =	vld [tilespmem:s19+$0x20]  }
0x41: {  	s22 =	sadd.s32 s29, s22;
	v14 =	vadd.s32 $0x8000, v20;
	v5 =	vadd.f32 v27, v5;
	v27 =	vmul.f32 v19, v19;
	v19 =	vld [tilespmem:s19+$0x30]  }
0x42: {  	v10 =	vand.u32 $0xFFFF0000, v13;
	v13 =	vadd.s32 $0x8000, v15;
	v16 =	vadd.f32 v29, v16;
	v42 =	vld [tilespmem:s22+$0x50]  }
0x43: {  	v29 =	vmul.f32 v53, v53;
	v9 =	vand.u32 $0xFFFF0000, v13;
	v13 =	vadd.s32 $0x8000, v23;
	v43 =	vld [tilespmem:s22+$0x0]  }
0x44: {  	v11 =	vand.u32 $0xFFFF0000, v13;
	v13 =	vadd.s32 $0x8000, v25;
	v46 =	vld [tilespmem:s22+$0x10];
	v6 =	vadd.f32 v27, v6  }
0x45: {  	v39 =	vld [tilespmem:s22+$0x70];
	v5 =	vadd.f32 v29, v5;
	v20 =	vmul.f32 v18, v18;
	v23 =	vmul.f32 v17, v17  }
0x46: {  	s31 =	sadd.s32 s29, s23;
	v41 =	vld [tilespmem:s22+$0x30];
	v16 =	vadd.f32 v31, v16;
	v25 =	vmul.f32 v22, v22;
	v44 =	vmul.f32 v33, v33  }
0x47: {  	v59 =	vld [tilespmem:s31+$0x20];
	v3 =	vadd.f32 v3, v6;
	v45 =	vmul.f32 v34, v34;
	v48 =	vmul.f32 v37, v37  }
0x48: {  	v27 =	vld [tilespmem:s30+$0x0];
	v49 =	vadd.s32 $0x8000, v30;
	v30 =	vmul.f32 v30, v30;
	v50 =	vmul.f32 v32, v32  }
0x49: {  	v29 =	vld [tilespmem:s30+$0x40];
	v5 =	vadd.f32 v16, v5;
	v51 =	vmul.f32 v43, v43;
	v52 =	vmul.f32 v36, v36  }
0x4a: {  	v1 =	vand.u32 $0xFFFF0000, v4;
	v53 =	vmul.f32 v46, v46;
	v60 =	vmul.f32 v42, v42  }
0x4b: {  	v3 =	vadd.f32 v5, v3;
	v62 =	vmul.f32 v41, v41;
	v63 =	vmul.f32 v39, v39  }
0x4c: {  	v32 =	vadd.s32 $0x8000, v32;
	v2 =	vmul.f32 v19, v19;
	v4 =	vmul.f32 v59, v59  }
0x4d: {  	v43 =	vadd.s32 $0x8000, v43;
	v37 =	vadd.s32 $0x8000, v37;
	v42 =	vadd.s32 $0x8000, v42  }
0x4e: {  	v38 =	vld [tilespmem:s22+$0x40];
	v41 =	vadd.s32 $0x8000, v41;
	v15 =	vmul.f32 v27, v27;
	v47 =	vadd.s32 $0x8000, v29  }
0x4f: {  	v55 =	vld [tilespmem:$0x1FFC0];
	v29 =	vmul.f32 v29, v29;
	v27 =	vadd.s32 $0x8000, v27;
	v6 =	vand.u32 $0xFFFF0000, v49  }
0x50: {  	v32 =	vand.u32 $0xFFFF0000, v32;
	v43 =	vand.u32 $0xFFFF0000, v43;
	v5 =	vperm.xlane v3, v54  }
0x51: {  	v37 =	vand.u32 $0xFFFF0000, v37;
	v30 =	vadd.f32 v30, v44;
	v45 =	vadd.f32 v50, v45  }
0x52: {  	v42 =	vand.u32 $0xFFFF0000, v42;
	v48 =	vadd.f32 v52, v48;
	v3 =	vadd.f32 v3, v5  }
0x53: {  	v56 =	vld [tilespmem:$0x1FFE0];
	v54 =	vmul.f32 v38, v38;
	v44 =	vadd.f32 v60, v53;
	v52 =	vadd.f32 v63, v62  }
0x54: {  	v40 =	vld [tilespmem:s22+$0x20];
	v27 =	vand.u32 $0xFFFF0000, v27;
	v38 =	vadd.s32 $0x8000, v38;
	v5 =	vperm.xlane v3, v55  }
0x55: {  	v43 =	vmul.f32 v43, v1;
	v42 =	vmul.f32 v42, v11;
	v29 =	vadd.f32 v29, v15  }
0x56: {  	[tilespmem:$0x1FF50] =	vst v1;
	v58 =	vld [tilespmem:s31+$0x10];
	v27 =	vmul.f32 v27, v1;
	v1 =	vadd.s32 $0x8000, v36;
	v3 =	vadd.f32 v3, v5  }
0x57: {  	v57 =	vld [tilespmem:$0x1FF90];
	v38 =	vand.u32 $0xFFFF0000, v38;
	v51 =	vadd.f32 v54, v51;
	v45 =	vadd.f32 v25, v45  }
0x58: {  	v7 =	vadd.f32 v2, v48;
	v2 =	vmul.f32 v37, v9;
	v5 =	vperm.xlane v3, v56  }
0x59: {  	v43 =	vadd.f32 $0.0e+00, v43;
	v60 =	vadd.f32 $0.0e+00, v27;
	v55 =	vmul.f32 v40, v40  }
0x5a: {  	v15 =	vld [tilespmem:s31+$0x30];
	v56 =	vadd.f32 v20, v29;
	v29 =	vadd.s32 $0x8000, v33;
	v16 =	vadd.f32 v3, v5  }
0x5b: {  	[tilespmem:$0x1FA30] =	vst v58;
	v29 =	vand.u32 $0xFFFF0000, v29;
	v3 =	vmul.f32 v58, v58;
	v5 =	vadd.s32 $0x8000, v34  }
0x5c: {  	[tilespmem:$0x1FA40] =	vst v59;
	v58 =	vadd.f32 v23, v30;
	v59 =	vmul.f32 v29, v8;
	v31 =	vperm.xlane v16, v57  }
0x5d: {  	v36 =	vld [tilespmem:s31+$0x50];
	v30 =	vand.u32 $0xFFFF0000, v47;
	v34 =	vmul.f32 v6, v11;
	v33 =	vand.u32 $0xFFFF0000, v5  }
0x5e: {  	v33 =	vmul.f32 v33, v10;
	v48 =	vadd.f32 $0.0e+00, v59;
	v0 =	vadd.f32 v16, v31;
	v16 =	vld [tilespmem:s31+$0x0]  }
0x5f: {  	v57 =	vmul.f32 v15, v15;
	v53 =	vadd.f32 v3, v44;
	v44 =	vand.u32 $0xFFFF0000, v1;
	v31 =	vld [tilespmem:s22+$0x60]  }
0x60: {  	v15 =	vadd.s32 $0x8000, v15;
	v62 =	vadd.f32 $0.0e+00, v33;
	v59 =	vadd.f32 v34, v48;
	v33 =	vld [tilespmem:s19+$0x70]  }
0x61: {  	s21 =	sadd.s32 $0x980, s21;
	v34 =	vld [tilespmem:s31+$0x40];
	[tilespmem:$0x1FB00] =	vst v0;
	v0 =	vand.u32 $0xFFFF0000, v14;
	v14 =	vand.u32 $0xFFFF0000, v13;
	v13 =	vadd.s32 $0x8000, v26  }
0x62: {  	s17 =	sadd.s32 s29, s21;
	v15 =	vand.u32 $0xFFFF0000, v15;
	v13 =	vand.u32 $0xFFFF0000, v13;
	v63 =	vmul.f32 v32, v14  }
0x63: {  	v12 =	vld [tilespmem:s17+$0x60];
	v52 =	vadd.f32 v57, v52;
	v3 =	vmul.f32 v38, v0;
	v44 =	vmul.f32 v44, v13  }
0x64: {  	v37 =	vld [tilespmem:s31+$0x60];
	v48 =	vadd.f32 $0.0e+00, v2;
	v26 =	vmul.f32 v16, v16;
	v61 =	vmul.f32 v31, v31  }
0x65: {  	v38 =	vld [tilespmem:s31+$0x70];
	v49 =	vadd.f32 v63, v62;
	v54 =	vadd.f32 v3, v43;
	v5 =	vmul.f32 v33, v33  }
0x66: {  	v27 =	vld [tilespmem:s19+$0x40];
	v6 =	vmul.f32 v34, v34;
	v63 =	vmul.f32 v36, v36;
	v33 =	vadd.s32 $0x8000, v33  }
0x67: {  	v32 =	vld [tilespmem:s19+$0x60];
	v34 =	vadd.s32 $0x8000, v34;
	v36 =	vadd.s32 $0x8000, v36;
	v62 =	vadd.f32 v44, v48  }
0x68: {  	v33 =	vand.u32 $0xFFFF0000, v33;
	v50 =	vadd.f32 v61, v55;
	v61 =	vmul.f32 v30, v0;
	v30 =	vld [tilespmem:s19+$0x50]  }
0x69: {  	s20 =	sadd.s32 s20, s21;
	v44 =	vld [tilespmem:s17+$0x0];
	v34 =	vand.u32 $0xFFFF0000, v34;
	v36 =	vand.u32 $0xFFFF0000, v36;
	v51 =	vadd.f32 v26, v51  }
0x6a: {  	v26 =	vld [tilespmem:s20+$0x10];
	v53 =	vadd.f32 v63, v53;
	v35 =	vmul.f32 v38, v38;
	v38 =	vadd.s32 $0x8000, v38  }
0x6b: {  	v23 =	vld [tilespmem:s20+$0x0];
	v50 =	vadd.f32 v4, v50;
	v57 =	vadd.f32 v61, v60;
	v4 =	vmul.f32 v27, v27  }
0x6c: {  	v29 =	vld [tilespmem:s20+$0x20];
	v61 =	vmul.f32 v32, v32;
	v27 =	vadd.s32 $0x8000, v27;
	v32 =	vadd.s32 $0x8000, v32  }
0x6d: {  	v47 =	vld [tilespmem:s17+$0x20];
	v38 =	vand.u32 $0xFFFF0000, v38;
	v27 =	vand.u32 $0xFFFF0000, v27;
	v60 =	vmul.f32 v30, v30  }
0x6e: {  	v43 =	vld [tilespmem:s20+$0x30];
	v32 =	vand.u32 $0xFFFF0000, v32;
	v55 =	vadd.f32 v4, v56;
	v63 =	vmul.f32 v44, v44  }
0x6f: {  	v48 =	vld [tilespmem:s17+$0x30];
	v2 =	vmul.f32 v26, v26;
	v30 =	vadd.s32 $0x8000, v30;
	v56 =	vadd.f32 v60, v58  }
0x70: {  	v30 =	vand.u32 $0xFFFF0000, v30;
	v58 =	vadd.f32 v61, v45;
	v45 =	vld [tilespmem:s17+$0x10];
	v61 =	vadd.f32 v5, v7  }
0x71: {  	v25 =	vld [tilespmem:s20+$0x50];
	v7 =	vmul.f32 v37, v37;
	v60 =	vadd.f32 v6, v51;
	v51 =	vmul.f32 v23, v23  }
0x72: {  	v20 =	vld [tilespmem:s20+$0x40];
	v6 =	vadd.f32 v35, v52;
	v35 =	vmul.f32 v29, v29;
	v37 =	vadd.s32 $0x8000, v37  }
0x73: {  	v3 =	vadd.f32 v7, v50;
	v50 =	vld [tilespmem:s17+$0x40];
	v52 =	vadd.f32 v51, v55;
	v7 =	vmul.f32 v43, v43  }
0x74: {  	v51 =	vld [tilespmem:s17+$0x50];
	v55 =	vadd.f32 v35, v58;
	v35 =	vmul.f32 v47, v47;
	v5 =	vadd.f32 v63, v60  }
0x75: {  	v60 =	vld [tilespmem:s20+$0x60];
	v7 =	vadd.f32 v7, v61;
	v61 =	vmul.f32 v48, v48;
	v58 =	vmul.f32 v45, v45  }
0x76: {  	v56 =	vadd.f32 v2, v56;
	v2 =	vmul.f32 v25, v25;
	v4 =	vadd.f32 v35, v3;
	v35 =	vld [tilespmem:s17+$0x70]  }
0x77: {  	v6 =	vadd.f32 v61, v6;
	v61 =	vld [tilespmem:s20+$0x70];
	v53 =	vadd.f32 v58, v53;
	v58 =	vmul.f32 v20, v20  }
0x78: {  	v37 =	vand.u32 $0xFFFF0000, v37;
	v63 =	vmul.f32 v12, v12;
	v2 =	vadd.f32 v2, v56  }
0x79: {  	v1 =	vmul.f32 v50, v50;
	v3 =	vadd.f32 v58, v52;
	v58 =	vmul.f32 v51, v51  }
0x7a: {  	[tilespmem:$0x1F910] =	vst v0;
	v0 =	vadd.f32 v63, v4;
	v56 =	vmul.f32 v60, v60;
	v52 =	vadd.s32 $0x8000, v21  }
0x7b: {  	v1 =	vadd.f32 v1, v5;
	v21 =	vand.u32 $0xFFFF0000, v52;
	v5 =	vadd.f32 v58, v53  }
0x7c: {  	v53 =	vadd.s32 $0x8000, v46;
	v58 =	vmul.f32 v35, v35;
	v63 =	vmul.f32 v61, v61  }
0x7d: {  	v46 =	vadd.f32 v56, v55;
	v2 =	vadd.f32 v2, v3;
	v56 =	vadd.s32 $0x8000, v18  }
0x7e: {  	v18 =	vadd.s32 $0x8000, v50;
	v4 =	vand.u32 $0xFFFF0000, v53;
	v53 =	vadd.s32 $0x8000, v24  }
0x7f: {  	v24 =	vadd.s32 $0x8000, v29;
	v29 =	vadd.s32 $0x8000, v47;
	v18 =	vand.u32 $0xFFFF0000, v18  }
0x80: {  	v4 =	vmul.f32 v4, v8;
	v6 =	vadd.f32 v58, v6;
	v7 =	vadd.f32 v63, v7  }
0x81: {  	v1 =	vadd.f32 v5, v1;
	v58 =	vadd.s32 $0x8000, v17;
	v63 =	vadd.s32 $0x8000, v40  }
0x82: {  	[tilespmem:$0x1FF60] =	vst v8;
	v40 =	vadd.s32 $0x8000, v31;
	v8 =	vadd.s32 $0x8000, v39;
	v4 =	vadd.f32 $0.0e+00, v4  }
0x83: {  	v24 =	vand.u32 $0xFFFF0000, v24;
	v29 =	vand.u32 $0xFFFF0000, v29;
	v5 =	vand.u32 $0xFFFF0000, v63  }
0x84: {  	v3 =	vand.u32 $0xFFFF0000, v58;
	v8 =	vand.u32 $0xFFFF0000, v8;
	v4 =	vadd.f32 v42, v4;
	v42 =	vld [tilespmem:$0x1FB00]  }
0x85: {  	v0 =	vadd.f32 v6, v0;
	v55 =	vadd.f32 v7, v46;
	v7 =	vand.u32 $0xFFFF0000, v41  }
0x86: {  	v5 =	vmul.f32 v5, v10;
	v6 =	vand.u32 $0xFFFF0000, v40;
	v8 =	vmul.f32 v8, v13  }
0x87: {  	v46 =	vand.u32 $0xFFFF0000, v53;
	v7 =	vmul.f32 v7, v9;
	v6 =	vmul.f32 v6, v14  }
0x88: {  	[tilespmem:$0x1FF80] =	vst v9;
	v3 =	vmul.f32 v3, v46;
	v0 =	vadd.f32 v0, v1;
	v2 =	vadd.f32 v55, v2;
	v55 =	vld [tilespmem:$0x1F950]  }
0x89: {  	[tilespmem:$0x1F920] =	vst v11;
	v9 =	vadd.f32 $0.0e+00, v5;
	v11 =	vshra.s32 v42, $0x1;
	v31 =	vmul.f32 $5.000000000e-01, v42  }
0x8a: {  	v1 =	vand.u32 $0xFFFF0000, v56;
	v7 =	vadd.f32 $0.0e+00, v7;
	v17 =	vsub.s32 $0x5F3759DF, v11  }
0x8b: {  	v1 =	vmul.f32 v1, v21;
	v9 =	vadd.f32 v6, v9;
	v52 =	vmul.f32 v17, v31  }
0x8c: {  	[tilespmem:$0x1FA70] =	vst v4;
	v4 =	vadd.f32 v3, v59;
	v6 =	vadd.f32 v8, v7;
	v8 =	vadd.s32 $0x8000, v19  }
0x8d: {  	v3 =	vadd.s32 $0x8000, v55;
	v11 =	vadd.f32 v1, v57;
	v1 =	vmul.f32 v17, v52  }
0x8e: {  	v53 =	vadd.s32 $0x8000, v28;
	v8 =	vand.u32 $0xFFFF0000, v8;
	v41 =	vand.u32 $0xFFFF0000, v3  }
0x8f: {  	v40 =	vld [tilespmem:$0x1FFB0];
	v28 =	vadd.s32 $0x8000, v45;
	v8 =	vmul.f32 v8, v41;
	v1 =	vsub.f32 $1.500000000e+00, v1  }
0x90: {  	v45 =	vadd.s32 $0x8000, v48;
	v39 =	vand.u32 $0xFFFF0000, v53;
	v28 =	vand.u32 $0xFFFF0000, v28  }
0x91: {  	v56 =	vadd.s32 $0x8000, v22;
	v5 =	vmul.f32 v17, v1;
	v1 =	vadd.f32 v8, v62;
	v62 =	vld [tilespmem:$0x1F990]  }
0x92: {  	v58 =	vld [tilespmem:$0x1F970];
	v22 =	vadd.s32 $0x8000, v23;
	v23 =	vadd.s32 $0x8000, v26;
	v26 =	vadd.s32 $0x8000, v44  }
0x93: {  	v63 =	vld [tilespmem:$0x1F9A0];
	v22 =	vand.u32 $0xFFFF0000, v22;
	v23 =	vand.u32 $0xFFFF0000, v23;
	v26 =	vand.u32 $0xFFFF0000, v26  }
0x94: {  	[tilespmem:$0x1FF70] =	vst v10;
	v59 =	vld [tilespmem:$0x1F980];
	v10 =	vperm.xlane v0, v40;
	v19 =	vadd.s32 $0x8000, v51;
	v50 =	vperm.xlane v2, v40  }
0x95: {  	v53 =	vld [tilespmem:$0x1F9D0];
	v19 =	vand.u32 $0xFFFF0000, v19;
	v57 =	vadd.s32 $0x8000, v16;
	v3 =	vand.u32 $0xFFFF0000, v56  }
0x96: {  	v7 =	vand.u32 $0xFFFF0000, v57;
	v3 =	vmul.f32 v3, v39;
	v16 =	vadd.s32 $0x8000, v62;
	v62 =	vld [tilespmem:$0x1FA00]  }
0x97: {  	v2 =	vadd.f32 v50, v2;
	v15 =	vmul.f32 v15, v41;
	v7 =	vmul.f32 v7, v21  }
0x98: {  	v42 =	vadd.f32 v3, v49;
	v3 =	vadd.f32 v10, v0;
	v49 =	vld [tilespmem:$0x1F9B0];
	v8 =	vadd.s32 $0x8000, v58  }
0x99: {  	v10 =	vadd.s32 $0x8000, v59;
	v52 =	vld [tilespmem:$0x1F9C0];
	v59 =	vand.u32 $0xFFFF0000, v8;
	v8 =	vadd.s32 $0x8000, v63  }
0x9a: {  	[tilespmem:$0x1F960] =	vst v21;
	v21 =	vadd.s32 $0x8000, v35;
	v58 =	vld [tilespmem:$0x1F9F0];
	v55 =	vand.u32 $0xFFFF0000, v8;
	v8 =	vadd.s32 $0x8000, v53  }
0x9b: {  	v35 =	vand.u32 $0xFFFF0000, v45;
	v53 =	vand.u32 $0xFFFF0000, v8;
	v8 =	vadd.s32 $0x8000, v62;
	v62 =	vld [tilespmem:$0x1FA20]  }
0x9c: {  	v21 =	vand.u32 $0xFFFF0000, v21;
	v6 =	vadd.f32 v15, v6;
	v56 =	vand.u32 $0xFFFF0000, v10  }
0x9d: {  	v57 =	vld [tilespmem:$0x1F9E0];
	v7 =	vadd.f32 v7, v54;
	v30 =	vmul.f32 v30, v56;
	v36 =	vmul.f32 v36, v56  }
0x9e: {  	v17 =	vadd.s32 $0x8000, v61;
	v54 =	vand.u32 $0xFFFF0000, v16;
	v16 =	vadd.s32 $0x8000, v52  }
0x9f: {  	v4 =	vadd.f32 v30, v4;
	v52 =	vand.u32 $0xFFFF0000, v16;
	v16 =	vadd.s32 $0x8000, v58  }
0xa0: {  	v10 =	vadd.s32 $0x8000, v49;
	v58 =	vand.u32 $0xFFFF0000, v16;
	v16 =	vadd.s32 $0x8000, v62  }
0xa1: {  	v62 =	vand.u32 $0xFFFF0000, v8;
	v8 =	vadd.s32 $0x8000, v20;
	v20 =	vadd.s32 $0x8000, v12;
	v12 =	vld [tilespmem:$0x1FA30]  }
0xa2: {  	v63 =	vand.u32 $0xFFFF0000, v10;
	v10 =	vadd.s32 $0x8000, v57;
	v57 =	vld [tilespmem:$0x1FA10];
	v27 =	vmul.f32 v27, v59  }
0xa3: {  	v17 =	vand.u32 $0xFFFF0000, v17;
	v34 =	vmul.f32 v34, v59;
	v49 =	vand.u32 $0xFFFF0000, v10  }
0xa4: {  	v22 =	vmul.f32 v22, v63;
	v33 =	vmul.f32 v33, v55;
	v11 =	vadd.f32 v27, v11  }
0xa5: {  	v26 =	vmul.f32 v26, v63;
	v24 =	vmul.f32 v24, v53;
	v7 =	vadd.f32 v34, v7  }
0xa6: {  	[tilespmem:$0x1F940] =	vst v13;
	v1 =	vadd.f32 v33, v1;
	v11 =	vadd.f32 v22, v11;
	v13 =	vadd.s32 $0x8000, v12;
	v12 =	vld [tilespmem:$0x1FA40]  }
0xa7: {  	v7 =	vadd.f32 v26, v7;
	v10 =	vadd.s32 $0x8000, v57;
	v32 =	vmul.f32 v32, v54  }
0xa8: {  	v0 =	vand.u32 $0xFFFF0000, v10;
	v10 =	vadd.s32 $0x8000, v25;
	v25 =	vadd.s32 $0x8000, v43  }
0xa9: {  	v15 =	vmul.f32 v37, v54;
	v23 =	vmul.f32 v23, v52;
	v25 =	vand.u32 $0xFFFF0000, v25  }
0xaa: {  	v51 =	vld [tilespmem:$0x1FFD0];
	v10 =	vand.u32 $0xFFFF0000, v10;
	v18 =	vmul.f32 v18, v58;
	v25 =	vmul.f32 v25, v49  }
0xab: {  	[tilespmem:$0x1F930] =	vst v14;
	v4 =	vadd.f32 v23, v4;
	v23 =	vmul.f32 v35, v49;
	v14 =	vadd.s32 $0x8000, v12  }
0xac: {  	v7 =	vadd.f32 v18, v7;
	v1 =	vadd.f32 v25, v1;
	v14 =	vand.u32 $0xFFFF0000, v14  }
0xad: {  	v57 =	vand.u32 $0xFFFF0000, v16;
	v8 =	vand.u32 $0xFFFF0000, v8;
	v14 =	vmul.f32 v14, v39  }
0xae: {  	v30 =	vld [tilespmem:$0x1FFF0];
	v16 =	vadd.s32 $0x8000, v60;
	v10 =	vmul.f32 v10, v62;
	v8 =	vmul.f32 v8, v58  }
0xaf: {  	v48 =	vld [tilespmem:$0x1FA70];
	v16 =	vand.u32 $0xFFFF0000, v16;
	v9 =	vadd.f32 v14, v9;
	v14 =	vperm.xlane v3, v51  }
0xb0: {  	v17 =	vmul.f32 v17, v57;
	v4 =	vadd.f32 v10, v4;
	v8 =	vadd.f32 v8, v11  }
0xb1: {  	v13 =	vand.u32 $0xFFFF0000, v13;
	v61 =	vadd.f32 v14, v3;
	v14 =	vperm.xlane v2, v51  }
0xb2: {  	v13 =	vmul.f32 v13, v46;
	v12 =	vadd.f32 v32, v42;
	v9 =	vadd.f32 v15, v9  }
0xb3: {  	v15 =	vmul.f32 v28, v52;
	v28 =	vld [tilespmem:$0x1FF90];
	v27 =	vperm.xlane v61, v30;
	v2 =	vadd.f32 v14, v2  }
0xb4: {  	v16 =	vmul.f32 v16, v0;
	v1 =	vadd.f32 v17, v1;
	v13 =	vadd.f32 v13, v48  }
0xb5: {  	v47 =	vmovc v0;
	v12 =	vadd.f32 v24, v12;
	v0 =	vadd.f32 v27, v61;
	v27 =	vperm.xlane v2, v30  }
0xb6: {  	v4 =	vadd.f32 v4, v8;
	v13 =	vadd.f32 v36, v13;
	v14 =	vmul.f32 v38, v55  }
0xb7: {  	s21 =	simm.s32 $0x0;
	v20 =	vand.u32 $0xFFFF0000, v20;
	v12 =	vadd.f32 v16, v12;
	v2 =	vadd.f32 v27, v2  }
0xb8: {  	s22 =	smul.u32 $0x3000, s21;
	v6 =	vadd.f32 v14, v6;
	v14 =	vmul.f32 v29, v53;
	v22 =	vperm.xlane v0, v28  }
0xb9: {  	v1 =	vadd.f32 v1, v12;
	v13 =	vadd.f32 v15, v13;
	v15 =	vperm.xlane v2, v28  }
0xba: {  	s18 =	simm.s32 $0x100;
	s24 =	sshra.s32 s22, $0x2;
	v19 =	vmul.f32 v19, v62;
	v37 =	vadd.f32 v14, v9;
	v22 =	vadd.f32 v22, v0  }
0xbb: {  	s23 =	sand.u32 $0x300, s18;
	s29 =	sadd.s32 $0x980, s24;
	v20 =	vmul.f32 v20, v47;
	v6 =	vadd.f32 v23, v6;
	v15 =	vadd.f32 v15, v2  }
0xbc: {  	s22 =	sadd.s32 s23, s29;
	v9 =	vmul.f32 v21, v57;
	v38 =	vshra.s32 v22, $0x1;
	v14 =	vmul.f32 $5.000000000e-01, v22  }
0xbd: {  	s25 =	sor.u32 $0x80, s23;
	s26 =	sor.u32 $0x180, s24;
	v26 =	vld [tilespmem:s22+$0x40];
	v2 =	vsub.s32 $0x5F3759DF, v38;
	v11 =	vshra.s32 v15, $0x1;
	v21 =	vmul.f32 $5.000000000e-01, v15  }
0xbe: {  	s28 =	sadd.s32 s25, s26;
	v13 =	vadd.f32 v19, v13;
	v10 =	vmul.f32 v2, v14;
	v11 =	vsub.s32 $0x5F3759DF, v11  }
0xbf: {  	[tilespmem:$0x1FAD0] =	vst v52;
	v52 =	vld [tilespmem:s28+$0x10];
	v0 =	vadd.f32 v20, v37;
	v6 =	vadd.f32 v9, v6;
	v16 =	vmul.f32 v11, v21  }
0xc0: {  	v7 =	vadd.f32 v13, v7;
	v13 =	vmul.f32 v5, v31;
	v10 =	vmul.f32 v2, v10  }
0xc1: {  	s21 =	sadd.s32 s23, s26;
	[tilespmem:$0x1FA60] =	vst v39;
	v50 =	vld [tilespmem:$0x1FB00];
	v4 =	vadd.f32 v1, v4;
	v0 =	vadd.f32 v6, v0;
	v9 =	vmul.f32 v11, v16  }
0xc2: {  	[tilespmem:$0x1FAC0] =	vst v55;
	v36 =	vmul.f32 v26, v26;
	v55 =	vld [tilespmem:s21+$0x0];
	v42 =	vmul.f32 v13, v5;
	v10 =	vsub.f32 $1.500000000e+00, v10  }
0xc3: {  	[tilespmem:$0x1FAE0] =	vst v53;
	v12 =	vperm.xlane v4, v40;
	v53 =	vld [tilespmem:s28+$0x20];
	v0 =	vadd.f32 v0, v7;
	v39 =	vsub.f32 $1.500000000e+00, v9  }
0xc4: {  	v24 =	vmul.f32 v52, v52;
	v8 =	vmul.f32 v2, v10;
	v2 =	vsub.f32 $1.500000000e+00, v42  }
0xc5: {  	v9 =	vperm.xlane v0, v40;
	v6 =	vmul.f32 v11, v39  }
0xc6: {  	vm2 =	vlt.f32 v50, $1.000000020e-16;
	v43 =	vmul.f32 v8, v14;
	v16 =	vmul.f32 v2, v5;
	v2 =	vld [tilespmem:s28+$0x60]  }
0xc7: {  	v50 =	vld [tilespmem:s21+$0x30];
	v4 =	vadd.f32 v4, v12;
	v61 =	vmul.f32 v55, v55;
	v10 =	vmul.f32 v6, v21  }
0xc8: {  	v29 =	vld [tilespmem:s22+$0x50];
	v25 =	vmul.f32 v53, v53;
	v44 =	vadd.f32 v0, v9;
	v11 =	vmul.f32 v43, v8  }
0xc9: {  	vm1 =	vlt.f32 v22, $1.000000020e-16;
	v5 =	vmul.f32 v16, v31;
	v45 =	vmul.f32 v10, v6  }
0xca: {  	s30 =	sadd.s32 s25, s29;
	v13 =	vld [tilespmem:s21+$0x40];
	v22 =	vimm.f32 $-3.000000000e+00;
	v9 =	vsub.f32 $1.500000000e+00, v11;
	v11 =	vperm.xlane v44, v51  }
0xcb: {  	[tilespmem:$0x1FA50] =	vst v46;
	v42 =	vld [tilespmem:s30+$0x10];
	v46 =	vmul.f32 v5, v16;
	v31 =	vmul.f32 v2, v2;
	v12 =	vsub.f32 $1.500000000e+00, v45  }
0xcc: {  	[tilespmem:$0x1FA90] =	vst v41;
	v8 =	vmul.f32 v9, v8;
	v9 =	vperm.xlane v4, v51;
	v3 =	vadd.f32 v44, v11  }
0xcd: {  	[tilespmem:$0x1FA80] =	vst v59;
	v51 =	vld [tilespmem:s21+$0x60];
	v45 =	vmul.f32 v50, v50;
	v44 =	vadd.s32 $0x8000, v29;
	v32 =	vadd.f32 v31, v25  }
0xce: {  	v41 =	vld [tilespmem:s30+$0x0];
	v59 =	vmovc v47;
	v17 =	vmul.f32 v12, v6;
	v47 =	vmul.f32 v8, v14;
	v4 =	vadd.f32 v4, v9  }
0xcf: {  	v34 =	vld [tilespmem:s22+$0x60];
	v11 =	vperm.xlane v3, v30;
	v6 =	vsub.f32 $1.500000000e+00, v46;
	v46 =	vmul.f32 v13, v13  }
0xd0: {  	[tilespmem:$0x1FCE0] =	vst v44;
	v44 =	vadd.s32 $0x8000, v42;
	v14 =	vmul.f32 v17, v21;
	v18 =	vmul.f32 v47, v8  }
0xd1: {  	v7 =	vld [tilespmem:s28+$0x40];
	v19 =	vperm.xlane v4, v30;
	v20 =	vadd.f32 v3, v11;
	v35 =	vadd.f32 v46, v61  }
0xd2: {  	v60 =	vld [tilespmem:s28+$0x0];
	v25 =	vmul.f32 v51, v51;
	v11 =	vmul.f32 v14, v17;
	v14 =	vsub.f32 $1.500000000e+00, v18  }
0xd3: {  	v18 =	vadd.f32 v4, v19;
	v19 =	vmul.f32 v6, v16;
	v6 =	vadd.s32 $0x8000, v26  }
0xd4: {  	v5 =	vld [tilespmem:s21+$0x70];
	v46 =	vadd.s32 $0x8000, v34;
	v16 =	vperm.xlane v20, v28;
	[tilespmem:$0x1FCC0] =	vst v6;
	v6 =	vmul.f32 v41, v41  }
0xd5: {  	[tilespmem:$0x1FAA0] =	vst v56;
	v56 =	vld [tilespmem:s21+$0x10];
	v21 =	vsub.f32 $1.500000000e+00, v11;
	v8 =	vmul.f32 v14, v8;
	v23 =	vperm.xlane v18, v28  }
0xd6: {  	v20 =	vadd.f32 v20, v16;
	v1 =	vsel vm2, $0x4CBEBC20, v19;
	v19 =	vld [tilespmem:s30+$0x40];
	v28 =	vmul.f32 v7, v7  }
0xd7: {  	[tilespmem:$0x1FAB0] =	vst v54;
	v54 =	vld [tilespmem:s28+$0x30];
	v17 =	vmul.f32 v21, v17;
	v8 =	vsel vm1, $0x4CBEBC20, v8;
	v21 =	vmul.f32 v60, v60  }
0xd8: {  	v0 =	vld [tilespmem:s28+$0x50];
	v18 =	vadd.f32 v18, v23;
	vm1 =	vlt.f32 v15, $1.000000020e-16;
	v8 =	vmul.f32 v8, v20  }
0xd9: {  	[tilespmem:$0x1FE40] =	vst v58;
	v20 =	vld [tilespmem:s30+$0x60];
	v17 =	vsel vm1, $0x4CBEBC20, v17;
	v30 =	vadd.f32 v28, v21;
	v28 =	vmul.f32 v5, v5  }
0xda: {  	v58 =	vld [tilespmem:s21+$0x20];
	[tilespmem:$0x1FBB0] =	vst v6;
	v6 =	vadd.s32 $0x8000, v7;
	v17 =	vmul.f32 v17, v18;
	v8 =	vmul.f32 v8, v1  }
0xdb: {  	v9 =	vld [tilespmem:s21+$0x50];
	[tilespmem:$0x1FDF0] =	vst v6;
	v6 =	vadd.s32 $0x8000, v2;
	v47 =	vmul.f32 v19, v19;
	v40 =	vadd.f32 v28, v45  }
0xdc: {  	[tilespmem:$0x1FB60] =	vst v36;
	v23 =	vld [tilespmem:s30+$0x70];
	v45 =	vmul.f32 v29, v29;
	v17 =	vmul.f32 v17, v1;
	vm2 =	vgt.f32 v8, v22  }
0xdd: {  	s20 =	sadd.s32 $0x580, s24;
	v10 =	vld [tilespmem:s28+$0x70];
	[tilespmem:$0x1FB30] =	vst v47;
	v47 =	vmul.f32 v34, v34;
	v34 =	vmul.f32 v42, v42;
	v8 =	vsel vm2, v8, v22  }
0xde: {  	s19 =	sadd.s32 s25, s20;
	[tilespmem:$0x1FB10] =	vst v1;
	v21 =	vld [tilespmem:s30+$0x20];
	v22 =	vmul.f32 v0, v0;
	v61 =	vadd.s32 $0x8000, v20;
	vm1 =	vgt.f32 v17, v8  }
0xdf: {  	v42 =	vld [tilespmem:s19+$0x70];
	[tilespmem:$0x1FCD0] =	vst v61;
	v61 =	vmul.f32 v20, v20;
	v1 =	vsel vm1, v17, v8;
	v17 =	vmul.f32 v58, v58  }
0xe0: {  	[tilespmem:$0x1FCF0] =	vst v46;
	v20 =	vld [tilespmem:s19+$0x40];
	v8 =	vmul.f32 v56, v56;
	v33 =	vadd.f32 v22, v24;
	v22 =	vmul.f32 v9, v9  }
0xe1: {  	v27 =	vmul.f32 v54, v54;
	[tilespmem:$0x1FE10] =	vst v6;
	v43 =	vmul.f32 v23, v23;
	v39 =	vadd.f32 v25, v17;
	v17 =	vld [tilespmem:s22+$0x0]  }
0xe2: {  	s31 =	sadd.s32 $0xFFFFFFFF, s8;
	v4 =	vmul.f32 v10, v10;
	[tilespmem:$0x1FB80] =	vst v45;
	v24 =	vld [tilespmem:s30+$0x30];
	v38 =	vadd.f32 v22, v8;
	v8 =	vimm.s32 $0x0  }
0xe3: {  	[tilespmem:$0x1FB70] =	vst v43;
	v36 =	vmul.f32 v21, v21;
	v25 =	vadd.s32 $0x8000, v19;
	v19 =	vld [tilespmem:s22+$0x10];
	v8 =	vsel vm2, s31, v8  }
0xe4: {  	v37 =	vadd.f32 v4, v27;
	[tilespmem:$0x1FBC0] =	vst v34;
	v4 =	vsel vm1, s8, v8;
	v8 =	vld [tilespmem:s22+$0x30]  }
0xe5: {  	s17 =	sadd.s32 s23, s20;
	[tilespmem:$0x1FBD0] =	vst v36;
	v36 =	vadd.s32 $0x8000, v20;
	v7 =	vmul.f32 v20, v20;
	v20 =	vld [tilespmem:s19+$0x0]  }
0xe6: {  	[tilespmem:$0x1FB50] =	vst v4;
	v4 =	vadd.s32 $0x8000, v41;
	v34 =	vadd.s32 $0x8000, v17;
	v43 =	vmul.f32 v17, v17;
	v17 =	vld [tilespmem:s17+$0x50]  }
0xe7: {  	v12 =	vld [tilespmem:s17+$0x30];
	[tilespmem:$0x1FD20] =	vst v4  }
0xe8: {  	v45 =	vmul.f32 v24, v24;
	v46 =	vmul.f32 v19, v19;
	[tilespmem:$0x1FBE0] =	vst v43;
	v43 =	vadd.s32 $0x8000, v24;
	v24 =	vld [tilespmem:s17+$0x0]  }
0xe9: {  	v6 =	vadd.s32 $0x8000, v42;
	[tilespmem:$0x1FC30] =	vst v7  }
0xea: {  	v7 =	vmul.f32 v42, v42;
	[tilespmem:$0x1FC00] =	vst v46;
	v46 =	vadd.s32 $0x8000, v8;
	v4 =	vmul.f32 v8, v8  }
0xeb: {  	v8 =	vadd.s32 $0x8000, v20;
	v14 =	vmul.f32 v20, v20;
	v11 =	vadd.s32 $0x8000, v17  }
0xec: {  	v42 =	vmul.f32 v17, v17;
	v17 =	vadd.s32 $0x8000, v5;
	v5 =	vadd.s32 $0x8000, v12  }
0xed: {  	v3 =	vadd.s32 $0x8000, v24;
	v20 =	vmul.f32 v24, v24;
	v24 =	vmul.f32 v12, v12;
	v12 =	vld [tilespmem:$0x1FCD0];
	_ =	sdelay $0x2  }
0xee: {  	v28 =	vadd.s32 $0x8000, v51  }
0xef: {  	v51 =	vadd.s32 $0x8000, v60;
	v60 =	vadd.s32 $0x8000, v52;
	v52 =	vadd.s32 $0x8000, v54  }
0xf0: {  	[tilespmem:$0x1FE60] =	vst v52;
	v52 =	vand.u32 $0xFFFF0000, v12;
	v12 =	vld [tilespmem:$0x1FCE0];
	_ =	sdelay $0x1  }
0xf1: {  	[tilespmem:$0x1FAF0] =	vst v49  }
0xf2: {  	[tilespmem:$0x1FF00] =	vst v59;
	v18 =	vld [tilespmem:s30+$0x50];
	v0 =	vadd.s32 $0x8000, v0  }
0xf3: {  	[tilespmem:$0x1FE00] =	vst v0;
	v0 =	vld [tilespmem:s17+$0x20]  }
0xf4: {  	[tilespmem:$0x1FEC0] =	vst v62;
	v22 =	vld [tilespmem:s22+$0x70];
	v12 =	vand.u32 $0xFFFF0000, v12  }
0xf5: {  	v54 =	vadd.s32 $0x8000, v56;
	[tilespmem:$0x1FED0] =	vst v12;
	v12 =	vld [tilespmem:$0x1FCF0]  }
0xf6: {  	[tilespmem:$0x1FEF0] =	vst v54  }
0xf7: {  	[tilespmem:$0x1FB90] =	vst v47;
	v48 =	vadd.s32 $0x8000, v18;
	v49 =	vmul.f32 v18, v18;
	v18 =	vld [tilespmem:s22+$0x20]  }
0xf8: {  	[tilespmem:$0x1FCB0] =	vst v48  }
0xf9: {  	[tilespmem:$0x1FB40] =	vst v49;
	v48 =	vadd.s32 $0x8000, v22  }
0xfa: {  	v26 =	vadd.s32 $0x8000, v23;
	v23 =	vld [tilespmem:s19+$0x50];
	v2 =	vadd.s32 $0x8000, v0;
	[tilespmem:$0x1FD00] =	vst v48;
	v12 =	vand.u32 $0xFFFF0000, v12  }
0xfb: {  	v54 =	vand.u32 $0xFFFF0000, v2;
	[tilespmem:$0x1FF10] =	vst v12;
	v12 =	vld [tilespmem:$0x1FD00]  }
0xfc: {  	v47 =	vmul.f32 v18, v18;
	[tilespmem:$0x1FDD0] =	vst v54  }
0xfd: {  	v41 =	vadd.s32 $0x8000, v21;
	v21 =	vld [tilespmem:s17+$0x40];
	v49 =	vmul.f32 v22, v22;
	[tilespmem:$0x1FBF0] =	vst v45  }
0xfe: {  	v22 =	vld [tilespmem:s19+$0x60];
	[tilespmem:$0x1FC10] =	vst v47  }
0xff: {  	[tilespmem:$0x1FBA0] =	vst v49;
	v49 =	vadd.s32 $0x8000, v18;
	v18 =	vld [tilespmem:s17+$0x70]  }
0x100: {  	v31 =	vadd.s32 $0x8000, v23;
	v45 =	vmul.f32 v23, v23;
	v23 =	vld [tilespmem:s19+$0x10];
	[tilespmem:$0x1FC20] =	vst v4;
	v12 =	vand.u32 $0xFFFF0000, v12  }
0x101: {  	[tilespmem:$0x1FD10] =	vst v12;
	v12 =	vld [tilespmem:$0x1FD20]  }
0x102: {  	v4 =	vmul.f32 v21, v21;
	[tilespmem:$0x1FC80] =	vst v42;
	v42 =	vld [tilespmem:s17+$0x10]  }
0x103: {  	[tilespmem:$0x1FC70] =	vst v7;
	v29 =	vadd.s32 $0x8000, v22;
	v47 =	vmul.f32 v22, v22;
	v22 =	vld [tilespmem:s19+$0x20]  }
0x104: {  	[tilespmem:$0x1FC60] =	vst v4;
	v4 =	vadd.s32 $0x8000, v13;
	v7 =	vmul.f32 v18, v18  }
0x105: {  	v56 =	vld [tilespmem:$0x1FCB0];
	v54 =	vand.u32 $0xFFFF0000, v60;
	v48 =	vadd.s32 $0x8000, v19;
	v15 =	vmul.f32 v23, v23;
	[tilespmem:$0x1FE20] =	vst v4  }
0x106: {  	v27 =	vadd.s32 $0x8000, v18;
	v4 =	vadd.s32 $0x8000, v23;
	[tilespmem:$0x1FCA0] =	vst v7;
	v12 =	vand.u32 $0xFFFF0000, v12  }
0x107: {  	v19 =	vld [tilespmem:s17+$0x60];
	v23 =	vmul.f32 v0, v0;
	v7 =	vadd.s32 $0x8000, v42;
	[tilespmem:$0x1FF30] =	vst v12;
	v12 =	vand.u32 $0xFFFF0000, v48  }
0x108: {  	v13 =	vadd.s32 $0x8000, v22;
	[tilespmem:$0x1FD30] =	vst v12;
	v12 =	vand.u32 $0xFFFF0000, v49;
	v49 =	vand.u32 $0xFFFF0000, v7;
	v7 =	vld [tilespmem:$0x1FE40]  }
0x109: {  	[tilespmem:$0x1FB20] =	vst v1;
	v16 =	vmul.f32 v22, v22;
	v22 =	vmul.f32 v42, v42;
	v42 =	vadd.s32 $0x8000, v53  }
0x10a: {  	v0 =	vand.u32 $0xFFFF0000, v56;
	[tilespmem:$0x1FE30] =	vst v42;
	v42 =	vand.u32 $0xFFFF0000, v36;
	v36 =	vand.u32 $0xFFFF0000, v31  }
0x10b: {  	[tilespmem:$0x1FC40] =	vst v45;
	v56 =	vld [tilespmem:$0x1FDF0];
	v31 =	vand.u32 $0xFFFF0000, v29;
	v29 =	vand.u32 $0xFFFF0000, v6;
	v6 =	vand.u32 $0xFFFF0000, v27  }
0x10c: {  	v1 =	vadd.s32 $0x8000, v19;
	v18 =	vadd.s32 $0x8000, v50;
	v50 =	vand.u32 $0xFFFF0000, v25;
	[tilespmem:$0x1FD80] =	vst v6;
	v6 =	vld [tilespmem:$0x1FE30]  }
0x10d: {  	[tilespmem:$0x1FC50] =	vst v47;
	v47 =	vmul.f32 v19, v19;
	v1 =	vand.u32 $0xFFFF0000, v1;
	v60 =	vmul.f32 v50, v7;
	v50 =	vld [tilespmem:$0x1FE60]  }
0x10e: {  	v19 =	vadd.s32 $0x8000, v10;
	v10 =	vld [tilespmem:$0x1FCC0];
	[tilespmem:$0x1FD70] =	vst v1;
	v53 =	vadd.s32 $0x8000, v55;
	v55 =	vadd.s32 $0x8000, v58  }
0x10f: {  	[tilespmem:$0x1FF40] =	vst v55;
	v55 =	vand.u32 $0xFFFF0000, v5;
	v5 =	vld [tilespmem:$0x1FE20]  }
0x110: {  	[tilespmem:$0x1FEA0] =	vst v53;
	v53 =	vand.u32 $0xFFFF0000, v26;
	v26 =	vand.u32 $0xFFFF0000, v4;
	v4 =	vld [tilespmem:$0x1FE10]  }
0x111: {  	v45 =	vadd.s32 $0x8000, v21;
	[tilespmem:$0x1FDC0] =	vst v49;
	v49 =	vand.u32 $0xFFFF0000, v56;
	v56 =	vand.u32 $0xFFFF0000, v6;
	v6 =	vld [tilespmem:$0x1FED0]  }
0x112: {  	v25 =	vand.u32 $0xFFFF0000, v45;
	v45 =	vand.u32 $0xFFFF0000, v3;
	[tilespmem:$0x1FDE0] =	vst v55;
	v55 =	vand.u32 $0xFFFF0000, v50;
	v50 =	vld [tilespmem:$0x1FF10]  }
0x113: {  	v21 =	vld [tilespmem:s19+$0x30];
	[tilespmem:$0x1FD90] =	vst v45;
	v58 =	vand.u32 $0xFFFF0000, v11  }
0x114: {  	v0 =	vmul.f32 v0, v62;
	v10 =	vand.u32 $0xFFFF0000, v10;
	[tilespmem:$0x1FD60] =	vst v58;
	v58 =	vld [tilespmem:$0x1FE00];
	v45 =	vand.u32 $0xFFFF0000, v5  }
0x115: {  	v5 =	vld [tilespmem:$0x1FEA0];
	[tilespmem:$0x1FD40] =	vst v12;
	v12 =	vand.u32 $0xFFFF0000, v46;
	v46 =	vand.u32 $0xFFFF0000, v13;
	v1 =	vmul.f32 v10, v7  }
0x116: {  	v52 =	vmul.f32 v52, v59;
	[tilespmem:$0x1FDA0] =	vst v46;
	v46 =	vand.u32 $0xFFFF0000, v4;
	v4 =	vmul.f32 v53, v57;
	v7 =	vld [tilespmem:$0x1FEF0]  }
0x117: {  	[tilespmem:$0x1FEB0] =	vst v1;
	v1 =	vmul.f32 v6, v62;
	v62 =	vmul.f32 v50, v59;
	v59 =	vld [tilespmem:$0x1FF40]  }
0x118: {  	v53 =	vld [tilespmem:$0x1FF30]  }
0x119: {  	v44 =	vand.u32 $0xFFFF0000, v44;
	v28 =	vand.u32 $0xFFFF0000, v28;
	v51 =	vand.u32 $0xFFFF0000, v51;
	[tilespmem:$0x1FE90] =	vst v4;
	v4 =	vld [tilespmem:$0x1FF50]  }
0x11a: {  	v41 =	vand.u32 $0xFFFF0000, v41;
	v34 =	vand.u32 $0xFFFF0000, v34;
	v43 =	vand.u32 $0xFFFF0000, v43;
	[tilespmem:$0x1FC90] =	vst v47;
	v6 =	vld [tilespmem:$0x1FF60]  }
0x11b: {  	v47 =	vadd.s32 $0x8000, v9;
	v9 =	vadd.s32 $0x8000, v21;
	[tilespmem:$0x1FE70] =	vst v52;
	v52 =	vand.u32 $0xFFFF0000, v7;
	v7 =	vld [tilespmem:$0x1FF70]  }
0x11c: {  	[tilespmem:$0x1FF20] =	vst v63;
	v21 =	vmul.f32 v21, v21;
	v27 =	vand.u32 $0xFFFF0000, v8;
	v50 =	vand.u32 $0xFFFF0000, v59;
	v59 =	vld [tilespmem:$0x1FF80]  }
0x11d: {  	[tilespmem:$0x1FE80] =	vst v57;
	v48 =	vand.u32 $0xFFFF0000, v9;
	v9 =	vand.u32 $0xFFFF0000, v47;
	v47 =	vand.u32 $0xFFFF0000, v19  }
0x11e: {  	[tilespmem:$0x1FDB0] =	vst v48;
	v48 =	vand.u32 $0xFFFF0000, v58;
	v57 =	vand.u32 $0xFFFF0000, v5;
	v63 =	vmul.f32 v53, v63  }
0x11f: {  	[tilespmem:$0x1FE50] =	vst v0;
	v58 =	vand.u32 $0xFFFF0000, v17;
	v5 =	vmul.f32 v51, v4;
	v57 =	vmul.f32 v57, v4  }
0x120: {  	[tilespmem:$0x1FD50] =	vst v12;
	v51 =	vand.u32 $0xFFFF0000, v18;
	v54 =	vmul.f32 v54, v6;
	v52 =	vmul.f32 v52, v6  }
0x121: {  	s19 =	simm.s32 $0x2;
	s17 =	smov.u32 s8;
	[tilespmem:$0x1FEE0] =	vst v1;
	v53 =	vadd.f32 $0.0e+00, v5;
	v56 =	vmul.f32 v56, v7;
	v55 =	vmul.f32 v55, v59  }
.LBB2_2:
0x122: {  	v0 =	vld [tilespmem:$0x1FF70]  }
0x123: {  	v5 =	vld [tilespmem:$0x1FF80]  }
0x124: {  	v59 =	vld [tilespmem:$0x1FAD0]  }
0x125: {  	v1 =	vld [tilespmem:$0x1F930]  }
0x126: {  	v11 =	vld [tilespmem:$0x1F940]  }
0x127: {  	v4 =	vld [tilespmem:$0x1FA80]  }
0x128: {  	v2 =	vld [tilespmem:$0x1FC80]  }
0x129: {  	v3 =	vld [tilespmem:$0x1FAA0]  }
0x12a: {  	v13 =	vld [tilespmem:$0x1FA50]  }
0x12b: {  	v12 =	vld [tilespmem:$0x1FA90]  }
0x12c: {  	v17 =	vadd.f32 v14, v30;
	v14 =	vld [tilespmem:$0x1F960]  }
0x12d: {  	v50 =	vmul.f32 v50, v0;
	v0 =	vld [tilespmem:$0x1F910]  }
0x12e: {  	v51 =	vmul.f32 v51, v5;
	v5 =	vld [tilespmem:$0x1F920]  }
0x12f: {  	v24 =	vadd.f32 v24, v40;
	v40 =	vmul.f32 v42, v4;
	v42 =	vld [tilespmem:$0x1FBB0]  }
0x130: {  	v55 =	vadd.f32 $0.0e+00, v55;
	v6 =	vmul.f32 v46, v1;
	v7 =	vmul.f32 v47, v11;
	v46 =	vld [tilespmem:$0x1FBD0]  }
0x131: {  	v56 =	vadd.f32 $0.0e+00, v56;
	v47 =	vld [tilespmem:$0x1FBF0]  }
0x132: {  	v18 =	vadd.f32 v15, v33;
	v33 =	vadd.f32 v7, v55;
	v55 =	vld [tilespmem:$0x1FC30]  }
0x133: {  	v19 =	vadd.f32 v16, v32;
	v32 =	vadd.f32 v6, v56;
	v56 =	vld [tilespmem:$0x1FC40]  }
0x134: {  	v6 =	vld [tilespmem:$0x1FC70]  }
0x135: {  	v7 =	vld [tilespmem:$0x1FC60]  }
0x136: {  	v54 =	vadd.f32 $0.0e+00, v54;
	v30 =	vmul.f32 v48, v5;
	v48 =	vmul.f32 v45, v0;
	v45 =	vld [tilespmem:$0x1FAE0]  }
0x137: {  	v57 =	vadd.f32 $0.0e+00, v57;
	v5 =	vmul.f32 v9, v5;
	v9 =	vld [tilespmem:$0x1FB70]  }
0x138: {  	v21 =	vadd.f32 v21, v37;
	v30 =	vadd.f32 v30, v54;
	v54 =	vld [tilespmem:$0x1FF20]  }
0x139: {  	v20 =	vadd.f32 v20, v35;
	v35 =	vadd.f32 v48, v57;
	v57 =	vld [tilespmem:$0x1FC50]  }
0x13a: {  	v8 =	vadd.f32 v6, v21;
	v6 =	vld [tilespmem:$0x1FC90]  }
0x13b: {  	v49 =	vmul.f32 v49, v0;
	v0 =	vadd.f32 v7, v20;
	v20 =	vmul.f32 v36, v3;
	v36 =	vld [tilespmem:$0x1FCA0]  }
0x13c: {  	v48 =	vld [tilespmem:$0x1FD60]  }
0x13d: {  	v37 =	vadd.f32 v49, v53;
	v49 =	vld [tilespmem:$0x1FBE0]  }
0x13e: {  	v53 =	vld [tilespmem:$0x1FC00]  }
0x13f: {  	v17 =	vadd.f32 v55, v17;
	v55 =	vld [tilespmem:$0x1FC20]  }
0x140: {  	v18 =	vadd.f32 v56, v18;
	v56 =	vld [tilespmem:$0x1FB30]  }
0x141: {  	v17 =	vadd.f32 v42, v17;
	v42 =	vld [tilespmem:$0x1FB60]  }
0x142: {  	v8 =	vadd.f32 v47, v8;
	v47 =	vld [tilespmem:$0x1FB90]  }
0x143: {  	v22 =	vadd.f32 v22, v38;
	v38 =	vmul.f32 v41, v45;
	v41 =	vld [tilespmem:$0x1FAF0]  }
0x144: {  	v10 =	vadd.f32 v36, v24;
	v36 =	vld [tilespmem:$0x1FAB0]  }
0x145: {  	v52 =	vadd.f32 $0.0e+00, v52;
	v23 =	vadd.f32 v23, v39;
	v34 =	vmul.f32 v34, v54;
	v54 =	vld [tilespmem:$0x1FC10]  }
0x146: {  	v2 =	vadd.f32 v2, v22;
	v19 =	vadd.f32 v57, v19;
	v57 =	vld [tilespmem:$0x1FB40]  }
0x147: {  	v50 =	vadd.f32 $0.0e+00, v50;
	v7 =	vadd.f32 v6, v23;
	v23 =	vmul.f32 v27, v14;
	v27 =	vld [tilespmem:$0x1FA60]  }
0x148: {  	v51 =	vadd.f32 $0.0e+00, v51;
	v5 =	vadd.f32 v5, v52;
	v39 =	vmul.f32 v43, v41;
	v43 =	vld [tilespmem:$0x1FBC0]  }
0x149: {  	s20 =	sshrl.u32 s19, $0x2;
	v8 =	vadd.f32 v9, v8;
	v6 =	vmul.f32 v25, v4;
	v15 =	vmul.f32 v48, v3;
	v48 =	vld [tilespmem:$0x1FBA0]  }
0x14a: {  	s21 =	smul.u32 $0x3000, s20;
	v0 =	vadd.f32 v49, v0;
	v2 =	vadd.f32 v53, v2;
	v4 =	vmul.f32 v26, v13;
	v49 =	vld [tilespmem:$0x1FDB0]  }
0x14b: {  	s18 =	sadd.s32 $0x100, s18;
	v17 =	vadd.f32 v56, v17;
	v19 =	vadd.f32 v46, v19;
	v46 =	vld [tilespmem:$0x1FDA0]  }
0x14c: {  	s26 =	sand.u32 $0x300, s18;
	s22 =	sshra.s32 s21, $0x2;
	v10 =	vadd.f32 v55, v10;
	v55 =	vld [tilespmem:$0x1FD90];
	v4 =	vadd.f32 v4, v30  }
0x14d: {  	s28 =	sor.u32 $0x80, s26;
	s23 =	sadd.s32 $0x980, s22;
	v25 =	vmul.f32 v28, v1;
	v0 =	vadd.f32 v42, v0;
	v18 =	vadd.f32 v43, v18;
	v43 =	vld [tilespmem:$0x1FB80]  }
0x14e: {  	s24 =	sadd.s32 s28, s23;
	s23 =	sadd.s32 s26, s23;
	v19 =	vadd.f32 v61, v19;
	v4 =	vadd.f32 v20, v4;
	v21 =	vmul.f32 v31, v36;
	v31 =	vld [tilespmem:$0x1FAC0]  }
0x14f: {  	v44 =	vmul.f32 v44, v59;
	v42 =	vld [tilespmem:s23+$0x20];
	v7 =	vadd.f32 v54, v7;
	v10 =	vadd.f32 v48, v10  }
0x150: {  	v61 =	vld [tilespmem:$0x1FDE0];
	v3 =	vmul.f32 v49, v12;
	v56 =	vadd.f32 v8, v19;
	v8 =	vadd.f32 v25, v50  }
0x151: {  	v54 =	vmul.f32 v58, v11;
	v58 =	vld [tilespmem:$0x1FDD0];
	v4 =	vadd.f32 v44, v4;
	v7 =	vadd.f32 v47, v7  }
0x152: {  	v18 =	vadd.f32 v57, v18;
	v57 =	vld [tilespmem:$0x1FDC0];
	v2 =	vadd.f32 v43, v2  }
0x153: {  	v16 =	vmul.f32 v55, v14;
	v3 =	vadd.f32 v3, v33;
	v22 =	vmul.f32 v29, v31;
	v29 =	vld [tilespmem:$0x1FFB0]  }
0x154: {  	v49 =	vld [tilespmem:$0x1FE90];
	v53 =	vadd.f32 v10, v7;
	v0 =	vadd.f32 v2, v0  }
0x155: {  	v33 =	vld [tilespmem:$0x1FFD0];
	v7 =	vadd.f32 v54, v51;
	v16 =	vadd.f32 v16, v35;
	v12 =	vmul.f32 v61, v12  }
0x156: {  	v24 =	vmul.f32 v46, v27;
	v47 =	vld [tilespmem:$0x1FE50];
	v10 =	vadd.f32 v18, v17;
	v0 =	vadd.f32 v53, v0  }
0x157: {  	v35 =	vld [tilespmem:$0x1FD80];
	v7 =	vadd.f32 v12, v7;
	v6 =	vadd.f32 v6, v16;
	v14 =	vmul.f32 v57, v13  }
0x158: {  	v2 =	vadd.f32 v56, v10;
	v13 =	vadd.f32 v24, v32;
	v32 =	vld [tilespmem:$0x1FD70];
	v17 =	vperm.xlane v0, v29  }
0x159: {  	v19 =	vld [tilespmem:s23+$0x70];
	v18 =	vadd.f32 v23, v37;
	v3 =	vadd.f32 v22, v3  }
0x15a: {  	s25 =	sadd.s32 $0x580, s22;
	v43 =	vld [tilespmem:$0x1FD50];
	v10 =	vmul.f32 v58, v27;
	v0 =	vadd.f32 v17, v0;
	v17 =	vperm.xlane v2, v29  }
0x15b: {  	s29 =	sadd.s32 s28, s25;
	v37 =	vld [tilespmem:$0x1FFF0];
	v4 =	vadd.f32 v47, v4;
	v6 =	vadd.f32 v34, v6  }
0x15c: {  	v47 =	vld [tilespmem:s29+$0x70];
	v8 =	vadd.f32 v10, v8;
	v10 =	vperm.xlane v0, v33;
	v2 =	vadd.f32 v17, v2  }
0x15d: {  	v34 =	vld [tilespmem:s24+$0x20];
	v12 =	vadd.f32 v40, v18;
	v1 =	vmul.f32 v35, v31;
	v9 =	vmul.f32 v32, v36  }
0x15e: {  	v40 =	vld [tilespmem:$0x1FF90];
	v3 =	vadd.f32 v39, v3;
	v0 =	vadd.f32 v10, v0;
	v10 =	vperm.xlane v2, v33  }
0x15f: {  	v1 =	vadd.f32 v1, v7;
	v7 =	vmul.f32 v43, v41;
	v8 =	vadd.f32 v9, v8;
	v9 =	vld [tilespmem:$0x1FD30]  }
0x160: {  	v11 =	vadd.f32 v63, v12;
	v2 =	vadd.f32 v10, v2;
	v10 =	vld [tilespmem:$0x1FD40]  }
0x161: {  	v5 =	vadd.f32 v14, v5;
	v1 =	vadd.f32 v7, v1;
	v7 =	vld [tilespmem:s24+$0x50];
	v14 =	vperm.xlane v0, v37  }
0x162: {  	v24 =	vld [tilespmem:s24+$0x30];
	v20 =	vadd.f32 v49, v3;
	v13 =	vadd.f32 v21, v13  }
0x163: {  	v11 =	vadd.f32 v60, v11;
	v0 =	vadd.f32 v14, v0;
	v36 =	vperm.xlane v2, v37;
	v14 =	vld [tilespmem:$0x1FEB0]  }
0x164: {  	s30 =	sadd.s32 s26, s25;
	v61 =	vadd.s32 $0x8000, v19;
	v5 =	vadd.f32 v15, v5;
	v13 =	vadd.f32 v38, v13;
	v15 =	vld [tilespmem:$0x1FEE0]  }
0x165: {  	v49 =	vld [tilespmem:s30+$0x50];
	v9 =	vmul.f32 v9, v59;
	v2 =	vadd.f32 v36, v2;
	v10 =	vmul.f32 v10, v45  }
0x166: {  	v4 =	vadd.f32 v4, v11;
	v53 =	vadd.s32 $0x8000, v7;
	v12 =	vperm.xlane v0, v40;
	v45 =	vld [tilespmem:$0x1FD10]  }
0x167: {  	v5 =	vadd.f32 v9, v5;
	v44 =	vperm.xlane v2, v40;
	v9 =	vadd.f32 v10, v8;
	v8 =	vld [tilespmem:$0x1FE80]  }
0x168: {  	v39 =	vmul.f32 v7, v7;
	v22 =	vadd.f32 v12, v0;
	v6 =	vadd.f32 v14, v6;
	v14 =	vld [tilespmem:$0x1FE70]  }
0x169: {  	[tilespmem:$0x1F780] =	vst v53;
	v53 =	vadd.s32 $0x8000, v24;
	v5 =	vadd.f32 v15, v5;
	v36 =	vld [tilespmem:s23+$0x10];
	v23 =	vadd.f32 v44, v2  }
0x16a: {  	v0 =	vld [tilespmem:s24+$0x40];
	v46 =	vshra.s32 v22, $0x1;
	v16 =	vmul.f32 $5.000000000e-01, v22;
	vm1 =	vlt.f32 v22, $1.000000020e-16  }
0x16b: {  	v2 =	vld [tilespmem:s24+$0x70];
	v12 =	vsub.s32 $0x5F3759DF, v46;
	v9 =	vadd.f32 v62, v9;
	v5 =	vadd.f32 v5, v6  }
0x16c: {  	v21 =	vld [tilespmem:s24+$0x10];
	v48 =	vmul.f32 v12, v16;
	v10 =	vmul.f32 v45, v8;
	v8 =	vshra.s32 v23, $0x1  }
0x16d: {  	v26 =	vmul.f32 $5.000000000e-01, v23;
	v13 =	vadd.f32 v14, v13;
	v14 =	vsub.s32 $0x5F3759DF, v8;
	v8 =	vld [tilespmem:s24+$0x60]  }
0x16e: {  	[tilespmem:$0x1FB40] =	vst v39;
	v39 =	vmul.f32 v36, v36;
	v15 =	vmul.f32 v12, v48;
	v18 =	vadd.f32 v10, v1;
	v10 =	vld [tilespmem:s23+$0x40]  }
0x16f: {  	v51 =	vadd.s32 $0x8000, v0;
	v17 =	vmul.f32 v14, v26;
	v54 =	vadd.f32 v20, v13;
	v20 =	vld [tilespmem:s24+$0x0]  }
0x170: {  	[tilespmem:$0x1F7E0] =	vst v61;
	v41 =	vld [tilespmem:s23+$0x0];
	v0 =	vmul.f32 v0, v0;
	v56 =	vadd.s32 $0x8000, v2;
	v50 =	vsub.f32 $1.500000000e+00, v15  }
0x171: {  	v43 =	vld [tilespmem:s23+$0x30];
	[tilespmem:$0x1F840] =	vst v53;
	v15 =	vmul.f32 v14, v17;
	v52 =	vadd.f32 v18, v9;
	v9 =	vadd.s32 $0x8000, v49  }
0x172: {  	v44 =	vld [tilespmem:s29+$0x40];
	[tilespmem:$0x1FC00] =	vst v39;
	v25 =	vmul.f32 v12, v50;
	v49 =	vmul.f32 v49, v49;
	v9 =	vand.u32 $0xFFFF0000, v9  }
0x173: {  	[tilespmem:$0x1F770] =	vst v51;
	v45 =	vld [tilespmem:s29+$0x50];
	v11 =	vsub.f32 $1.500000000e+00, v15;
	v5 =	vadd.f32 v52, v5;
	v55 =	vadd.s32 $0x8000, v8  }
0x174: {  	[tilespmem:$0x1FB30] =	vst v0;
	v17 =	vld [tilespmem:s23+$0x50];
	v12 =	vmul.f32 v25, v16;
	v57 =	vadd.s32 $0x8000, v10;
	v62 =	vadd.s32 $0x8000, v20  }
0x175: {  	v18 =	vld [tilespmem:s23+$0x60];
	[tilespmem:$0x1F7A0] =	vst v55;
	v55 =	vadd.s32 $0x8000, v36;
	v27 =	vmul.f32 v14, v11;
	v13 =	vperm.xlane v5, v29  }
0x176: {  	v22 =	vld [tilespmem:s29+$0x0];
	[tilespmem:$0x1F7B0] =	vst v56;
	v14 =	vadd.f32 v54, v4;
	v58 =	vmul.f32 v12, v25;
	v4 =	vadd.s32 $0x8000, v21  }
0x177: {  	v46 =	vld [tilespmem:s29+$0x60];
	[tilespmem:$0x1F790] =	vst v57;
	v54 =	vadd.s32 $0x8000, v41;
	v57 =	vadd.s32 $0x8000, v42;
	v15 =	vmul.f32 v27, v26  }
0x178: {  	s22 =	sor.u32 $0x180, s22;
	v48 =	vld [tilespmem:s30+$0x40];
	[tilespmem:$0x1F7F0] =	vst v62;
	v62 =	vadd.s32 $0x8000, v45;
	v28 =	vadd.f32 v5, v13;
	v13 =	vperm.xlane v14, v29  }
0x179: {  	s21 =	sadd.s32 s28, s22;
	v51 =	vld [tilespmem:s30+$0x60];
	[tilespmem:$0x1FC80] =	vst v49;
	v59 =	vadd.s32 $0x8000, v17;
	v29 =	vsub.f32 $1.500000000e+00, v58;
	v15 =	vmul.f32 v15, v27  }
0x17a: {  	s20 =	sadd.s32 s26, s22;
	v0 =	vld [tilespmem:s21+$0x40];
	[tilespmem:$0x1FD60] =	vst v9;
	v60 =	vadd.s32 $0x8000, v18;
	v30 =	vperm.xlane v28, v33;
	v31 =	vadd.f32 v14, v13  }
0x17b: {  	v49 =	vld [tilespmem:s20+$0x0];
	[tilespmem:$0x1F800] =	vst v4;
	v4 =	vmul.f32 v2, v2;
	v63 =	vmul.f32 v29, v25;
	v25 =	vsub.f32 $1.500000000e+00, v15  }
0x17c: {  	[tilespmem:$0x1F850] =	vst v57;
	v57 =	vld [tilespmem:s29+$0x20];
	v5 =	vadd.s32 $0x8000, v34;
	v28 =	vadd.f32 v28, v30;
	v29 =	vperm.xlane v31, v33  }
0x17d: {  	v1 =	vld [tilespmem:s21+$0x60];
	[tilespmem:$0x1F830] =	vst v55;
	v58 =	vadd.s32 $0x8000, v43;
	v30 =	vmul.f32 v63, v16;
	v6 =	vmul.f32 v25, v27  }
0x17e: {  	v52 =	vld [tilespmem:s30+$0x70];
	[tilespmem:$0x1F820] =	vst v54;
	v34 =	vmul.f32 v34, v34;
	v27 =	vperm.xlane v28, v37;
	v29 =	vadd.f32 v31, v29  }
0x17f: {  	v36 =	vld [tilespmem:s20+$0x50];
	[tilespmem:$0x1F7D0] =	vst v60;
	v60 =	vadd.s32 $0x8000, v44;
	v30 =	vmul.f32 v30, v63;
	v31 =	vmul.f32 v6, v26  }
0x180: {  	[tilespmem:$0x1FBD0] =	vst v34;
	v34 =	vld [tilespmem:s21+$0x70];
	v14 =	vadd.s32 $0x8000, v49;
	v56 =	vadd.f32 v28, v27;
	v37 =	vperm.xlane v29, v37  }
0x181: {  	[tilespmem:$0x1F880] =	vst v62;
	v62 =	vld [tilespmem:s30+$0x30];
	v55 =	vadd.s32 $0x8000, v57;
	v30 =	vsub.f32 $1.500000000e+00, v30;
	v31 =	vmul.f32 v31, v6  }
0x182: {  	v2 =	vld [tilespmem:s21+$0x50];
	[tilespmem:$0x1F7C0] =	vst v59;
	v15 =	vmul.f32 v49, v49;
	v59 =	vperm.xlane v56, v40;
	v37 =	vadd.f32 v29, v37  }
0x183: {  	[tilespmem:$0x1F860] =	vst v58;
	v58 =	vld [tilespmem:s29+$0x30];
	v25 =	vadd.s32 $0x8000, v48;
	v32 =	vmul.f32 v30, v63;
	v31 =	vsub.f32 $1.500000000e+00, v31  }
0x184: {  	[tilespmem:$0x1F870] =	vst v60;
	v60 =	vld [tilespmem:s30+$0x10];
	v35 =	vadd.f32 v56, v59;
	v61 =	vperm.xlane v37, v40;
	v40 =	vmul.f32 v8, v8  }
0x185: {  	[tilespmem:$0x1F810] =	vst v5;
	v16 =	vmul.f32 v34, v34;
	v63 =	vld [tilespmem:$0x1FB10];
	v32 =	vsel vm1, $0x4CBEBC20, v32;
	v33 =	vmul.f32 v31, v6  }
0x186: {  	v49 =	vld [tilespmem:$0x1F7B0];
	v29 =	vadd.s32 $0x8000, v47;
	v35 =	vmul.f32 v32, v35;
	[tilespmem:$0x1F8C0] =	vst v40;
	v40 =	vmul.f32 v42, v42  }
0x187: {  	[tilespmem:$0x1FB70] =	vst v4;
	v56 =	vld [tilespmem:s29+$0x10];
	v31 =	vadd.s32 $0x8000, v46;
	v42 =	vmul.f32 v43, v43;
	v43 =	vmul.f32 v44, v44  }
0x188: {  	[tilespmem:$0x1F8B0] =	vst v55;
	v59 =	vld [tilespmem:s30+$0x0];
	v32 =	vadd.s32 $0x8000, v51;
	v44 =	vmul.f32 v45, v45;
	v45 =	vmul.f32 v46, v46  }
0x189: {  	v46 =	vmul.f32 v48, v48;
	v48 =	vmul.f32 v47, v47;
	v47 =	vadd.s32 $0x8000, v34;
	v34 =	vld [tilespmem:$0x1F7D0];
	[tilespmem:$0x1F890] =	vst v32  }
0x18a: {  	v6 =	vmul.f32 v35, v63;
	v35 =	vld [tilespmem:$0x1FB20];
	[tilespmem:$0x1FC10] =	vst v40  }
0x18b: {  	v54 =	vmul.f32 v10, v10;
	[tilespmem:$0x1FC20] =	vst v42;
	v42 =	vld [tilespmem:s20+$0x60]  }
0x18c: {  	v5 =	vmul.f32 v17, v17;
	v4 =	vmul.f32 v1, v1;
	[tilespmem:$0x1FC30] =	vst v43;
	v43 =	vld [tilespmem:s20+$0x70]  }
0x18d: {  	v12 =	vmul.f32 v62, v62;
	v55 =	vadd.s32 $0x8000, v60;
	v17 =	vmul.f32 v60, v60;
	[tilespmem:$0x1FC40] =	vst v44;
	v44 =	vld [tilespmem:s21+$0x10]  }
0x18e: {  	v30 =	vadd.s32 $0x8000, v0;
	vm1 =	vlt.f32 v23, $1.000000020e-16;
	v37 =	vadd.f32 v37, v61;
	[tilespmem:$0x1FC70] =	vst v48;
	v48 =	vld [tilespmem:s21+$0x30]  }
0x18f: {  	v32 =	vmul.f32 v20, v20;
	v20 =	vmul.f32 v36, v36;
	v23 =	vsel vm1, $0x4CBEBC20, v33;
	[tilespmem:$0x1FC60] =	vst v46;
	v46 =	vld [tilespmem:$0x1F790]  }
0x190: {  	v33 =	vadd.s32 $0x8000, v52;
	[tilespmem:$0x1FC50] =	vst v45;
	v45 =	vadd.s32 $0x8000, v1;
	v23 =	vmul.f32 v23, v37;
	v37 =	vld [tilespmem:$0x1FB50]  }
0x191: {  	v40 =	vmul.f32 v58, v58;
	v1 =	vand.u32 $0xFFFF0000, v49;
	v49 =	vld [tilespmem:$0x1F840];
	[tilespmem:$0x1F8A0] =	vst v33;
	v39 =	vmul.f32 v59, v59  }
0x192: {  	v9 =	vld [tilespmem:$0x1F890];
	v26 =	vadd.s32 $0x8000, v56;
	[tilespmem:$0x1FBB0] =	vst v32;
	v33 =	vmul.f32 v21, v21;
	v32 =	vadd.s32 $0x8000, v62  }
0x193: {  	s17 =	sadd.s32 $0x2, s17;
	v23 =	vmul.f32 v23, v63;
	v63 =	vld [tilespmem:s21+$0x0];
	[tilespmem:$0x1F8F0] =	vst v39;
	vm1 =	vgt.f32 v6, v35;
	v39 =	vmul.f32 v48, v48  }
0x194: {  	s31 =	sadd.s32 $0xFFFFFFFF, s17;
	v62 =	vld [tilespmem:$0x1F7C0];
	v13 =	vadd.s32 $0x8000, v48;
	v50 =	vsel vm1, v6, v35;
	v6 =	vmul.f32 v18, v18  }
0x195: {  	[tilespmem:$0x1F900] =	vst v40;
	v21 =	vmul.f32 v43, v43;
	v48 =	vld [tilespmem:$0x1F7A0];
	v38 =	vsel vm1, s31, v37;
	v35 =	vmul.f32 v41, v41  }
0x196: {  	v37 =	vmul.f32 v24, v24;
	v41 =	vld [tilespmem:s20+$0x40];
	v24 =	vand.u32 $0xFFFF0000, v46;
	vm1 =	vgt.f32 v23, v50;
	[tilespmem:$0x1FB90] =	vst v6  }
0x197: {  	v46 =	vld [tilespmem:$0x1F820];
	v50 =	vsel vm1, v23, v50;
	v53 =	vsel vm1, s17, v38;
	[tilespmem:$0x1FBE0] =	vst v35;
	v6 =	vmul.f32 v52, v52  }
0x198: {  	v35 =	vmul.f32 v22, v22;
	v52 =	vadd.s32 $0x8000, v36;
	v60 =	vadd.s32 $0x8000, v63;
	v36 =	vld [tilespmem:$0x1F7E0];
	[tilespmem:$0x1FB20] =	vst v50  }
0x199: {  	[tilespmem:$0x1FB50] =	vst v53;
	v50 =	vadd.s32 $0x8000, v58;
	v53 =	vmul.f32 v51, v51;
	v58 =	vadd.s32 $0x8000, v43;
	v43 =	vld [tilespmem:$0x1F770]  }
0x19a: {  	v40 =	vmul.f32 v63, v63;
	v63 =	vadd.s32 $0x8000, v44;
	[tilespmem:$0x1F8E0] =	vst v35;
	v35 =	vmul.f32 v44, v44;
	v44 =	vld [tilespmem:$0x1F780]  }
0x19b: {  	v10 =	vmul.f32 v42, v42;
	[tilespmem:$0x1FC90] =	vst v53;
	v53 =	vmul.f32 v56, v56;
	v56 =	vadd.s32 $0x8000, v42;
	v42 =	vld [tilespmem:$0x1F800]  }
0x19c: {  	v9 =	vand.u32 $0xFFFF0000, v9;
	[tilespmem:$0x1FCA0] =	vst v6;
	v6 =	vmul.f32 v0, v0;
	v0 =	vand.u32 $0xFFFF0000, v48;
	v48 =	vld [tilespmem:$0x1F830]  }
0x19d: {  	[tilespmem:$0x1FD70] =	vst v9;
	v9 =	vld [tilespmem:$0x1F8A0]  }
0x19e: {  	v7 =	vmul.f32 v19, v19;
	v51 =	vadd.s32 $0x8000, v41;
	v19 =	vmul.f32 v41, v41;
	v41 =	vld [tilespmem:$0x1F7F0]  }
0x19f: {  	v27 =	vadd.s32 $0x8000, v22;
	v22 =	vand.u32 $0xFFFF0000, v43;
	v43 =	vld [tilespmem:$0x1F810]  }
0x1a0: {  	v23 =	vand.u32 $0xFFFF0000, v44;
	v44 =	vand.u32 $0xFFFF0000, v42;
	v42 =	vld [tilespmem:$0x1F850]  }
0x1a1: {  	v3 =	vand.u32 $0xFFFF0000, v36;
	v36 =	vand.u32 $0xFFFF0000, v48;
	v48 =	vld [tilespmem:$0x1F870]  }
0x1a2: {  	[tilespmem:$0x1FB80] =	vst v5;
	v5 =	vmul.f32 v2, v2;
	v28 =	vadd.s32 $0x8000, v2  }
0x1a3: {  	[tilespmem:$0x1FB60] =	vst v54;
	v54 =	vadd.s32 $0x8000, v59;
	v2 =	vand.u32 $0xFFFF0000, v62;
	v62 =	vand.u32 $0xFFFF0000, v34  }
0x1a4: {  	v34 =	vand.u32 $0xFFFF0000, v46;
	v46 =	vld [tilespmem:$0x1F860];
	v9 =	vand.u32 $0xFFFF0000, v9;
	[tilespmem:$0x1FD10] =	vst v3;
	v3 =	vand.u32 $0xFFFF0000, v41  }
0x1a5: {  	[tilespmem:$0x1FD30] =	vst v36;
	v41 =	vand.u32 $0xFFFF0000, v43;
	v43 =	vand.u32 $0xFFFF0000, v49;
	v49 =	vld [tilespmem:$0x1F880];
	v36 =	vand.u32 $0xFFFF0000, v42  }
0x1a6: {  	[tilespmem:$0x1FBA0] =	vst v7;
	v42 =	vand.u32 $0xFFFF0000, v48;
	v48 =	vand.u32 $0xFFFF0000, v28;
	v28 =	vand.u32 $0xFFFF0000, v56;
	v56 =	vld [tilespmem:$0x1FE40]  }
0x1a7: {  	[tilespmem:$0x1FD80] =	vst v9;
	v9 =	vand.u32 $0xFFFF0000, v54  }
0x1a8: {  	v7 =	vld [tilespmem:s21+$0x20];
	[tilespmem:$0x1FD90] =	vst v9  }
0x1a9: {  	v61 =	vld [tilespmem:s30+$0x20];
	[tilespmem:$0x1FD40] =	vst v36;
	v36 =	vand.u32 $0xFFFF0000, v46  }
0x1aa: {  	v9 =	vld [tilespmem:$0x1F8B0];
	[tilespmem:$0x1FD50] =	vst v36;
	v36 =	vand.u32 $0xFFFF0000, v49  }
0x1ab: {  	v49 =	vand.u32 $0xFFFF0000, v30;
	v30 =	vand.u32 $0xFFFF0000, v60;
	v60 =	vmul.f32 v22, v56;
	v22 =	vld [tilespmem:$0x1FEC0]  }
0x1ac: {  	[tilespmem:$0x1FBF0] =	vst v37;
	v37 =	vmul.f32 v57, v57;
	v57 =	vld [tilespmem:s20+$0x10]  }
0x1ad: {  	v59 =	vld [tilespmem:s20+$0x20]  }
0x1ae: {  	v11 =	vadd.s32 $0x8000, v7  }
0x1af: {  	v11 =	vand.u32 $0xFFFF0000, v11;
	v14 =	vand.u32 $0xFFFF0000, v14;
	[tilespmem:$0x1FBC0] =	vst v33  }
0x1b0: {  	v33 =	vmul.f32 v61, v61;
	[tilespmem:$0x1F8D0] =	vst v37;
	v9 =	vand.u32 $0xFFFF0000, v9;
	v23 =	vmul.f32 v23, v22  }
0x1b1: {  	v38 =	vadd.s32 $0x8000, v61;
	v61 =	vld [tilespmem:s20+$0x30];
	v37 =	vmul.f32 v7, v7;
	v7 =	vadd.s32 $0x8000, v57;
	[tilespmem:$0x1FDA0] =	vst v9  }
0x1b2: {  	v18 =	vmul.f32 v57, v57;
	v57 =	vadd.s32 $0x8000, v59;
	v9 =	vand.u32 $0xFFFF0000, v50;
	[tilespmem:$0x1FE50] =	vst v23;
	v23 =	vld [tilespmem:$0x1FF00]  }
0x1b3: {  	v25 =	vand.u32 $0xFFFF0000, v25;
	v50 =	vand.u32 $0xFFFF0000, v57;
	v57 =	vld [tilespmem:$0x1FF80];
	[tilespmem:$0x1FDB0] =	vst v9;
	v9 =	vand.u32 $0xFFFF0000, v55  }
0x1b4: {  	[tilespmem:$0x1FDC0] =	vst v9;
	v9 =	vand.u32 $0xFFFF0000, v38;
	v46 =	vand.u32 $0xFFFF0000, v45;
	v45 =	vand.u32 $0xFFFF0000, v51;
	v51 =	vld [tilespmem:$0x1FE80]  }
0x1b5: {  	v27 =	vand.u32 $0xFFFF0000, v27;
	v29 =	vand.u32 $0xFFFF0000, v29;
	v55 =	vld [tilespmem:$0x1FF20];
	[tilespmem:$0x1FDD0] =	vst v9;
	v9 =	vand.u32 $0xFFFF0000, v32  }
0x1b6: {  	v31 =	vand.u32 $0xFFFF0000, v31;
	[tilespmem:$0x1FDE0] =	vst v9;
	v9 =	vand.u32 $0xFFFF0000, v52;
	v52 =	vmul.f32 v24, v56;
	v56 =	vld [tilespmem:$0x1FF70]  }
0x1b7: {  	v47 =	vand.u32 $0xFFFF0000, v47;
	v54 =	vmul.f32 v2, v22;
	v2 =	vld [tilespmem:$0x1FF60];
	v0 =	vmul.f32 v0, v23  }
0x1b8: {  	v26 =	vand.u32 $0xFFFF0000, v26;
	v8 =	vmul.f32 v59, v59;
	v13 =	vand.u32 $0xFFFF0000, v13  }
0x1b9: {  	v58 =	vand.u32 $0xFFFF0000, v58;
	v59 =	vmul.f32 v61, v61;
	[tilespmem:$0x1FE70] =	vst v0;
	v0 =	vmul.f32 v1, v51;
	v1 =	vld [tilespmem:$0x1FF50]  }
0x1ba: {  	v61 =	vadd.s32 $0x8000, v61;
	v7 =	vand.u32 $0xFFFF0000, v7;
	v38 =	vadd.f32 v20, v18  }
0x1bb: {  	p0 =	sne.s32 s19, $0xF;
	v32 =	vand.u32 $0xFFFF0000, v63;
	v63 =	vmul.f32 v3, v55;
	v55 =	vmul.f32 v13, v57  }
.Ltmp0:
0x1bc: {  	v20 =	vld [tilespmem:$0x1F8F0];
	v56 =	vmul.f32 v11, v56;
	[tilespmem:$0x1FEE0] =	vst v54;
	v54 =	vmul.f32 v32, v2;
	v32 =	vadd.f32 v4, v37;
	(pc) =	sbr.rel @p0 .LBB2_2-.Ltmp0, $4  }
0x1bd: {  	v24 =	vmovc v12;
	v37 =	vadd.f32 v16, v39;
	v16 =	vld [tilespmem:$0x1F8D0];
	v39 =	vadd.f32 v10, v8;
	v62 =	vmul.f32 v62, v23  }
0x1be: {  	v23 =	vmovc v33;
	v33 =	vadd.f32 v5, v35;
	v51 =	vand.u32 $0xFFFF0000, v61;
	v61 =	vld [tilespmem:$0x1F8C0];
	[tilespmem:$0x1FE90] =	vst v0;
	v0 =	vmul.f32 v30, v1  }
0x1bf: {  	[tilespmem:$0x1FEB0] =	vst v52;
	v35 =	vadd.f32 v19, v15;
	v30 =	vadd.f32 v6, v40;
	v57 =	vmul.f32 v14, v1;
	v14 =	vld [tilespmem:$0x1F8E0]  }
0x1c0: {  	s19 =	sadd.s32 $0x1, s19;
	v22 =	vmovc v17;
	v52 =	vmul.f32 v7, v2;
	v15 =	vmovc v53;
	v40 =	vadd.f32 v21, v59;
	v21 =	vld [tilespmem:$0x1F900];
	v53 =	vadd.f32 $0.0e+00, v0  }
0x1c1: {  	v1 =	vadd.f32 v15, v33;
	v33 =	vld [tilespmem:$0x1F910];
	_ =	sdelay $0x4  }
0x1c2: {  	v5 =	vmul.f32 v49, v33;
	_ =	sdelay $0x1  }
0x1c3: {  	v5 =	vadd.f32 v5, v53;
	v53 =	vld [tilespmem:$0x1FC80];
	_ =	sdelay $0x1  }
0x1c4: {  	v0 =	vadd.f32 v14, v30;
	v30 =	vld [tilespmem:$0x1FC00]  }
0x1c5: {  	v6 =	vadd.f32 v22, v38;
	_ =	sdelay $0x1  }
0x1c6: {  	v10 =	vadd.f32 $0.0e+00, v54;
	v54 =	vld [tilespmem:$0x1FC90];
	v6 =	vadd.f32 v53, v6;
	_ =	sdelay $0x1  }
0x1c7: {  	v6 =	vadd.f32 v30, v6;
	v30 =	vld [tilespmem:$0x1FC10]  }
0x1c8: {  	v7 =	vadd.f32 v23, v39  }
0x1c9: {  	v8 =	vadd.f32 v24, v40  }
0x1ca: {  	v40 =	vadd.f32 $0.0e+00, v55;
	v55 =	vld [tilespmem:$0x1FCA0];
	v7 =	vadd.f32 v54, v7  }
0x1cb: {  	v4 =	vadd.f32 v21, v37;
	v37 =	vld [tilespmem:$0x1F930]  }
0x1cc: {  	v7 =	vadd.f32 v30, v7;
	v30 =	vld [tilespmem:$0x1FC20]  }
0x1cd: {  	v18 =	vmul.f32 v45, v33;
	v45 =	vld [tilespmem:$0x1FC30];
	_ =	sdelay $0x1  }
0x1ce: {  	v11 =	vadd.f32 $0.0e+00, v56;
	v56 =	vld [tilespmem:$0x1FBB0];
	v8 =	vadd.f32 v55, v8;
	_ =	sdelay $0x1  }
0x1cf: {  	v8 =	vadd.f32 v30, v8;
	v30 =	vld [tilespmem:$0x1FB30]  }
0x1d0: {  	v39 =	vmul.f32 v46, v37;
	v46 =	vld [tilespmem:$0x1FC40];
	v0 =	vadd.f32 v45, v0  }
0x1d1: {  	v3 =	vadd.f32 v20, v35;
	v35 =	vld [tilespmem:$0x1F940]  }
0x1d2: {  	v13 =	vadd.f32 $0.0e+00, v57;
	v57 =	vld [tilespmem:$0x1FBC0];
	v0 =	vadd.f32 v56, v0  }
0x1d3: {  	v53 =	vld [tilespmem:$0x1FAB0]  }
0x1d4: {  	v0 =	vadd.f32 v30, v0;
	v30 =	vld [tilespmem:$0x1FB40]  }
0x1d5: {  	v49 =	vld [tilespmem:$0x1FC60];
	v1 =	vadd.f32 v46, v1  }
0x1d6: {  	v2 =	vadd.f32 v16, v32;
	v32 =	vld [tilespmem:$0x1F920]  }
0x1d7: {  	v45 =	vld [tilespmem:$0x1FBE0];
	v1 =	vadd.f32 v57, v1  }
0x1d8: {  	v24 =	vmul.f32 v31, v53;
	v31 =	vld [tilespmem:$0x1FB90]  }
0x1d9: {  	v1 =	vadd.f32 v30, v1;
	v30 =	vld [tilespmem:$0x1FB60]  }
0x1da: {  	v3 =	vadd.f32 v49, v3  }
0x1db: {  	v17 =	vmul.f32 v47, v35;
	v47 =	vld [tilespmem:$0x1FC50]  }
0x1dc: {  	v46 =	vld [tilespmem:$0x1FF80];
	v3 =	vadd.f32 v45, v3  }
0x1dd: {  	v59 =	vmul.f32 v48, v32;
	v7 =	vadd.f32 v31, v7;
	v31 =	vld [tilespmem:$0x1FBA0]  }
0x1de: {  	v3 =	vadd.f32 v30, v3;
	v30 =	vld [tilespmem:$0x1FB80]  }
0x1df: {  	v10 =	vadd.f32 v59, v10;
	v59 =	vld [tilespmem:$0x1FBD0];
	_ =	sdelay $0x1  }
0x1e0: {  	v48 =	vld [tilespmem:$0x1FC70]  }
0x1e1: {  	v2 =	vadd.f32 v47, v2;
	v16 =	vmul.f32 v51, v46  }
0x1e2: {  	v38 =	vld [tilespmem:$0x1FBF0];
	v8 =	vadd.f32 v31, v8;
	v6 =	vadd.f32 v30, v6  }
0x1e3: {  	v21 =	vld [tilespmem:$0x1FF20];
	v2 =	vadd.f32 v59, v2;
	v16 =	vadd.f32 $0.0e+00, v16  }
0x1e4: {  	v56 =	vld [tilespmem:$0x1FA50];
	v3 =	vadd.f32 v6, v3;
	v6 =	vadd.f32 v8, v7;
	v8 =	vmul.f32 v58, v35  }
0x1e5: {  	v4 =	vadd.f32 v48, v4;
	v2 =	vadd.f32 v61, v2;
	v61 =	vld [tilespmem:$0x1FB70]  }
0x1e6: {  	v3 =	vadd.f32 v6, v3;
	v6 =	vadd.f32 v8, v16;
	v8 =	vld [tilespmem:$0x1FDC0];
	_ =	sdelay $0x1  }
0x1e7: {  	v54 =	vld [tilespmem:$0x1FAC0];
	v4 =	vadd.f32 v38, v4  }
0x1e8: {  	v55 =	vld [tilespmem:$0x1F960];
	v9 =	vmul.f32 v9, v32;
	v13 =	vadd.f32 v18, v13;
	v18 =	vadd.f32 $0.0e+00, v52  }
0x1e9: {  	v11 =	vadd.f32 v39, v11;
	v39 =	vld [tilespmem:$0x1FF70];
	v4 =	vadd.f32 v61, v4  }
0x1ea: {  	v21 =	vmul.f32 v34, v21;
	v34 =	vld [tilespmem:$0x1FFB0];
	v7 =	vadd.f32 v9, v18;
	v8 =	vmul.f32 v8, v56  }
0x1eb: {  	v59 =	vld [tilespmem:$0x1FA90];
	v2 =	vadd.f32 v4, v2;
	v0 =	vadd.f32 v1, v0  }
0x1ec: {  	v7 =	vadd.f32 v8, v7;
	v8 =	vld [tilespmem:$0x1FDE0]  }
0x1ed: {  	v52 =	vld [tilespmem:$0x1FAA0];
	v0 =	vadd.f32 v2, v0  }
0x1ee: {  	v14 =	vadd.f32 v17, v40;
	v40 =	vmul.f32 v50, v39;
	v35 =	vld [tilespmem:$0x1FFD0]  }
0x1ef: {  	v28 =	vmul.f32 v28, v37;
	v57 =	vld [tilespmem:$0x1FA60];
	v37 =	vperm.xlane v0, v34  }
0x1f0: {  	v15 =	vadd.f32 $0.0e+00, v40;
	v2 =	vld [tilespmem:$0x1FDD0]  }
0x1f1: {  	v49 =	vld [tilespmem:$0x1FAE0];
	v0 =	vadd.f32 v37, v0;
	v8 =	vmul.f32 v8, v59  }
0x1f2: {  	v23 =	vmul.f32 v36, v52;
	v36 =	vld [tilespmem:$0x1FFF0];
	v4 =	vadd.f32 v28, v15  }
0x1f3: {  	v45 =	vld [tilespmem:$0x1FAD0];
	v15 =	vperm.xlane v3, v34;
	v6 =	vadd.f32 v8, v6;
	v8 =	vperm.xlane v0, v35  }
0x1f4: {  	v50 =	vld [tilespmem:$0x1FAF0];
	v12 =	vmul.f32 v26, v56  }
0x1f5: {  	v2 =	vmul.f32 v2, v57;
	v3 =	vadd.f32 v15, v3;
	v0 =	vadd.f32 v8, v0;
	v8 =	vld [tilespmem:$0x1FD80]  }
0x1f6: {  	v47 =	vmov v62;
	v62 =	vmov v39;
	v39 =	vld [tilespmem:$0x1FD60]  }
0x1f7: {  	v40 =	vld [tilespmem:$0x1FD70];
	v10 =	vadd.f32 v12, v10;
	v2 =	vadd.f32 v2, v4;
	v4 =	vperm.xlane v3, v35  }
0x1f8: {  	v1 =	vld [tilespmem:$0x1FD90]  }
0x1f9: {  	v51 =	vld [tilespmem:$0x1FA80];
	v48 =	vmul.f32 v44, v45;
	v3 =	vadd.f32 v4, v3;
	v4 =	vadd.f32 v23, v10  }
0x1fa: {  	v37 =	vld [tilespmem:$0x1FF90];
	v8 =	vmul.f32 v8, v54  }
0x1fb: {  	v27 =	vmul.f32 v27, v55;
	v4 =	vadd.f32 v48, v4;
	v48 =	vld [tilespmem:$0x1FD50]  }
0x1fc: {  	v19 =	vmul.f32 v41, v49;
	v41 =	vperm.xlane v3, v36;
	v6 =	vadd.f32 v8, v6;
	v8 =	vld [tilespmem:$0x1FD40]  }
0x1fd: {  	v12 =	vmul.f32 v39, v52;
	v1 =	vmul.f32 v1, v55  }
0x1fe: {  	v5 =	vadd.f32 v27, v5;
	v3 =	vadd.f32 v41, v3;
	v46 =	vperm.xlane v0, v36  }
0x1ff: {  	v1 =	vadd.f32 v1, v13;
	v10 =	vmul.f32 v40, v53;
	v7 =	vadd.f32 v12, v7  }
0x200: {  	v26 =	vld [tilespmem:$0x1FDA0];
	v13 =	vperm.xlane v3, v37;
	v12 =	vmul.f32 v48, v50;
	v0 =	vadd.f32 v46, v0  }
0x201: {  	v22 =	vmul.f32 v42, v51;
	v2 =	vadd.f32 v10, v2;
	v8 =	vmul.f32 v8, v49  }
0x202: {  	v13 =	vadd.f32 v13, v3;
	v3 =	vadd.f32 v12, v6;
	v6 =	vld [tilespmem:$0x1FD10];
	v49 =	vperm.xlane v0, v37  }
0x203: {  	v2 =	vadd.f32 v8, v2;
	v8 =	vld [tilespmem:$0x1FE80]  }
0x204: {  	v20 =	vmul.f32 v43, v50;
	v5 =	vadd.f32 v22, v5;
	v50 =	vadd.f32 v49, v0  }
0x205: {  	v30 =	vmul.f32 v26, v57;
	v26 =	vld [tilespmem:$0x1FDB0];
	v0 =	vshra.s32 v13, $0x1  }
0x206: {  	v43 =	vld [tilespmem:$0x1FD30];
	v5 =	vadd.f32 v63, v5;
	_ =	swait.ge [sflag:s14], $0x3000;
	v52 =	vsub.s32 $0x5F3759DF, v0;
	v0 =	vshra.s32 v50, $0x1  }
0x207: {  	v25 =	vmul.f32 v25, v51;
	v55 =	vsub.s32 $0x5F3759DF, v0;
	v0 =	vld [tilespmem:$0x1FEB0]  }
0x208: {  	s18 =	simm.s32 $0x0;
	v6 =	vmul.f32 v6, v8;
	v8 =	vadd.f32 v60, v5;
	v5 =	vld [tilespmem:$0x1FE50]  }
0x209: {  	s18 =	smul.u32 $0x3000, s18;
	v1 =	vadd.f32 v25, v1  }
0x20a: {  	s19 =	simm.s32 $0x0;
	v31 =	vmul.f32 v26, v59  }
0x20b: {  	s19 =	sand.u32 $0x300, s19;
	s23 =	sshra.s32 s18, $0x2;
	v1 =	vadd.f32 v21, v1  }
0x20c: {  	s24 =	sor.u32 $0x80, s19;
	s20 =	sadd.s32 $0x3980, s23;
	v11 =	vadd.f32 v30, v11;
	v16 =	vadd.f32 v31, v14;
	[sflag:s14] =	ssyncset.done $0x0  }
0x20d: {  	s21 =	sadd.s32 $0x3580, s23;
	s29 =	sadd.s32 s24, s20;
	v29 =	vmul.f32 v29, v54;
	[sflag:s14] =	ssyncadd.s32 $0xFFFFD000;
	v54 =	vadd.f32 v5, v4;
	v5 =	vadd.f32 v0, v1;
	v0 =	vld [tilespmem:$0x1FE70]  }
0x20e: {  	s22 =	sadd.s32 s24, s21;
	s21 =	sadd.s32 s19, s21;
	v11 =	vadd.f32 v24, v11;
	v10 =	vmul.f32 v43, v45;
	v25 =	vld [tilespmem:s29+$0x10]  }
0x20f: {  	s23 =	sadd.s32 $0x3180, s23;
	v9 =	vadd.f32 v29, v16;
	v51 =	vmul.f32 $5.000000000e-01, v13;
	[tilespmem:$0x1F340] =	vst v13;
	v53 =	vmul.f32 $5.000000000e-01, v50;
	v13 =	vld [tilespmem:s21+$0x0]  }
0x210: {  	s24 =	sadd.s32 s24, s23;
	v11 =	vadd.f32 v19, v11;
	v24 =	vld [tilespmem:s29+$0x0]  }
0x211: {  	v9 =	vadd.f32 v20, v9;
	v7 =	vadd.f32 v10, v7;
	v27 =	vld [tilespmem:s24+$0x70];
	v56 =	vmul.f32 v55, v53  }
0x212: {  	v2 =	vadd.f32 v47, v2;
	v11 =	vadd.f32 v0, v11;
	v0 =	vld [tilespmem:$0x1FEE0]  }
0x213: {  	v42 =	vld [tilespmem:s24+$0x20];
	v14 =	vmul.f32 v55, v56;
	v6 =	vadd.f32 v6, v3;
	v4 =	vmul.f32 v52, v51  }
0x214: {  	v3 =	vmul.f32 v25, v25;
	v48 =	vmul.f32 v13, v13;
	v13 =	vadd.s32 $0x8000, v13  }
0x215: {  	v2 =	vadd.f32 v6, v2;
	v6 =	vsub.f32 $1.500000000e+00, v14;
	v57 =	vmul.f32 v52, v4  }
0x216: {  	v40 =	vmul.f32 v27, v27;
	v13 =	vand.u32 $0xFFFF0000, v13;
	v12 =	vadd.f32 v54, v8;
	v8 =	vld [tilespmem:s22+$0x0]  }
0x217: {  	s23 =	sadd.s32 s19, s23;
	v6 =	vmul.f32 v55, v6;
	v17 =	vsub.f32 $1.500000000e+00, v57;
	v7 =	vadd.f32 v0, v7;
	v0 =	vld [tilespmem:$0x1FE90]  }
0x218: {  	v47 =	vld [tilespmem:s23+$0x0];
	v4 =	vmul.f32 v24, v24;
	v54 =	vmul.f32 v42, v42;
	v42 =	vadd.s32 $0x8000, v42  }
0x219: {  	v42 =	vand.u32 $0xFFFF0000, v42;
	v17 =	vmul.f32 v52, v17;
	v18 =	vadd.f32 v7, v5;
	v5 =	vld [tilespmem:s22+$0x50]  }
0x21a: {  	v19 =	vmul.f32 v6, v53;
	v57 =	vadd.s32 $0x8000, v27;
	v42 =	vmul.f32 v42, v62;
	v7 =	vld [tilespmem:s22+$0x60]  }
0x21b: {  	v45 =	vmul.f32 v8, v8;
	v8 =	vadd.s32 $0x8000, v8;
	v59 =	vmul.f32 v17, v51  }
0x21c: {  	v8 =	vand.u32 $0xFFFF0000, v8;
	v2 =	vadd.f32 v2, v18;
	v9 =	vadd.f32 v0, v9  }
0x21d: {  	v31 =	vld [tilespmem:s23+$0x40];
	v20 =	vmul.f32 v59, v17;
	v59 =	vmul.f32 v47, v47;
	v47 =	vadd.s32 $0x8000, v47  }
0x21e: {  	[tilespmem:$0x1F2A0] =	vst v25;
	v25 =	vld [tilespmem:s23+$0x30];
	v47 =	vand.u32 $0xFFFF0000, v47;
	v18 =	vperm.xlane v2, v34;
	v58 =	vadd.f32 v9, v11  }
0x21f: {  	v9 =	vld [tilespmem:s21+$0x40];
	v41 =	vmul.f32 v5, v5;
	v43 =	vmul.f32 v7, v7;
	v5 =	vadd.s32 $0x8000, v5  }
0x220: {  	v11 =	vld [tilespmem:s22+$0x10];
	v7 =	vadd.s32 $0x8000, v7;
	v2 =	vadd.f32 v2, v18;
	v18 =	vmul.f32 v19, v6  }
0x221: {  	v19 =	vsub.f32 $1.500000000e+00, v20;
	v5 =	vand.u32 $0xFFFF0000, v5;
	v60 =	vadd.f32 v58, v12  }
0x222: {  	v27 =	vld [tilespmem:s21+$0x30];
	v58 =	vadd.s32 $0x8000, v31;
	v31 =	vmul.f32 v31, v31;
	v18 =	vsub.f32 $1.500000000e+00, v18  }
0x223: {  	v28 =	vld [tilespmem:$0x1FF80];
	v7 =	vand.u32 $0xFFFF0000, v7;
	v1 =	vmul.f32 v19, v17;
	v21 =	vperm.xlane v60, v34  }
0x224: {  	v32 =	vld [tilespmem:s24+$0x10];
	v31 =	vadd.f32 v31, v59;
	v59 =	vmul.f32 v25, v25;
	v0 =	vmul.f32 v18, v6  }
0x225: {  	v12 =	vld [tilespmem:s22+$0x30];
	v25 =	vadd.s32 $0x8000, v25;
	v44 =	vmul.f32 v9, v9;
	v46 =	vmul.f32 v11, v11  }
0x226: {  	v9 =	vadd.s32 $0x8000, v9;
	v11 =	vadd.s32 $0x8000, v11;
	v25 =	vand.u32 $0xFFFF0000, v25  }
0x227: {  	v19 =	vld [tilespmem:s24+$0x40];
	v20 =	vadd.f32 v60, v21;
	v21 =	vperm.xlane v2, v35;
	v60 =	vmul.f32 v27, v27  }
0x228: {  	v30 =	vld [tilespmem:s24+$0x0];
	v31 =	vadd.f32 v48, v31;
	v27 =	vadd.s32 $0x8000, v27;
	v9 =	vand.u32 $0xFFFF0000, v9  }
0x229: {  	v11 =	vand.u32 $0xFFFF0000, v11;
	v25 =	vmul.f32 v25, v28;
	v6 =	vmul.f32 v0, v53  }
0x22a: {  	[tilespmem:$0x1F370] =	vst v50;
	v38 =	vld [tilespmem:s29+$0x20];
	v50 =	vmul.f32 v12, v12;
	v53 =	vmul.f32 v32, v32;
	v32 =	vadd.s32 $0x8000, v32  }
0x22b: {  	v29 =	vld [tilespmem:$0x1FF60];
	v12 =	vadd.s32 $0x8000, v12;
	v27 =	vand.u32 $0xFFFF0000, v27;
	v61 =	vperm.xlane v20, v35  }
0x22c: {  	v39 =	vld [tilespmem:s22+$0x40];
	v21 =	vadd.f32 v2, v21;
	v2 =	vmul.f32 v1, v51;
	v49 =	vadd.s32 $0x8000, v19  }
0x22d: {  	v18 =	vld [tilespmem:s24+$0x50];
	v51 =	vmul.f32 v30, v30;
	v19 =	vmul.f32 v19, v19;
	v30 =	vadd.s32 $0x8000, v30  }
0x22e: {  	v32 =	vand.u32 $0xFFFF0000, v32;
	v31 =	vadd.f32 v44, v31;
	v12 =	vand.u32 $0xFFFF0000, v12  }
0x22f: {  	[tilespmem:$0x1F350] =	vst v0;
	v25 =	vadd.f32 $0.0e+00, v25;
	v0 =	vmul.f32 v6, v0;
	v6 =	vmul.f32 v38, v38  }
0x230: {  	v15 =	vld [tilespmem:s23+$0x50];
	v49 =	vand.u32 $0xFFFF0000, v49;
	v30 =	vand.u32 $0xFFFF0000, v30;
	v32 =	vmul.f32 v32, v29  }
0x231: {  	v10 =	vld [tilespmem:s22+$0x20];
	v17 =	vadd.f32 v20, v61;
	v22 =	vperm.xlane v21, v36;
	v63 =	vmul.f32 v2, v1  }
0x232: {  	v16 =	vld [tilespmem:s23+$0x60];
	[tilespmem:$0x1F2F0] =	vst v1;
	v1 =	vmul.f32 v39, v39;
	v52 =	vadd.s32 $0x8000, v18;
	v18 =	vmul.f32 v18, v18  }
0x233: {  	v20 =	vld [tilespmem:s24+$0x60];
	v19 =	vadd.f32 v19, v51;
	v52 =	vand.u32 $0xFFFF0000, v52;
	v32 =	vadd.f32 $0.0e+00, v32  }
0x234: {  	[tilespmem:$0x1F280] =	vst v0;
	v23 =	vperm.xlane v17, v36;
	v0 =	vadd.f32 v21, v22;
	v21 =	vld [tilespmem:s24+$0x30];
	v2 =	vsub.f32 $1.500000000e+00, v63  }
0x235: {  	v22 =	vld [tilespmem:s23+$0x10];
	v18 =	vadd.f32 v18, v53;
	v53 =	vmul.f32 v15, v15;
	v15 =	vadd.s32 $0x8000, v15  }
0x236: {  	v45 =	vadd.f32 v45, v19;
	v15 =	vand.u32 $0xFFFF0000, v15;
	[tilespmem:$0x1F300] =	vst v2;
	v2 =	vadd.f32 v17, v23  }
0x237: {  	[tilespmem:$0x1F290] =	vst v24;
	v24 =	vld [tilespmem:s23+$0x70];
	v17 =	vmul.f32 v10, v10;
	v46 =	vadd.f32 v46, v18;
	v10 =	vadd.s32 $0x8000, v10  }
0x238: {  	v23 =	vld [tilespmem:s23+$0x20];
	v55 =	vadd.s32 $0x8000, v20;
	v20 =	vmul.f32 v20, v20;
	v10 =	vand.u32 $0xFFFF0000, v10  }
0x239: {  	v14 =	vld [tilespmem:s21+$0x10];
	v55 =	vand.u32 $0xFFFF0000, v55;
	v41 =	vadd.f32 v41, v46;
	v56 =	vmul.f32 v21, v21  }
0x23a: {  	v61 =	vmul.f32 v22, v22;
	v20 =	vadd.f32 v20, v54;
	v54 =	vmul.f32 v16, v16  }
0x23b: {  	v21 =	vadd.s32 $0x8000, v21;
	v16 =	vadd.s32 $0x8000, v16;
	v22 =	vadd.s32 $0x8000, v22  }
0x23c: {  	v21 =	vand.u32 $0xFFFF0000, v21;
	v22 =	vand.u32 $0xFFFF0000, v22;
	v16 =	vand.u32 $0xFFFF0000, v16  }
0x23d: {  	v51 =	vmul.f32 v23, v23;
	v56 =	vadd.f32 v40, v56;
	v40 =	vmul.f32 v24, v24  }
0x23e: {  	[tilespmem:$0x1F310] =	vst v2;
	v2 =	vld [tilespmem:$0x1FF50];
	v53 =	vadd.f32 v53, v61;
	v61 =	vmul.f32 v14, v14;
	v18 =	vmul.f32 v21, v28  }
0x23f: {  	v26 =	vld [tilespmem:s21+$0x20];
	v21 =	vadd.f32 $0.0e+00, v42;
	v42 =	vadd.f32 v17, v20;
	v17 =	vand.u32 $0xFFFF0000, v58  }
0x240: {  	v14 =	vadd.s32 $0x8000, v14;
	v24 =	vadd.s32 $0x8000, v24;
	v23 =	vadd.s32 $0x8000, v23  }
0x241: {  	v22 =	vmul.f32 v22, v29;
	v17 =	vmul.f32 v17, v33;
	v14 =	vand.u32 $0xFFFF0000, v14  }
0x242: {  	v20 =	vld [tilespmem:$0x1F920];
	v23 =	vand.u32 $0xFFFF0000, v23;
	v24 =	vand.u32 $0xFFFF0000, v24;
	v51 =	vadd.f32 v54, v51  }
0x243: {  	v63 =	vld [tilespmem:s22+$0x70];
	v59 =	vadd.f32 v40, v59;
	v30 =	vmul.f32 v30, v2;
	v19 =	vmul.f32 v47, v2  }
0x244: {  	v29 =	vld [tilespmem:$0x1FA80];
	v54 =	vmul.f32 v26, v26;
	v50 =	vadd.f32 v50, v56;
	v42 =	vadd.f32 v43, v42  }
0x245: {  	v28 =	vld [tilespmem:$0x1FAA0];
	v30 =	vadd.f32 $0.0e+00, v30;
	v58 =	vadd.f32 $0.0e+00, v19;
	v19 =	vand.u32 $0xFFFF0000, v57  }
0x246: {  	v57 =	vadd.f32 $0.0e+00, v18;
	v18 =	vmul.f32 v49, v33;
	v49 =	vadd.f32 v61, v53;
	v61 =	vld [tilespmem:$0x1F930]  }
0x247: {  	v26 =	vadd.s32 $0x8000, v26;
	v22 =	vadd.f32 $0.0e+00, v22;
	v20 =	vmul.f32 v52, v20;
	v52 =	vld [tilespmem:s21+$0x70]  }
0x248: {  	v48 =	vld [tilespmem:s21+$0x50];
	v26 =	vand.u32 $0xFFFF0000, v26;
	v40 =	vmovc v62;
	v51 =	vadd.f32 v54, v51;
	v2 =	vadd.f32 v18, v30  }
0x249: {  	s19 =	sadd.s32 s19, s20;
	v59 =	vadd.f32 v60, v59;
	v23 =	vmul.f32 v23, v40;
	v30 =	vmul.f32 v63, v63  }
0x24a: {  	v60 =	vld [tilespmem:s19+$0x10];
	v5 =	vmul.f32 v5, v28;
	v9 =	vmul.f32 v9, v29;
	[tilespmem:$0x1F2B0] =	vst v2;
	v2 =	vadd.f32 v20, v32  }
0x24b: {  	v23 =	vadd.f32 $0.0e+00, v23;
	v32 =	vld [tilespmem:s19+$0x20];
	v43 =	vadd.f32 v30, v50;
	v53 =	vmul.f32 v55, v61  }
0x24c: {  	v61 =	vld [tilespmem:$0x1F940];
	[tilespmem:$0x1F2C0] =	vst v2;
	v2 =	vadd.f32 v17, v58;
	v17 =	vmul.f32 v52, v52;
	v52 =	vadd.s32 $0x8000, v52  }
0x24d: {  	v20 =	vadd.f32 v53, v21;
	v53 =	vmul.f32 v48, v48;
	v48 =	vadd.s32 $0x8000, v48  }
0x24e: {  	v55 =	vld [tilespmem:s19+$0x0];
	v52 =	vand.u32 $0xFFFF0000, v52;
	v46 =	vadd.f32 v17, v59;
	v17 =	vadd.f32 v3, v41  }
0x24f: {  	v47 =	vld [tilespmem:s19+$0x40];
	v3 =	vadd.s32 $0x8000, v39;
	v39 =	vadd.s32 $0x8000, v63;
	v48 =	vand.u32 $0xFFFF0000, v48  }
0x250: {  	v44 =	vadd.f32 v53, v49;
	v53 =	vmul.f32 v60, v60;
	v59 =	vmul.f32 v32, v32  }
0x251: {  	v56 =	vld [tilespmem:s21+$0x60];
	v32 =	vadd.s32 $0x8000, v32;
	v3 =	vand.u32 $0xFFFF0000, v3;
	v54 =	vmul.f32 v19, v61  }
0x252: {  	[tilespmem:$0x1F330] =	vst v0;
	v48 =	vmul.f32 v48, v28;
	v61 =	vadd.f32 v1, v45;
	v1 =	vperm.xlane v0, v37;
	v0 =	vld [tilespmem:$0x1F280]  }
0x253: {  	[tilespmem:$0x1F2E0] =	vst v2;
	v58 =	vmul.f32 v55, v55;
	v19 =	vadd.f32 v6, v42;
	v2 =	vadd.f32 v54, v57;
	v54 =	vld [tilespmem:s19+$0x30]  }
0x254: {  	v62 =	vld [tilespmem:s29+$0x40];
	v42 =	vmul.f32 v47, v47;
	v47 =	vadd.s32 $0x8000, v47;
	v55 =	vadd.s32 $0x8000, v55  }
0x255: {  	v49 =	vld [tilespmem:s19+$0x70];
	v3 =	vmul.f32 v3, v29;
	v44 =	vadd.f32 v53, v44;
	v47 =	vand.u32 $0xFFFF0000, v47  }
0x256: {  	v45 =	vld [tilespmem:s19+$0x50];
	v55 =	vand.u32 $0xFFFF0000, v55;
	v57 =	vmul.f32 v56, v56;
	v30 =	vadd.f32 v4, v61  }
0x257: {  	v33 =	vld [tilespmem:s29+$0x50];
	v6 =	vadd.f32 v58, v31;
	v4 =	vadd.s32 $0x8000, v38;
	v56 =	vadd.s32 $0x8000, v56  }
0x258: {  	v63 =	vld [tilespmem:$0x1FEC0];
	v51 =	vadd.f32 v57, v51;
	v0 =	vsub.f32 $1.500000000e+00, v0;
	v61 =	vmul.f32 v54, v54  }
0x259: {  	[tilespmem:$0x1F320] =	vst v1;
	v1 =	vld [tilespmem:$0x1F2A0];
	v38 =	vadd.s32 $0x8000, v60;
	v60 =	vand.u32 $0xFFFF0000, v39;
	v56 =	vand.u32 $0xFFFF0000, v56  }
0x25a: {  	v51 =	vadd.f32 v59, v51;
	v59 =	vmul.f32 v49, v49;
	[tilespmem:$0x1F360] =	vst v0;
	v0 =	vld [tilespmem:$0x1F290];
	v41 =	vadd.f32 v61, v46  }
0x25b: {  	v50 =	vld [tilespmem:s19+$0x60];
	[tilespmem:$0x1F2D0] =	vst v2;
	v42 =	vadd.f32 v42, v6;
	v2 =	vand.u32 $0xFFFF0000, v4;
	v53 =	vmul.f32 v45, v45  }
0x25c: {  	v45 =	vadd.s32 $0x8000, v45;
	v41 =	vadd.f32 v59, v41;
	v59 =	vand.u32 $0xFFFF0000, v38;
	v38 =	vld [tilespmem:$0x1FF20]  }
0x25d: {  	v31 =	vld [tilespmem:s29+$0x60];
	v49 =	vadd.s32 $0x8000, v49;
	v45 =	vand.u32 $0xFFFF0000, v45;
	v44 =	vadd.f32 v53, v44  }
0x25e: {  	v40 =	vld [tilespmem:$0x1FAD0];
	v53 =	vadd.s32 $0x8000, v62;
	v1 =	vadd.s32 $0x8000, v1;
	v54 =	vadd.s32 $0x8000, v54  }
0x25f: {  	v57 =	vld [tilespmem:s29+$0x30];
	v49 =	vand.u32 $0xFFFF0000, v49;
	v45 =	vmul.f32 v45, v63;
	v0 =	vadd.s32 $0x8000, v0  }
0x260: {  	v53 =	vand.u32 $0xFFFF0000, v53;
	v1 =	vand.u32 $0xFFFF0000, v1;
	v0 =	vand.u32 $0xFFFF0000, v0  }
0x261: {  	v54 =	vand.u32 $0xFFFF0000, v54;
	v61 =	vmul.f32 v50, v50;
	v6 =	vmul.f32 v0, v38;
	v0 =	vld [tilespmem:$0x1F960]  }
0x262: {  	v58 =	vld [tilespmem:s29+$0x70];
	v18 =	vadd.f32 v44, v42;
	v44 =	vadd.s32 $0x8000, v31;
	v31 =	vmul.f32 v31, v31  }
0x263: {  	v4 =	vld [tilespmem:$0x1FF00];
	v46 =	vadd.f32 v61, v51;
	v51 =	vadd.s32 $0x8000, v33;
	v33 =	vmul.f32 v33, v33  }
0x264: {  	v50 =	vadd.s32 $0x8000, v50;
	v21 =	vmul.f32 v1, v40;
	v61 =	vmul.f32 v57, v57  }
0x265: {  	v44 =	vand.u32 $0xFFFF0000, v44;
	v50 =	vand.u32 $0xFFFF0000, v50;
	v29 =	vadd.f32 v33, v17;
	v33 =	vld [tilespmem:$0x1F920]  }
0x266: {  	v43 =	vadd.f32 v61, v43;
	v8 =	vmul.f32 v8, v0;
	v13 =	vmul.f32 v13, v0;
	v0 =	vld [tilespmem:$0x1F2B0]  }
0x267: {  	v1 =	vld [tilespmem:$0x1FA50];
	v41 =	vadd.f32 v41, v46;
	v46 =	vadd.s32 $0x8000, v58;
	v58 =	vmul.f32 v58, v58  }
0x268: {  	v42 =	vand.u32 $0xFFFF0000, v32;
	v44 =	vmul.f32 v44, v4;
	v50 =	vmul.f32 v50, v4;
	v4 =	vld [tilespmem:$0x1FAE0]  }
0x269: {  	v57 =	vadd.s32 $0x8000, v57;
	v28 =	vadd.f32 v31, v19;
	v31 =	vadd.f32 v58, v43;
	v43 =	vld [tilespmem:$0x1F930]  }
0x26a: {  	v51 =	vand.u32 $0xFFFF0000, v51;
	v57 =	vand.u32 $0xFFFF0000, v57;
	v61 =	vmul.f32 v62, v62;
	v58 =	vld [tilespmem:$0x1F940]  }
0x26b: {  	v15 =	vmul.f32 v15, v33;
	v33 =	vadd.f32 v41, v18;
	v8 =	vadd.f32 v8, v0;
	v0 =	vld [tilespmem:$0x1F2C0]  }
0x26c: {  	v51 =	vmul.f32 v51, v63;
	v11 =	vmul.f32 v11, v1;
	v30 =	vadd.f32 v61, v30;
	v61 =	vld [tilespmem:$0x1FA90]  }
0x26d: {  	v14 =	vmul.f32 v14, v1;
	v41 =	vld [tilespmem:$0x1FA60];
	v15 =	vadd.f32 v15, v22;
	v22 =	vperm.xlane v33, v34  }
0x26e: {  	v46 =	vand.u32 $0xFFFF0000, v46;
	v32 =	vmul.f32 v2, v4;
	v55 =	vmul.f32 v55, v38  }
0x26f: {  	v29 =	vadd.f32 v29, v30;
	v16 =	vmul.f32 v16, v43;
	v22 =	vadd.f32 v22, v33  }
0x270: {  	v28 =	vadd.f32 v31, v28;
	v24 =	vmul.f32 v24, v58;
	v11 =	vadd.f32 v11, v0;
	v0 =	vld [tilespmem:$0x1F2D0]  }
0x271: {  	v2 =	vld [tilespmem:$0x1FAB0];
	v12 =	vmul.f32 v12, v61;
	v16 =	vadd.f32 v16, v23;
	v18 =	vperm.xlane v22, v35  }
0x272: {  	v38 =	vld [tilespmem:$0x1FAC0];
	v23 =	vadd.f32 v24, v25;
	v24 =	vadd.f32 v28, v29;
	v10 =	vmul.f32 v10, v41  }
0x273: {  	v17 =	vmul.f32 v27, v61;
	v14 =	vadd.f32 v14, v15;
	v18 =	vadd.f32 v18, v22  }
0x274: {  	v62 =	vld [tilespmem:$0x1FE40];
	v19 =	vperm.xlane v24, v34;
	v10 =	vadd.f32 v10, v20;
	v20 =	vmul.f32 v26, v41  }
0x275: {  	v17 =	vadd.f32 v17, v23;
	v41 =	vperm.xlane v18, v36;
	v12 =	vadd.f32 v12, v0;
	v0 =	vld [tilespmem:$0x1F2E0]  }
0x276: {  	v7 =	vmul.f32 v7, v2;
	v19 =	vadd.f32 v19, v24;
	v15 =	vadd.f32 v20, v16  }
0x277: {  	v20 =	vmul.f32 v56, v2;
	v56 =	vmul.f32 v52, v38;
	v2 =	vld [tilespmem:$0x1FAF0];
	v43 =	vadd.f32 v41, v18  }
0x278: {  	v33 =	vadd.f32 v48, v14;
	v3 =	vadd.f32 v3, v8;
	v8 =	vperm.xlane v19, v35  }
0x279: {  	v7 =	vadd.f32 v7, v10;
	v16 =	vadd.f32 v56, v17;
	v61 =	vperm.xlane v43, v37  }
0x27a: {  	v53 =	vmul.f32 v53, v62;
	v8 =	vadd.f32 v8, v19;
	v13 =	vadd.f32 v13, v0  }
0x27b: {  	v18 =	vmul.f32 v59, v40;
	v5 =	vadd.f32 v5, v11;
	v11 =	vadd.f32 v61, v43  }
0x27c: {  	v41 =	vperm.xlane v8, v36;
	v54 =	vmul.f32 v54, v2;
	v9 =	vadd.f32 v9, v13  }
0x27d: {  	v39 =	vld [tilespmem:$0x1FE80];
	v48 =	vshra.s32 v11, $0x1;
	v52 =	vmul.f32 $5.000000000e-01, v11;
	v0 =	vadd.f32 v6, v3  }
0x27e: {  	v3 =	vadd.f32 v41, v8;
	v6 =	vld [tilespmem:$0x1F300];
	v8 =	vadd.f32 v55, v9;
	v9 =	vsub.s32 $0x5F3759DF, v48  }
0x27f: {  	v13 =	vadd.f32 v18, v33;
	v18 =	vmul.f32 v57, v2;
	v2 =	vld [tilespmem:$0x1F2F0];
	v55 =	vmul.f32 v9, v52  }
0x280: {  	v60 =	vmul.f32 v60, v38;
	v38 =	vadd.f32 v20, v15;
	v43 =	vmul.f32 v42, v4  }
0x281: {  	v16 =	vadd.f32 v54, v16;
	v4 =	vadd.f32 v32, v7;
	v14 =	vmul.f32 v9, v55  }
0x282: {  	v56 =	vmul.f32 v49, v39;
	v58 =	vadd.f32 v60, v12;
	v12 =	vadd.f32 v43, v38  }
0x283: {  	v47 =	vmul.f32 v47, v62;
	v1 =	vadd.f32 v21, v5;
	v14 =	vsub.f32 $1.500000000e+00, v14  }
0x284: {  	v16 =	vadd.f32 v56, v16;
	v12 =	vadd.f32 v50, v12;
	v32 =	vmul.f32 v6, v2;
	v2 =	vld [tilespmem:$0x1F320]  }
0x285: {  	v4 =	vadd.f32 v44, v4;
	v1 =	vadd.f32 v51, v1;
	v6 =	vld [tilespmem:$0x1F330];
	v7 =	vmul.f32 v9, v14  }
0x286: {  	v12 =	vadd.f32 v16, v12;
	v19 =	vperm.xlane v3, v37;
	v0 =	vadd.f32 v53, v0  }
0x287: {  	v13 =	vadd.f32 v45, v13;
	v8 =	vadd.f32 v47, v8;
	v61 =	vmul.f32 v7, v52  }
0x288: {  	v46 =	vmul.f32 v46, v39;
	v3 =	vadd.f32 v19, v3;
	v58 =	vadd.f32 v18, v58  }
0x289: {  	v0 =	vadd.f32 v1, v0;
	v8 =	vadd.f32 v13, v8;
	v1 =	vmul.f32 v61, v7  }
0x28a: {  	v9 =	vadd.f32 v46, v58;
	v6 =	vadd.f32 v6, v2;
	v2 =	vld [tilespmem:$0x1F340]  }
0x28b: {  	v5 =	vshra.s32 v3, $0x1;
	v1 =	vsub.f32 $1.500000000e+00, v1  }
0x28c: {  	v57 =	vmul.f32 $5.000000000e-01, v3;
	v8 =	vadd.f32 v12, v8;
	v4 =	vadd.f32 v9, v4  }
0x28d: {  	s30 =	simm.s32 $0x0;
	v5 =	vsub.s32 $0x5F3759DF, v5;
	v1 =	vmul.f32 v1, v7  }
0x28e: {  	s31 =	smul.u32 $0x3000, s30;
	v59 =	vmul.f32 v5, v57;
	v16 =	vperm.xlane v8, v34;
	v0 =	vadd.f32 v4, v0;
	v4 =	vld [tilespmem:$0x1F360]  }
0x28f: {  	s18 =	simm.s32 $0x100;
	vm1 =	vlt.f32 v2, $1.000000020e-16;
	v2 =	vld [tilespmem:$0x1F350];
	v43 =	vmul.f32 v1, v52  }
0x290: {  	s20 =	sshra.s32 s31, $0x2;
	s19 =	sand.u32 $0x300, s18;
	v10 =	vmul.f32 v5, v59;
	v46 =	vld [tilespmem:$0x1F370];
	v8 =	vadd.f32 v8, v16  }
0x291: {  	s30 =	sadd.s32 $0x3980, s20;
	s31 =	sor.u32 $0x80, s19;
	v45 =	vmul.f32 v43, v1  }
0x292: {  	s25 =	sadd.s32 s31, s30;
	v60 =	vmov v39;
	v10 =	vsub.f32 $1.500000000e+00, v10;
	v39 =	vperm.xlane v8, v35  }
0x293: {  	v27 =	vld [tilespmem:s25+$0x30];
	v9 =	vsub.f32 $1.500000000e+00, v45  }
0x294: {  	v25 =	vld [tilespmem:s25+$0x10];
	v5 =	vmul.f32 v5, v10;
	v8 =	vadd.f32 v8, v39;
	v2 =	vmul.f32 v4, v2  }
0x295: {  	v47 =	vld [tilespmem:$0x1FB10];
	v41 =	vsel vm1, $0x4CBEBC20, v32;
	vm1 =	vlt.f32 v46, $1.000000020e-16;
	v1 =	vmul.f32 v9, v1  }
0x296: {  	v26 =	vld [tilespmem:s25+$0x20];
	v4 =	vmul.f32 v5, v57;
	v2 =	vsel vm1, $0x4CBEBC20, v2;
	vm1 =	vlt.f32 v11, $1.000000020e-16  }
0x297: {  	s22 =	sadd.s32 s19, s30;
	v6 =	vmul.f32 v41, v6;
	v11 =	vsel vm1, $0x4CBEBC20, v1;
	v1 =	vld [tilespmem:$0x1FB20]  }
0x298: {  	v22 =	vld [tilespmem:s22+$0x60];
	v44 =	vperm.xlane v8, v36;
	v4 =	vmul.f32 v4, v5  }
0x299: {  	v24 =	vld [tilespmem:s25+$0x0]  }
0x29a: {  	v20 =	vld [tilespmem:s22+$0x40];
	v6 =	vmul.f32 v6, v47;
	v8 =	vadd.f32 v8, v44;
	v4 =	vsub.f32 $1.500000000e+00, v4  }
0x29b: {  	v33 =	vld [tilespmem:$0x1F310]  }
0x29c: {  	v18 =	vld [tilespmem:s25+$0x40];
	v4 =	vmul.f32 v4, v5;
	v5 =	vperm.xlane v8, v37;
	vm1 =	vgt.f32 v6, v1  }
0x29d: {  	v6 =	vsel vm1, v6, v1;
	v1 =	vld [tilespmem:$0x1FB50]  }
0x29e: {  	v19 =	vld [tilespmem:s25+$0x50];
	v5 =	vadd.f32 v8, v5  }
0x29f: {  	v40 =	vld [tilespmem:s25+$0x60]  }
0x2a0: {  	s17 =	sadd.s32 $0x2, s17;
	v21 =	vld [tilespmem:s22+$0x50];
	v5 =	vmul.f32 v11, v5  }
0x2a1: {  	v42 =	vperm.xlane v0, v34;
	v7 =	vld [tilespmem:s25+$0x70];
	s25 =	sadd.s32 $0xFFFFFFFF, s17  }
0x2a2: {  	v23 =	vld [tilespmem:s22+$0x70];
	v29 =	vmul.f32 v5, v47;
	v5 =	vsel vm1, s25, v1;
	v1 =	vadd.s32 $0x8000, v18  }
0x2a3: {  	v38 =	vperm.xlane v33, v37;
	v0 =	vadd.f32 v0, v42;
	[tilespmem:$0x1F520] =	vst v1;
	v1 =	vadd.s32 $0x8000, v19  }
0x2a4: {  	[tilespmem:$0x1F530] =	vst v1;
	v1 =	vadd.s32 $0x8000, v20  }
0x2a5: {  	v13 =	vadd.f32 v33, v38;
	v52 =	vperm.xlane v0, v35;
	[tilespmem:$0x1F540] =	vst v1;
	v1 =	vadd.s32 $0x8000, v21  }
0x2a6: {  	[tilespmem:$0x1F550] =	vst v1;
	v1 =	vadd.s32 $0x8000, v22  }
0x2a7: {  	v0 =	vadd.f32 v0, v52;
	v2 =	vmul.f32 v2, v13;
	[tilespmem:$0x1F560] =	vst v1;
	v1 =	vadd.s32 $0x8000, v23  }
0x2a8: {  	v53 =	vmul.f32 v4, v57;
	[tilespmem:$0x1F570] =	vst v1;
	v1 =	vmul.f32 v18, v18  }
0x2a9: {  	v8 =	vperm.xlane v0, v36  }
0x2aa: {  	v2 =	vmul.f32 v2, v47;
	v9 =	vmul.f32 v53, v4;
	[tilespmem:$0x1F380] =	vst v1;
	v1 =	vadd.s32 $0x8000, v24  }
0x2ab: {  	v0 =	vadd.f32 v0, v8;
	[tilespmem:$0x1F590] =	vst v1;
	v1 =	vmul.f32 v19, v19  }
0x2ac: {  	v9 =	vsub.f32 $1.500000000e+00, v9;
	vm2 =	vgt.f32 v2, v6  }
0x2ad: {  	s26 =	sadd.s32 $0x3180, s20;
	v2 =	vsel vm2, v2, v6;
	v6 =	vperm.xlane v0, v37;
	[tilespmem:$0x1F390] =	vst v1;
	v1 =	vmul.f32 v40, v40  }
0x2ae: {  	s28 =	sadd.s32 s31, s26  }
0x2af: {  	v30 =	vld [tilespmem:s28+$0x60];
	v4 =	vmul.f32 v9, v4;
	v0 =	vadd.f32 v0, v6;
	[tilespmem:$0x1F3A0] =	vst v1;
	v1 =	vadd.s32 $0x8000, v25  }
0x2b0: {  	s30 =	sadd.s32 s19, s26;
	v28 =	vld [tilespmem:s28+$0x40];
	v5 =	vsel vm2, s17, v5;
	vm2 =	vlt.f32 v3, $1.000000020e-16;
	[tilespmem:$0x1F5A0] =	vst v1;
	v1 =	vmul.f32 v20, v20  }
0x2b1: {  	v49 =	vld [tilespmem:s30+$0x50];
	v55 =	vsel vm2, $0x4CBEBC20, v4  }
0x2b2: {  	v12 =	vld [tilespmem:s28+$0x20];
	vm1 =	vgt.f32 v29, v2;
	v0 =	vmul.f32 v55, v0;
	[tilespmem:$0x1F3B0] =	vst v1;
	v1 =	vmul.f32 v7, v7  }
0x2b3: {  	s21 =	sadd.s32 $0x3580, s20;
	v2 =	vsel vm1, v29, v2;
	v29 =	vld [tilespmem:s30+$0x70]  }
0x2b4: {  	s31 =	sadd.s32 s31, s21;
	v0 =	vmul.f32 v0, v47;
	v47 =	vld [tilespmem:s30+$0x30];
	[tilespmem:$0x1F3C0] =	vst v1;
	v1 =	vadd.s32 $0x8000, v26  }
0x2b5: {  	s29 =	sadd.s32 $0xFFFFFFFF, s9;
	v15 =	vld [tilespmem:s31+$0x50];
	[tilespmem:$0x1F5B0] =	vst v1;
	v1 =	vmul.f32 v21, v21  }
0x2b6: {  	v56 =	vld [tilespmem:s28+$0x0];
	v58 =	vmul.f32 v30, v30;
	v32 =	vsel vm1, s29, v5  }
0x2b7: {  	v51 =	vld [tilespmem:s30+$0x60];
	vm1 =	vgt.f32 v0, v2;
	[tilespmem:$0x1F3D0] =	vst v1;
	v1 =	vmul.f32 v22, v22;
	v22 =	vmul.f32 v12, v12  }
0x2b8: {  	v48 =	vld [tilespmem:s22+$0x30];
	v0 =	vsel vm1, v0, v2  }
0x2b9: {  	v34 =	vld [tilespmem:s22+$0x10];
	[tilespmem:$0x1F400] =	vst v0;
	v0 =	vmul.f32 v47, v47;
	v39 =	vadd.f32 v58, v22;
	v58 =	vmul.f32 v29, v29  }
0x2ba: {  	v59 =	vld [tilespmem:s28+$0x10]  }
0x2bb: {  	v35 =	vld [tilespmem:s22+$0x20];
	v44 =	vadd.f32 v58, v0;
	v0 =	vsel vm1, s9, v32  }
0x2bc: {  	v8 =	vld [tilespmem:s28+$0x50];
	[tilespmem:$0x1F440] =	vst v0;
	v0 =	vmul.f32 v27, v27  }
0x2bd: {  	v14 =	vld [tilespmem:s31+$0x40]  }
0x2be: {  	v21 =	vld [tilespmem:s30+$0x10];
	[tilespmem:$0x1F450] =	vst v0;
	v0 =	vmul.f32 v34, v34  }
0x2bf: {  	v10 =	vld [tilespmem:s30+$0x40];
	v61 =	vadd.s32 $0x8000, v7;
	v37 =	vmul.f32 v28, v28;
	v7 =	vmul.f32 v56, v56  }
0x2c0: {  	v5 =	vld [tilespmem:s30+$0x0];
	[tilespmem:$0x1F460] =	vst v0;
	v0 =	vmul.f32 v35, v35  }
0x2c1: {  	v33 =	vld [tilespmem:s22+$0x0];
	v38 =	vmul.f32 v8, v8;
	v20 =	vmul.f32 v59, v59;
	v37 =	vadd.f32 v37, v7;
	[tilespmem:$0x1F3E0] =	vst v1  }
0x2c2: {  	v9 =	vld [tilespmem:s30+$0x20];
	v7 =	vmul.f32 v49, v49;
	v1 =	vadd.s32 $0x8000, v27;
	[tilespmem:$0x1F470] =	vst v0;
	v0 =	vmul.f32 v48, v48  }
0x2c3: {  	v38 =	vadd.f32 v38, v20;
	v20 =	vld [tilespmem:s31+$0x60];
	[tilespmem:$0x1F600] =	vst v1;
	v1 =	vmul.f32 v23, v23;
	v11 =	vmul.f32 v21, v21  }
0x2c4: {  	s19 =	sadd.s32 s19, s21;
	[tilespmem:$0x1F480] =	vst v0;
	v0 =	vmul.f32 v14, v14  }
0x2c5: {  	v16 =	vmul.f32 v5, v5;
	v2 =	vmul.f32 v10, v10;
	[tilespmem:$0x1F3F0] =	vst v1;
	v42 =	vadd.f32 v7, v11;
	v7 =	vld [tilespmem:s19+$0x40]  }
0x2c6: {  	v57 =	vadd.s32 $0x8000, v40;
	v1 =	vadd.s32 $0x8000, v33;
	[tilespmem:$0x1F490] =	vst v0;
	v0 =	vmul.f32 v15, v15  }
0x2c7: {  	v13 =	vmul.f32 v9, v9;
	v40 =	vadd.f32 v2, v16;
	v2 =	vld [tilespmem:s31+$0x70];
	v22 =	vmul.f32 v51, v51;
	[tilespmem:$0x1F5D0] =	vst v1  }
0x2c8: {  	v1 =	vadd.s32 $0x8000, v34;
	[tilespmem:$0x1F4A0] =	vst v0;
	v0 =	vmul.f32 v20, v20  }
0x2c9: {  	v43 =	vadd.f32 v22, v13;
	v22 =	vld [tilespmem:s19+$0x50];
	[tilespmem:$0x1F5E0] =	vst v1  }
0x2ca: {  	v1 =	vadd.s32 $0x8000, v35;
	[tilespmem:$0x1F4B0] =	vst v0;
	v0 =	vmul.f32 v7, v7  }
0x2cb: {  	v23 =	vmul.f32 v24, v24;
	v24 =	vld [tilespmem:s19+$0x60];
	[tilespmem:$0x1F620] =	vst v1;
	v1 =	vmul.f32 v25, v25  }
0x2cc: {  	[tilespmem:$0x1F4C0] =	vst v0;
	v0 =	vmul.f32 v2, v2  }
0x2cd: {  	v31 =	vld [tilespmem:s28+$0x70];
	[tilespmem:$0x1F410] =	vst v1  }
0x2ce: {  	v1 =	vmul.f32 v26, v26;
	v26 =	vld [tilespmem:s19+$0x70];
	[tilespmem:$0x1F4D0] =	vst v0;
	v0 =	vmul.f32 v22, v22  }
0x2cf: {  	v50 =	vld [tilespmem:s28+$0x30]  }
0x2d0: {  	[tilespmem:$0x1F4E0] =	vst v0;
	v0 =	vmul.f32 v24, v24;
	_ =	sdelay $0x1  }
0x2d1: {  	v11 =	vld [tilespmem:s31+$0x10];
	[tilespmem:$0x1F4F0] =	vst v0;
	v0 =	vadd.s32 $0x8000, v31  }
0x2d2: {  	v54 =	vadd.s32 $0x8000, v30;
	v30 =	vld [tilespmem:s31+$0x30];
	[tilespmem:$0x1F6F0] =	vst v0;
	v0 =	vmul.f32 v26, v26  }
0x2d3: {  	v17 =	vmul.f32 v31, v31;
	v41 =	vmul.f32 v50, v50;
	v31 =	vld [tilespmem:s19+$0x10]  }
0x2d4: {  	[tilespmem:$0x1F500] =	vst v0;
	v0 =	vld [tilespmem:s19+$0x20]  }
0x2d5: {  	v41 =	vadd.f32 v17, v41;
	v19 =	vadd.s32 $0x8000, v14;
	v4 =	vadd.s32 $0x8000, v22  }
0x2d6: {  	[tilespmem:$0x1F420] =	vst v1;
	v1 =	vmul.f32 v33, v33;
	v33 =	vadd.s32 $0x8000, v15;
	v14 =	vadd.s32 $0x8000, v11  }
0x2d7: {  	v15 =	vadd.s32 $0x8000, v2;
	v2 =	vmul.f32 v30, v30;
	v22 =	vmul.f32 v11, v11  }
0x2d8: {  	v11 =	vadd.s32 $0x8000, v30;
	v17 =	vadd.s32 $0x8000, v31;
	v30 =	vmul.f32 v31, v31  }
0x2d9: {  	v52 =	vld [tilespmem:s19+$0x0];
	[tilespmem:$0x1F510] =	vst v2;
	v2 =	vadd.s32 $0x8000, v0;
	v31 =	vmul.f32 v0, v0;
	v0 =	vadd.s32 $0x8000, v50  }
0x2da: {  	[tilespmem:$0x1F710] =	vst v0;
	v0 =	vld [tilespmem:$0x1F520];
	_ =	sdelay $0x4  }
0x2db: {  	v13 =	vadd.s32 $0x8000, v52;
	v25 =	vmul.f32 v52, v52;
	v52 =	vand.u32 $0xFFFF0000, v0;
	v0 =	vld [tilespmem:$0x1F530];
	_ =	sdelay $0x4  }
0x2dc: {  	v32 =	vadd.s32 $0x8000, v51;
	v51 =	vand.u32 $0xFFFF0000, v0;
	v0 =	vld [tilespmem:$0x1F540];
	_ =	sdelay $0x4  }
0x2dd: {  	v0 =	vand.u32 $0xFFFF0000, v0  }
0x2de: {  	[tilespmem:$0x1F730] =	vst v0;
	v0 =	vld [tilespmem:$0x1F550];
	_ =	sdelay $0x3  }
0x2df: {  	v53 =	vld [tilespmem:s19+$0x30]  }
0x2e0: {  	v0 =	vand.u32 $0xFFFF0000, v0  }
0x2e1: {  	[tilespmem:$0x1F750] =	vst v0;
	v0 =	vld [tilespmem:$0x1F560];
	_ =	sdelay $0x2  }
0x2e2: {  	v6 =	vadd.s32 $0x8000, v53  }
0x2e3: {  	v18 =	vadd.s32 $0x8000, v7;
	v7 =	vadd.s32 $0x8000, v26;
	v26 =	vadd.s32 $0x8000, v29  }
0x2e4: {  	v29 =	vmul.f32 v53, v53;
	v53 =	vand.u32 $0xFFFF0000, v61;
	v61 =	vand.u32 $0xFFFF0000, v0;
	v0 =	vld [tilespmem:$0x1F570];
	_ =	sdelay $0x4  }
0x2e5: {  	v0 =	vand.u32 $0xFFFF0000, v0  }
0x2e6: {  	[tilespmem:$0x1F580] =	vst v0;
	v0 =	vld [tilespmem:$0x1F590];
	_ =	sdelay $0x4  }
0x2e7: {  	v27 =	vld [tilespmem:s31+$0x0];
	v0 =	vand.u32 $0xFFFF0000, v0  }
0x2e8: {  	[tilespmem:$0x1F760] =	vst v0;
	v0 =	vld [tilespmem:$0x1F5A0];
	_ =	sdelay $0x3  }
0x2e9: {  	v16 =	vadd.s32 $0x8000, v20  }
0x2ea: {  	v3 =	vadd.s32 $0x8000, v27;
	v20 =	vmul.f32 v27, v27;
	v27 =	vand.u32 $0xFFFF0000, v0;
	v0 =	vld [tilespmem:$0x1F5B0];
	_ =	sdelay $0x4  }
0x2eb: {  	v0 =	vand.u32 $0xFFFF0000, v0  }
0x2ec: {  	[tilespmem:$0x1F5C0] =	vst v0;
	v0 =	vld [tilespmem:$0x1F5D0];
	_ =	sdelay $0x4  }
0x2ed: {  	v34 =	vand.u32 $0xFFFF0000, v0;
	v0 =	vld [tilespmem:$0x1F5E0];
	_ =	sdelay $0x4  }
0x2ee: {  	v0 =	vand.u32 $0xFFFF0000, v0  }
0x2ef: {  	[tilespmem:$0x1F5F0] =	vst v0;
	v0 =	vld [tilespmem:$0x1F600];
	_ =	sdelay $0x4  }
0x2f0: {  	v0 =	vand.u32 $0xFFFF0000, v0  }
0x2f1: {  	[tilespmem:$0x1F610] =	vst v0;
	v0 =	vld [tilespmem:$0x1F620];
	_ =	sdelay $0x4  }
0x2f2: {  	v46 =	vadd.s32 $0x8000, v48;
	[tilespmem:$0x1F430] =	vst v1;
	v0 =	vand.u32 $0xFFFF0000, v0  }
0x2f3: {  	[tilespmem:$0x1F630] =	vst v0;
	v0 =	vand.u32 $0xFFFF0000, v46  }
0x2f4: {  	v35 =	vld [tilespmem:s31+$0x20];
	[tilespmem:$0x1F640] =	vst v0;
	v0 =	vand.u32 $0xFFFF0000, v16  }
0x2f5: {  	v1 =	vadd.s32 $0x8000, v24;
	[tilespmem:$0x1F650] =	vst v0;
	v0 =	vand.u32 $0xFFFF0000, v15  }
0x2f6: {  	[tilespmem:$0x1F660] =	vst v0;
	v0 =	vand.u32 $0xFFFF0000, v1  }
0x2f7: {  	[tilespmem:$0x1F670] =	vst v0;
	v0 =	vand.u32 $0xFFFF0000, v7  }
0x2f8: {  	[tilespmem:$0x1F680] =	vst v0;
	v0 =	vand.u32 $0xFFFF0000, v14  }
0x2f9: {  	v48 =	vadd.s32 $0x8000, v8;
	v8 =	vadd.s32 $0x8000, v35;
	[tilespmem:$0x1F690] =	vst v0;
	v0 =	vand.u32 $0xFFFF0000, v13  }
0x2fa: {  	[tilespmem:$0x1F6A0] =	vst v0;
	v0 =	vand.u32 $0xFFFF0000, v8  }
0x2fb: {  	[tilespmem:$0x1F6B0] =	vst v0;
	v0 =	vand.u32 $0xFFFF0000, v17  }
0x2fc: {  	[tilespmem:$0x1F6C0] =	vst v0;
	v0 =	vand.u32 $0xFFFF0000, v2  }
0x2fd: {  	[tilespmem:$0x1F6D0] =	vst v0;
	v0 =	vand.u32 $0xFFFF0000, v6  }
0x2fe: {  	[tilespmem:$0x1F6E0] =	vst v0;
	v0 =	vld [tilespmem:$0x1F6F0];
	_ =	sdelay $0x2  }
0x2ff: {  	v45 =	vadd.s32 $0x8000, v10;
	v10 =	vadd.s32 $0x8000, v56;
	v56 =	vadd.s32 $0x8000, v59  }
0x300: {  	v59 =	vadd.s32 $0x8000, v12;
	v12 =	vadd.s32 $0x8000, v9;
	v9 =	vadd.s32 $0x8000, v47  }
0x301: {  	v47 =	vand.u32 $0xFFFF0000, v45;
	v45 =	vand.u32 $0xFFFF0000, v0;
	v0 =	vmul.f32 v51, v63;
	_ =	sdelay $0x1  }
0x302: {  	[tilespmem:$0x1F700] =	vst v0;
	v0 =	vld [tilespmem:$0x1F710];
	_ =	sdelay $0x4  }
0x303: {  	v14 =	vand.u32 $0xFFFF0000, v0;
	v0 =	vld [tilespmem:$0x1FF00];
	_ =	sdelay $0x3  }
0x304: {  	v57 =	vand.u32 $0xFFFF0000, v57  }
0x305: {  	v1 =	vmul.f32 v57, v0;
	_ =	sdelay $0x1  }
0x306: {  	[tilespmem:$0x1F720] =	vst v1;
	v1 =	vld [tilespmem:$0x1F730];
	_ =	sdelay $0x4  }
0x307: {  	v1 =	vmul.f32 v1, v62;
	_ =	sdelay $0x1  }
0x308: {  	[tilespmem:$0x1F740] =	vst v1;
	v1 =	vld [tilespmem:$0x1F750];
	_ =	sdelay $0x2  }
0x309: {  	v2 =	vld [tilespmem:$0x1FF70]  }
0x30a: {  	v13 =	vand.u32 $0xFFFF0000, v59;
	v59 =	vmul.f32 v52, v62;
	v62 =	vmul.f32 v61, v0;
	v0 =	vld [tilespmem:$0x1FF20]  }
0x30b: {  	v63 =	vmul.f32 v1, v63;
	v1 =	vld [tilespmem:$0x1F760];
	_ =	sdelay $0x1  }
0x30c: {  	v36 =	vadd.s32 $0x8000, v49;
	v55 =	vadd.s32 $0x8000, v28  }
0x30d: {  	v36 =	vand.u32 $0xFFFF0000, v36;
	v10 =	vand.u32 $0xFFFF0000, v10;
	v49 =	vand.u32 $0xFFFF0000, v55  }
0x30e: {  	v28 =	vand.u32 $0xFFFF0000, v11;
	v11 =	vand.u32 $0xFFFF0000, v56;
	v56 =	vmul.f32 v13, v2;
	v2 =	vld [tilespmem:$0x1FF80]  }
0x30f: {  	v21 =	vadd.s32 $0x8000, v21;
	v58 =	vadd.s32 $0x8000, v5;
	v61 =	vmul.f32 v1, v0;
	v1 =	vld [tilespmem:$0x1FF50]  }
0x310: {  	v32 =	vand.u32 $0xFFFF0000, v32;
	v4 =	vand.u32 $0xFFFF0000, v4;
	v3 =	vand.u32 $0xFFFF0000, v3;
	v0 =	vld [tilespmem:$0x1FF60]  }
0x311: {  	v48 =	vand.u32 $0xFFFF0000, v48;
	v5 =	vand.u32 $0xFFFF0000, v33;
	v33 =	vand.u32 $0xFFFF0000, v18  }
0x312: {  	v24 =	vmul.f32 v35, v35;
	v35 =	vand.u32 $0xFFFF0000, v19;
	v60 =	vmul.f32 v53, v60  }
0x313: {  	v50 =	vand.u32 $0xFFFF0000, v9;
	v46 =	vand.u32 $0xFFFF0000, v54;
	v16 =	vand.u32 $0xFFFF0000, v21  }
0x314: {  	v15 =	vand.u32 $0xFFFF0000, v58;
	v6 =	vand.u32 $0xFFFF0000, v26;
	v17 =	vmul.f32 v10, v1  }
0x315: {  	v51 =	vand.u32 $0xFFFF0000, v12;
	v55 =	vmul.f32 v14, v2;
	v54 =	vmul.f32 v11, v0  }
0x316: {  	s17 =	smov.u32 s9;
	s19 =	simm.s32 $0x2;
	v57 =	vmul.f32 v15, v1;
	v52 =	vmul.f32 v16, v0;
	v53 =	vadd.f32 $0.0e+00, v17  }
.LBB2_4:
0x317: {  	v0 =	vld [tilespmem:$0x1FF70];
	_ =	sdelay $0x4  }
0x318: {  	v51 =	vmul.f32 v51, v0;
	v0 =	vld [tilespmem:$0x1FF80];
	_ =	sdelay $0x3  }
0x319: {  	v9 =	vld [tilespmem:$0x1F920]  }
0x31a: {  	v50 =	vmul.f32 v50, v0;
	v0 =	vld [tilespmem:$0x1F910];
	_ =	sdelay $0x3  }
0x31b: {  	v31 =	vadd.f32 v31, v43;
	v43 =	vld [tilespmem:$0x1FAE0];
	v16 =	vmul.f32 v48, v9  }
0x31c: {  	v49 =	vmul.f32 v49, v0;
	v48 =	vmul.f32 v47, v0;
	v0 =	vld [tilespmem:$0x1F5C0];
	_ =	sdelay $0x3  }
0x31d: {  	v30 =	vadd.f32 v30, v42;
	v42 =	vld [tilespmem:$0x1FAF0]  }
0x31e: {  	v14 =	vmul.f32 v0, v43;
	v0 =	vld [tilespmem:$0x1F610];
	_ =	sdelay $0x4  }
0x31f: {  	v13 =	vmul.f32 v0, v42;
	v0 =	vld [tilespmem:$0x1FF20];
	_ =	sdelay $0x4  }
0x320: {  	v34 =	vmul.f32 v34, v0;
	v0 =	vld [tilespmem:$0x1F490]  }
0x321: {  	v58 =	vld [tilespmem:$0x1FAD0]  }
0x322: {  	v1 =	vld [tilespmem:$0x1F930]  }
0x323: {  	v2 =	vld [tilespmem:$0x1F510];
	v20 =	vadd.f32 v20, v37  }
0x324: {  	v11 =	vld [tilespmem:$0x1F940]  }
0x325: {  	v20 =	vadd.f32 v0, v20;
	v0 =	vld [tilespmem:$0x1F4A0]  }
0x326: {  	v15 =	vld [tilespmem:$0x1FA80]  }
0x327: {  	v12 =	vld [tilespmem:$0x1FAA0]  }
0x328: {  	v7 =	vld [tilespmem:$0x1F4F0];
	v22 =	vadd.f32 v22, v38  }
0x329: {  	v10 =	vld [tilespmem:$0x1F500]  }
0x32a: {  	v22 =	vadd.f32 v0, v22;
	v0 =	vld [tilespmem:$0x1F4B0]  }
0x32b: {  	v29 =	vadd.f32 v29, v44;
	v44 =	vld [tilespmem:$0x1FAB0]  }
0x32c: {  	v21 =	vmul.f32 v27, v58;
	v27 =	vadd.f32 v2, v41;
	v2 =	vld [tilespmem:$0x1F4E0]  }
0x32d: {  	v24 =	vadd.f32 v24, v39;
	v17 =	vmul.f32 v46, v1;
	v46 =	vmul.f32 v45, v11;
	v45 =	vld [tilespmem:$0x1FAC0]  }
0x32e: {  	v5 =	vmul.f32 v5, v12;
	v4 =	vmul.f32 v4, v12;
	v12 =	vld [tilespmem:$0x1FA50]  }
0x32f: {  	v24 =	vadd.f32 v0, v24;
	v0 =	vld [tilespmem:$0x1F4D0]  }
0x330: {  	v55 =	vadd.f32 $0.0e+00, v55;
	v7 =	vadd.f32 v7, v31;
	v31 =	vld [tilespmem:$0x1FA60]  }
0x331: {  	v54 =	vadd.f32 $0.0e+00, v54;
	v10 =	vadd.f32 v10, v29;
	v29 =	vmul.f32 v32, v1;
	v1 =	vld [tilespmem:$0x1F6A0]  }
0x332: {  	v39 =	vadd.f32 v46, v55;
	v46 =	vld [tilespmem:$0x1F460]  }
0x333: {  	v37 =	vadd.f32 v16, v54;
	v54 =	vld [tilespmem:$0x1F660]  }
0x334: {  	v56 =	vadd.f32 $0.0e+00, v56;
	v8 =	vadd.f32 v0, v27;
	v0 =	vld [tilespmem:$0x1F4C0]  }
0x335: {  	v55 =	vld [tilespmem:$0x1F410];
	v2 =	vadd.f32 v2, v30  }
0x336: {  	v38 =	vadd.f32 v17, v56;
	v56 =	vld [tilespmem:$0x1F420]  }
0x337: {  	v26 =	vadd.f32 v25, v40;
	v2 =	vadd.f32 v46, v2;
	v46 =	vld [tilespmem:$0x1F3F0]  }
0x338: {  	v47 =	vld [tilespmem:$0x1F470]  }
0x339: {  	v57 =	vadd.f32 $0.0e+00, v57;
	v0 =	vadd.f32 v0, v26;
	v26 =	vmul.f32 v33, v15;
	v33 =	vld [tilespmem:$0x1F430]  }
0x33a: {  	v35 =	vmul.f32 v35, v15;
	v15 =	vld [tilespmem:$0x1F960]  }
0x33b: {  	v40 =	vadd.f32 v48, v57;
	v48 =	vld [tilespmem:$0x1F480]  }
0x33c: {  	v22 =	vadd.f32 v55, v22;
	v55 =	vld [tilespmem:$0x1F3B0]  }
0x33d: {  	v24 =	vadd.f32 v56, v24;
	v56 =	vld [tilespmem:$0x1F3D0]  }
0x33e: {  	v0 =	vadd.f32 v33, v0;
	v33 =	vld [tilespmem:$0x1F3E0]  }
0x33f: {  	v52 =	vadd.f32 $0.0e+00, v52;
	v19 =	vmul.f32 v1, v15;
	v1 =	vld [tilespmem:$0x1F6C0]  }
0x340: {  	v6 =	vmul.f32 v6, v11;
	v51 =	vadd.f32 $0.0e+00, v51;
	v50 =	vadd.f32 $0.0e+00, v50;
	v57 =	vld [tilespmem:$0x1F450]  }
0x341: {  	v7 =	vadd.f32 v47, v7;
	v47 =	vld [tilespmem:$0x1F3A0];
	v10 =	vadd.f32 v48, v10  }
0x342: {  	v6 =	vadd.f32 v6, v50;
	v41 =	vadd.f32 v49, v53;
	v48 =	vld [tilespmem:$0x1F3C0]  }
0x343: {  	v30 =	vld [tilespmem:$0x1FA90];
	v10 =	vadd.f32 v46, v10;
	v2 =	vadd.f32 v56, v2  }
0x344: {  	v0 =	vadd.f32 v55, v0;
	v7 =	vadd.f32 v33, v7;
	v50 =	vmul.f32 v1, v12;
	v1 =	vld [tilespmem:$0x1F6D0]  }
0x345: {  	v17 =	vmul.f32 v54, v45;
	v54 =	vld [tilespmem:$0x1F390];
	v20 =	vadd.f32 v23, v20;
	v8 =	vadd.f32 v57, v8  }
0x346: {  	v49 =	vld [tilespmem:$0x1F690];
	v0 =	vadd.f32 v2, v0;
	v2 =	vadd.f32 v10, v7  }
0x347: {  	v53 =	vld [tilespmem:$0x1F380];
	v24 =	vadd.f32 v47, v24;
	v8 =	vadd.f32 v48, v8  }
0x348: {  	v23 =	vmul.f32 v28, v30;
	v28 =	vmul.f32 v36, v9;
	v57 =	vld [tilespmem:$0x1F6B0];
	v0 =	vadd.f32 v2, v0  }
0x349: {  	v2 =	vadd.f32 v8, v24;
	v8 =	vadd.f32 v29, v51;
	v51 =	vmul.f32 v1, v31;
	v1 =	vld [tilespmem:$0x1F6E0]  }
0x34a: {  	v16 =	vld [tilespmem:$0x1F650]  }
0x34b: {  	v7 =	vadd.f32 v28, v52;
	v28 =	vld [tilespmem:$0x1FFB0]  }
0x34c: {  	v20 =	vadd.f32 v53, v20;
	v22 =	vadd.f32 v54, v22  }
0x34d: {  	v25 =	vmul.f32 v57, v31  }
0x34e: {  	v27 =	vmul.f32 v49, v12;
	v49 =	vadd.f32 v22, v20;
	v53 =	vmul.f32 v1, v30;
	v1 =	vld [tilespmem:$0x1F670]  }
0x34f: {  	v18 =	vmul.f32 v16, v44;
	v22 =	vadd.f32 v25, v38;
	v33 =	vld [tilespmem:$0x1FFD0]  }
0x350: {  	v2 =	vadd.f32 v2, v49;
	v20 =	vperm.xlane v0, v28  }
0x351: {  	v3 =	vmul.f32 v3, v15;
	v57 =	vadd.f32 v18, v22  }
0x352: {  	v0 =	vadd.f32 v20, v0;
	v20 =	vadd.f32 v23, v39;
	v23 =	vperm.xlane v2, v28;
	v39 =	vld [tilespmem:$0x1FFF0]  }
0x353: {  	v3 =	vadd.f32 v3, v41;
	v19 =	vadd.f32 v19, v40;
	v55 =	vmul.f32 v1, v44;
	v1 =	vld [tilespmem:$0x1F680]  }
0x354: {  	v7 =	vadd.f32 v50, v7;
	v54 =	vperm.xlane v0, v33;
	v2 =	vadd.f32 v23, v2  }
0x355: {  	v47 =	vadd.f32 v14, v57;
	v8 =	vadd.f32 v51, v8  }
0x356: {  	v40 =	vld [tilespmem:$0x1FF90];
	v4 =	vadd.f32 v4, v7;
	v0 =	vadd.f32 v54, v0;
	v56 =	vperm.xlane v2, v33  }
0x357: {  	v6 =	vadd.f32 v53, v6;
	v7 =	vadd.f32 v55, v8;
	v8 =	vld [tilespmem:$0x1F5F0]  }
0x358: {  	v44 =	vperm.xlane v0, v39;
	v2 =	vadd.f32 v56, v2;
	v1 =	vmul.f32 v1, v45;
	v45 =	vld [tilespmem:$0x1F630]  }
0x359: {  	v3 =	vadd.f32 v35, v3;
	v35 =	vadd.f32 v26, v19  }
0x35a: {  	v0 =	vadd.f32 v44, v0;
	v1 =	vadd.f32 v1, v6;
	v6 =	vperm.xlane v2, v39  }
0x35b: {  	v48 =	vld [tilespmem:$0x1F640];
	v3 =	vadd.f32 v61, v3;
	v52 =	vadd.f32 v27, v37  }
0x35c: {  	v46 =	vperm.xlane v0, v40;
	v8 =	vmul.f32 v8, v58;
	v2 =	vadd.f32 v6, v2  }
0x35d: {  	v3 =	vadd.f32 v59, v3;
	v5 =	vadd.f32 v5, v52;
	v52 =	vld [tilespmem:$0x1F740];
	v9 =	vmul.f32 v45, v43  }
0x35e: {  	s20 =	sshrl.u32 s19, $0x2;
	v27 =	vadd.f32 v46, v0;
	v4 =	vadd.f32 v8, v4;
	v8 =	vld [tilespmem:$0x1FE80];
	v0 =	vperm.xlane v2, v40  }
0x35f: {  	s21 =	smul.u32 $0x3000, s20;
	v32 =	vadd.f32 v17, v20;
	v9 =	vadd.f32 v9, v7;
	v7 =	vld [tilespmem:$0x1F580]  }
0x360: {  	s18 =	sadd.s32 $0x100, s18;
	v12 =	vmul.f32 v48, v42;
	v5 =	vadd.f32 v21, v5;
	v29 =	vadd.f32 v0, v2;
	v2 =	vld [tilespmem:$0x1F700]  }
0x361: {  	s26 =	sand.u32 $0x300, s18;
	s22 =	sshra.s32 s21, $0x2;
	v13 =	vadd.f32 v13, v32;
	v6 =	vadd.f32 v34, v35  }
0x362: {  	s28 =	sor.u32 $0x80, s26;
	s23 =	sadd.s32 $0x3980, s22;
	v53 =	vld [tilespmem:$0x1F720];
	v50 =	vmul.f32 $5.000000000e-01, v27;
	v1 =	vadd.f32 v12, v1;
	v0 =	vshra.s32 v27, $0x1  }
0x363: {  	s24 =	sadd.s32 s28, s23;
	v6 =	vadd.f32 v52, v6;
	v4 =	vadd.f32 v63, v4;
	v51 =	vsub.s32 $0x5F3759DF, v0  }
0x364: {  	v0 =	vld [tilespmem:s24+$0x40];
	v18 =	vmul.f32 $5.000000000e-01, v29;
	v49 =	vmul.f32 v7, v8;
	v8 =	vshra.s32 v29, $0x1  }
0x365: {  	v7 =	vld [tilespmem:s24+$0x50];
	v5 =	vadd.f32 v2, v5;
	v2 =	vmul.f32 v51, v50;
	v54 =	vsub.s32 $0x5F3759DF, v8  }
0x366: {  	v9 =	vadd.f32 v62, v9;
	v8 =	vld [tilespmem:s24+$0x60];
	v56 =	vmul.f32 v54, v18;
	v19 =	vadd.f32 v49, v1  }
0x367: {  	s23 =	sadd.s32 s26, s23;
	v13 =	vadd.f32 v60, v13;
	v11 =	vadd.f32 v53, v47;
	v55 =	vmul.f32 v51, v2;
	v2 =	vld [tilespmem:s24+$0x70]  }
0x368: {  	v10 =	vld [tilespmem:s23+$0x40];
	v4 =	vadd.f32 v4, v6;
	v17 =	vmul.f32 v54, v56;
	v6 =	vadd.f32 v19, v9  }
0x369: {  	v20 =	vld [tilespmem:s23+$0x50];
	v1 =	vadd.s32 $0x8000, v0;
	v5 =	vadd.f32 v5, v3;
	v15 =	vsub.f32 $1.500000000e+00, v55  }
0x36a: {  	v21 =	vld [tilespmem:s23+$0x60];
	[tilespmem:$0x1F120] =	vst v1;
	v1 =	vadd.s32 $0x8000, v7;
	v57 =	vsub.f32 $1.500000000e+00, v17;
	v6 =	vadd.f32 v6, v4  }
0x36b: {  	v22 =	vld [tilespmem:s23+$0x70];
	[tilespmem:$0x1F130] =	vst v1;
	v4 =	vadd.f32 v13, v11;
	v1 =	vadd.s32 $0x8000, v8;
	v15 =	vmul.f32 v51, v15  }
0x36c: {  	v24 =	vld [tilespmem:s24+$0x0];
	[tilespmem:$0x1F150] =	vst v1;
	v17 =	vmul.f32 v54, v57;
	v1 =	vadd.s32 $0x8000, v2;
	v59 =	vperm.xlane v6, v28  }
0x36d: {  	v26 =	vld [tilespmem:s24+$0x10];
	v19 =	vadd.f32 v4, v5;
	v58 =	vmul.f32 v15, v50;
	[tilespmem:$0x1F160] =	vst v1;
	v1 =	vadd.s32 $0x8000, v10  }
0x36e: {  	v31 =	vld [tilespmem:s24+$0x20];
	[tilespmem:$0x1F140] =	vst v1;
	v23 =	vmul.f32 v17, v18;
	v1 =	vadd.s32 $0x8000, v20;
	v25 =	vadd.f32 v6, v59  }
0x36f: {  	v30 =	vld [tilespmem:s24+$0x30];
	v60 =	vperm.xlane v19, v28;
	v13 =	vmul.f32 v58, v15;
	[tilespmem:$0x1F170] =	vst v1;
	v1 =	vadd.s32 $0x8000, v21  }
0x370: {  	[tilespmem:$0x1F180] =	vst v1;
	v23 =	vmul.f32 v23, v17;
	v1 =	vadd.s32 $0x8000, v22;
	v61 =	vperm.xlane v25, v33  }
0x371: {  	v35 =	vld [tilespmem:s23+$0x0];
	v19 =	vadd.f32 v19, v60;
	v28 =	vsub.f32 $1.500000000e+00, v13;
	[tilespmem:$0x1F190] =	vst v1;
	v1 =	vadd.s32 $0x8000, v24  }
0x372: {  	[tilespmem:$0x1F1A0] =	vst v1;
	v23 =	vsub.f32 $1.500000000e+00, v23;
	v1 =	vadd.s32 $0x8000, v26;
	v25 =	vadd.f32 v25, v61  }
0x373: {  	v34 =	vld [tilespmem:s23+$0x10];
	v62 =	vperm.xlane v19, v33;
	v28 =	vmul.f32 v28, v15;
	[tilespmem:$0x1F1B0] =	vst v1;
	v1 =	vadd.s32 $0x8000, v31  }
0x374: {  	s25 =	sadd.s32 $0x3580, s22;
	v47 =	vld [tilespmem:s23+$0x20];
	[tilespmem:$0x1F1C0] =	vst v1;
	v9 =	vmul.f32 v23, v17;
	v1 =	vadd.s32 $0x8000, v30  }
0x375: {  	s29 =	sadd.s32 s28, s25;
	v45 =	vld [tilespmem:s23+$0x30];
	v23 =	vperm.xlane v25, v39;
	v32 =	vadd.f32 v19, v62;
	v63 =	vmul.f32 v28, v50  }
0x376: {  	v46 =	vld [tilespmem:s29+$0x40];
	[tilespmem:$0x1F1F0] =	vst v1;
	v1 =	vadd.s32 $0x8000, v35;
	v11 =	vmul.f32 v9, v18  }
0x377: {  	v12 =	vadd.f32 v25, v23;
	v25 =	vperm.xlane v32, v39;
	v33 =	vmul.f32 v63, v28  }
0x378: {  	[tilespmem:$0x1F1D0] =	vst v1;
	v1 =	vadd.s32 $0x8000, v34;
	v37 =	vmul.f32 v11, v9  }
0x379: {  	s30 =	sadd.s32 s26, s25;
	[tilespmem:$0x1F1E0] =	vst v1;
	v1 =	vadd.s32 $0x8000, v47;
	v32 =	vadd.f32 v32, v25;
	v33 =	vsub.f32 $1.500000000e+00, v33  }
0x37a: {  	v55 =	vld [tilespmem:s30+$0x70];
	[tilespmem:$0x1F200] =	vst v1;
	v1 =	vadd.s32 $0x8000, v45;
	v13 =	vperm.xlane v12, v40;
	v37 =	vsub.f32 $1.500000000e+00, v37  }
0x37b: {  	[tilespmem:$0x1F210] =	vst v1;
	v1 =	vadd.s32 $0x8000, v46;
	v15 =	vperm.xlane v32, v40;
	v33 =	vmul.f32 v33, v28  }
0x37c: {  	vm1 =	vlt.f32 v27, $1.000000020e-16;
	[tilespmem:$0x1F220] =	vst v1;
	v38 =	vadd.f32 v12, v13;
	v1 =	vld [tilespmem:$0x1FB10];
	v36 =	vmul.f32 v37, v9  }
0x37d: {  	v16 =	vadd.f32 v32, v15;
	v33 =	vsel vm1, $0x4CBEBC20, v33;
	vm1 =	vlt.f32 v29, $1.000000020e-16  }
0x37e: {  	v29 =	vsel vm1, $0x4CBEBC20, v36  }
0x37f: {  	v6 =	vadd.s32 $0x8000, v55;
	v38 =	vmul.f32 v33, v38;
	v29 =	vmul.f32 v29, v16  }
0x380: {  	[tilespmem:$0x1F230] =	vst v6;
	v6 =	vld [tilespmem:$0x1F400]  }
0x381: {  	v9 =	vmul.f32 v38, v1;
	v29 =	vmul.f32 v29, v1;
	v1 =	vld [tilespmem:$0x1F440];
	_ =	sdelay $0x2  }
0x382: {  	s17 =	sadd.s32 $0x2, s17  }
0x383: {  	s31 =	sadd.s32 $0xFFFFFFFF, s17;
	vm1 =	vgt.f32 v9, v6  }
0x384: {  	v11 =	vsel vm1, s31, v1;
	v1 =	vmul.f32 v24, v24  }
0x385: {  	v14 =	vld [tilespmem:s30+$0x60]  }
0x386: {  	v48 =	vld [tilespmem:s29+$0x50];
	[tilespmem:$0x1F250] =	vst v1;
	v1 =	vmul.f32 v26, v26  }
0x387: {  	v53 =	vld [tilespmem:s30+$0x50]  }
0x388: {  	v27 =	vld [tilespmem:s29+$0x0];
	[tilespmem:$0x1F410] =	vst v1;
	v1 =	vmul.f32 v31, v31  }
0x389: {  	s22 =	sadd.s32 $0x3180, s22;
	v49 =	vld [tilespmem:s29+$0x60];
	v0 =	vmul.f32 v0, v0  }
0x38a: {  	s20 =	sadd.s32 s26, s22;
	v56 =	vld [tilespmem:s29+$0x10];
	[tilespmem:$0x1F420] =	vst v1;
	v1 =	vmul.f32 v35, v35  }
0x38b: {  	[tilespmem:$0x1F380] =	vst v0;
	v0 =	vmul.f32 v7, v7;
	v7 =	vld [tilespmem:s20+$0x40]  }
0x38c: {  	v51 =	vld [tilespmem:s30+$0x40];
	[tilespmem:$0x1F430] =	vst v1;
	v1 =	vmul.f32 v30, v30  }
0x38d: {  	v59 =	vld [tilespmem:s30+$0x0]  }
0x38e: {  	v60 =	vld [tilespmem:s30+$0x10];
	[tilespmem:$0x1F450] =	vst v1;
	v1 =	vmul.f32 v34, v34  }
0x38f: {  	v58 =	vld [tilespmem:s29+$0x30]  }
0x390: {  	v61 =	vld [tilespmem:s30+$0x20];
	[tilespmem:$0x1F460] =	vst v1;
	v1 =	vmul.f32 v47, v47  }
0x391: {  	[tilespmem:$0x1F390] =	vst v0;
	v0 =	vmul.f32 v8, v8;
	v17 =	vld [tilespmem:s29+$0x20]  }
0x392: {  	v50 =	vld [tilespmem:s29+$0x70];
	[tilespmem:$0x1F470] =	vst v1;
	v1 =	vmul.f32 v45, v45  }
0x393: {  	v3 =	vadd.s32 $0x8000, v49;
	[tilespmem:$0x1F3A0] =	vst v0;
	v52 =	vadd.s32 $0x8000, v60;
	v41 =	vmul.f32 v60, v60;
	v60 =	vld [tilespmem:s20+$0x20]  }
0x394: {  	v3 =	vand.u32 $0xFFFF0000, v3;
	v23 =	vld [tilespmem:$0x1F140];
	v42 =	vsel vm1, v9, v6;
	[tilespmem:$0x1F480] =	vst v1;
	v1 =	vmul.f32 v46, v46  }
0x395: {  	[tilespmem:$0x1F650] =	vst v3;
	v25 =	vld [tilespmem:$0x1F160];
	vm1 =	vgt.f32 v29, v42  }
0x396: {  	s21 =	sadd.s32 s28, s22;
	v12 =	vld [tilespmem:s30+$0x30];
	v0 =	vsel vm1, v29, v42;
	[tilespmem:$0x1F490] =	vst v1;
	v1 =	vmul.f32 v48, v48  }
0x397: {  	v13 =	vld [tilespmem:s21+$0x0];
	[tilespmem:$0x1F400] =	vst v0  }
0x398: {  	v0 =	vsel vm1, s17, v11;
	v46 =	vld [tilespmem:s20+$0x60];
	[tilespmem:$0x1F4A0] =	vst v1;
	v1 =	vmul.f32 v49, v49  }
0x399: {  	v5 =	vadd.s32 $0x8000, v48;
	[tilespmem:$0x1F440] =	vst v0;
	v0 =	vmul.f32 v10, v10;
	v48 =	vld [tilespmem:s20+$0x70]  }
0x39a: {  	v5 =	vand.u32 $0xFFFF0000, v5;
	v4 =	vadd.s32 $0x8000, v51;
	v15 =	vld [tilespmem:s21+$0x20];
	[tilespmem:$0x1F4B0] =	vst v1;
	v1 =	vmul.f32 v51, v51  }
0x39b: {  	v44 =	vadd.s32 $0x8000, v59;
	v43 =	vmul.f32 v59, v59;
	v16 =	vld [tilespmem:s21+$0x30];
	[tilespmem:$0x1F3B0] =	vst v0;
	v0 =	vmul.f32 v2, v2  }
0x39c: {  	v39 =	vadd.s32 $0x8000, v14;
	v40 =	vadd.s32 $0x8000, v27;
	v34 =	vld [tilespmem:s20+$0x50];
	[tilespmem:$0x1F4C0] =	vst v1;
	v1 =	vmul.f32 v50, v50  }
0x39d: {  	[tilespmem:$0x1F3C0] =	vst v0;
	v0 =	vmul.f32 v20, v20;
	v57 =	vadd.s32 $0x8000, v46;
	v19 =	vmul.f32 v46, v46;
	v46 =	vld [tilespmem:$0x1F1C0]  }
0x39e: {  	v59 =	vadd.s32 $0x8000, v48;
	v8 =	vmul.f32 v48, v48;
	v48 =	vld [tilespmem:$0x1F1D0];
	[tilespmem:$0x1F4D0] =	vst v1;
	v1 =	vmul.f32 v53, v53  }
0x39f: {  	v37 =	vadd.s32 $0x8000, v58;
	v33 =	vadd.s32 $0x8000, v50;
	v36 =	vadd.s32 $0x8000, v56;
	v35 =	vld [tilespmem:s21+$0x70];
	[tilespmem:$0x1F3D0] =	vst v0  }
0x3a0: {  	v3 =	vand.u32 $0xFFFF0000, v33;
	v0 =	vmul.f32 v21, v21;
	v21 =	vld [tilespmem:s21+$0x40];
	[tilespmem:$0x1F4E0] =	vst v1;
	v1 =	vmul.f32 v14, v14  }
0x3a1: {  	v32 =	vadd.s32 $0x8000, v61;
	v36 =	vand.u32 $0xFFFF0000, v36;
	[tilespmem:$0x1F660] =	vst v3;
	v18 =	vmul.f32 v34, v34;
	v49 =	vld [tilespmem:$0x1F1E0]  }
0x3a2: {  	[tilespmem:$0x1F4F0] =	vst v1;
	v1 =	vmul.f32 v55, v55;
	v55 =	vadd.s32 $0x8000, v34;
	v34 =	vand.u32 $0xFFFF0000, v46;
	v46 =	vld [tilespmem:$0x1F1F0]  }
0x3a3: {  	v3 =	vand.u32 $0xFFFF0000, v39;
	v54 =	vadd.s32 $0x8000, v15;
	[tilespmem:$0x1F5C0] =	vst v34;
	v34 =	vand.u32 $0xFFFF0000, v48;
	v48 =	vld [tilespmem:$0x1F200]  }
0x3a4: {  	[tilespmem:$0x1F670] =	vst v3;
	v3 =	vld [tilespmem:$0x1F230];
	v6 =	vadd.s32 $0x8000, v12;
	v20 =	vmul.f32 v15, v15;
	v30 =	vmul.f32 v12, v12  }
0x3a5: {  	[tilespmem:$0x1F3E0] =	vst v0;
	v0 =	vmul.f32 v22, v22;
	v15 =	vmul.f32 v35, v35;
	v22 =	vld [tilespmem:$0x1F130];
	v45 =	vadd.s32 $0x8000, v21  }
0x3a6: {  	[tilespmem:$0x1F690] =	vst v36;
	v12 =	vmul.f32 v21, v21;
	v21 =	vld [tilespmem:$0x1F120];
	v50 =	vadd.s32 $0x8000, v35;
	v35 =	vand.u32 $0xFFFF0000, v49  }
0x3a7: {  	v32 =	vand.u32 $0xFFFF0000, v32;
	[tilespmem:$0x1F5F0] =	vst v35;
	v36 =	vand.u32 $0xFFFF0000, v55;
	v55 =	vld [tilespmem:$0x1FEC0];
	v35 =	vand.u32 $0xFFFF0000, v46  }
0x3a8: {  	[tilespmem:$0x1F610] =	vst v35;
	v35 =	vand.u32 $0xFFFF0000, v48;
	v48 =	vand.u32 $0xFFFF0000, v44;
	v44 =	vand.u32 $0xFFFF0000, v54;
	v54 =	vld [tilespmem:$0x1FE40]  }
0x3a9: {  	v63 =	vmul.f32 v13, v13;
	v33 =	vand.u32 $0xFFFF0000, v4;
	v24 =	vand.u32 $0xFFFF0000, v23;
	v23 =	vld [tilespmem:$0x1F150]  }
0x3aa: {  	v38 =	vadd.s32 $0x8000, v53;
	v3 =	vand.u32 $0xFFFF0000, v3;
	v26 =	vand.u32 $0xFFFF0000, v25;
	v25 =	vld [tilespmem:$0x1F170]  }
0x3ab: {  	v4 =	vand.u32 $0xFFFF0000, v38;
	v6 =	vand.u32 $0xFFFF0000, v6;
	v42 =	vadd.s32 $0x8000, v17;
	[tilespmem:$0x1F680] =	vst v3;
	v2 =	vld [tilespmem:s21+$0x60]  }
0x3ac: {  	v3 =	vand.u32 $0xFFFF0000, v40;
	[tilespmem:$0x1F3F0] =	vst v0;
	v0 =	vld [tilespmem:s21+$0x50];
	v22 =	vand.u32 $0xFFFF0000, v22;
	v21 =	vand.u32 $0xFFFF0000, v21  }
0x3ad: {  	[tilespmem:$0x1F6E0] =	vst v6;
	v6 =	vand.u32 $0xFFFF0000, v59;
	v59 =	vmul.f32 v21, v54;
	v21 =	vmul.f32 v22, v55;
	v22 =	vld [tilespmem:$0x1FF00]  }
0x3ae: {  	v40 =	vand.u32 $0xFFFF0000, v52;
	v11 =	vmul.f32 v16, v16;
	[tilespmem:$0x1F500] =	vst v1;
	v1 =	vmul.f32 v27, v27;
	v27 =	vld [tilespmem:$0x1F180]  }
0x3af: {  	v10 =	vadd.s32 $0x8000, v16;
	v16 =	vmul.f32 v60, v60;
	v60 =	vadd.s32 $0x8000, v60;
	v49 =	vld [tilespmem:$0x1F210]  }
0x3b0: {  	v31 =	vmul.f32 v61, v61;
	v61 =	vadd.s32 $0x8000, v13;
	v14 =	vld [tilespmem:s21+$0x10];
	[tilespmem:$0x1F240] =	vst v1;
	v1 =	vmul.f32 v56, v56  }
0x3b1: {  	[tilespmem:$0x1F6D0] =	vst v32;
	v23 =	vand.u32 $0xFFFF0000, v23;
	v51 =	vadd.s32 $0x8000, v2;
	v2 =	vmul.f32 v2, v2;
	v46 =	vld [tilespmem:$0x1F220]  }
0x3b2: {  	v10 =	vand.u32 $0xFFFF0000, v10;
	[tilespmem:$0x1F270] =	vst v1;
	v1 =	vmul.f32 v17, v17;
	v17 =	vld [tilespmem:s20+$0x0];
	v23 =	vmul.f32 v23, v22  }
0x3b3: {  	v25 =	vand.u32 $0xFFFF0000, v25;
	v47 =	vadd.s32 $0x8000, v0;
	v28 =	vand.u32 $0xFFFF0000, v27;
	v27 =	vld [tilespmem:$0x1F190];
	[tilespmem:$0x1F630] =	vst v35  }
0x3b4: {  	v0 =	vmul.f32 v0, v0;
	v32 =	vand.u32 $0xFFFF0000, v57;
	v39 =	vadd.f32 v2, v20;
	[tilespmem:$0x1F720] =	vst v23;
	v23 =	vld [tilespmem:$0x1FE80]  }
0x3b5: {  	v62 =	vld [tilespmem:s20+$0x30];
	v35 =	vand.u32 $0xFFFF0000, v49;
	v49 =	vand.u32 $0xFFFF0000, v42;
	[tilespmem:$0x1F260] =	vst v1;
	v1 =	vmul.f32 v58, v58  }
0x3b6: {  	v53 =	vadd.s32 $0x8000, v7;
	v7 =	vmul.f32 v7, v7;
	v9 =	vadd.s32 $0x8000, v14;
	[tilespmem:$0x1F6B0] =	vst v49  }
0x3b7: {  	v49 =	vand.u32 $0xFFFF0000, v45;
	v45 =	vand.u32 $0xFFFF0000, v50;
	[tilespmem:$0x1F510] =	vst v1;
	v1 =	vmul.f32 v14, v14  }
0x3b8: {  	v58 =	vld [tilespmem:s20+$0x10];
	[tilespmem:$0x1F640] =	vst v35;
	v35 =	vand.u32 $0xFFFF0000, v46;
	v46 =	vand.u32 $0xFFFF0000, v51;
	v51 =	vand.u32 $0xFFFF0000, v60  }
0x3b9: {  	v13 =	vadd.s32 $0x8000, v17;
	v29 =	vand.u32 $0xFFFF0000, v27;
	v27 =	vld [tilespmem:$0x1F1A0];
	v23 =	vmul.f32 v26, v23  }
0x3ba: {  	v57 =	vld [tilespmem:$0x1FF70];
	v14 =	vmul.f32 v17, v17;
	v17 =	vmul.f32 v62, v62;
	v62 =	vadd.s32 $0x8000, v62  }
0x3bb: {  	[tilespmem:$0x1F6C0] =	vst v40;
	v50 =	vand.u32 $0xFFFF0000, v62;
	v62 =	vmul.f32 v28, v22;
	v22 =	vld [tilespmem:$0x1FF20];
	v60 =	vmovc v23;
	v23 =	vmul.f32 v24, v54  }
0x3bc: {  	v9 =	vand.u32 $0xFFFF0000, v9;
	[tilespmem:$0x1F6A0] =	vst v48;
	v42 =	vand.u32 $0xFFFF0000, v37;
	v48 =	vand.u32 $0xFFFF0000, v47;
	v24 =	vld [tilespmem:$0x1FF60]  }
0x3bd: {  	v47 =	vand.u32 $0xFFFF0000, v53;
	v37 =	vand.u32 $0xFFFF0000, v61;
	v13 =	vand.u32 $0xFFFF0000, v13;
	[tilespmem:$0x1F740] =	vst v23;
	v23 =	vld [tilespmem:$0x1FF50]  }
0x3be: {  	v38 =	vadd.f32 v0, v1;
	v56 =	vadd.s32 $0x8000, v58;
	[tilespmem:$0x1F580] =	vst v29;
	v29 =	vand.u32 $0xFFFF0000, v27;
	v27 =	vld [tilespmem:$0x1F1B0]  }
0x3bf: {  	p0 =	sne.s32 s19, $0xF;
	v0 =	vld [tilespmem:$0x1FF80];
	v58 =	vmul.f32 v58, v58;
	[tilespmem:$0x1F700] =	vst v21;
	v40 =	vadd.f32 v7, v14;
	v21 =	vand.u32 $0xFFFF0000, v56  }
.Ltmp1:
0x3c0: {  	v56 =	vmul.f32 v44, v57;
	v44 =	vadd.f32 v8, v17;
	v28 =	vmovc v42;
	v61 =	vmul.f32 v29, v22;
	(pc) =	sbr.rel @p0 .LBB2_4-.Ltmp1, $4  }
0x3c1: {  	v20 =	vld [tilespmem:$0x1F240];
	v42 =	vadd.f32 v18, v58;
	v29 =	vmovc v30;
	v26 =	vmul.f32 v25, v55;
	v54 =	vmul.f32 v9, v24  }
0x3c2: {  	v30 =	vmovc v41;
	v41 =	vadd.f32 v15, v11;
	v52 =	vmul.f32 v21, v24;
	v24 =	vld [tilespmem:$0x1F260];
	v22 =	vmul.f32 v37, v23  }
0x3c3: {  	v27 =	vand.u32 $0xFFFF0000, v27;
	v25 =	vmovc v43;
	v43 =	vadd.f32 v19, v16;
	v57 =	vmul.f32 v13, v23;
	v23 =	vld [tilespmem:$0x1F250]  }
0x3c4: {  	s19 =	sadd.s32 $0x1, s19;
	v55 =	vmul.f32 v10, v0;
	v37 =	vadd.f32 v12, v63;
	v63 =	vmovc v26;
	v53 =	vadd.f32 $0.0e+00, v22;
	v22 =	vld [tilespmem:$0x1F270]  }
0x3c5: {  	v8 =	vld [tilespmem:$0x1F510]  }
0x3c6: {  	v12 =	vld [tilespmem:$0x1F910]  }
0x3c7: {  	v7 =	vadd.f32 v25, v40;
	v25 =	vld [tilespmem:$0x1F940]  }
0x3c8: {  	v16 =	vadd.f32 $0.0e+00, v56;
	v56 =	vld [tilespmem:$0x1F4A0]  }
0x3c9: {  	v17 =	vadd.f32 $0.0e+00, v57;
	v57 =	vld [tilespmem:$0x1F4B0]  }
0x3ca: {  	v58 =	vld [tilespmem:$0x1F4D0]  }
0x3cb: {  	v21 =	vld [tilespmem:$0x1F4E0]  }
0x3cc: {  	v26 =	vld [tilespmem:$0x1F4F0]  }
0x3cd: {  	v13 =	vadd.f32 v29, v44;
	v29 =	vld [tilespmem:$0x1F500]  }
0x3ce: {  	v9 =	vadd.f32 v30, v42;
	v30 =	vld [tilespmem:$0x1F410]  }
0x3cf: {  	v11 =	vadd.f32 v31, v43;
	v31 =	vld [tilespmem:$0x1F420]  }
0x3d0: {  	v40 =	vld [tilespmem:$0x1FF80]  }
0x3d1: {  	v42 =	vld [tilespmem:$0x1F470]  }
0x3d2: {  	v43 =	vld [tilespmem:$0x1FF20]  }
0x3d3: {  	v44 =	vld [tilespmem:$0x1F480]  }
0x3d4: {  	v14 =	vadd.f32 $0.0e+00, v54;
	v54 =	vadd.f32 $0.0e+00, v55;
	v55 =	vld [tilespmem:$0x1F490]  }
0x3d5: {  	v0 =	vadd.f32 v20, v37;
	v20 =	vld [tilespmem:$0x1F4C0]  }
0x3d6: {  	v37 =	vld [tilespmem:$0x1FF70]  }
0x3d7: {  	v2 =	vadd.f32 v24, v39;
	v24 =	vld [tilespmem:$0x1F930]  }
0x3d8: {  	v39 =	vld [tilespmem:$0x1F430]  }
0x3d9: {  	v1 =	vadd.f32 v22, v38;
	v38 =	vld [tilespmem:$0x1F450]  }
0x3da: {  	v8 =	vadd.f32 v8, v41;
	v41 =	vld [tilespmem:$0x1F460]  }
0x3db: {  	v19 =	vmul.f32 v45, v25;
	v45 =	vld [tilespmem:$0x1F380]  }
0x3dc: {  	v10 =	vmul.f32 v49, v12;
	v12 =	vmul.f32 v47, v12;
	v47 =	vld [tilespmem:$0x1F3B0]  }
0x3dd: {  	v9 =	vadd.f32 v21, v9;
	v21 =	vld [tilespmem:$0x1FA80]  }
0x3de: {  	v49 =	vld [tilespmem:$0x1F3D0]  }
0x3df: {  	v11 =	vadd.f32 v26, v11;
	v26 =	vld [tilespmem:$0x1FAA0]  }
0x3e0: {  	v0 =	vadd.f32 v55, v0;
	v55 =	vadd.f32 $0.0e+00, v52;
	v52 =	vld [tilespmem:$0x1F670]  }
0x3e1: {  	v7 =	vadd.f32 v20, v7;
	v20 =	vld [tilespmem:$0x1FFF0]  }
0x3e2: {  	v10 =	vadd.f32 v10, v53;
	v53 =	vld [tilespmem:$0x1F920]  }
0x3e3: {  	v2 =	vadd.f32 v57, v2;
	v18 =	vmul.f32 v46, v24;
	v46 =	vld [tilespmem:$0x1F390]  }
0x3e4: {  	v13 =	vadd.f32 v29, v13;
	v12 =	vadd.f32 v12, v17;
	v17 =	vmul.f32 v51, v37;
	v51 =	vld [tilespmem:$0x1F3F0]  }
0x3e5: {  	v1 =	vadd.f32 v56, v1;
	v2 =	vadd.f32 v31, v2;
	v31 =	vld [tilespmem:$0x1F960]  }
0x3e6: {  	v8 =	vadd.f32 v58, v8;
	v11 =	vadd.f32 v42, v11;
	v57 =	vmul.f32 v32, v24;
	v32 =	vld [tilespmem:$0x1F6A0]  }
0x3e7: {  	v13 =	vadd.f32 v44, v13;
	v37 =	vld [tilespmem:$0x1FA90];
	v0 =	vadd.f32 v23, v0  }
0x3e8: {  	v24 =	vld [tilespmem:$0x1F610];
	v1 =	vadd.f32 v30, v1;
	v7 =	vadd.f32 v39, v7  }
0x3e9: {  	v23 =	vld [tilespmem:$0x1FAF0];
	v16 =	vadd.f32 v18, v16;
	v8 =	vadd.f32 v38, v8  }
0x3ea: {  	v18 =	vmul.f32 v50, v40;
	v50 =	vld [tilespmem:$0x1F3E0];
	v29 =	vadd.f32 $0.0e+00, v17;
	v9 =	vadd.f32 v41, v9  }
0x3eb: {  	v40 =	vld [tilespmem:$0x1F6C0];
	v0 =	vadd.f32 v45, v0;
	v7 =	vadd.f32 v47, v7;
	v5 =	vmul.f32 v5, v26  }
0x3ec: {  	v4 =	vmul.f32 v4, v26;
	v26 =	vmul.f32 v6, v25;
	v41 =	vld [tilespmem:$0x1F6D0];
	v30 =	vadd.f32 $0.0e+00, v18  }
0x3ed: {  	v6 =	vadd.f32 v57, v29;
	v15 =	vmul.f32 v48, v53;
	v22 =	vmul.f32 v36, v53;
	v53 =	vld [tilespmem:$0x1F3A0]  }
0x3ee: {  	v1 =	vadd.f32 v46, v1;
	v48 =	vmul.f32 v35, v21;
	v21 =	vmul.f32 v33, v21;
	v33 =	vld [tilespmem:$0x1FA50]  }
0x3ef: {  	v9 =	vadd.f32 v49, v9;
	v13 =	vadd.f32 v51, v13;
	v35 =	vld [tilespmem:$0x1FA60]  }
0x3f0: {  	v3 =	vmul.f32 v3, v31;
	v14 =	vadd.f32 v15, v14;
	v15 =	vadd.f32 v19, v54;
	v54 =	vld [tilespmem:$0x1F3C0]  }
0x3f1: {  	v36 =	vld [tilespmem:$0x1F6B0];
	v11 =	vadd.f32 v50, v11;
	v7 =	vadd.f32 v9, v7  }
0x3f2: {  	v19 =	vmul.f32 v34, v43;
	v58 =	vadd.f32 v22, v55;
	v3 =	vadd.f32 v3, v10;
	v34 =	vld [tilespmem:$0x1F690]  }
0x3f3: {  	v0 =	vadd.f32 v1, v0;
	v1 =	vadd.f32 v26, v30;
	v43 =	vld [tilespmem:$0x1F6E0]  }
0x3f4: {  	v18 =	vld [tilespmem:$0x1FFB0];
	v38 =	vmul.f32 v28, v37;
	v56 =	vadd.f32 v13, v11;
	v3 =	vadd.f32 v48, v3  }
0x3f5: {  	v47 =	vld [tilespmem:$0x1F650];
	v2 =	vadd.f32 v53, v2;
	v8 =	vadd.f32 v54, v8  }
0x3f6: {  	v46 =	vld [tilespmem:$0x1FAB0];
	v42 =	vadd.f32 v38, v15;
	v10 =	vmul.f32 v36, v35;
	v7 =	vadd.f32 v56, v7  }
0x3f7: {  	v49 =	vld [tilespmem:$0x1F660];
	v17 =	vmul.f32 v40, v33;
	v3 =	vadd.f32 v61, v3;
	v2 =	vadd.f32 v8, v2  }
0x3f8: {  	v22 =	vld [tilespmem:$0x1FFD0];
	v9 =	vmul.f32 v34, v33;
	v10 =	vadd.f32 v10, v16;
	v11 =	vmul.f32 v43, v37  }
0x3f9: {  	v48 =	vld [tilespmem:$0x1FAC0];
	v13 =	vadd.f32 v17, v58;
	v39 =	vperm.xlane v7, v18;
	v0 =	vadd.f32 v2, v0  }
0x3fa: {  	v25 =	vld [tilespmem:$0x1FF90];
	v3 =	vadd.f32 v59, v3;
	v8 =	vmul.f32 v32, v31;
	v9 =	vadd.f32 v9, v14  }
0x3fb: {  	v54 =	vld [tilespmem:$0x1FAD0];
	v14 =	vmul.f32 v41, v35;
	v2 =	vadd.f32 v39, v7;
	v44 =	vperm.xlane v0, v18  }
0x3fc: {  	v57 =	vld [tilespmem:$0x1F5F0];
	v1 =	vadd.f32 v11, v1;
	v11 =	vmul.f32 v47, v46;
	v4 =	vadd.f32 v4, v13  }
0x3fd: {  	v53 =	vld [tilespmem:$0x1F680];
	v8 =	vadd.f32 v8, v12;
	v45 =	vperm.xlane v2, v22;
	v0 =	vadd.f32 v44, v0  }
0x3fe: {  	v58 =	vld [tilespmem:$0x1FAE0];
	v6 =	vadd.f32 v14, v6;
	v12 =	vmul.f32 v49, v48;
	v50 =	vadd.f32 v11, v10  }
0x3ff: {  	v17 =	vld [tilespmem:$0x1F630];
	v11 =	vmul.f32 v52, v46;
	v2 =	vadd.f32 v45, v2;
	v51 =	vperm.xlane v0, v22  }
0x400: {  	v29 =	vld [tilespmem:$0x1FE80];
	v5 =	vadd.f32 v5, v9;
	v10 =	vmul.f32 v24, v23;
	v55 =	vmul.f32 v27, v54  }
0x401: {  	v16 =	vld [tilespmem:$0x1F5C0];
	v13 =	vmul.f32 v57, v54;
	v56 =	vperm.xlane v2, v20;
	v0 =	vadd.f32 v51, v0  }
0x402: {  	v30 =	vld [tilespmem:$0x1F580];
	v7 =	vadd.f32 v12, v42;
	v8 =	vadd.f32 v21, v8;
	v12 =	vmul.f32 v53, v48  }
0x403: {  	v33 =	vld [tilespmem:$0x1F700];
	v6 =	vadd.f32 v11, v6;
	v2 =	vadd.f32 v56, v2;
	v21 =	vperm.xlane v0, v20  }
0x404: {  	v11 =	vmul.f32 v17, v58;
	v5 =	vadd.f32 v55, v5;
	v4 =	vadd.f32 v13, v4  }
0x405: {  	v27 =	vld [tilespmem:$0x1F640];
	v1 =	vadd.f32 v12, v1;
	v26 =	vperm.xlane v2, v25;
	v0 =	vadd.f32 v21, v0  }
0x406: {  	v12 =	vmul.f32 v16, v58;
	v8 =	vadd.f32 v19, v8;
	v7 =	vadd.f32 v10, v7  }
0x407: {  	v37 =	vld [tilespmem:$0x1F740];
	v6 =	vadd.f32 v11, v6;
	v2 =	vadd.f32 v26, v2;
	v28 =	vperm.xlane v0, v25  }
0x408: {  	v11 =	vmul.f32 v30, v29;
	v5 =	vadd.f32 v33, v5;
	v4 =	vadd.f32 v63, v4  }
0x409: {  	v31 =	vshra.s32 v2, $0x1;
	v32 =	vmul.f32 $5.000000000e-01, v2;
	v0 =	vadd.f32 v28, v0  }
0x40a: {  	v38 =	vld [tilespmem:$0x1F720];
	v9 =	vadd.f32 v12, v50;
	v14 =	vmul.f32 v27, v23;
	v10 =	vsub.s32 $0x5F3759DF, v31  }
0x40b: {  	v34 =	vmul.f32 v10, v32;
	v35 =	vshra.s32 v0, $0x1;
	v36 =	vmul.f32 $5.000000000e-01, v0  }
0x40c: {  	v8 =	vadd.f32 v37, v8;
	v1 =	vadd.f32 v14, v1;
	v14 =	vsub.s32 $0x5F3759DF, v35  }
0x40d: {  	v6 =	vadd.f32 v62, v6;
	v13 =	vmul.f32 v10, v34;
	v39 =	vmul.f32 v14, v36  }
0x40e: {  	v7 =	vadd.f32 v60, v7;
	v1 =	vadd.f32 v11, v1  }
0x40f: {  	v9 =	vadd.f32 v38, v9;
	v40 =	vsub.f32 $1.500000000e+00, v13;
	v41 =	vmul.f32 v14, v39  }
0x410: {  	v4 =	vadd.f32 v4, v8;
	v1 =	vadd.f32 v1, v6  }
0x411: {  	v3 =	vadd.f32 v5, v3;
	v42 =	vmul.f32 v10, v40;
	v43 =	vsub.f32 $1.500000000e+00, v41  }
0x412: {  	v44 =	vadd.f32 v7, v9;
	v1 =	vadd.f32 v1, v4  }
0x413: {  	v45 =	vmul.f32 v42, v32;
	v6 =	vmul.f32 v14, v43  }
0x414: {  	v3 =	vadd.f32 v44, v3;
	v46 =	vperm.xlane v1, v18  }
0x415: {  	v47 =	vmul.f32 v45, v42;
	v48 =	vmul.f32 v6, v36  }
0x416: {  	v49 =	vperm.xlane v3, v18;
	v1 =	vadd.f32 v1, v46  }
0x417: {  	v4 =	vsub.f32 $1.500000000e+00, v47;
	v7 =	vmul.f32 v48, v6  }
0x418: {  	v3 =	vadd.f32 v3, v49;
	v50 =	vperm.xlane v1, v22  }
0x419: {  	v4 =	vmul.f32 v4, v42;
	v51 =	vsub.f32 $1.500000000e+00, v7  }
0x41a: {  	v52 =	vperm.xlane v3, v22;
	v1 =	vadd.f32 v1, v50  }
0x41b: {  	v53 =	vmul.f32 v4, v32;
	v5 =	vmul.f32 v51, v6  }
0x41c: {  	v3 =	vadd.f32 v3, v52;
	v54 =	vperm.xlane v1, v20  }
0x41d: {  	v6 =	vmul.f32 v53, v4;
	v55 =	vmul.f32 v5, v36  }
0x41e: {  	v56 =	vperm.xlane v3, v20;
	v1 =	vadd.f32 v1, v54  }
0x41f: {  	v6 =	vsub.f32 $1.500000000e+00, v6;
	v8 =	vmul.f32 v55, v5  }
0x420: {  	v3 =	vadd.f32 v3, v56;
	v57 =	vperm.xlane v1, v25  }
0x421: {  	v60 =	vld [tilespmem:$0x1FB10];
	v4 =	vmul.f32 v6, v4;
	v58 =	vsub.f32 $1.500000000e+00, v8  }
0x422: {  	vm1 =	vlt.f32 v2, $1.000000020e-16;
	v59 =	vperm.xlane v3, v25;
	v1 =	vadd.f32 v1, v57  }
0x423: {  	v61 =	vld [tilespmem:$0x1F400];
	v4 =	vsel vm1, $0x4CBEBC20, v4;
	v5 =	vmul.f32 v58, v5  }
0x424: {  	v2 =	vadd.f32 v3, v59;
	vm1 =	vlt.f32 v0, $1.000000020e-16;
	v1 =	vmul.f32 v4, v1  }
0x425: {  	v62 =	vld [tilespmem:$0x1F440];
	v0 =	vsel vm1, $0x4CBEBC20, v5  }
0x426: {  	v1 =	vmul.f32 v1, v60;
	v0 =	vmul.f32 v0, v2;
	_ =	sdelay $0x1  }
0x427: {  	s17 =	sadd.s32 $0x2, s17;
	vm1 =	vgt.f32 v1, v61;
	v0 =	vmul.f32 v0, v60  }
0x428: {  	s18 =	sadd.s32 $0xFFFFFFFF, s17;
	v1 =	vsel vm1, v1, v61  }
0x429: {  	v2 =	vsel vm1, s18, v62;
	vm1 =	vgt.f32 v0, v1  }
0x42a: {  	v2 =	vsel vm1, s17, v2  }
0x42b: {  	v2 =	vcvt.s32.f32 v2;
	_ =	sdelay $0x1  }
0x42c: {  	s16 =	sadd.s32 $0x1, s16;
	v0 =	vsel vm1, v0, v1;
	vm1 =	vmmov $0x1;
	v63 =	vsel vm0, $0x0, v2  }
0x42d: {  	p0 =	sne.s32 s16, s7;
	v0 =	vsel vm1, v0, v63  }
.Ltmp2:
0x42e: {  	[tilespmem:$0x6180] =	vst v0;
	(pc) =	sbr.rel @p0 .LBB2_1-.Ltmp2, $4  }
0x42f: {  	[hbm4b:s6+s3] =	stream.linear.scatter [tilespmem:s15], [sflag:$0x3], $0x80, $0x38;
	[tilespmem:$0x6200] =	vst v63  }
0x430: {  	_ =	swait.ge [sflag:s11], $0x80  }
0x431: {  	[sflag:s11] =	ssyncset.done $0x0  }
0x432: {  	[sflag:s11] =	ssyncadd.s32 $0xFFFFFF80  }
0x433: {  	_ =	sfence.sel $0x180000  }
0x434: {  	[bflag:$0x0] =	sbarrier.arrive $0xFFFF  }
0x435: {  	p0 =	sne.s32 s2, $0x0;
	_ =	strace $0x90000047  }
0x436: {  	s0 =	sadd.s32 @!p0 $0x100000, s0;
	[bflag:$0x2] =	sbarrier.arrive $0xFFFF  }
0x437: {  	[sflag:s0] =	ssyncadd.tile.s32 @!p0 $0x1;
	_ =	shalt  }
.Lfunc_end2:
_tile_overlayer_lowered:
.L_overlay_start_2:
0x438: {  	(tag) =	ssettag $0x2  }
0x439: {  	s0 =	rddreg [dreg:$0x0];
	s2 =	stileid.u32  }
0x43a: {  	s1 =	rddreg [dreg:$0x1];
	p0 =	sne.s32 s2, $0x0  }
0x43b: {  	s3 =	rddreg [dreg:$0x2];
	[bflag:$0x3] =	sbarrier.arrive $0xFFFF;
	s2 =	simm.s32 @!p0 $0x1C03  }
0x43c: {  	[timem:s3], [sflag:s2] =	dma.local @!p0 [hbm:s0], s1  }
0x43d: {  	s0 =	simm.s32 @!p0 $0x3  }
0x43e: {  	_ =	swait.ge @!p0 [sflag:s0], s1  }
0x43f: {  	s1 =	ssub.s32 @!p0 $0x0, s1;
	[sflag:s0] =	ssyncset.done @!p0 $0x0  }
0x440: {  	[sflag:s0] =	ssyncadd.s32 @!p0 s1  }
0x441: {  	[bflag:$0x3] =	sbarrier.arrive $0xFFFF  }
0x442: {  	_ =	shalt  }

</sc_bundles>
